<compile_context>
chip_gen: v7x
topology: tpu7x:2x2x1
jax: 0.10.2.dev20260603
libtpu: 0.0.44.dev20260713+nightly
codegen_flags: <defaults>
</compile_context>

<pallas_src>
import functools

import jax
import jax.numpy as jnp
from jax import lax
from jax.experimental import pallas as pl
from jax.experimental.pallas import tpu as pltpu
from jax.experimental.pallas import tpu_sc as plsc

_N = 10000
_E = 320000
_D = 128
_H = 16

_NC = 2
_NS = 16
_NW = _NC * _NS

_EPC = _E // _NC
_EPT = _E // _NW
_CHUNK = 2000
_NCHUNK = _EPT // _CHUNK
_SCHUNK = 2000
_NSCHUNK = _EPT // _SCHUNK

_NP = 10240
_RPT = _NP // _NS
_DPT = _NP // _NS
_G = _RPT // _H

_scat_scratch = [
    pltpu.VMEM((_SCHUNK,), jnp.int32),
    pltpu.VMEM((_SCHUNK,), jnp.int32),
    pltpu.VMEM((_SCHUNK, _H), jnp.float32),
    pltpu.VMEM((_SCHUNK,), jnp.int32),
    pltpu.VMEM((_SCHUNK,), jnp.int32),
    pltpu.VMEM((_SCHUNK, _H), jnp.float32),
    pltpu.SemaphoreType.DMA,
    pltpu.SemaphoreType.DMA,
    pltpu.SemaphoreType.DMA,
    pltpu.SemaphoreType.DMA,
    pltpu.SemaphoreType.DMA,
    pltpu.SemaphoreType.DMA,
    pltpu.VMEM((_RPT, _H), jnp.float32),
    pltpu.VMEM((_RPT, _H), jnp.float32),
    pltpu.VMEM((_DPT,), jnp.float32),
    pltpu.VMEM((_DPT,), jnp.float32),
]


def _rsqrt16(x):
    i = lax.bitcast_convert_type(x, jnp.int32)
    i = 0x5F3759DF - lax.shift_right_logical(i, 1)
    y = lax.bitcast_convert_type(i, jnp.float32)
    for _ in range(3):
        y = y * (1.5 - 0.5 * x * y * y)
    return y


def _start_edge_idx(src_hbm, dst_hbm, bufs, cid, sid, c):
    s_v, d_v = bufs[c % 2][0], bufs[c % 2][1]
    sem = bufs[c % 2][3]
    base = cid * _EPC + sid * _EPT + c * _SCHUNK
    c1 = pltpu.async_copy(src_hbm.at[pl.ds(base, _SCHUNK)], s_v, sem)
    c2 = pltpu.async_copy(dst_hbm.at[pl.ds(base, _SCHUNK)], d_v, sem)
    return (c1, c2)


def _edge_pipeline(gather_ref, src_hbm, dst_hbm, acc_sh, bufs, cid, sid,
                   pre0=None):

    def start_idx(c):
        return _start_edge_idx(src_hbm, dst_hbm, bufs, cid, sid, c)

    pend_idx = [None, None]
    pend_scat = [None, None]
    pend_idx[0] = pre0 if pre0 is not None else start_idx(0)
    for c in range(_NSCHUNK):
        b = c % 2
        s_v, d_v, r_v, _, sem_g, sem_s = bufs[b]
        for d in pend_idx[b]:
            d.wait()
        gat = pltpu.async_copy(gather_ref.at[s_v], r_v, sem_g)
        if c + 1 < _NSCHUNK:
            if pend_scat[1 - b] is not None:
                pend_scat[1 - b].wait()
                pend_scat[1 - b] = None
            pend_idx[1 - b] = start_idx(c + 1)
        gat.wait()
        pend_scat[b] = pltpu.async_copy(r_v, acc_sh.at[d_v], sem_s, add=True)
    for b in range(2):
        if pend_scat[b] is not None:
            pend_scat[b].wait()


_mesh = plsc.VectorSubcoreMesh(core_axis_name="c", subcore_axis_name="s")

_EPTH = _E // _NS
_NHCHUNK = _EPTH // _SCHUNK


@functools.partial(
    pl.kernel,
    out_type=(
        jax.ShapeDtypeStruct((_NC, _NP, _H), jnp.float32),
        jax.ShapeDtypeStruct((_NP,), jnp.float32),
    ),
    mesh=_mesh,
    scratch_types=_scat_scratch + [
        pltpu.VMEM((_SCHUNK,), jnp.float32),
        pltpu.VMEM_SHARED((_NP,), jnp.float32),
        pltpu.VMEM_SHARED((_NP, _H), jnp.float32),
        pltpu.VMEM_SHARED((_NP, _H), jnp.float32),
    ],
    compiler_params=pltpu.CompilerParams(use_tc_tiling_on_sc=False),
)
def _sc_pass1(hp_hbm, src_hbm, dst_hbm, out_hbm, degf_hbm,
              src0, dst0, rows0, src1, dst1, rows1,
              sem_i0, sem_g0, sem_s0, sem_i1, sem_g1, sem_s1,
              sA, sB, dg0, dg1, ones_v, deg_sh, u1_sh, acc_sh):
    cid = lax.axis_index("c")
    sid = lax.axis_index("s")
    bufs = ((src0, dst0, rows0, sem_i0, sem_g0, sem_s0),
            (src1, dst1, rows1, sem_i1, sem_g1, sem_s1))
    sl = pl.ds(sid * _RPT, _RPT)
    dsl = pl.ds(sid * _DPT, _DPT)

    ch = pltpu.async_copy(hp_hbm.at[sl], sA, sem_i0)

    one = jnp.full((_H,), 1.0, jnp.float32)
    zero = jnp.zeros((_H,), jnp.float32)
    for i in range(_DPT // _H):
        dg1[pl.ds(i * _H, _H)] = zero
    pltpu.sync_copy(dg1, deg_sh.at[dsl])
    for i in range(_SCHUNK // _H):
        ones_v[pl.ds(i * _H, _H)] = one
    plsc.subcore_barrier()

    hbufs = ((src0, sem_g0, sem_s0), (src1, sem_g1, sem_s1))

    def start_hidx(c):
        d_v, sem, _ = hbufs[c % 2]
        base = sid * _EPTH + c * _SCHUNK
        return pltpu.async_copy(dst_hbm.at[pl.ds(base, _SCHUNK)], d_v, sem)

    pend_idx = [None, None]
    pend_scat = [None, None]
    pend_idx[0] = start_hidx(0)
    for c in range(_NHCHUNK):
        b = c % 2
        d_v, _, sem_s = hbufs[b]
        pend_idx[b].wait()
        if c + 1 < _NHCHUNK:
            if pend_scat[1 - b] is not None:
                pend_scat[1 - b].wait()
                pend_scat[1 - b] = None
            pend_idx[1 - b] = start_hidx(c + 1)
        pend_scat[b] = pltpu.async_copy(ones_v, deg_sh.at[d_v], sem_s, add=True)
    for b in range(2):
        if pend_scat[b] is not None:
            pend_scat[b].wait()
    plsc.subcore_barrier()

    pre0 = _start_edge_idx(src_hbm, dst_hbm, bufs, cid, sid, 0)

    ch.wait()
    pltpu.sync_copy(deg_sh.at[dsl], dg0)

    def pre_body(g, _):
        deg = dg0[pl.ds(g * _H, _H)] + 1.0
        y = _rsqrt16(deg)
        for l in range(_H):
            i = g * _H + l
            row = sA[i, :] * y[l]
            sA[i, :] = row
            sB[i, :] = row * 0.5
        return 0

    lax.fori_loop(0, _G, pre_body, 0)
    pltpu.sync_copy(sA, u1_sh.at[sl])
    pltpu.sync_copy(sB, acc_sh.at[sl])
    pltpu.sync_copy(deg_sh.at[dsl], degf_hbm.at[dsl])
    plsc.subcore_barrier()

    _edge_pipeline(u1_sh, src_hbm, dst_hbm, acc_sh, bufs, cid, sid, pre0=pre0)

    plsc.subcore_barrier()
    pltpu.sync_copy(acc_sh.at[sl], out_hbm.at[cid, sl])


@functools.partial(
    pl.kernel,
    out_type=jax.ShapeDtypeStruct((_NC, _NP, _H), jnp.float32),
    mesh=_mesh,
    scratch_types=_scat_scratch + [
        pltpu.VMEM((_H,), jnp.float32),
        pltpu.VMEM_SHARED((_NP, _H), jnp.float32),
        pltpu.VMEM_SHARED((_NP, _H), jnp.float32),
    ],
    compiler_params=pltpu.CompilerParams(use_tc_tiling_on_sc=False),
)
def _sc_pass2(s1p_hbm, degf_hbm, b1_hbm, src_hbm, dst_hbm, out_hbm,
              src0, dst0, rows0, src1, dst1, rows1,
              sem_i0, sem_g0, sem_s0, sem_i1, sem_g1, sem_s1,
              sA, sB, dg0, dg1, b1v, u2_sh, acc_sh):
    cid = lax.axis_index("c")
    sid = lax.axis_index("s")
    bufs = ((src0, dst0, rows0, sem_i0, sem_g0, sem_s0),
            (src1, dst1, rows1, sem_i1, sem_g1, sem_s1))
    sl = pl.ds(sid * _RPT, _RPT)

    pre0 = _start_edge_idx(src_hbm, dst_hbm, bufs, cid, sid, 0)

    c1 = pltpu.async_copy(s1p_hbm.at[0, sl], sA, sem_i0)
    c2 = pltpu.async_copy(s1p_hbm.at[1, sl], sB, sem_i0)
    c3 = pltpu.async_copy(degf_hbm.at[pl.ds(sid * _DPT, _DPT)], dg0, sem_i0)
    c4 = pltpu.async_copy(b1_hbm, b1v, sem_i0)
    for c in (c1, c2, c3, c4):
        c.wait()
    b1row = b1v[...]

    def mid_body(g, _):
        deg = dg0[pl.ds(g * _H, _H)] + 1.0
        y = _rsqrt16(deg)
        for l in range(_H):
            i = g * _H + l
            s = y[l]
            u2 = (sA[i, :] + sB[i, :]) * (s * s) + b1row * s
            sA[i, :] = u2
            sB[i, :] = u2 * 0.5
        return 0

    lax.fori_loop(0, _G, mid_body, 0)
    pltpu.sync_copy(sA, u2_sh.at[sl])
    pltpu.sync_copy(sB, acc_sh.at[sl])
    plsc.subcore_barrier()

    _edge_pipeline(u2_sh, src_hbm, dst_hbm, acc_sh, bufs, cid, sid, pre0=pre0)

    plsc.subcore_barrier()
    pltpu.sync_copy(acc_sh.at[sl], out_hbm.at[cid, sl])


def _tc_mm1_body(x_ref, w_ref, o_ref):
    o_ref[0:_N, :] = jnp.dot(x_ref[...], w_ref[...],
                             preferred_element_type=jnp.float32)
    o_ref[_N:_NP, :] = jnp.zeros((_NP - _N, _H), jnp.float32)


def _tc_final_body(s2_ref, degf_ref, w2_ref, b2_ref, o_ref):
    deg = jnp.reshape(degf_ref[...], (1, _NP))[:, 0:_N] + 1.0
    dinv = jnp.transpose(lax.rsqrt(deg), (1, 0))
    m2 = (s2_ref[0, 0:_N, :] + s2_ref[1, 0:_N, :]) * dinv
    o_ref[...] = (
        jnp.dot(m2, w2_ref[...], preferred_element_type=jnp.float32)
        + jnp.reshape(b2_ref[...], (1, _D))
    )


def kernel(x, edge_index, W1, b1, W2, b2):
    src = edge_index[0]
    dst = edge_index[1]

    hp = pl.pallas_call(
        _tc_mm1_body,
        out_shape=jax.ShapeDtypeStruct((_NP, _H), jnp.float32),
    )(x, W1)

    s1p, degf = _sc_pass1(hp, src, dst)

    s2p = _sc_pass2(s1p, degf, b1, src, dst)

    out = pl.pallas_call(
        _tc_final_body,
        out_shape=jax.ShapeDtypeStruct((_N, _D), jnp.float32),
    )(s2p, degf, W2, b2)
    return out

# --- scband reference (transcript-rebuilt; emitter-appended) ---
"""Pipeline reference for scband-gnn-autoencoder-89970974916698 (READ-ONLY COPY).

The authoritative reference and input builder live on the scoring server;
editing this copy changes nothing except your own understanding.
"""

import jax, jax.numpy as jnp
import numpy as np

N = 10000
E = 320000
D = 128
H = 16


def setup_inputs(seed: int = 0) -> dict:
    key = jax.random.key(seed)
    k1, k2, k3, k4, k5, k6 = jax.random.split(key, 6)
    x = jax.random.normal(k1, (N, D), dtype=jnp.float32)
    edge_index = jax.random.randint(k2, (2, E), 0, N, dtype=jnp.int32)
    # GCNConv encoder (D -> H) and decoder (H -> D) parameters
    W1 = jax.random.normal(k3, (D, H), dtype=jnp.float32) * (1.0 / np.sqrt(D))
    b1 = jnp.zeros((H,), dtype=jnp.float32)
    W2 = jax.random.normal(k4, (H, D), dtype=jnp.float32) * (1.0 / np.sqrt(H))
    b2 = jnp.zeros((D,), dtype=jnp.float32)
    return {"x": x, "edge_index": edge_index, "W1": W1, "b1": b1, "W2": W2, "b2": b2}


def _gcn_conv(x, src, dst, W, b, n):
    # x' = D^{-1/2} (A + I) D^{-1/2} (x W) + b   (PyG GCNConv with default settings)
    h = x @ W
    deg = jnp.zeros((n,), dtype=x.dtype).at[dst].add(1.0)
    dinv = jnp.where(deg > 0, jax.lax.rsqrt(jnp.maximum(deg, 1e-12)), 0.0)
    norm = dinv[src] * dinv[dst]
    msg = jnp.take(h, src, axis=0) * norm[:, None]
    out = jnp.zeros((n, W.shape[1]), dtype=x.dtype).at[dst].add(msg)
    return out + b


def reference(x, edge_index, W1, b1, W2, b2):
    n = x.shape[0]
    loop = jnp.arange(n, dtype=edge_index.dtype)
    src = jnp.concatenate([edge_index[0], loop])
    dst = jnp.concatenate([edge_index[1], loop])
    z = _gcn_conv(x, src, dst, W1, b1, n)
    reconstructed_x = _gcn_conv(z, src, dst, W2, b2, n)
    return reconstructed_x

if __name__ == "__main__":
    import jax
    _d = setup_inputs()
    print(jax.jit(kernel)(*tuple(_d.values())))

</pallas_src>

<mosaic_0001>
#map = affine_map<(d0, d1) -> (0, 0)>
#map1 = affine_map<(d0, d1) -> (0)>
#map2 = affine_map<(d0, d1) -> (0, 0, 0)>
module attributes {stable_mosaic.version = 14 : i64} {
  func.func @_sc_pass1(%arg0: i32, %arg1: i32, %arg2: memref<10240x16xf32, #tpu.memory_space<hbm>>, %arg3: memref<320000xi32, #tpu.memory_space<hbm>>, %arg4: memref<320000xi32, #tpu.memory_space<hbm>>, %arg5: memref<2x10240x16xf32, #tpu.memory_space<hbm>>, %arg6: memref<10240xf32, #tpu.memory_space<hbm>>, %arg7: memref<2000xi32, #tpu.memory_space<vmem>>, %arg8: memref<2000xi32, #tpu.memory_space<vmem>>, %arg9: memref<2000x16xf32, #tpu.memory_space<vmem>>, %arg10: memref<2000xi32, #tpu.memory_space<vmem>>, %arg11: memref<2000xi32, #tpu.memory_space<vmem>>, %arg12: memref<2000x16xf32, #tpu.memory_space<vmem>>, %arg13: memref<!tpu.dma_semaphore, #tpu.memory_space<semaphore_mem>>, %arg14: memref<!tpu.dma_semaphore, #tpu.memory_space<semaphore_mem>>, %arg15: memref<!tpu.dma_semaphore, #tpu.memory_space<semaphore_mem>>, %arg16: memref<!tpu.dma_semaphore, #tpu.memory_space<semaphore_mem>>, %arg17: memref<!tpu.dma_semaphore, #tpu.memory_space<semaphore_mem>>, %arg18: memref<!tpu.dma_semaphore, #tpu.memory_space<semaphore_mem>>, %arg19: memref<640x16xf32, #tpu.memory_space<vmem>>, %arg20: memref<640x16xf32, #tpu.memory_space<vmem>>, %arg21: memref<640xf32, #tpu.memory_space<vmem>>, %arg22: memref<640xf32, #tpu.memory_space<vmem>>, %arg23: memref<2000xf32, #tpu.memory_space<vmem>>, %arg24: memref<10240xf32, #tpu.memory_space<vmem_shared>>, %arg25: memref<10240x16xf32, #tpu.memory_space<vmem_shared>>, %arg26: memref<10240x16xf32, #tpu.memory_space<vmem_shared>>) attributes {dimension_semantics = [#tpu.dimension_semantics<core_parallel>, #tpu.dimension_semantics<subcore_parallel>], iteration_bounds = array<i64: 2, 16>, scalar_prefetch = 0 : i64, scratch_operands = 20 : i64, tpu.core_type = #tpu.core_type<sc_vector_subcore>, window_params = [{transform_indices = #map}, {transform_indices = #map1}, {transform_indices = #map1}, {transform_indices = #map2}, {transform_indices = #map1}]} {
    %mul3A = arith.constant 640 : i32
    %mul3A_0 = arith.muli %arg1, %mul3A : i32
    %mul3A_1 = arith.constant 640 : i32
    %mul3A_2 = arith.muli %arg1, %mul3A_1 : i32
    %dma_start3A = arith.constant 0 : i32
    %dma_start3A_3 = tpu.memref_slice %arg2[%mul3A_0, %dma_start3A] : memref<10240x16xf32, #tpu.memory_space<hbm>> -> memref<640x16xf32, #tpu.memory_space<hbm>>
    %dma_start3A_4 = arith.constant 0 : i32
    %dma_start3A_5 = tpu.memref_slice %arg2[%mul3A_0, %dma_start3A_4] : memref<10240x16xf32, #tpu.memory_space<hbm>> -> memref<640x16xf32, #tpu.memory_space<hbm>>
    tpu.enqueue_dma source(%dma_start3A_5 : memref<640x16xf32, #tpu.memory_space<hbm>>) target(%arg19 : memref<640x16xf32, #tpu.memory_space<vmem>>) target_semaphore(%arg13 : memref<!tpu.dma_semaphore, #tpu.memory_space<semaphore_mem>>)
    %broadcast_in_dim3A = arith.constant 1.000000e+00 : f32
    %broadcast_in_dim3A_6 = vector.broadcast %broadcast_in_dim3A : f32 to vector<16xf32>
    %broadcast_in_dim3A_7 = arith.constant 0.000000e+00 : f32
    %broadcast_in_dim3A_8 = vector.broadcast %broadcast_in_dim3A_7 : f32 to vector<16xf32>
    %swap3A = arith.constant 0 : index
    %swap3A_9 = tpu.vector_load %arg22[%swap3A] {strides = array<i32>} : memref<640xf32, #tpu.memory_space<vmem>>, vector<16xf32>,
    %swap3A_10 = vector.shape_cast %swap3A_9 : vector<16xf32> to vector<16xf32>
    %swap3A_11 = vector.shape_cast %broadcast_in_dim3A_8 : vector<16xf32> to vector<16xf32>
    tpu.vector_store %arg22[%swap3A], %swap3A_11 {strides = array<i32>} : memref<640xf32, #tpu.memory_space<vmem>>, vector<16xf32>,
    %swap3A_12 = arith.constant 16 : index
    %swap3A_13 = tpu.vector_load %arg22[%swap3A_12] {strides = array<i32>} : memref<640xf32, #tpu.memory_space<vmem>>, vector<16xf32>,
    %swap3A_14 = vector.shape_cast %swap3A_13 : vector<16xf32> to vector<16xf32>
    %swap3A_15 = vector.shape_cast %broadcast_in_dim3A_8 : vector<16xf32> to vector<16xf32>
    tpu.vector_store %arg22[%swap3A_12], %swap3A_15 {strides = array<i32>} : memref<640xf32, #tpu.memory_space<vmem>>, vector<16xf32>,
    %swap3A_16 = arith.constant 32 : index
    %swap3A_17 = tpu.vector_load %arg22[%swap3A_16] {strides = array<i32>} : memref<640xf32, #tpu.memory_space<vmem>>, vector<16xf32>,
    %swap3A_18 = vector.shape_cast %swap3A_17 : vector<16xf32> to vector<16xf32>
    %swap3A_19 = vector.shape_cast %broadcast_in_dim3A_8 : vector<16xf32> to vector<16xf32>
    tpu.vector_store %arg22[%swap3A_16], %swap3A_19 {strides = array<i32>} : memref<640xf32, #tpu.memory_space<vmem>>, vector<16xf32>,
    %swap3A_20 = arith.constant 48 : index
    %swap3A_21 = tpu.vector_load %arg22[%swap3A_20] {strides = array<i32>} : memref<640xf32, #tpu.memory_space<vmem>>, vector<16xf32>,
    %swap3A_22 = vector.shape_cast %swap3A_21 : vector<16xf32> to vector<16xf32>
    %swap3A_23 = vector.shape_cast %broadcast_in_dim3A_8 : vector<16xf32> to vector<16xf32>
    tpu.vector_store %arg22[%swap3A_20], %swap3A_23 {strides = array<i32>} : memref<640xf32, #tpu.memory_space<vmem>>, vector<16xf32>,
    %swap3A_24 = arith.constant 64 : index
    %swap3A_25 = tpu.vector_load %arg22[%swap3A_24] {strides = array<i32>} : memref<640xf32, #tpu.memory_space<vmem>>, vector<16xf32>,
    %swap3A_26 = vector.shape_cast %swap3A_25 : vector<16xf32> to vector<16xf32>
    %swap3A_27 = vector.shape_cast %broadcast_in_dim3A_8 : vector<16xf32> to vector<16xf32>
    tpu.vector_store %arg22[%swap3A_24], %swap3A_27 {strides = array<i32>} : memref<640xf32, #tpu.memory_space<vmem>>, vector<16xf32>,
    %swap3A_28 = arith.constant 80 : index
    %swap3A_29 = tpu.vector_load %arg22[%swap3A_28] {strides = array<i32>} : memref<640xf32, #tpu.memory_space<vmem>>, vector<16xf32>,
    %swap3A_30 = vector.shape_cast %swap3A_29 : vector<16xf32> to vector<16xf32>
    %swap3A_31 = vector.shape_cast %broadcast_in_dim3A_8 : vector<16xf32> to vector<16xf32>
    tpu.vector_store %arg22[%swap3A_28], %swap3A_31 {strides = array<i32>} : memref<640xf32, #tpu.memory_space<vmem>>, vector<16xf32>,
    %swap3A_32 = arith.constant 96 : index
    %swap3A_33 = tpu.vector_load %arg22[%swap3A_32] {strides = array<i32>} : memref<640xf32, #tpu.memory_space<vmem>>, vector<16xf32>,
    %swap3A_34 = vector.shape_cast %swap3A_33 : vector<16xf32> to vector<16xf32>
    %swap3A_35 = vector.shape_cast %broadcast_in_dim3A_8 : vector<16xf32> to vector<16xf32>
    tpu.vector_store %arg22[%swap3A_32], %swap3A_35 {strides = array<i32>} : memref<640xf32, #tpu.memory_space<vmem>>, vector<16xf32>,
    %swap3A_36 = arith.constant 112 : index
    %swap3A_37 = tpu.vector_load %arg22[%swap3A_36] {strides = array<i32>} : memref<640xf32, #tpu.memory_space<vmem>>, vector<16xf32>,
    %swap3A_38 = vector.shape_cast %swap3A_37 : vector<16xf32> to vector<16xf32>
    %swap3A_39 = vector.shape_cast %broadcast_in_dim3A_8 : vector<16xf32> to vector<16xf32>
    tpu.vector_store %arg22[%swap3A_36], %swap3A_39 {strides = array<i32>} : memref<640xf32, #tpu.memory_space<vmem>>, vector<16xf32>,
    %swap3A_40 = arith.constant 128 : index
    %swap3A_41 = tpu.vector_load %arg22[%swap3A_40] {strides = array<i32>} : memref<640xf32, #tpu.memory_space<vmem>>, vector<16xf32>,
    %swap3A_42 = vector.shape_cast %swap3A_41 : vector<16xf32> to vector<16xf32>
    %swap3A_43 = vector.shape_cast %broadcast_in_dim3A_8 : vector<16xf32> to vector<16xf32>
    tpu.vector_store %arg22[%swap3A_40], %swap3A_43 {strides = array<i32>} : memref<640xf32, #tpu.memory_space<vmem>>, vector<16xf32>,
    %swap3A_44 = arith.constant 144 : index
    %swap3A_45 = tpu.vector_load %arg22[%swap3A_44] {strides = array<i32>} : memref<640xf32, #tpu.memory_space<vmem>>, vector<16xf32>,
    %swap3A_46 = vector.shape_cast %swap3A_45 : vector<16xf32> to vector<16xf32>
    %swap3A_47 = vector.shape_cast %broadcast_in_dim3A_8 : vector<16xf32> to vector<16xf32>
    tpu.vector_store %arg22[%swap3A_44], %swap3A_47 {strides = array<i32>} : memref<640xf32, #tpu.memory_space<vmem>>, vector<16xf32>,
    %swap3A_48 = arith.constant 160 : index
    %swap3A_49 = tpu.vector_load %arg22[%swap3A_48] {strides = array<i32>} : memref<640xf32, #tpu.memory_space<vmem>>, vector<16xf32>,
    %swap3A_50 = vector.shape_cast %swap3A_49 : vector<16xf32> to vector<16xf32>
    %swap3A_51 = vector.shape_cast %broadcast_in_dim3A_8 : vector<16xf32> to vector<16xf32>
    tpu.vector_store %arg22[%swap3A_48], %swap3A_51 {strides = array<i32>} : memref<640xf32, #tpu.memory_space<vmem>>, vector<16xf32>,
    %swap3A_52 = arith.constant 176 : index
    %swap3A_53 = tpu.vector_load %arg22[%swap3A_52] {strides = array<i32>} : memref<640xf32, #tpu.memory_space<vmem>>, vector<16xf32>,
    %swap3A_54 = vector.shape_cast %swap3A_53 : vector<16xf32> to vector<16xf32>
    %swap3A_55 = vector.shape_cast %broadcast_in_dim3A_8 : vector<16xf32> to vector<16xf32>
    tpu.vector_store %arg22[%swap3A_52], %swap3A_55 {strides = array<i32>} : memref<640xf32, #tpu.memory_space<vmem>>, vector<16xf32>,
    %swap3A_56 = arith.constant 192 : index
    %swap3A_57 = tpu.vector_load %arg22[%swap3A_56] {strides = array<i32>} : memref<640xf32, #tpu.memory_space<vmem>>, vector<16xf32>,
    %swap3A_58 = vector.shape_cast %swap3A_57 : vector<16xf32> to vector<16xf32>
    %swap3A_59 = vector.shape_cast %broadcast_in_dim3A_8 : vector<16xf32> to vector<16xf32>
    tpu.vector_store %arg22[%swap3A_56], %swap3A_59 {strides = array<i32>} : memref<640xf32, #tpu.memory_space<vmem>>, vector<16xf32>,
    %swap3A_60 = arith.constant 208 : index
    %swap3A_61 = tpu.vector_load %arg22[%swap3A_60] {strides = array<i32>} : memref<640xf32, #tpu.memory_space<vmem>>, vector<16xf32>,
    %swap3A_62 = vector.shape_cast %swap3A_61 : vector<16xf32> to vector<16xf32>
    %swap3A_63 = vector.shape_cast %broadcast_in_dim3A_8 : vector<16xf32> to vector<16xf32>
    tpu.vector_store %arg22[%swap3A_60], %swap3A_63 {strides = array<i32>} : memref<640xf32, #tpu.memory_space<vmem>>, vector<16xf32>,
    %swap3A_64 = arith.constant 224 : index
    %swap3A_65 = tpu.vector_load %arg22[%swap3A_64] {strides = array<i32>} : memref<640xf32, #tpu.memory_space<vmem>>, vector<16xf32>,
    %swap3A_66 = vector.shape_cast %swap3A_65 : vector<16xf32> to vector<16xf32>
    %swap3A_67 = vector.shape_cast %broadcast_in_dim3A_8 : vector<16xf32> to vector<16xf32>
    tpu.vector_store %arg22[%swap3A_64], %swap3A_67 {strides = array<i32>} : memref<640xf32, #tpu.memory_space<vmem>>, vector<16xf32>,
    %swap3A_68 = arith.constant 240 : index
    %swap3A_69 = tpu.vector_load %arg22[%swap3A_68] {strides = array<i32>} : memref<640xf32, #tpu.memory_space<vmem>>, vector<16xf32>,
    %swap3A_70 = vector.shape_cast %swap3A_69 : vector<16xf32> to vector<16xf32>
    %swap3A_71 = vector.shape_cast %broadcast_in_dim3A_8 : vector<16xf32> to vector<16xf32>
    tpu.vector_store %arg22[%swap3A_68], %swap3A_71 {strides = array<i32>} : memref<640xf32, #tpu.memory_space<vmem>>, vector<16xf32>,
    %swap3A_72 = arith.constant 256 : index
    %swap3A_73 = tpu.vector_load %arg22[%swap3A_72] {strides = array<i32>} : memref<640xf32, #tpu.memory_space<vmem>>, vector<16xf32>,
    %swap3A_74 = vector.shape_cast %swap3A_73 : vector<16xf32> to vector<16xf32>
    %swap3A_75 = vector.shape_cast %broadcast_in_dim3A_8 : vector<16xf32> to vector<16xf32>
    tpu.vector_store %arg22[%swap3A_72], %swap3A_75 {strides = array<i32>} : memref<640xf32, #tpu.memory_space<vmem>>, vector<16xf32>,
    %swap3A_76 = arith.constant 272 : index
    %swap3A_77 = tpu.vector_load %arg22[%swap3A_76] {strides = array<i32>} : memref<640xf32, #tpu.memory_space<vmem>>, vector<16xf32>,
    %swap3A_78 = vector.shape_cast %swap3A_77 : vector<16xf32> to vector<16xf32>
    %swap3A_79 = vector.shape_cast %broadcast_in_dim3A_8 : vector<16xf32> to vector<16xf32>
    tpu.vector_store %arg22[%swap3A_76], %swap3A_79 {strides = array<i32>} : memref<640xf32, #tpu.memory_space<vmem>>, vector<16xf32>,
    %swap3A_80 = arith.constant 288 : index
    %swap3A_81 = tpu.vector_load %arg22[%swap3A_80] {strides = array<i32>} : memref<640xf32, #tpu.memory_space<vmem>>, vector<16xf32>,
    %swap3A_82 = vector.shape_cast %swap3A_81 : vector<16xf32> to vector<16xf32>
    %swap3A_83 = vector.shape_cast %broadcast_in_dim3A_8 : vector<16xf32> to vector<16xf32>
    tpu.vector_store %arg22[%swap3A_80], %swap3A_83 {strides = array<i32>} : memref<640xf32, #tpu.memory_space<vmem>>, vector<16xf32>,
    %swap3A_84 = arith.constant 304 : index
    %swap3A_85 = tpu.vector_load %arg22[%swap3A_84] {strides = array<i32>} : memref<640xf32, #tpu.memory_space<vmem>>, vector<16xf32>,
    %swap3A_86 = vector.shape_cast %swap3A_85 : vector<16xf32> to vector<16xf32>
    %swap3A_87 = vector.shape_cast %broadcast_in_dim3A_8 : vector<16xf32> to vector<16xf32>
    tpu.vector_store %arg22[%swap3A_84], %swap3A_87 {strides = array<i32>} : memref<640xf32, #tpu.memory_space<vmem>>, vector<16xf32>,
    %swap3A_88 = arith.constant 320 : index
    %swap3A_89 = tpu.vector_load %arg22[%swap3A_88] {strides = array<i32>} : memref<640xf32, #tpu.memory_space<vmem>>, vector<16xf32>,
    %swap3A_90 = vector.shape_cast %swap3A_89 : vector<16xf32> to vector<16xf32>
    %swap3A_91 = vector.shape_cast %broadcast_in_dim3A_8 : vector<16xf32> to vector<16xf32>
    tpu.vector_store %arg22[%swap3A_88], %swap3A_91 {strides = array<i32>} : memref<640xf32, #tpu.memory_space<vmem>>, vector<16xf32>,
    %swap3A_92 = arith.constant 336 : index
    %swap3A_93 = tpu.vector_load %arg22[%swap3A_92] {strides = array<i32>} : memref<640xf32, #tpu.memory_space<vmem>>, vector<16xf32>,
    %swap3A_94 = vector.shape_cast %swap3A_93 : vector<16xf32> to vector<16xf32>
    %swap3A_95 = vector.shape_cast %broadcast_in_dim3A_8 : vector<16xf32> to vector<16xf32>
    tpu.vector_store %arg22[%swap3A_92], %swap3A_95 {strides = array<i32>} : memref<640xf32, #tpu.memory_space<vmem>>, vector<16xf32>,
    %swap3A_96 = arith.constant 352 : index
    %swap3A_97 = tpu.vector_load %arg22[%swap3A_96] {strides = array<i32>} : memref<640xf32, #tpu.memory_space<vmem>>, vector<16xf32>,
    %swap3A_98 = vector.shape_cast %swap3A_97 : vector<16xf32> to vector<16xf32>
    %swap3A_99 = vector.shape_cast %broadcast_in_dim3A_8 : vector<16xf32> to vector<16xf32>
    tpu.vector_store %arg22[%swap3A_96], %swap3A_99 {strides = array<i32>} : memref<640xf32, #tpu.memory_space<vmem>>, vector<16xf32>,
    %swap3A_100 = arith.constant 368 : index
    %swap3A_101 = tpu.vector_load %arg22[%swap3A_100] {strides = array<i32>} : memref<640xf32, #tpu.memory_space<vmem>>, vector<16xf32>,
    %swap3A_102 = vector.shape_cast %swap3A_101 : vector<16xf32> to vector<16xf32>
    %swap3A_103 = vector.shape_cast %broadcast_in_dim3A_8 : vector<16xf32> to vector<16xf32>
    tpu.vector_store %arg22[%swap3A_100], %swap3A_103 {strides = array<i32>} : memref<640xf32, #tpu.memory_space<vmem>>, vector<16xf32>,
    %swap3A_104 = arith.constant 384 : index
    %swap3A_105 = tpu.vector_load %arg22[%swap3A_104] {strides = array<i32>} : memref<640xf32, #tpu.memory_space<vmem>>, vector<16xf32>,
    %swap3A_106 = vector.shape_cast %swap3A_105 : vector<16xf32> to vector<16xf32>
    %swap3A_107 = vector.shape_cast %broadcast_in_dim3A_8 : vector<16xf32> to vector<16xf32>
    tpu.vector_store %arg22[%swap3A_104], %swap3A_107 {strides = array<i32>} : memref<640xf32, #tpu.memory_space<vmem>>, vector<16xf32>,
    %swap3A_108 = arith.constant 400 : index
    %swap3A_109 = tpu.vector_load %arg22[%swap3A_108] {strides = array<i32>} : memref<640xf32, #tpu.memory_space<vmem>>, vector<16xf32>,
    %swap3A_110 = vector.shape_cast %swap3A_109 : vector<16xf32> to vector<16xf32>
    %swap3A_111 = vector.shape_cast %broadcast_in_dim3A_8 : vector<16xf32> to vector<16xf32>
    tpu.vector_store %arg22[%swap3A_108], %swap3A_111 {strides = array<i32>} : memref<640xf32, #tpu.memory_space<vmem>>, vector<16xf32>,
    %swap3A_112 = arith.constant 416 : index
    %swap3A_113 = tpu.vector_load %arg22[%swap3A_112] {strides = array<i32>} : memref<640xf32, #tpu.memory_space<vmem>>, vector<16xf32>,
    %swap3A_114 = vector.shape_cast %swap3A_113 : vector<16xf32> to vector<16xf32>
    %swap3A_115 = vector.shape_cast %broadcast_in_dim3A_8 : vector<16xf32> to vector<16xf32>
    tpu.vector_store %arg22[%swap3A_112], %swap3A_115 {strides = array<i32>} : memref<640xf32, #tpu.memory_space<vmem>>, vector<16xf32>,
    %swap3A_116 = arith.constant 432 : index
    %swap3A_117 = tpu.vector_load %arg22[%swap3A_116] {strides = array<i32>} : memref<640xf32, #tpu.memory_space<vmem>>, vector<16xf32>,
    %swap3A_118 = vector.shape_cast %swap3A_117 : vector<16xf32> to vector<16xf32>
    %swap3A_119 = vector.shape_cast %broadcast_in_dim3A_8 : vector<16xf32> to vector<16xf32>
    tpu.vector_store %arg22[%swap3A_116], %swap3A_119 {strides = array<i32>} : memref<640xf32, #tpu.memory_space<vmem>>, vector<16xf32>,
    %swap3A_120 = arith.constant 448 : index
    %swap3A_121 = tpu.vector_load %arg22[%swap3A_120] {strides = array<i32>} : memref<640xf32, #tpu.memory_space<vmem>>, vector<16xf32>,
    %swap3A_122 = vector.shape_cast %swap3A_121 : vector<16xf32> to vector<16xf32>
    %swap3A_123 = vector.shape_cast %broadcast_in_dim3A_8 : vector<16xf32> to vector<16xf32>
    tpu.vector_store %arg22[%swap3A_120], %swap3A_123 {strides = array<i32>} : memref<640xf32, #tpu.memory_space<vmem>>, vector<16xf32>,
    %swap3A_124 = arith.constant 464 : index
    %swap3A_125 = tpu.vector_load %arg22[%swap3A_124] {strides = array<i32>} : memref<640xf32, #tpu.memory_space<vmem>>, vector<16xf32>,
    %swap3A_126 = vector.shape_cast %swap3A_125 : vector<16xf32> to vector<16xf32>
    %swap3A_127 = vector.shape_cast %broadcast_in_dim3A_8 : vector<16xf32> to vector<16xf32>
    tpu.vector_store %arg22[%swap3A_124], %swap3A_127 {strides = array<i32>} : memref<640xf32, #tpu.memory_space<vmem>>, vector<16xf32>,
    %swap3A_128 = arith.constant 480 : index
    %swap3A_129 = tpu.vector_load %arg22[%swap3A_128] {strides = array<i32>} : memref<640xf32, #tpu.memory_space<vmem>>, vector<16xf32>,
    %swap3A_130 = vector.shape_cast %swap3A_129 : vector<16xf32> to vector<16xf32>
    %swap3A_131 = vector.shape_cast %broadcast_in_dim3A_8 : vector<16xf32> to vector<16xf32>
    tpu.vector_store %arg22[%swap3A_128], %swap3A_131 {strides = array<i32>} : memref<640xf32, #tpu.memory_space<vmem>>, vector<16xf32>,
    %swap3A_132 = arith.constant 496 : index
    %swap3A_133 = tpu.vector_load %arg22[%swap3A_132] {strides = array<i32>} : memref<640xf32, #tpu.memory_space<vmem>>, vector<16xf32>,
    %swap3A_134 = vector.shape_cast %swap3A_133 : vector<16xf32> to vector<16xf32>
    %swap3A_135 = vector.shape_cast %broadcast_in_dim3A_8 : vector<16xf32> to vector<16xf32>
    tpu.vector_store %arg22[%swap3A_132], %swap3A_135 {strides = array<i32>} : memref<640xf32, #tpu.memory_space<vmem>>, vector<16xf32>,
    %swap3A_136 = arith.constant 512 : index
    %swap3A_137 = tpu.vector_load %arg22[%swap3A_136] {strides = array<i32>} : memref<640xf32, #tpu.memory_space<vmem>>, vector<16xf32>,
    %swap3A_138 = vector.shape_cast %swap3A_137 : vector<16xf32> to vector<16xf32>
    %swap3A_139 = vector.shape_cast %broadcast_in_dim3A_8 : vector<16xf32> to vector<16xf32>
    tpu.vector_store %arg22[%swap3A_136], %swap3A_139 {strides = array<i32>} : memref<640xf32, #tpu.memory_space<vmem>>, vector<16xf32>,
    %swap3A_140 = arith.constant 528 : index
    %swap3A_141 = tpu.vector_load %arg22[%swap3A_140] {strides = array<i32>} : memref<640xf32, #tpu.memory_space<vmem>>, vector<16xf32>,
    %swap3A_142 = vector.shape_cast %swap3A_141 : vector<16xf32> to vector<16xf32>
    %swap3A_143 = vector.shape_cast %broadcast_in_dim3A_8 : vector<16xf32> to vector<16xf32>
    tpu.vector_store %arg22[%swap3A_140], %swap3A_143 {strides = array<i32>} : memref<640xf32, #tpu.memory_space<vmem>>, vector<16xf32>,
    %swap3A_144 = arith.constant 544 : index
    %swap3A_145 = tpu.vector_load %arg22[%swap3A_144] {strides = array<i32>} : memref<640xf32, #tpu.memory_space<vmem>>, vector<16xf32>,
    %swap3A_146 = vector.shape_cast %swap3A_145 : vector<16xf32> to vector<16xf32>
    %swap3A_147 = vector.shape_cast %broadcast_in_dim3A_8 : vector<16xf32> to vector<16xf32>
    tpu.vector_store %arg22[%swap3A_144], %swap3A_147 {strides = array<i32>} : memref<640xf32, #tpu.memory_space<vmem>>, vector<16xf32>,
    %swap3A_148 = arith.constant 560 : index
    %swap3A_149 = tpu.vector_load %arg22[%swap3A_148] {strides = array<i32>} : memref<640xf32, #tpu.memory_space<vmem>>, vector<16xf32>,
    %swap3A_150 = vector.shape_cast %swap3A_149 : vector<16xf32> to vector<16xf32>
    %swap3A_151 = vector.shape_cast %broadcast_in_dim3A_8 : vector<16xf32> to vector<16xf32>
    tpu.vector_store %arg22[%swap3A_148], %swap3A_151 {strides = array<i32>} : memref<640xf32, #tpu.memory_space<vmem>>, vector<16xf32>,
    %swap3A_152 = arith.constant 576 : index
    %swap3A_153 = tpu.vector_load %arg22[%swap3A_152] {strides = array<i32>} : memref<640xf32, #tpu.memory_space<vmem>>, vector<16xf32>,
    %swap3A_154 = vector.shape_cast %swap3A_153 : vector<16xf32> to vector<16xf32>
    %swap3A_155 = vector.shape_cast %broadcast_in_dim3A_8 : vector<16xf32> to vector<16xf32>
    tpu.vector_store %arg22[%swap3A_152], %swap3A_155 {strides = array<i32>} : memref<640xf32, #tpu.memory_space<vmem>>, vector<16xf32>,
    %swap3A_156 = arith.constant 592 : index
    %swap3A_157 = tpu.vector_load %arg22[%swap3A_156] {strides = array<i32>} : memref<640xf32, #tpu.memory_space<vmem>>, vector<16xf32>,
    %swap3A_158 = vector.shape_cast %swap3A_157 : vector<16xf32> to vector<16xf32>
    %swap3A_159 = vector.shape_cast %broadcast_in_dim3A_8 : vector<16xf32> to vector<16xf32>
    tpu.vector_store %arg22[%swap3A_156], %swap3A_159 {strides = array<i32>} : memref<640xf32, #tpu.memory_space<vmem>>, vector<16xf32>,
    %swap3A_160 = arith.constant 608 : index
    %swap3A_161 = tpu.vector_load %arg22[%swap3A_160] {strides = array<i32>} : memref<640xf32, #tpu.memory_space<vmem>>, vector<16xf32>,
    %swap3A_162 = vector.shape_cast %swap3A_161 : vector<16xf32> to vector<16xf32>
    %swap3A_163 = vector.shape_cast %broadcast_in_dim3A_8 : vector<16xf32> to vector<16xf32>
    tpu.vector_store %arg22[%swap3A_160], %swap3A_163 {strides = array<i32>} : memref<640xf32, #tpu.memory_space<vmem>>, vector<16xf32>,
    %swap3A_164 = arith.constant 624 : index
    %swap3A_165 = tpu.vector_load %arg22[%swap3A_164] {strides = array<i32>} : memref<640xf32, #tpu.memory_space<vmem>>, vector<16xf32>,
    %swap3A_166 = vector.shape_cast %swap3A_165 : vector<16xf32> to vector<16xf32>
    %swap3A_167 = vector.shape_cast %broadcast_in_dim3A_8 : vector<16xf32> to vector<16xf32>
    tpu.vector_store %arg22[%swap3A_164], %swap3A_167 {strides = array<i32>} : memref<640xf32, #tpu.memory_space<vmem>>, vector<16xf32>,
    "tpu.region"() ({
      %run_scoped3A = tpu.sem_alloc : memref<!tpu.dma_semaphore, #tpu.memory_space<semaphore_mem>>
      %dma_start3A_934 = tpu.memref_slice %arg24[%mul3A_2] : memref<10240xf32, #tpu.memory_space<vmem_shared>> -> memref<640xf32, #tpu.memory_space<vmem_shared>>
      %dma_start3A_935 = tpu.memref_slice %arg24[%mul3A_2] : memref<10240xf32, #tpu.memory_space<vmem_shared>> -> memref<640xf32, #tpu.memory_space<vmem_shared>>
      tpu.enqueue_dma source(%arg22 : memref<640xf32, #tpu.memory_space<vmem>>) target(%dma_start3A_935 : memref<640xf32, #tpu.memory_space<vmem_shared>>) target_semaphore(%run_scoped3A : memref<!tpu.dma_semaphore, #tpu.memory_space<semaphore_mem>>)
      %dma_wait3A_936 = tpu.memref_slice %arg24[%mul3A_2] : memref<10240xf32, #tpu.memory_space<vmem_shared>> -> memref<640xf32, #tpu.memory_space<vmem_shared>>
      %dma_wait3A_937 = tpu.memref_slice %arg24[%mul3A_2] : memref<10240xf32, #tpu.memory_space<vmem_shared>> -> memref<640xf32, #tpu.memory_space<vmem_shared>>
      tpu.wait_dma2 semaphore(%run_scoped3A : memref<!tpu.dma_semaphore, #tpu.memory_space<semaphore_mem>>) src(%arg22 : memref<640xf32, #tpu.memory_space<vmem>>) dst(%dma_wait3A_937 : memref<640xf32, #tpu.memory_space<vmem_shared>>)
      tpu.yield
    }) : () -> ()
    %swap3A_168 = arith.constant 0 : index
    %swap3A_169 = tpu.vector_load %arg23[%swap3A_168] {strides = array<i32>} : memref<2000xf32, #tpu.memory_space<vmem>>, vector<16xf32>,
    %swap3A_170 = vector.shape_cast %swap3A_169 : vector<16xf32> to vector<16xf32>
    %swap3A_171 = vector.shape_cast %broadcast_in_dim3A_6 : vector<16xf32> to vector<16xf32>
    tpu.vector_store %arg23[%swap3A_168], %swap3A_171 {strides = array<i32>} : memref<2000xf32, #tpu.memory_space<vmem>>, vector<16xf32>,
    %swap3A_172 = arith.constant 16 : index
    %swap3A_173 = tpu.vector_load %arg23[%swap3A_172] {strides = array<i32>} : memref<2000xf32, #tpu.memory_space<vmem>>, vector<16xf32>,
    %swap3A_174 = vector.shape_cast %swap3A_173 : vector<16xf32> to vector<16xf32>
    %swap3A_175 = vector.shape_cast %broadcast_in_dim3A_6 : vector<16xf32> to vector<16xf32>
    tpu.vector_store %arg23[%swap3A_172], %swap3A_175 {strides = array<i32>} : memref<2000xf32, #tpu.memory_space<vmem>>, vector<16xf32>,
    %swap3A_176 = arith.constant 32 : index
    %swap3A_177 = tpu.vector_load %arg23[%swap3A_176] {strides = array<i32>} : memref<2000xf32, #tpu.memory_space<vmem>>, vector<16xf32>,
    %swap3A_178 = vector.shape_cast %swap3A_177 : vector<16xf32> to vector<16xf32>
    %swap3A_179 = vector.shape_cast %broadcast_in_dim3A_6 : vector<16xf32> to vector<16xf32>
    tpu.vector_store %arg23[%swap3A_176], %swap3A_179 {strides = array<i32>} : memref<2000xf32, #tpu.memory_space<vmem>>, vector<16xf32>,
    %swap3A_180 = arith.constant 48 : index
    %swap3A_181 = tpu.vector_load %arg23[%swap3A_180] {strides = array<i32>} : memref<2000xf32, #tpu.memory_space<vmem>>, vector<16xf32>,
    %swap3A_182 = vector.shape_cast %swap3A_181 : vector<16xf32> to vector<16xf32>
    %swap3A_183 = vector.shape_cast %broadcast_in_dim3A_6 : vector<16xf32> to vector<16xf32>
    tpu.vector_store %arg23[%swap3A_180], %swap3A_183 {strides = array<i32>} : memref<2000xf32, #tpu.memory_space<vmem>>, vector<16xf32>,
    %swap3A_184 = arith.constant 64 : index
    %swap3A_185 = tpu.vector_load %arg23[%swap3A_184] {strides = array<i32>} : memref<2000xf32, #tpu.memory_space<vmem>>, vector<16xf32>,
    %swap3A_186 = vector.shape_cast %swap3A_185 : vector<16xf32> to vector<16xf32>
    %swap3A_187 = vector.shape_cast %broadcast_in_dim3A_6 : vector<16xf32> to vector<16xf32>
    tpu.vector_store %arg23[%swap3A_184], %swap3A_187 {strides = array<i32>} : memref<2000xf32, #tpu.memory_space<vmem>>, vector<16xf32>,
    %swap3A_188 = arith.constant 80 : index
    %swap3A_189 = tpu.vector_load %arg23[%swap3A_188] {strides = array<i32>} : memref<2000xf32, #tpu.memory_space<vmem>>, vector<16xf32>,
    %swap3A_190 = vector.shape_cast %swap3A_189 : vector<16xf32> to vector<16xf32>
    %swap3A_191 = vector.shape_cast %broadcast_in_dim3A_6 : vector<16xf32> to vector<16xf32>
    tpu.vector_store %arg23[%swap3A_188], %swap3A_191 {strides = array<i32>} : memref<2000xf32, #tpu.memory_space<vmem>>, vector<16xf32>,
    %swap3A_192 = arith.constant 96 : index
    %swap3A_193 = tpu.vector_load %arg23[%swap3A_192] {strides = array<i32>} : memref<2000xf32, #tpu.memory_space<vmem>>, vector<16xf32>,
    %swap3A_194 = vector.shape_cast %swap3A_193 : vector<16xf32> to vector<16xf32>
    %swap3A_195 = vector.shape_cast %broadcast_in_dim3A_6 : vector<16xf32> to vector<16xf32>
    tpu.vector_store %arg23[%swap3A_192], %swap3A_195 {strides = array<i32>} : memref<2000xf32, #tpu.memory_space<vmem>>, vector<16xf32>,
    %swap3A_196 = arith.constant 112 : index
    %swap3A_197 = tpu.vector_load %arg23[%swap3A_196] {strides = array<i32>} : memref<2000xf32, #tpu.memory_space<vmem>>, vector<16xf32>,
    %swap3A_198 = vector.shape_cast %swap3A_197 : vector<16xf32> to vector<16xf32>
    %swap3A_199 = vector.shape_cast %broadcast_in_dim3A_6 : vector<16xf32> to vector<16xf32>
    tpu.vector_store %arg23[%swap3A_196], %swap3A_199 {strides = array<i32>} : memref<2000xf32, #tpu.memory_space<vmem>>, vector<16xf32>,
    %swap3A_200 = arith.constant 128 : index
    %swap3A_201 = tpu.vector_load %arg23[%swap3A_200] {strides = array<i32>} : memref<2000xf32, #tpu.memory_space<vmem>>, vector<16xf32>,
    %swap3A_202 = vector.shape_cast %swap3A_201 : vector<16xf32> to vector<16xf32>
    %swap3A_203 = vector.shape_cast %broadcast_in_dim3A_6 : vector<16xf32> to vector<16xf32>
    tpu.vector_store %arg23[%swap3A_200], %swap3A_203 {strides = array<i32>} : memref<2000xf32, #tpu.memory_space<vmem>>, vector<16xf32>,
    %swap3A_204 = arith.constant 144 : index
    %swap3A_205 = tpu.vector_load %arg23[%swap3A_204] {strides = array<i32>} : memref<2000xf32, #tpu.memory_space<vmem>>, vector<16xf32>,
    %swap3A_206 = vector.shape_cast %swap3A_205 : vector<16xf32> to vector<16xf32>
    %swap3A_207 = vector.shape_cast %broadcast_in_dim3A_6 : vector<16xf32> to vector<16xf32>
    tpu.vector_store %arg23[%swap3A_204], %swap3A_207 {strides = array<i32>} : memref<2000xf32, #tpu.memory_space<vmem>>, vector<16xf32>,
    %swap3A_208 = arith.constant 160 : index
    %swap3A_209 = tpu.vector_load %arg23[%swap3A_208] {strides = array<i32>} : memref<2000xf32, #tpu.memory_space<vmem>>, vector<16xf32>,
    %swap3A_210 = vector.shape_cast %swap3A_209 : vector<16xf32> to vector<16xf32>
    %swap3A_211 = vector.shape_cast %broadcast_in_dim3A_6 : vector<16xf32> to vector<16xf32>
    tpu.vector_store %arg23[%swap3A_208], %swap3A_211 {strides = array<i32>} : memref<2000xf32, #tpu.memory_space<vmem>>, vector<16xf32>,
    %swap3A_212 = arith.constant 176 : index
    %swap3A_213 = tpu.vector_load %arg23[%swap3A_212] {strides = array<i32>} : memref<2000xf32, #tpu.memory_space<vmem>>, vector<16xf32>,
    %swap3A_214 = vector.shape_cast %swap3A_213 : vector<16xf32> to vector<16xf32>
    %swap3A_215 = vector.shape_cast %broadcast_in_dim3A_6 : vector<16xf32> to vector<16xf32>
    tpu.vector_store %arg23[%swap3A_212], %swap3A_215 {strides = array<i32>} : memref<2000xf32, #tpu.memory_space<vmem>>, vector<16xf32>,
    %swap3A_216 = arith.constant 192 : index
    %swap3A_217 = tpu.vector_load %arg23[%swap3A_216] {strides = array<i32>} : memref<2000xf32, #tpu.memory_space<vmem>>, vector<16xf32>,
    %swap3A_218 = vector.shape_cast %swap3A_217 : vector<16xf32> to vector<16xf32>
    %swap3A_219 = vector.shape_cast %broadcast_in_dim3A_6 : vector<16xf32> to vector<16xf32>
    tpu.vector_store %arg23[%swap3A_216], %swap3A_219 {strides = array<i32>} : memref<2000xf32, #tpu.memory_space<vmem>>, vector<16xf32>,
    %swap3A_220 = arith.constant 208 : index
    %swap3A_221 = tpu.vector_load %arg23[%swap3A_220] {strides = array<i32>} : memref<2000xf32, #tpu.memory_space<vmem>>, vector<16xf32>,
    %swap3A_222 = vector.shape_cast %swap3A_221 : vector<16xf32> to vector<16xf32>
    %swap3A_223 = vector.shape_cast %broadcast_in_dim3A_6 : vector<16xf32> to vector<16xf32>
    tpu.vector_store %arg23[%swap3A_220], %swap3A_223 {strides = array<i32>} : memref<2000xf32, #tpu.memory_space<vmem>>, vector<16xf32>,
    %swap3A_224 = arith.constant 224 : index
    %swap3A_225 = tpu.vector_load %arg23[%swap3A_224] {strides = array<i32>} : memref<2000xf32, #tpu.memory_space<vmem>>, vector<16xf32>,
    %swap3A_226 = vector.shape_cast %swap3A_225 : vector<16xf32> to vector<16xf32>
    %swap3A_227 = vector.shape_cast %broadcast_in_dim3A_6 : vector<16xf32> to vector<16xf32>
    tpu.vector_store %arg23[%swap3A_224], %swap3A_227 {strides = array<i32>} : memref<2000xf32, #tpu.memory_space<vmem>>, vector<16xf32>,
    %swap3A_228 = arith.constant 240 : index
    %swap3A_229 = tpu.vector_load %arg23[%swap3A_228] {strides = array<i32>} : memref<2000xf32, #tpu.memory_space<vmem>>, vector<16xf32>,
    %swap3A_230 = vector.shape_cast %swap3A_229 : vector<16xf32> to vector<16xf32>
    %swap3A_231 = vector.shape_cast %broadcast_in_dim3A_6 : vector<16xf32> to vector<16xf32>
    tpu.vector_store %arg23[%swap3A_228], %swap3A_231 {strides = array<i32>} : memref<2000xf32, #tpu.memory_space<vmem>>, vector<16xf32>,
    %swap3A_232 = arith.constant 256 : index
    %swap3A_233 = tpu.vector_load %arg23[%swap3A_232] {strides = array<i32>} : memref<2000xf32, #tpu.memory_space<vmem>>, vector<16xf32>,
    %swap3A_234 = vector.shape_cast %swap3A_233 : vector<16xf32> to vector<16xf32>
    %swap3A_235 = vector.shape_cast %broadcast_in_dim3A_6 : vector<16xf32> to vector<16xf32>
    tpu.vector_store %arg23[%swap3A_232], %swap3A_235 {strides = array<i32>} : memref<2000xf32, #tpu.memory_space<vmem>>, vector<16xf32>,
    %swap3A_236 = arith.constant 272 : index
    %swap3A_237 = tpu.vector_load %arg23[%swap3A_236] {strides = array<i32>} : memref<2000xf32, #tpu.memory_space<vmem>>, vector<16xf32>,
    %swap3A_238 = vector.shape_cast %swap3A_237 : vector<16xf32> to vector<16xf32>
    %swap3A_239 = vector.shape_cast %broadcast_in_dim3A_6 : vector<16xf32> to vector<16xf32>
    tpu.vector_store %arg23[%swap3A_236], %swap3A_239 {strides = array<i32>} : memref<2000xf32, #tpu.memory_space<vmem>>, vector<16xf32>,
    %swap3A_240 = arith.constant 288 : index
    %swap3A_241 = tpu.vector_load %arg23[%swap3A_240] {strides = array<i32>} : memref<2000xf32, #tpu.memory_space<vmem>>, vector<16xf32>,
    %swap3A_242 = vector.shape_cast %swap3A_241 : vector<16xf32> to vector<16xf32>
    %swap3A_243 = vector.shape_cast %broadcast_in_dim3A_6 : vector<16xf32> to vector<16xf32>
    tpu.vector_store %arg23[%swap3A_240], %swap3A_243 {strides = array<i32>} : memref<2000xf32, #tpu.memory_space<vmem>>, vector<16xf32>,
    %swap3A_244 = arith.constant 304 : index
    %swap3A_245 = tpu.vector_load %arg23[%swap3A_244] {strides = array<i32>} : memref<2000xf32, #tpu.memory_space<vmem>>, vector<16xf32>,
    %swap3A_246 = vector.shape_cast %swap3A_245 : vector<16xf32> to vector<16xf32>
    %swap3A_247 = vector.shape_cast %broadcast_in_dim3A_6 : vector<16xf32> to vector<16xf32>
    tpu.vector_store %arg23[%swap3A_244], %swap3A_247 {strides = array<i32>} : memref<2000xf32, #tpu.memory_space<vmem>>, vector<16xf32>,
    %swap3A_248 = arith.constant 320 : index
    %swap3A_249 = tpu.vector_load %arg23[%swap3A_248] {strides = array<i32>} : memref<2000xf32, #tpu.memory_space<vmem>>, vector<16xf32>,
    %swap3A_250 = vector.shape_cast %swap3A_249 : vector<16xf32> to vector<16xf32>
    %swap3A_251 = vector.shape_cast %broadcast_in_dim3A_6 : vector<16xf32> to vector<16xf32>
    tpu.vector_store %arg23[%swap3A_248], %swap3A_251 {strides = array<i32>} : memref<2000xf32, #tpu.memory_space<vmem>>, vector<16xf32>,
    %swap3A_252 = arith.constant 336 : index
    %swap3A_253 = tpu.vector_load %arg23[%swap3A_252] {strides = array<i32>} : memref<2000xf32, #tpu.memory_space<vmem>>, vector<16xf32>,
    %swap3A_254 = vector.shape_cast %swap3A_253 : vector<16xf32> to vector<16xf32>
    %swap3A_255 = vector.shape_cast %broadcast_in_dim3A_6 : vector<16xf32> to vector<16xf32>
    tpu.vector_store %arg23[%swap3A_252], %swap3A_255 {strides = array<i32>} : memref<2000xf32, #tpu.memory_space<vmem>>, vector<16xf32>,
    %swap3A_256 = arith.constant 352 : index
    %swap3A_257 = tpu.vector_load %arg23[%swap3A_256] {strides = array<i32>} : memref<2000xf32, #tpu.memory_space<vmem>>, vector<16xf32>,
    %swap3A_258 = vector.shape_cast %swap3A_257 : vector<16xf32> to vector<16xf32>
    %swap3A_259 = vector.shape_cast %broadcast_in_dim3A_6 : vector<16xf32> to vector<16xf32>
    tpu.vector_store %arg23[%swap3A_256], %swap3A_259 {strides = array<i32>} : memref<2000xf32, #tpu.memory_space<vmem>>, vector<16xf32>,
    %swap3A_260 = arith.constant 368 : index
    %swap3A_261 = tpu.vector_load %arg23[%swap3A_260] {strides = array<i32>} : memref<2000xf32, #tpu.memory_space<vmem>>, vector<16xf32>,
    %swap3A_262 = vector.shape_cast %swap3A_261 : vector<16xf32> to vector<16xf32>
    %swap3A_263 = vector.shape_cast %broadcast_in_dim3A_6 : vector<16xf32> to vector<16xf32>
    tpu.vector_store %arg23[%swap3A_260], %swap3A_263 {strides = array<i32>} : memref<2000xf32, #tpu.memory_space<vmem>>, vector<16xf32>,
    %swap3A_264 = arith.constant 384 : index
    %swap3A_265 = tpu.vector_load %arg23[%swap3A_264] {strides = array<i32>} : memref<2000xf32, #tpu.memory_space<vmem>>, vector<16xf32>,
    %swap3A_266 = vector.shape_cast %swap3A_265 : vector<16xf32> to vector<16xf32>
    %swap3A_267 = vector.shape_cast %broadcast_in_dim3A_6 : vector<16xf32> to vector<16xf32>
    tpu.vector_store %arg23[%swap3A_264], %swap3A_267 {strides = array<i32>} : memref<2000xf32, #tpu.memory_space<vmem>>, vector<16xf32>,
    %swap3A_268 = arith.constant 400 : index
    %swap3A_269 = tpu.vector_load %arg23[%swap3A_268] {strides = array<i32>} : memref<2000xf32, #tpu.memory_space<vmem>>, vector<16xf32>,
    %swap3A_270 = vector.shape_cast %swap3A_269 : vector<16xf32> to vector<16xf32>
    %swap3A_271 = vector.shape_cast %broadcast_in_dim3A_6 : vector<16xf32> to vector<16xf32>
    tpu.vector_store %arg23[%swap3A_268], %swap3A_271 {strides = array<i32>} : memref<2000xf32, #tpu.memory_space<vmem>>, vector<16xf32>,
    %swap3A_272 = arith.constant 416 : index
    %swap3A_273 = tpu.vector_load %arg23[%swap3A_272] {strides = array<i32>} : memref<2000xf32, #tpu.memory_space<vmem>>, vector<16xf32>,
    %swap3A_274 = vector.shape_cast %swap3A_273 : vector<16xf32> to vector<16xf32>
    %swap3A_275 = vector.shape_cast %broadcast_in_dim3A_6 : vector<16xf32> to vector<16xf32>
    tpu.vector_store %arg23[%swap3A_272], %swap3A_275 {strides = array<i32>} : memref<2000xf32, #tpu.memory_space<vmem>>, vector<16xf32>,
    %swap3A_276 = arith.constant 432 : index
    %swap3A_277 = tpu.vector_load %arg23[%swap3A_276] {strides = array<i32>} : memref<2000xf32, #tpu.memory_space<vmem>>, vector<16xf32>,
    %swap3A_278 = vector.shape_cast %swap3A_277 : vector<16xf32> to vector<16xf32>
    %swap3A_279 = vector.shape_cast %broadcast_in_dim3A_6 : vector<16xf32> to vector<16xf32>
    tpu.vector_store %arg23[%swap3A_276], %swap3A_279 {strides = array<i32>} : memref<2000xf32, #tpu.memory_space<vmem>>, vector<16xf32>,
    %swap3A_280 = arith.constant 448 : index
    %swap3A_281 = tpu.vector_load %arg23[%swap3A_280] {strides = array<i32>} : memref<2000xf32, #tpu.memory_space<vmem>>, vector<16xf32>,
    %swap3A_282 = vector.shape_cast %swap3A_281 : vector<16xf32> to vector<16xf32>
    %swap3A_283 = vector.shape_cast %broadcast_in_dim3A_6 : vector<16xf32> to vector<16xf32>
    tpu.vector_store %arg23[%swap3A_280], %swap3A_283 {strides = array<i32>} : memref<2000xf32, #tpu.memory_space<vmem>>, vector<16xf32>,
    %swap3A_284 = arith.constant 464 : index
    %swap3A_285 = tpu.vector_load %arg23[%swap3A_284] {strides = array<i32>} : memref<2000xf32, #tpu.memory_space<vmem>>, vector<16xf32>,
    %swap3A_286 = vector.shape_cast %swap3A_285 : vector<16xf32> to vector<16xf32>
    %swap3A_287 = vector.shape_cast %broadcast_in_dim3A_6 : vector<16xf32> to vector<16xf32>
    tpu.vector_store %arg23[%swap3A_284], %swap3A_287 {strides = array<i32>} : memref<2000xf32, #tpu.memory_space<vmem>>, vector<16xf32>,
    %swap3A_288 = arith.constant 480 : index
    %swap3A_289 = tpu.vector_load %arg23[%swap3A_288] {strides = array<i32>} : memref<2000xf32, #tpu.memory_space<vmem>>, vector<16xf32>,
    %swap3A_290 = vector.shape_cast %swap3A_289 : vector<16xf32> to vector<16xf32>
    %swap3A_291 = vector.shape_cast %broadcast_in_dim3A_6 : vector<16xf32> to vector<16xf32>
    tpu.vector_store %arg23[%swap3A_288], %swap3A_291 {strides = array<i32>} : memref<2000xf32, #tpu.memory_space<vmem>>, vector<16xf32>,
    %swap3A_292 = arith.constant 496 : index
    %swap3A_293 = tpu.vector_load %arg23[%swap3A_292] {strides = array<i32>} : memref<2000xf32, #tpu.memory_space<vmem>>, vector<16xf32>,
    %swap3A_294 = vector.shape_cast %swap3A_293 : vector<16xf32> to vector<16xf32>
    %swap3A_295 = vector.shape_cast %broadcast_in_dim3A_6 : vector<16xf32> to vector<16xf32>
    tpu.vector_store %arg23[%swap3A_292], %swap3A_295 {strides = array<i32>} : memref<2000xf32, #tpu.memory_space<vmem>>, vector<16xf32>,
    %swap3A_296 = arith.constant 512 : index
    %swap3A_297 = tpu.vector_load %arg23[%swap3A_296] {strides = array<i32>} : memref<2000xf32, #tpu.memory_space<vmem>>, vector<16xf32>,
    %swap3A_298 = vector.shape_cast %swap3A_297 : vector<16xf32> to vector<16xf32>
    %swap3A_299 = vector.shape_cast %broadcast_in_dim3A_6 : vector<16xf32> to vector<16xf32>
    tpu.vector_store %arg23[%swap3A_296], %swap3A_299 {strides = array<i32>} : memref<2000xf32, #tpu.memory_space<vmem>>, vector<16xf32>,
    %swap3A_300 = arith.constant 528 : index
    %swap3A_301 = tpu.vector_load %arg23[%swap3A_300] {strides = array<i32>} : memref<2000xf32, #tpu.memory_space<vmem>>, vector<16xf32>,
    %swap3A_302 = vector.shape_cast %swap3A_301 : vector<16xf32> to vector<16xf32>
    %swap3A_303 = vector.shape_cast %broadcast_in_dim3A_6 : vector<16xf32> to vector<16xf32>
    tpu.vector_store %arg23[%swap3A_300], %swap3A_303 {strides = array<i32>} : memref<2000xf32, #tpu.memory_space<vmem>>, vector<16xf32>,
    %swap3A_304 = arith.constant 544 : index
    %swap3A_305 = tpu.vector_load %arg23[%swap3A_304] {strides = array<i32>} : memref<2000xf32, #tpu.memory_space<vmem>>, vector<16xf32>,
    %swap3A_306 = vector.shape_cast %swap3A_305 : vector<16xf32> to vector<16xf32>
    %swap3A_307 = vector.shape_cast %broadcast_in_dim3A_6 : vector<16xf32> to vector<16xf32>
    tpu.vector_store %arg23[%swap3A_304], %swap3A_307 {strides = array<i32>} : memref<2000xf32, #tpu.memory_space<vmem>>, vector<16xf32>,
    %swap3A_308 = arith.constant 560 : index
    %swap3A_309 = tpu.vector_load %arg23[%swap3A_308] {strides = array<i32>} : memref<2000xf32, #tpu.memory_space<vmem>>, vector<16xf32>,
    %swap3A_310 = vector.shape_cast %swap3A_309 : vector<16xf32> to vector<16xf32>
    %swap3A_311 = vector.shape_cast %broadcast_in_dim3A_6 : vector<16xf32> to vector<16xf32>
    tpu.vector_store %arg23[%swap3A_308], %swap3A_311 {strides = array<i32>} : memref<2000xf32, #tpu.memory_space<vmem>>, vector<16xf32>,
    %swap3A_312 = arith.constant 576 : index
    %swap3A_313 = tpu.vector_load %arg23[%swap3A_312] {strides = array<i32>} : memref<2000xf32, #tpu.memory_space<vmem>>, vector<16xf32>,
    %swap3A_314 = vector.shape_cast %swap3A_313 : vector<16xf32> to vector<16xf32>
    %swap3A_315 = vector.shape_cast %broadcast_in_dim3A_6 : vector<16xf32> to vector<16xf32>
    tpu.vector_store %arg23[%swap3A_312], %swap3A_315 {strides = array<i32>} : memref<2000xf32, #tpu.memory_space<vmem>>, vector<16xf32>,
    %swap3A_316 = arith.constant 592 : index
    %swap3A_317 = tpu.vector_load %arg23[%swap3A_316] {strides = array<i32>} : memref<2000xf32, #tpu.memory_space<vmem>>, vector<16xf32>,
    %swap3A_318 = vector.shape_cast %swap3A_317 : vector<16xf32> to vector<16xf32>
    %swap3A_319 = vector.shape_cast %broadcast_in_dim3A_6 : vector<16xf32> to vector<16xf32>
    tpu.vector_store %arg23[%swap3A_316], %swap3A_319 {strides = array<i32>} : memref<2000xf32, #tpu.memory_space<vmem>>, vector<16xf32>,
    %swap3A_320 = arith.constant 608 : index
    %swap3A_321 = tpu.vector_load %arg23[%swap3A_320] {strides = array<i32>} : memref<2000xf32, #tpu.memory_space<vmem>>, vector<16xf32>,
    %swap3A_322 = vector.shape_cast %swap3A_321 : vector<16xf32> to vector<16xf32>
    %swap3A_323 = vector.shape_cast %broadcast_in_dim3A_6 : vector<16xf32> to vector<16xf32>
    tpu.vector_store %arg23[%swap3A_320], %swap3A_323 {strides = array<i32>} : memref<2000xf32, #tpu.memory_space<vmem>>, vector<16xf32>,
    %swap3A_324 = arith.constant 624 : index
    %swap3A_325 = tpu.vector_load %arg23[%swap3A_324] {strides = array<i32>} : memref<2000xf32, #tpu.memory_space<vmem>>, vector<16xf32>,
    %swap3A_326 = vector.shape_cast %swap3A_325 : vector<16xf32> to vector<16xf32>
    %swap3A_327 = vector.shape_cast %broadcast_in_dim3A_6 : vector<16xf32> to vector<16xf32>
    tpu.vector_store %arg23[%swap3A_324], %swap3A_327 {strides = array<i32>} : memref<2000xf32, #tpu.memory_space<vmem>>, vector<16xf32>,
    %swap3A_328 = arith.constant 640 : index
    %swap3A_329 = tpu.vector_load %arg23[%swap3A_328] {strides = array<i32>} : memref<2000xf32, #tpu.memory_space<vmem>>, vector<16xf32>,
    %swap3A_330 = vector.shape_cast %swap3A_329 : vector<16xf32> to vector<16xf32>
    %swap3A_331 = vector.shape_cast %broadcast_in_dim3A_6 : vector<16xf32> to vector<16xf32>
    tpu.vector_store %arg23[%swap3A_328], %swap3A_331 {strides = array<i32>} : memref<2000xf32, #tpu.memory_space<vmem>>, vector<16xf32>,
    %swap3A_332 = arith.constant 656 : index
    %swap3A_333 = tpu.vector_load %arg23[%swap3A_332] {strides = array<i32>} : memref<2000xf32, #tpu.memory_space<vmem>>, vector<16xf32>,
    %swap3A_334 = vector.shape_cast %swap3A_333 : vector<16xf32> to vector<16xf32>
    %swap3A_335 = vector.shape_cast %broadcast_in_dim3A_6 : vector<16xf32> to vector<16xf32>
    tpu.vector_store %arg23[%swap3A_332], %swap3A_335 {strides = array<i32>} : memref<2000xf32, #tpu.memory_space<vmem>>, vector<16xf32>,
    %swap3A_336 = arith.constant 672 : index
    %swap3A_337 = tpu.vector_load %arg23[%swap3A_336] {strides = array<i32>} : memref<2000xf32, #tpu.memory_space<vmem>>, vector<16xf32>,
    %swap3A_338 = vector.shape_cast %swap3A_337 : vector<16xf32> to vector<16xf32>
    %swap3A_339 = vector.shape_cast %broadcast_in_dim3A_6 : vector<16xf32> to vector<16xf32>
    tpu.vector_store %arg23[%swap3A_336], %swap3A_339 {strides = array<i32>} : memref<2000xf32, #tpu.memory_space<vmem>>, vector<16xf32>,
    %swap3A_340 = arith.constant 688 : index
    %swap3A_341 = tpu.vector_load %arg23[%swap3A_340] {strides = array<i32>} : memref<2000xf32, #tpu.memory_space<vmem>>, vector<16xf32>,
    %swap3A_342 = vector.shape_cast %swap3A_341 : vector<16xf32> to vector<16xf32>
    %swap3A_343 = vector.shape_cast %broadcast_in_dim3A_6 : vector<16xf32> to vector<16xf32>
    tpu.vector_store %arg23[%swap3A_340], %swap3A_343 {strides = array<i32>} : memref<2000xf32, #tpu.memory_space<vmem>>, vector<16xf32>,
    %swap3A_344 = arith.constant 704 : index
    %swap3A_345 = tpu.vector_load %arg23[%swap3A_344] {strides = array<i32>} : memref<2000xf32, #tpu.memory_space<vmem>>, vector<16xf32>,
    %swap3A_346 = vector.shape_cast %swap3A_345 : vector<16xf32> to vector<16xf32>
    %swap3A_347 = vector.shape_cast %broadcast_in_dim3A_6 : vector<16xf32> to vector<16xf32>
    tpu.vector_store %arg23[%swap3A_344], %swap3A_347 {strides = array<i32>} : memref<2000xf32, #tpu.memory_space<vmem>>, vector<16xf32>,
    %swap3A_348 = arith.constant 720 : index
    %swap3A_349 = tpu.vector_load %arg23[%swap3A_348] {strides = array<i32>} : memref<2000xf32, #tpu.memory_space<vmem>>, vector<16xf32>,
    %swap3A_350 = vector.shape_cast %swap3A_349 : vector<16xf32> to vector<16xf32>
    %swap3A_351 = vector.shape_cast %broadcast_in_dim3A_6 : vector<16xf32> to vector<16xf32>
    tpu.vector_store %arg23[%swap3A_348], %swap3A_351 {strides = array<i32>} : memref<2000xf32, #tpu.memory_space<vmem>>, vector<16xf32>,
    %swap3A_352 = arith.constant 736 : index
    %swap3A_353 = tpu.vector_load %arg23[%swap3A_352] {strides = array<i32>} : memref<2000xf32, #tpu.memory_space<vmem>>, vector<16xf32>,
    %swap3A_354 = vector.shape_cast %swap3A_353 : vector<16xf32> to vector<16xf32>
    %swap3A_355 = vector.shape_cast %broadcast_in_dim3A_6 : vector<16xf32> to vector<16xf32>
    tpu.vector_store %arg23[%swap3A_352], %swap3A_355 {strides = array<i32>} : memref<2000xf32, #tpu.memory_space<vmem>>, vector<16xf32>,
    %swap3A_356 = arith.constant 752 : index
    %swap3A_357 = tpu.vector_load %arg23[%swap3A_356] {strides = array<i32>} : memref<2000xf32, #tpu.memory_space<vmem>>, vector<16xf32>,
    %swap3A_358 = vector.shape_cast %swap3A_357 : vector<16xf32> to vector<16xf32>
    %swap3A_359 = vector.shape_cast %broadcast_in_dim3A_6 : vector<16xf32> to vector<16xf32>
    tpu.vector_store %arg23[%swap3A_356], %swap3A_359 {strides = array<i32>} : memref<2000xf32, #tpu.memory_space<vmem>>, vector<16xf32>,
    %swap3A_360 = arith.constant 768 : index
    %swap3A_361 = tpu.vector_load %arg23[%swap3A_360] {strides = array<i32>} : memref<2000xf32, #tpu.memory_space<vmem>>, vector<16xf32>,
    %swap3A_362 = vector.shape_cast %swap3A_361 : vector<16xf32> to vector<16xf32>
    %swap3A_363 = vector.shape_cast %broadcast_in_dim3A_6 : vector<16xf32> to vector<16xf32>
    tpu.vector_store %arg23[%swap3A_360], %swap3A_363 {strides = array<i32>} : memref<2000xf32, #tpu.memory_space<vmem>>, vector<16xf32>,
    %swap3A_364 = arith.constant 784 : index
    %swap3A_365 = tpu.vector_load %arg23[%swap3A_364] {strides = array<i32>} : memref<2000xf32, #tpu.memory_space<vmem>>, vector<16xf32>,
    %swap3A_366 = vector.shape_cast %swap3A_365 : vector<16xf32> to vector<16xf32>
    %swap3A_367 = vector.shape_cast %broadcast_in_dim3A_6 : vector<16xf32> to vector<16xf32>
    tpu.vector_store %arg23[%swap3A_364], %swap3A_367 {strides = array<i32>} : memref<2000xf32, #tpu.memory_space<vmem>>, vector<16xf32>,
    %swap3A_368 = arith.constant 800 : index
    %swap3A_369 = tpu.vector_load %arg23[%swap3A_368] {strides = array<i32>} : memref<2000xf32, #tpu.memory_space<vmem>>, vector<16xf32>,
    %swap3A_370 = vector.shape_cast %swap3A_369 : vector<16xf32> to vector<16xf32>
    %swap3A_371 = vector.shape_cast %broadcast_in_dim3A_6 : vector<16xf32> to vector<16xf32>
    tpu.vector_store %arg23[%swap3A_368], %swap3A_371 {strides = array<i32>} : memref<2000xf32, #tpu.memory_space<vmem>>, vector<16xf32>,
    %swap3A_372 = arith.constant 816 : index
    %swap3A_373 = tpu.vector_load %arg23[%swap3A_372] {strides = array<i32>} : memref<2000xf32, #tpu.memory_space<vmem>>, vector<16xf32>,
    %swap3A_374 = vector.shape_cast %swap3A_373 : vector<16xf32> to vector<16xf32>
    %swap3A_375 = vector.shape_cast %broadcast_in_dim3A_6 : vector<16xf32> to vector<16xf32>
    tpu.vector_store %arg23[%swap3A_372], %swap3A_375 {strides = array<i32>} : memref<2000xf32, #tpu.memory_space<vmem>>, vector<16xf32>,
    %swap3A_376 = arith.constant 832 : index
    %swap3A_377 = tpu.vector_load %arg23[%swap3A_376] {strides = array<i32>} : memref<2000xf32, #tpu.memory_space<vmem>>, vector<16xf32>,
    %swap3A_378 = vector.shape_cast %swap3A_377 : vector<16xf32> to vector<16xf32>
    %swap3A_379 = vector.shape_cast %broadcast_in_dim3A_6 : vector<16xf32> to vector<16xf32>
    tpu.vector_store %arg23[%swap3A_376], %swap3A_379 {strides = array<i32>} : memref<2000xf32, #tpu.memory_space<vmem>>, vector<16xf32>,
    %swap3A_380 = arith.constant 848 : index
    %swap3A_381 = tpu.vector_load %arg23[%swap3A_380] {strides = array<i32>} : memref<2000xf32, #tpu.memory_space<vmem>>, vector<16xf32>,
    %swap3A_382 = vector.shape_cast %swap3A_381 : vector<16xf32> to vector<16xf32>
    %swap3A_383 = vector.shape_cast %broadcast_in_dim3A_6 : vector<16xf32> to vector<16xf32>
    tpu.vector_store %arg23[%swap3A_380], %swap3A_383 {strides = array<i32>} : memref<2000xf32, #tpu.memory_space<vmem>>, vector<16xf32>,
    %swap3A_384 = arith.constant 864 : index
    %swap3A_385 = tpu.vector_load %arg23[%swap3A_384] {strides = array<i32>} : memref<2000xf32, #tpu.memory_space<vmem>>, vector<16xf32>,
    %swap3A_386 = vector.shape_cast %swap3A_385 : vector<16xf32> to vector<16xf32>
    %swap3A_387 = vector.shape_cast %broadcast_in_dim3A_6 : vector<16xf32> to vector<16xf32>
    tpu.vector_store %arg23[%swap3A_384], %swap3A_387 {strides = array<i32>} : memref<2000xf32, #tpu.memory_space<vmem>>, vector<16xf32>,
    %swap3A_388 = arith.constant 880 : index
    %swap3A_389 = tpu.vector_load %arg23[%swap3A_388] {strides = array<i32>} : memref<2000xf32, #tpu.memory_space<vmem>>, vector<16xf32>,
    %swap3A_390 = vector.shape_cast %swap3A_389 : vector<16xf32> to vector<16xf32>
    %swap3A_391 = vector.shape_cast %broadcast_in_dim3A_6 : vector<16xf32> to vector<16xf32>
    tpu.vector_store %arg23[%swap3A_388], %swap3A_391 {strides = array<i32>} : memref<2000xf32, #tpu.memory_space<vmem>>, vector<16xf32>,
    %swap3A_392 = arith.constant 896 : index
    %swap3A_393 = tpu.vector_load %arg23[%swap3A_392] {strides = array<i32>} : memref<2000xf32, #tpu.memory_space<vmem>>, vector<16xf32>,
    %swap3A_394 = vector.shape_cast %swap3A_393 : vector<16xf32> to vector<16xf32>
    %swap3A_395 = vector.shape_cast %broadcast_in_dim3A_6 : vector<16xf32> to vector<16xf32>
    tpu.vector_store %arg23[%swap3A_392], %swap3A_395 {strides = array<i32>} : memref<2000xf32, #tpu.memory_space<vmem>>, vector<16xf32>,
    %swap3A_396 = arith.constant 912 : index
    %swap3A_397 = tpu.vector_load %arg23[%swap3A_396] {strides = array<i32>} : memref<2000xf32, #tpu.memory_space<vmem>>, vector<16xf32>,
    %swap3A_398 = vector.shape_cast %swap3A_397 : vector<16xf32> to vector<16xf32>
    %swap3A_399 = vector.shape_cast %broadcast_in_dim3A_6 : vector<16xf32> to vector<16xf32>
    tpu.vector_store %arg23[%swap3A_396], %swap3A_399 {strides = array<i32>} : memref<2000xf32, #tpu.memory_space<vmem>>, vector<16xf32>,
    %swap3A_400 = arith.constant 928 : index
    %swap3A_401 = tpu.vector_load %arg23[%swap3A_400] {strides = array<i32>} : memref<2000xf32, #tpu.memory_space<vmem>>, vector<16xf32>,
    %swap3A_402 = vector.shape_cast %swap3A_401 : vector<16xf32> to vector<16xf32>
    %swap3A_403 = vector.shape_cast %broadcast_in_dim3A_6 : vector<16xf32> to vector<16xf32>
    tpu.vector_store %arg23[%swap3A_400], %swap3A_403 {strides = array<i32>} : memref<2000xf32, #tpu.memory_space<vmem>>, vector<16xf32>,
    %swap3A_404 = arith.constant 944 : index
    %swap3A_405 = tpu.vector_load %arg23[%swap3A_404] {strides = array<i32>} : memref<2000xf32, #tpu.memory_space<vmem>>, vector<16xf32>,
    %swap3A_406 = vector.shape_cast %swap3A_405 : vector<16xf32> to vector<16xf32>
    %swap3A_407 = vector.shape_cast %broadcast_in_dim3A_6 : vector<16xf32> to vector<16xf32>
    tpu.vector_store %arg23[%swap3A_404], %swap3A_407 {strides = array<i32>} : memref<2000xf32, #tpu.memory_space<vmem>>, vector<16xf32>,
    %swap3A_408 = arith.constant 960 : index
    %swap3A_409 = tpu.vector_load %arg23[%swap3A_408] {strides = array<i32>} : memref<2000xf32, #tpu.memory_space<vmem>>, vector<16xf32>,
    %swap3A_410 = vector.shape_cast %swap3A_409 : vector<16xf32> to vector<16xf32>
    %swap3A_411 = vector.shape_cast %broadcast_in_dim3A_6 : vector<16xf32> to vector<16xf32>
    tpu.vector_store %arg23[%swap3A_408], %swap3A_411 {strides = array<i32>} : memref<2000xf32, #tpu.memory_space<vmem>>, vector<16xf32>,
    %swap3A_412 = arith.constant 976 : index
    %swap3A_413 = tpu.vector_load %arg23[%swap3A_412] {strides = array<i32>} : memref<2000xf32, #tpu.memory_space<vmem>>, vector<16xf32>,
    %swap3A_414 = vector.shape_cast %swap3A_413 : vector<16xf32> to vector<16xf32>
    %swap3A_415 = vector.shape_cast %broadcast_in_dim3A_6 : vector<16xf32> to vector<16xf32>
    tpu.vector_store %arg23[%swap3A_412], %swap3A_415 {strides = array<i32>} : memref<2000xf32, #tpu.memory_space<vmem>>, vector<16xf32>,
    %swap3A_416 = arith.constant 992 : index
    %swap3A_417 = tpu.vector_load %arg23[%swap3A_416] {strides = array<i32>} : memref<2000xf32, #tpu.memory_space<vmem>>, vector<16xf32>,
    %swap3A_418 = vector.shape_cast %swap3A_417 : vector<16xf32> to vector<16xf32>
    %swap3A_419 = vector.shape_cast %broadcast_in_dim3A_6 : vector<16xf32> to vector<16xf32>
    tpu.vector_store %arg23[%swap3A_416], %swap3A_419 {strides = array<i32>} : memref<2000xf32, #tpu.memory_space<vmem>>, vector<16xf32>,
    %swap3A_420 = arith.constant 1008 : index
    %swap3A_421 = tpu.vector_load %arg23[%swap3A_420] {strides = array<i32>} : memref<2000xf32, #tpu.memory_space<vmem>>, vector<16xf32>,
    %swap3A_422 = vector.shape_cast %swap3A_421 : vector<16xf32> to vector<16xf32>
    %swap3A_423 = vector.shape_cast %broadcast_in_dim3A_6 : vector<16xf32> to vector<16xf32>
    tpu.vector_store %arg23[%swap3A_420], %swap3A_423 {strides = array<i32>} : memref<2000xf32, #tpu.memory_space<vmem>>, vector<16xf32>,
    %swap3A_424 = arith.constant 1024 : index
    %swap3A_425 = tpu.vector_load %arg23[%swap3A_424] {strides = array<i32>} : memref<2000xf32, #tpu.memory_space<vmem>>, vector<16xf32>,
    %swap3A_426 = vector.shape_cast %swap3A_425 : vector<16xf32> to vector<16xf32>
    %swap3A_427 = vector.shape_cast %broadcast_in_dim3A_6 : vector<16xf32> to vector<16xf32>
    tpu.vector_store %arg23[%swap3A_424], %swap3A_427 {strides = array<i32>} : memref<2000xf32, #tpu.memory_space<vmem>>, vector<16xf32>,
    %swap3A_428 = arith.constant 1040 : index
    %swap3A_429 = tpu.vector_load %arg23[%swap3A_428] {strides = array<i32>} : memref<2000xf32, #tpu.memory_space<vmem>>, vector<16xf32>,
    %swap3A_430 = vector.shape_cast %swap3A_429 : vector<16xf32> to vector<16xf32>
    %swap3A_431 = vector.shape_cast %broadcast_in_dim3A_6 : vector<16xf32> to vector<16xf32>
    tpu.vector_store %arg23[%swap3A_428], %swap3A_431 {strides = array<i32>} : memref<2000xf32, #tpu.memory_space<vmem>>, vector<16xf32>,
    %swap3A_432 = arith.constant 1056 : index
    %swap3A_433 = tpu.vector_load %arg23[%swap3A_432] {strides = array<i32>} : memref<2000xf32, #tpu.memory_space<vmem>>, vector<16xf32>,
    %swap3A_434 = vector.shape_cast %swap3A_433 : vector<16xf32> to vector<16xf32>
    %swap3A_435 = vector.shape_cast %broadcast_in_dim3A_6 : vector<16xf32> to vector<16xf32>
    tpu.vector_store %arg23[%swap3A_432], %swap3A_435 {strides = array<i32>} : memref<2000xf32, #tpu.memory_space<vmem>>, vector<16xf32>,
    %swap3A_436 = arith.constant 1072 : index
    %swap3A_437 = tpu.vector_load %arg23[%swap3A_436] {strides = array<i32>} : memref<2000xf32, #tpu.memory_space<vmem>>, vector<16xf32>,
    %swap3A_438 = vector.shape_cast %swap3A_437 : vector<16xf32> to vector<16xf32>
    %swap3A_439 = vector.shape_cast %broadcast_in_dim3A_6 : vector<16xf32> to vector<16xf32>
    tpu.vector_store %arg23[%swap3A_436], %swap3A_439 {strides = array<i32>} : memref<2000xf32, #tpu.memory_space<vmem>>, vector<16xf32>,
    %swap3A_440 = arith.constant 1088 : index
    %swap3A_441 = tpu.vector_load %arg23[%swap3A_440] {strides = array<i32>} : memref<2000xf32, #tpu.memory_space<vmem>>, vector<16xf32>,
    %swap3A_442 = vector.shape_cast %swap3A_441 : vector<16xf32> to vector<16xf32>
    %swap3A_443 = vector.shape_cast %broadcast_in_dim3A_6 : vector<16xf32> to vector<16xf32>
    tpu.vector_store %arg23[%swap3A_440], %swap3A_443 {strides = array<i32>} : memref<2000xf32, #tpu.memory_space<vmem>>, vector<16xf32>,
    %swap3A_444 = arith.constant 1104 : index
    %swap3A_445 = tpu.vector_load %arg23[%swap3A_444] {strides = array<i32>} : memref<2000xf32, #tpu.memory_space<vmem>>, vector<16xf32>,
    %swap3A_446 = vector.shape_cast %swap3A_445 : vector<16xf32> to vector<16xf32>
    %swap3A_447 = vector.shape_cast %broadcast_in_dim3A_6 : vector<16xf32> to vector<16xf32>
    tpu.vector_store %arg23[%swap3A_444], %swap3A_447 {strides = array<i32>} : memref<2000xf32, #tpu.memory_space<vmem>>, vector<16xf32>,
    %swap3A_448 = arith.constant 1120 : index
    %swap3A_449 = tpu.vector_load %arg23[%swap3A_448] {strides = array<i32>} : memref<2000xf32, #tpu.memory_space<vmem>>, vector<16xf32>,
    %swap3A_450 = vector.shape_cast %swap3A_449 : vector<16xf32> to vector<16xf32>
    %swap3A_451 = vector.shape_cast %broadcast_in_dim3A_6 : vector<16xf32> to vector<16xf32>
    tpu.vector_store %arg23[%swap3A_448], %swap3A_451 {strides = array<i32>} : memref<2000xf32, #tpu.memory_space<vmem>>, vector<16xf32>,
    %swap3A_452 = arith.constant 1136 : index
    %swap3A_453 = tpu.vector_load %arg23[%swap3A_452] {strides = array<i32>} : memref<2000xf32, #tpu.memory_space<vmem>>, vector<16xf32>,
    %swap3A_454 = vector.shape_cast %swap3A_453 : vector<16xf32> to vector<16xf32>
    %swap3A_455 = vector.shape_cast %broadcast_in_dim3A_6 : vector<16xf32> to vector<16xf32>
    tpu.vector_store %arg23[%swap3A_452], %swap3A_455 {strides = array<i32>} : memref<2000xf32, #tpu.memory_space<vmem>>, vector<16xf32>,
    %swap3A_456 = arith.constant 1152 : index
    %swap3A_457 = tpu.vector_load %arg23[%swap3A_456] {strides = array<i32>} : memref<2000xf32, #tpu.memory_space<vmem>>, vector<16xf32>,
    %swap3A_458 = vector.shape_cast %swap3A_457 : vector<16xf32> to vector<16xf32>
    %swap3A_459 = vector.shape_cast %broadcast_in_dim3A_6 : vector<16xf32> to vector<16xf32>
    tpu.vector_store %arg23[%swap3A_456], %swap3A_459 {strides = array<i32>} : memref<2000xf32, #tpu.memory_space<vmem>>, vector<16xf32>,
    %swap3A_460 = arith.constant 1168 : index
    %swap3A_461 = tpu.vector_load %arg23[%swap3A_460] {strides = array<i32>} : memref<2000xf32, #tpu.memory_space<vmem>>, vector<16xf32>,
    %swap3A_462 = vector.shape_cast %swap3A_461 : vector<16xf32> to vector<16xf32>
    %swap3A_463 = vector.shape_cast %broadcast_in_dim3A_6 : vector<16xf32> to vector<16xf32>
    tpu.vector_store %arg23[%swap3A_460], %swap3A_463 {strides = array<i32>} : memref<2000xf32, #tpu.memory_space<vmem>>, vector<16xf32>,
    %swap3A_464 = arith.constant 1184 : index
    %swap3A_465 = tpu.vector_load %arg23[%swap3A_464] {strides = array<i32>} : memref<2000xf32, #tpu.memory_space<vmem>>, vector<16xf32>,
    %swap3A_466 = vector.shape_cast %swap3A_465 : vector<16xf32> to vector<16xf32>
    %swap3A_467 = vector.shape_cast %broadcast_in_dim3A_6 : vector<16xf32> to vector<16xf32>
    tpu.vector_store %arg23[%swap3A_464], %swap3A_467 {strides = array<i32>} : memref<2000xf32, #tpu.memory_space<vmem>>, vector<16xf32>,
    %swap3A_468 = arith.constant 1200 : index
    %swap3A_469 = tpu.vector_load %arg23[%swap3A_468] {strides = array<i32>} : memref<2000xf32, #tpu.memory_space<vmem>>, vector<16xf32>,
    %swap3A_470 = vector.shape_cast %swap3A_469 : vector<16xf32> to vector<16xf32>
    %swap3A_471 = vector.shape_cast %broadcast_in_dim3A_6 : vector<16xf32> to vector<16xf32>
    tpu.vector_store %arg23[%swap3A_468], %swap3A_471 {strides = array<i32>} : memref<2000xf32, #tpu.memory_space<vmem>>, vector<16xf32>,
    %swap3A_472 = arith.constant 1216 : index
    %swap3A_473 = tpu.vector_load %arg23[%swap3A_472] {strides = array<i32>} : memref<2000xf32, #tpu.memory_space<vmem>>, vector<16xf32>,
    %swap3A_474 = vector.shape_cast %swap3A_473 : vector<16xf32> to vector<16xf32>
    %swap3A_475 = vector.shape_cast %broadcast_in_dim3A_6 : vector<16xf32> to vector<16xf32>
    tpu.vector_store %arg23[%swap3A_472], %swap3A_475 {strides = array<i32>} : memref<2000xf32, #tpu.memory_space<vmem>>, vector<16xf32>,
    %swap3A_476 = arith.constant 1232 : index
    %swap3A_477 = tpu.vector_load %arg23[%swap3A_476] {strides = array<i32>} : memref<2000xf32, #tpu.memory_space<vmem>>, vector<16xf32>,
    %swap3A_478 = vector.shape_cast %swap3A_477 : vector<16xf32> to vector<16xf32>
    %swap3A_479 = vector.shape_cast %broadcast_in_dim3A_6 : vector<16xf32> to vector<16xf32>
    tpu.vector_store %arg23[%swap3A_476], %swap3A_479 {strides = array<i32>} : memref<2000xf32, #tpu.memory_space<vmem>>, vector<16xf32>,
    %swap3A_480 = arith.constant 1248 : index
    %swap3A_481 = tpu.vector_load %arg23[%swap3A_480] {strides = array<i32>} : memref<2000xf32, #tpu.memory_space<vmem>>, vector<16xf32>,
    %swap3A_482 = vector.shape_cast %swap3A_481 : vector<16xf32> to vector<16xf32>
    %swap3A_483 = vector.shape_cast %broadcast_in_dim3A_6 : vector<16xf32> to vector<16xf32>
    tpu.vector_store %arg23[%swap3A_480], %swap3A_483 {strides = array<i32>} : memref<2000xf32, #tpu.memory_space<vmem>>, vector<16xf32>,
    %swap3A_484 = arith.constant 1264 : index
    %swap3A_485 = tpu.vector_load %arg23[%swap3A_484] {strides = array<i32>} : memref<2000xf32, #tpu.memory_space<vmem>>, vector<16xf32>,
    %swap3A_486 = vector.shape_cast %swap3A_485 : vector<16xf32> to vector<16xf32>
    %swap3A_487 = vector.shape_cast %broadcast_in_dim3A_6 : vector<16xf32> to vector<16xf32>
    tpu.vector_store %arg23[%swap3A_484], %swap3A_487 {strides = array<i32>} : memref<2000xf32, #tpu.memory_space<vmem>>, vector<16xf32>,
    %swap3A_488 = arith.constant 1280 : index
    %swap3A_489 = tpu.vector_load %arg23[%swap3A_488] {strides = array<i32>} : memref<2000xf32, #tpu.memory_space<vmem>>, vector<16xf32>,
    %swap3A_490 = vector.shape_cast %swap3A_489 : vector<16xf32> to vector<16xf32>
    %swap3A_491 = vector.shape_cast %broadcast_in_dim3A_6 : vector<16xf32> to vector<16xf32>
    tpu.vector_store %arg23[%swap3A_488], %swap3A_491 {strides = array<i32>} : memref<2000xf32, #tpu.memory_space<vmem>>, vector<16xf32>,
    %swap3A_492 = arith.constant 1296 : index
    %swap3A_493 = tpu.vector_load %arg23[%swap3A_492] {strides = array<i32>} : memref<2000xf32, #tpu.memory_space<vmem>>, vector<16xf32>,
    %swap3A_494 = vector.shape_cast %swap3A_493 : vector<16xf32> to vector<16xf32>
    %swap3A_495 = vector.shape_cast %broadcast_in_dim3A_6 : vector<16xf32> to vector<16xf32>
    tpu.vector_store %arg23[%swap3A_492], %swap3A_495 {strides = array<i32>} : memref<2000xf32, #tpu.memory_space<vmem>>, vector<16xf32>,
    %swap3A_496 = arith.constant 1312 : index
    %swap3A_497 = tpu.vector_load %arg23[%swap3A_496] {strides = array<i32>} : memref<2000xf32, #tpu.memory_space<vmem>>, vector<16xf32>,
    %swap3A_498 = vector.shape_cast %swap3A_497 : vector<16xf32> to vector<16xf32>
    %swap3A_499 = vector.shape_cast %broadcast_in_dim3A_6 : vector<16xf32> to vector<16xf32>
    tpu.vector_store %arg23[%swap3A_496], %swap3A_499 {strides = array<i32>} : memref<2000xf32, #tpu.memory_space<vmem>>, vector<16xf32>,
    %swap3A_500 = arith.constant 1328 : index
    %swap3A_501 = tpu.vector_load %arg23[%swap3A_500] {strides = array<i32>} : memref<2000xf32, #tpu.memory_space<vmem>>, vector<16xf32>,
    %swap3A_502 = vector.shape_cast %swap3A_501 : vector<16xf32> to vector<16xf32>
    %swap3A_503 = vector.shape_cast %broadcast_in_dim3A_6 : vector<16xf32> to vector<16xf32>
    tpu.vector_store %arg23[%swap3A_500], %swap3A_503 {strides = array<i32>} : memref<2000xf32, #tpu.memory_space<vmem>>, vector<16xf32>,
    %swap3A_504 = arith.constant 1344 : index
    %swap3A_505 = tpu.vector_load %arg23[%swap3A_504] {strides = array<i32>} : memref<2000xf32, #tpu.memory_space<vmem>>, vector<16xf32>,
    %swap3A_506 = vector.shape_cast %swap3A_505 : vector<16xf32> to vector<16xf32>
    %swap3A_507 = vector.shape_cast %broadcast_in_dim3A_6 : vector<16xf32> to vector<16xf32>
    tpu.vector_store %arg23[%swap3A_504], %swap3A_507 {strides = array<i32>} : memref<2000xf32, #tpu.memory_space<vmem>>, vector<16xf32>,
    %swap3A_508 = arith.constant 1360 : index
    %swap3A_509 = tpu.vector_load %arg23[%swap3A_508] {strides = array<i32>} : memref<2000xf32, #tpu.memory_space<vmem>>, vector<16xf32>,
    %swap3A_510 = vector.shape_cast %swap3A_509 : vector<16xf32> to vector<16xf32>
    %swap3A_511 = vector.shape_cast %broadcast_in_dim3A_6 : vector<16xf32> to vector<16xf32>
    tpu.vector_store %arg23[%swap3A_508], %swap3A_511 {strides = array<i32>} : memref<2000xf32, #tpu.memory_space<vmem>>, vector<16xf32>,
    %swap3A_512 = arith.constant 1376 : index
    %swap3A_513 = tpu.vector_load %arg23[%swap3A_512] {strides = array<i32>} : memref<2000xf32, #tpu.memory_space<vmem>>, vector<16xf32>,
    %swap3A_514 = vector.shape_cast %swap3A_513 : vector<16xf32> to vector<16xf32>
    %swap3A_515 = vector.shape_cast %broadcast_in_dim3A_6 : vector<16xf32> to vector<16xf32>
    tpu.vector_store %arg23[%swap3A_512], %swap3A_515 {strides = array<i32>} : memref<2000xf32, #tpu.memory_space<vmem>>, vector<16xf32>,
    %swap3A_516 = arith.constant 1392 : index
    %swap3A_517 = tpu.vector_load %arg23[%swap3A_516] {strides = array<i32>} : memref<2000xf32, #tpu.memory_space<vmem>>, vector<16xf32>,
    %swap3A_518 = vector.shape_cast %swap3A_517 : vector<16xf32> to vector<16xf32>
    %swap3A_519 = vector.shape_cast %broadcast_in_dim3A_6 : vector<16xf32> to vector<16xf32>
    tpu.vector_store %arg23[%swap3A_516], %swap3A_519 {strides = array<i32>} : memref<2000xf32, #tpu.memory_space<vmem>>, vector<16xf32>,
    %swap3A_520 = arith.constant 1408 : index
    %swap3A_521 = tpu.vector_load %arg23[%swap3A_520] {strides = array<i32>} : memref<2000xf32, #tpu.memory_space<vmem>>, vector<16xf32>,
    %swap3A_522 = vector.shape_cast %swap3A_521 : vector<16xf32> to vector<16xf32>
    %swap3A_523 = vector.shape_cast %broadcast_in_dim3A_6 : vector<16xf32> to vector<16xf32>
    tpu.vector_store %arg23[%swap3A_520], %swap3A_523 {strides = array<i32>} : memref<2000xf32, #tpu.memory_space<vmem>>, vector<16xf32>,
    %swap3A_524 = arith.constant 1424 : index
    %swap3A_525 = tpu.vector_load %arg23[%swap3A_524] {strides = array<i32>} : memref<2000xf32, #tpu.memory_space<vmem>>, vector<16xf32>,
    %swap3A_526 = vector.shape_cast %swap3A_525 : vector<16xf32> to vector<16xf32>
    %swap3A_527 = vector.shape_cast %broadcast_in_dim3A_6 : vector<16xf32> to vector<16xf32>
    tpu.vector_store %arg23[%swap3A_524], %swap3A_527 {strides = array<i32>} : memref<2000xf32, #tpu.memory_space<vmem>>, vector<16xf32>,
    %swap3A_528 = arith.constant 1440 : index
    %swap3A_529 = tpu.vector_load %arg23[%swap3A_528] {strides = array<i32>} : memref<2000xf32, #tpu.memory_space<vmem>>, vector<16xf32>,
    %swap3A_530 = vector.shape_cast %swap3A_529 : vector<16xf32> to vector<16xf32>
    %swap3A_531 = vector.shape_cast %broadcast_in_dim3A_6 : vector<16xf32> to vector<16xf32>
    tpu.vector_store %arg23[%swap3A_528], %swap3A_531 {strides = array<i32>} : memref<2000xf32, #tpu.memory_space<vmem>>, vector<16xf32>,
    %swap3A_532 = arith.constant 1456 : index
    %swap3A_533 = tpu.vector_load %arg23[%swap3A_532] {strides = array<i32>} : memref<2000xf32, #tpu.memory_space<vmem>>, vector<16xf32>,
    %swap3A_534 = vector.shape_cast %swap3A_533 : vector<16xf32> to vector<16xf32>
    %swap3A_535 = vector.shape_cast %broadcast_in_dim3A_6 : vector<16xf32> to vector<16xf32>
    tpu.vector_store %arg23[%swap3A_532], %swap3A_535 {strides = array<i32>} : memref<2000xf32, #tpu.memory_space<vmem>>, vector<16xf32>,
    %swap3A_536 = arith.constant 1472 : index
    %swap3A_537 = tpu.vector_load %arg23[%swap3A_536] {strides = array<i32>} : memref<2000xf32, #tpu.memory_space<vmem>>, vector<16xf32>,
    %swap3A_538 = vector.shape_cast %swap3A_537 : vector<16xf32> to vector<16xf32>
    %swap3A_539 = vector.shape_cast %broadcast_in_dim3A_6 : vector<16xf32> to vector<16xf32>
    tpu.vector_store %arg23[%swap3A_536], %swap3A_539 {strides = array<i32>} : memref<2000xf32, #tpu.memory_space<vmem>>, vector<16xf32>,
    %swap3A_540 = arith.constant 1488 : index
    %swap3A_541 = tpu.vector_load %arg23[%swap3A_540] {strides = array<i32>} : memref<2000xf32, #tpu.memory_space<vmem>>, vector<16xf32>,
    %swap3A_542 = vector.shape_cast %swap3A_541 : vector<16xf32> to vector<16xf32>
    %swap3A_543 = vector.shape_cast %broadcast_in_dim3A_6 : vector<16xf32> to vector<16xf32>
    tpu.vector_store %arg23[%swap3A_540], %swap3A_543 {strides = array<i32>} : memref<2000xf32, #tpu.memory_space<vmem>>, vector<16xf32>,
    %swap3A_544 = arith.constant 1504 : index
    %swap3A_545 = tpu.vector_load %arg23[%swap3A_544] {strides = array<i32>} : memref<2000xf32, #tpu.memory_space<vmem>>, vector<16xf32>,
    %swap3A_546 = vector.shape_cast %swap3A_545 : vector<16xf32> to vector<16xf32>
    %swap3A_547 = vector.shape_cast %broadcast_in_dim3A_6 : vector<16xf32> to vector<16xf32>
    tpu.vector_store %arg23[%swap3A_544], %swap3A_547 {strides = array<i32>} : memref<2000xf32, #tpu.memory_space<vmem>>, vector<16xf32>,
    %swap3A_548 = arith.constant 1520 : index
    %swap3A_549 = tpu.vector_load %arg23[%swap3A_548] {strides = array<i32>} : memref<2000xf32, #tpu.memory_space<vmem>>, vector<16xf32>,
    %swap3A_550 = vector.shape_cast %swap3A_549 : vector<16xf32> to vector<16xf32>
    %swap3A_551 = vector.shape_cast %broadcast_in_dim3A_6 : vector<16xf32> to vector<16xf32>
    tpu.vector_store %arg23[%swap3A_548], %swap3A_551 {strides = array<i32>} : memref<2000xf32, #tpu.memory_space<vmem>>, vector<16xf32>,
    %swap3A_552 = arith.constant 1536 : index
    %swap3A_553 = tpu.vector_load %arg23[%swap3A_552] {strides = array<i32>} : memref<2000xf32, #tpu.memory_space<vmem>>, vector<16xf32>,
    %swap3A_554 = vector.shape_cast %swap3A_553 : vector<16xf32> to vector<16xf32>
    %swap3A_555 = vector.shape_cast %broadcast_in_dim3A_6 : vector<16xf32> to vector<16xf32>
    tpu.vector_store %arg23[%swap3A_552], %swap3A_555 {strides = array<i32>} : memref<2000xf32, #tpu.memory_space<vmem>>, vector<16xf32>,
    %swap3A_556 = arith.constant 1552 : index
    %swap3A_557 = tpu.vector_load %arg23[%swap3A_556] {strides = array<i32>} : memref<2000xf32, #tpu.memory_space<vmem>>, vector<16xf32>,
    %swap3A_558 = vector.shape_cast %swap3A_557 : vector<16xf32> to vector<16xf32>
    %swap3A_559 = vector.shape_cast %broadcast_in_dim3A_6 : vector<16xf32> to vector<16xf32>
    tpu.vector_store %arg23[%swap3A_556], %swap3A_559 {strides = array<i32>} : memref<2000xf32, #tpu.memory_space<vmem>>, vector<16xf32>,
    %swap3A_560 = arith.constant 1568 : index
    %swap3A_561 = tpu.vector_load %arg23[%swap3A_560] {strides = array<i32>} : memref<2000xf32, #tpu.memory_space<vmem>>, vector<16xf32>,
    %swap3A_562 = vector.shape_cast %swap3A_561 : vector<16xf32> to vector<16xf32>
    %swap3A_563 = vector.shape_cast %broadcast_in_dim3A_6 : vector<16xf32> to vector<16xf32>
    tpu.vector_store %arg23[%swap3A_560], %swap3A_563 {strides = array<i32>} : memref<2000xf32, #tpu.memory_space<vmem>>, vector<16xf32>,
    %swap3A_564 = arith.constant 1584 : index
    %swap3A_565 = tpu.vector_load %arg23[%swap3A_564] {strides = array<i32>} : memref<2000xf32, #tpu.memory_space<vmem>>, vector<16xf32>,
    %swap3A_566 = vector.shape_cast %swap3A_565 : vector<16xf32> to vector<16xf32>
    %swap3A_567 = vector.shape_cast %broadcast_in_dim3A_6 : vector<16xf32> to vector<16xf32>
    tpu.vector_store %arg23[%swap3A_564], %swap3A_567 {strides = array<i32>} : memref<2000xf32, #tpu.memory_space<vmem>>, vector<16xf32>,
    %swap3A_568 = arith.constant 1600 : index
    %swap3A_569 = tpu.vector_load %arg23[%swap3A_568] {strides = array<i32>} : memref<2000xf32, #tpu.memory_space<vmem>>, vector<16xf32>,
    %swap3A_570 = vector.shape_cast %swap3A_569 : vector<16xf32> to vector<16xf32>
    %swap3A_571 = vector.shape_cast %broadcast_in_dim3A_6 : vector<16xf32> to vector<16xf32>
    tpu.vector_store %arg23[%swap3A_568], %swap3A_571 {strides = array<i32>} : memref<2000xf32, #tpu.memory_space<vmem>>, vector<16xf32>,
    %swap3A_572 = arith.constant 1616 : index
    %swap3A_573 = tpu.vector_load %arg23[%swap3A_572] {strides = array<i32>} : memref<2000xf32, #tpu.memory_space<vmem>>, vector<16xf32>,
    %swap3A_574 = vector.shape_cast %swap3A_573 : vector<16xf32> to vector<16xf32>
    %swap3A_575 = vector.shape_cast %broadcast_in_dim3A_6 : vector<16xf32> to vector<16xf32>
    tpu.vector_store %arg23[%swap3A_572], %swap3A_575 {strides = array<i32>} : memref<2000xf32, #tpu.memory_space<vmem>>, vector<16xf32>,
    %swap3A_576 = arith.constant 1632 : index
    %swap3A_577 = tpu.vector_load %arg23[%swap3A_576] {strides = array<i32>} : memref<2000xf32, #tpu.memory_space<vmem>>, vector<16xf32>,
    %swap3A_578 = vector.shape_cast %swap3A_577 : vector<16xf32> to vector<16xf32>
    %swap3A_579 = vector.shape_cast %broadcast_in_dim3A_6 : vector<16xf32> to vector<16xf32>
    tpu.vector_store %arg23[%swap3A_576], %swap3A_579 {strides = array<i32>} : memref<2000xf32, #tpu.memory_space<vmem>>, vector<16xf32>,
    %swap3A_580 = arith.constant 1648 : index
    %swap3A_581 = tpu.vector_load %arg23[%swap3A_580] {strides = array<i32>} : memref<2000xf32, #tpu.memory_space<vmem>>, vector<16xf32>,
    %swap3A_582 = vector.shape_cast %swap3A_581 : vector<16xf32> to vector<16xf32>
    %swap3A_583 = vector.shape_cast %broadcast_in_dim3A_6 : vector<16xf32> to vector<16xf32>
    tpu.vector_store %arg23[%swap3A_580], %swap3A_583 {strides = array<i32>} : memref<2000xf32, #tpu.memory_space<vmem>>, vector<16xf32>,
    %swap3A_584 = arith.constant 1664 : index
    %swap3A_585 = tpu.vector_load %arg23[%swap3A_584] {strides = array<i32>} : memref<2000xf32, #tpu.memory_space<vmem>>, vector<16xf32>,
    %swap3A_586 = vector.shape_cast %swap3A_585 : vector<16xf32> to vector<16xf32>
    %swap3A_587 = vector.shape_cast %broadcast_in_dim3A_6 : vector<16xf32> to vector<16xf32>
    tpu.vector_store %arg23[%swap3A_584], %swap3A_587 {strides = array<i32>} : memref<2000xf32, #tpu.memory_space<vmem>>, vector<16xf32>,
    %swap3A_588 = arith.constant 1680 : index
    %swap3A_589 = tpu.vector_load %arg23[%swap3A_588] {strides = array<i32>} : memref<2000xf32, #tpu.memory_space<vmem>>, vector<16xf32>,
    %swap3A_590 = vector.shape_cast %swap3A_589 : vector<16xf32> to vector<16xf32>
    %swap3A_591 = vector.shape_cast %broadcast_in_dim3A_6 : vector<16xf32> to vector<16xf32>
    tpu.vector_store %arg23[%swap3A_588], %swap3A_591 {strides = array<i32>} : memref<2000xf32, #tpu.memory_space<vmem>>, vector<16xf32>,
    %swap3A_592 = arith.constant 1696 : index
    %swap3A_593 = tpu.vector_load %arg23[%swap3A_592] {strides = array<i32>} : memref<2000xf32, #tpu.memory_space<vmem>>, vector<16xf32>,
    %swap3A_594 = vector.shape_cast %swap3A_593 : vector<16xf32> to vector<16xf32>
    %swap3A_595 = vector.shape_cast %broadcast_in_dim3A_6 : vector<16xf32> to vector<16xf32>
    tpu.vector_store %arg23[%swap3A_592], %swap3A_595 {strides = array<i32>} : memref<2000xf32, #tpu.memory_space<vmem>>, vector<16xf32>,
    %swap3A_596 = arith.constant 1712 : index
    %swap3A_597 = tpu.vector_load %arg23[%swap3A_596] {strides = array<i32>} : memref<2000xf32, #tpu.memory_space<vmem>>, vector<16xf32>,
    %swap3A_598 = vector.shape_cast %swap3A_597 : vector<16xf32> to vector<16xf32>
    %swap3A_599 = vector.shape_cast %broadcast_in_dim3A_6 : vector<16xf32> to vector<16xf32>
    tpu.vector_store %arg23[%swap3A_596], %swap3A_599 {strides = array<i32>} : memref<2000xf32, #tpu.memory_space<vmem>>, vector<16xf32>,
    %swap3A_600 = arith.constant 1728 : index
    %swap3A_601 = tpu.vector_load %arg23[%swap3A_600] {strides = array<i32>} : memref<2000xf32, #tpu.memory_space<vmem>>, vector<16xf32>,
    %swap3A_602 = vector.shape_cast %swap3A_601 : vector<16xf32> to vector<16xf32>
    %swap3A_603 = vector.shape_cast %broadcast_in_dim3A_6 : vector<16xf32> to vector<16xf32>
    tpu.vector_store %arg23[%swap3A_600], %swap3A_603 {strides = array<i32>} : memref<2000xf32, #tpu.memory_space<vmem>>, vector<16xf32>,
    %swap3A_604 = arith.constant 1744 : index
    %swap3A_605 = tpu.vector_load %arg23[%swap3A_604] {strides = array<i32>} : memref<2000xf32, #tpu.memory_space<vmem>>, vector<16xf32>,
    %swap3A_606 = vector.shape_cast %swap3A_605 : vector<16xf32> to vector<16xf32>
    %swap3A_607 = vector.shape_cast %broadcast_in_dim3A_6 : vector<16xf32> to vector<16xf32>
    tpu.vector_store %arg23[%swap3A_604], %swap3A_607 {strides = array<i32>} : memref<2000xf32, #tpu.memory_space<vmem>>, vector<16xf32>,
    %swap3A_608 = arith.constant 1760 : index
    %swap3A_609 = tpu.vector_load %arg23[%swap3A_608] {strides = array<i32>} : memref<2000xf32, #tpu.memory_space<vmem>>, vector<16xf32>,
    %swap3A_610 = vector.shape_cast %swap3A_609 : vector<16xf32> to vector<16xf32>
    %swap3A_611 = vector.shape_cast %broadcast_in_dim3A_6 : vector<16xf32> to vector<16xf32>
    tpu.vector_store %arg23[%swap3A_608], %swap3A_611 {strides = array<i32>} : memref<2000xf32, #tpu.memory_space<vmem>>, vector<16xf32>,
    %swap3A_612 = arith.constant 1776 : index
    %swap3A_613 = tpu.vector_load %arg23[%swap3A_612] {strides = array<i32>} : memref<2000xf32, #tpu.memory_space<vmem>>, vector<16xf32>,
    %swap3A_614 = vector.shape_cast %swap3A_613 : vector<16xf32> to vector<16xf32>
    %swap3A_615 = vector.shape_cast %broadcast_in_dim3A_6 : vector<16xf32> to vector<16xf32>
    tpu.vector_store %arg23[%swap3A_612], %swap3A_615 {strides = array<i32>} : memref<2000xf32, #tpu.memory_space<vmem>>, vector<16xf32>,
    %swap3A_616 = arith.constant 1792 : index
    %swap3A_617 = tpu.vector_load %arg23[%swap3A_616] {strides = array<i32>} : memref<2000xf32, #tpu.memory_space<vmem>>, vector<16xf32>,
    %swap3A_618 = vector.shape_cast %swap3A_617 : vector<16xf32> to vector<16xf32>
    %swap3A_619 = vector.shape_cast %broadcast_in_dim3A_6 : vector<16xf32> to vector<16xf32>
    tpu.vector_store %arg23[%swap3A_616], %swap3A_619 {strides = array<i32>} : memref<2000xf32, #tpu.memory_space<vmem>>, vector<16xf32>,
    %swap3A_620 = arith.constant 1808 : index
    %swap3A_621 = tpu.vector_load %arg23[%swap3A_620] {strides = array<i32>} : memref<2000xf32, #tpu.memory_space<vmem>>, vector<16xf32>,
    %swap3A_622 = vector.shape_cast %swap3A_621 : vector<16xf32> to vector<16xf32>
    %swap3A_623 = vector.shape_cast %broadcast_in_dim3A_6 : vector<16xf32> to vector<16xf32>
    tpu.vector_store %arg23[%swap3A_620], %swap3A_623 {strides = array<i32>} : memref<2000xf32, #tpu.memory_space<vmem>>, vector<16xf32>,
    %swap3A_624 = arith.constant 1824 : index
    %swap3A_625 = tpu.vector_load %arg23[%swap3A_624] {strides = array<i32>} : memref<2000xf32, #tpu.memory_space<vmem>>, vector<16xf32>,
    %swap3A_626 = vector.shape_cast %swap3A_625 : vector<16xf32> to vector<16xf32>
    %swap3A_627 = vector.shape_cast %broadcast_in_dim3A_6 : vector<16xf32> to vector<16xf32>
    tpu.vector_store %arg23[%swap3A_624], %swap3A_627 {strides = array<i32>} : memref<2000xf32, #tpu.memory_space<vmem>>, vector<16xf32>,
    %swap3A_628 = arith.constant 1840 : index
    %swap3A_629 = tpu.vector_load %arg23[%swap3A_628] {strides = array<i32>} : memref<2000xf32, #tpu.memory_space<vmem>>, vector<16xf32>,
    %swap3A_630 = vector.shape_cast %swap3A_629 : vector<16xf32> to vector<16xf32>
    %swap3A_631 = vector.shape_cast %broadcast_in_dim3A_6 : vector<16xf32> to vector<16xf32>
    tpu.vector_store %arg23[%swap3A_628], %swap3A_631 {strides = array<i32>} : memref<2000xf32, #tpu.memory_space<vmem>>, vector<16xf32>,
    %swap3A_632 = arith.constant 1856 : index
    %swap3A_633 = tpu.vector_load %arg23[%swap3A_632] {strides = array<i32>} : memref<2000xf32, #tpu.memory_space<vmem>>, vector<16xf32>,
    %swap3A_634 = vector.shape_cast %swap3A_633 : vector<16xf32> to vector<16xf32>
    %swap3A_635 = vector.shape_cast %broadcast_in_dim3A_6 : vector<16xf32> to vector<16xf32>
    tpu.vector_store %arg23[%swap3A_632], %swap3A_635 {strides = array<i32>} : memref<2000xf32, #tpu.memory_space<vmem>>, vector<16xf32>,
    %swap3A_636 = arith.constant 1872 : index
    %swap3A_637 = tpu.vector_load %arg23[%swap3A_636] {strides = array<i32>} : memref<2000xf32, #tpu.memory_space<vmem>>, vector<16xf32>,
    %swap3A_638 = vector.shape_cast %swap3A_637 : vector<16xf32> to vector<16xf32>
    %swap3A_639 = vector.shape_cast %broadcast_in_dim3A_6 : vector<16xf32> to vector<16xf32>
    tpu.vector_store %arg23[%swap3A_636], %swap3A_639 {strides = array<i32>} : memref<2000xf32, #tpu.memory_space<vmem>>, vector<16xf32>,
    %swap3A_640 = arith.constant 1888 : index
    %swap3A_641 = tpu.vector_load %arg23[%swap3A_640] {strides = array<i32>} : memref<2000xf32, #tpu.memory_space<vmem>>, vector<16xf32>,
    %swap3A_642 = vector.shape_cast %swap3A_641 : vector<16xf32> to vector<16xf32>
    %swap3A_643 = vector.shape_cast %broadcast_in_dim3A_6 : vector<16xf32> to vector<16xf32>
    tpu.vector_store %arg23[%swap3A_640], %swap3A_643 {strides = array<i32>} : memref<2000xf32, #tpu.memory_space<vmem>>, vector<16xf32>,
    %swap3A_644 = arith.constant 1904 : index
    %swap3A_645 = tpu.vector_load %arg23[%swap3A_644] {strides = array<i32>} : memref<2000xf32, #tpu.memory_space<vmem>>, vector<16xf32>,
    %swap3A_646 = vector.shape_cast %swap3A_645 : vector<16xf32> to vector<16xf32>
    %swap3A_647 = vector.shape_cast %broadcast_in_dim3A_6 : vector<16xf32> to vector<16xf32>
    tpu.vector_store %arg23[%swap3A_644], %swap3A_647 {strides = array<i32>} : memref<2000xf32, #tpu.memory_space<vmem>>, vector<16xf32>,
    %swap3A_648 = arith.constant 1920 : index
    %swap3A_649 = tpu.vector_load %arg23[%swap3A_648] {strides = array<i32>} : memref<2000xf32, #tpu.memory_space<vmem>>, vector<16xf32>,
    %swap3A_650 = vector.shape_cast %swap3A_649 : vector<16xf32> to vector<16xf32>
    %swap3A_651 = vector.shape_cast %broadcast_in_dim3A_6 : vector<16xf32> to vector<16xf32>
    tpu.vector_store %arg23[%swap3A_648], %swap3A_651 {strides = array<i32>} : memref<2000xf32, #tpu.memory_space<vmem>>, vector<16xf32>,
    %swap3A_652 = arith.constant 1936 : index
    %swap3A_653 = tpu.vector_load %arg23[%swap3A_652] {strides = array<i32>} : memref<2000xf32, #tpu.memory_space<vmem>>, vector<16xf32>,
    %swap3A_654 = vector.shape_cast %swap3A_653 : vector<16xf32> to vector<16xf32>
    %swap3A_655 = vector.shape_cast %broadcast_in_dim3A_6 : vector<16xf32> to vector<16xf32>
    tpu.vector_store %arg23[%swap3A_652], %swap3A_655 {strides = array<i32>} : memref<2000xf32, #tpu.memory_space<vmem>>, vector<16xf32>,
    %swap3A_656 = arith.constant 1952 : index
    %swap3A_657 = tpu.vector_load %arg23[%swap3A_656] {strides = array<i32>} : memref<2000xf32, #tpu.memory_space<vmem>>, vector<16xf32>,
    %swap3A_658 = vector.shape_cast %swap3A_657 : vector<16xf32> to vector<16xf32>
    %swap3A_659 = vector.shape_cast %broadcast_in_dim3A_6 : vector<16xf32> to vector<16xf32>
    tpu.vector_store %arg23[%swap3A_656], %swap3A_659 {strides = array<i32>} : memref<2000xf32, #tpu.memory_space<vmem>>, vector<16xf32>,
    %swap3A_660 = arith.constant 1968 : index
    %swap3A_661 = tpu.vector_load %arg23[%swap3A_660] {strides = array<i32>} : memref<2000xf32, #tpu.memory_space<vmem>>, vector<16xf32>,
    %swap3A_662 = vector.shape_cast %swap3A_661 : vector<16xf32> to vector<16xf32>
    %swap3A_663 = vector.shape_cast %broadcast_in_dim3A_6 : vector<16xf32> to vector<16xf32>
    tpu.vector_store %arg23[%swap3A_660], %swap3A_663 {strides = array<i32>} : memref<2000xf32, #tpu.memory_space<vmem>>, vector<16xf32>,
    %swap3A_664 = arith.constant 1984 : index
    %swap3A_665 = tpu.vector_load %arg23[%swap3A_664] {strides = array<i32>} : memref<2000xf32, #tpu.memory_space<vmem>>, vector<16xf32>,
    %swap3A_666 = vector.shape_cast %swap3A_665 : vector<16xf32> to vector<16xf32>
    %swap3A_667 = vector.shape_cast %broadcast_in_dim3A_6 : vector<16xf32> to vector<16xf32>
    tpu.vector_store %arg23[%swap3A_664], %swap3A_667 {strides = array<i32>} : memref<2000xf32, #tpu.memory_space<vmem>>, vector<16xf32>,
    %barrier3A = arith.constant 0 : index
    tpu.barrier barrier_id(%barrier3A)
    %mul3A_668 = arith.constant 20000 : i32
    %mul3A_669 = arith.muli %arg1, %mul3A_668 : i32
    %add3A = arith.constant 0 : i32
    %add3A_670 = arith.addi %mul3A_669, %add3A : i32
    %dma_start3A_671 = tpu.memref_slice %arg4[%add3A_670] : memref<320000xi32, #tpu.memory_space<hbm>> -> memref<2000xi32, #tpu.memory_space<hbm>>
    %dma_start3A_672 = tpu.memref_slice %arg4[%add3A_670] : memref<320000xi32, #tpu.memory_space<hbm>> -> memref<2000xi32, #tpu.memory_space<hbm>>
    tpu.enqueue_dma source(%dma_start3A_672 : memref<2000xi32, #tpu.memory_space<hbm>>) target(%arg7 : memref<2000xi32, #tpu.memory_space<vmem>>) target_semaphore(%arg14 : memref<!tpu.dma_semaphore, #tpu.memory_space<semaphore_mem>>)
    %dma_wait3A = tpu.memref_slice %arg4[%add3A_670] : memref<320000xi32, #tpu.memory_space<hbm>> -> memref<2000xi32, #tpu.memory_space<hbm>>
    %dma_wait3A_673 = tpu.memref_slice %arg4[%add3A_670] : memref<320000xi32, #tpu.memory_space<hbm>> -> memref<2000xi32, #tpu.memory_space<hbm>>
    tpu.wait_dma2 semaphore(%arg14 : memref<!tpu.dma_semaphore, #tpu.memory_space<semaphore_mem>>) src(%dma_wait3A_673 : memref<2000xi32, #tpu.memory_space<hbm>>) dst(%arg7 : memref<2000xi32, #tpu.memory_space<vmem>>)
    %mul3A_674 = arith.constant 20000 : i32
    %mul3A_675 = arith.muli %arg1, %mul3A_674 : i32
    %add3A_676 = arith.constant 2000 : i32
    %add3A_677 = arith.addi %mul3A_675, %add3A_676 : i32
    %dma_start3A_678 = tpu.memref_slice %arg4[%add3A_677] : memref<320000xi32, #tpu.memory_space<hbm>> -> memref<2000xi32, #tpu.memory_space<hbm>>
    %dma_start3A_679 = tpu.memref_slice %arg4[%add3A_677] : memref<320000xi32, #tpu.memory_space<hbm>> -> memref<2000xi32, #tpu.memory_space<hbm>>
    tpu.enqueue_dma source(%dma_start3A_679 : memref<2000xi32, #tpu.memory_space<hbm>>) target(%arg10 : memref<2000xi32, #tpu.memory_space<vmem>>) target_semaphore(%arg17 : memref<!tpu.dma_semaphore, #tpu.memory_space<semaphore_mem>>)
    %dma_start3A_680 = arith.constant 0 : i32
    %dma_start3A_681 = tpu.memref_slice %arg24[%dma_start3A_680] : memref<10240xf32, #tpu.memory_space<vmem_shared>> -> memref<10240xf32, #tpu.memory_space<vmem_shared>>
    tpu.enqueue_indirect_dma source(%arg23 : memref<2000xf32, #tpu.memory_space<vmem>>) target(%dma_start3A_681 : memref<10240xf32, #tpu.memory_space<vmem_shared>>) offsets(%arg7 : memref<2000xi32, #tpu.memory_space<vmem>>) semaphore(%arg15 : memref<!tpu.dma_semaphore, #tpu.memory_space<semaphore_mem>>) {add = true}
    %dma_wait3A_682 = tpu.memref_slice %arg4[%add3A_677] : memref<320000xi32, #tpu.memory_space<hbm>> -> memref<2000xi32, #tpu.memory_space<hbm>>
    %dma_wait3A_683 = tpu.memref_slice %arg4[%add3A_677] : memref<320000xi32, #tpu.memory_space<hbm>> -> memref<2000xi32, #tpu.memory_space<hbm>>
    tpu.wait_dma2 semaphore(%arg17 : memref<!tpu.dma_semaphore, #tpu.memory_space<semaphore_mem>>) src(%dma_wait3A_683 : memref<2000xi32, #tpu.memory_space<hbm>>) dst(%arg10 : memref<2000xi32, #tpu.memory_space<vmem>>)
    %dma_wait3A_684 = arith.constant 0 : i32
    %dma_wait3A_685 = tpu.memref_slice %arg24[%dma_wait3A_684] : memref<10240xf32, #tpu.memory_space<vmem_shared>> -> memref<10240xf32, #tpu.memory_space<vmem_shared>>
    tpu.wait_indirect_dma semaphore(%arg15 : memref<!tpu.dma_semaphore, #tpu.memory_space<semaphore_mem>>) src(%arg23 : memref<2000xf32, #tpu.memory_space<vmem>>) dst(%dma_wait3A_685 : memref<10240xf32, #tpu.memory_space<vmem_shared>>)
    %mul3A_686 = arith.constant 20000 : i32
    %mul3A_687 = arith.muli %arg1, %mul3A_686 : i32
    %add3A_688 = arith.constant 4000 : i32
    %add3A_689 = arith.addi %mul3A_687, %add3A_688 : i32
    %dma_start3A_690 = tpu.memref_slice %arg4[%add3A_689] : memref<320000xi32, #tpu.memory_space<hbm>> -> memref<2000xi32, #tpu.memory_space<hbm>>
    %dma_start3A_691 = tpu.memref_slice %arg4[%add3A_689] : memref<320000xi32, #tpu.memory_space<hbm>> -> memref<2000xi32, #tpu.memory_space<hbm>>
    tpu.enqueue_dma source(%dma_start3A_691 : memref<2000xi32, #tpu.memory_space<hbm>>) target(%arg7 : memref<2000xi32, #tpu.memory_space<vmem>>) target_semaphore(%arg14 : memref<!tpu.dma_semaphore, #tpu.memory_space<semaphore_mem>>)
    %dma_start3A_692 = arith.constant 0 : i32
    %dma_start3A_693 = tpu.memref_slice %arg24[%dma_start3A_692] : memref<10240xf32, #tpu.memory_space<vmem_shared>> -> memref<10240xf32, #tpu.memory_space<vmem_shared>>
    tpu.enqueue_indirect_dma source(%arg23 : memref<2000xf32, #tpu.memory_space<vmem>>) target(%dma_start3A_693 : memref<10240xf32, #tpu.memory_space<vmem_shared>>) offsets(%arg10 : memref<2000xi32, #tpu.memory_space<vmem>>) semaphore(%arg18 : memref<!tpu.dma_semaphore, #tpu.memory_space<semaphore_mem>>) {add = true}
    %dma_wait3A_694 = tpu.memref_slice %arg4[%add3A_689] : memref<320000xi32, #tpu.memory_space<hbm>> -> memref<2000xi32, #tpu.memory_space<hbm>>
    %dma_wait3A_695 = tpu.memref_slice %arg4[%add3A_689] : memref<320000xi32, #tpu.memory_space<hbm>> -> memref<2000xi32, #tpu.memory_space<hbm>>
    tpu.wait_dma2 semaphore(%arg14 : memref<!tpu.dma_semaphore, #tpu.memory_space<semaphore_mem>>) src(%dma_wait3A_695 : memref<2000xi32, #tpu.memory_space<hbm>>) dst(%arg7 : memref<2000xi32, #tpu.memory_space<vmem>>)
    %dma_wait3A_696 = arith.constant 0 : i32
    %dma_wait3A_697 = tpu.memref_slice %arg24[%dma_wait3A_696] : memref<10240xf32, #tpu.memory_space<vmem_shared>> -> memref<10240xf32, #tpu.memory_space<vmem_shared>>
    tpu.wait_indirect_dma semaphore(%arg18 : memref<!tpu.dma_semaphore, #tpu.memory_space<semaphore_mem>>) src(%arg23 : memref<2000xf32, #tpu.memory_space<vmem>>) dst(%dma_wait3A_697 : memref<10240xf32, #tpu.memory_space<vmem_shared>>)
    %mul3A_698 = arith.constant 20000 : i32
    %mul3A_699 = arith.muli %arg1, %mul3A_698 : i32
    %add3A_700 = arith.constant 6000 : i32
    %add3A_701 = arith.addi %mul3A_699, %add3A_700 : i32
    %dma_start3A_702 = tpu.memref_slice %arg4[%add3A_701] : memref<320000xi32, #tpu.memory_space<hbm>> -> memref<2000xi32, #tpu.memory_space<hbm>>
    %dma_start3A_703 = tpu.memref_slice %arg4[%add3A_701] : memref<320000xi32, #tpu.memory_space<hbm>> -> memref<2000xi32, #tpu.memory_space<hbm>>
    tpu.enqueue_dma source(%dma_start3A_703 : memref<2000xi32, #tpu.memory_space<hbm>>) target(%arg10 : memref<2000xi32, #tpu.memory_space<vmem>>) target_semaphore(%arg17 : memref<!tpu.dma_semaphore, #tpu.memory_space<semaphore_mem>>)
    %dma_start3A_704 = arith.constant 0 : i32
    %dma_start3A_705 = tpu.memref_slice %arg24[%dma_start3A_704] : memref<10240xf32, #tpu.memory_space<vmem_shared>> -> memref<10240xf32, #tpu.memory_space<vmem_shared>>
    tpu.enqueue_indirect_dma source(%arg23 : memref<2000xf32, #tpu.memory_space<vmem>>) target(%dma_start3A_705 : memref<10240xf32, #tpu.memory_space<vmem_shared>>) offsets(%arg7 : memref<2000xi32, #tpu.memory_space<vmem>>) semaphore(%arg15 : memref<!tpu.dma_semaphore, #tpu.memory_space<semaphore_mem>>) {add = true}
    %dma_wait3A_706 = tpu.memref_slice %arg4[%add3A_701] : memref<320000xi32, #tpu.memory_space<hbm>> -> memref<2000xi32, #tpu.memory_space<hbm>>
    %dma_wait3A_707 = tpu.memref_slice %arg4[%add3A_701] : memref<320000xi32, #tpu.memory_space<hbm>> -> memref<2000xi32, #tpu.memory_space<hbm>>
    tpu.wait_dma2 semaphore(%arg17 : memref<!tpu.dma_semaphore, #tpu.memory_space<semaphore_mem>>) src(%dma_wait3A_707 : memref<2000xi32, #tpu.memory_space<hbm>>) dst(%arg10 : memref<2000xi32, #tpu.memory_space<vmem>>)
    %dma_wait3A_708 = arith.constant 0 : i32
    %dma_wait3A_709 = tpu.memref_slice %arg24[%dma_wait3A_708] : memref<10240xf32, #tpu.memory_space<vmem_shared>> -> memref<10240xf32, #tpu.memory_space<vmem_shared>>
    tpu.wait_indirect_dma semaphore(%arg15 : memref<!tpu.dma_semaphore, #tpu.memory_space<semaphore_mem>>) src(%arg23 : memref<2000xf32, #tpu.memory_space<vmem>>) dst(%dma_wait3A_709 : memref<10240xf32, #tpu.memory_space<vmem_shared>>)
    %mul3A_710 = arith.constant 20000 : i32
    %mul3A_711 = arith.muli %arg1, %mul3A_710 : i32
    %add3A_712 = arith.constant 8000 : i32
    %add3A_713 = arith.addi %mul3A_711, %add3A_712 : i32
    %dma_start3A_714 = tpu.memref_slice %arg4[%add3A_713] : memref<320000xi32, #tpu.memory_space<hbm>> -> memref<2000xi32, #tpu.memory_space<hbm>>
    %dma_start3A_715 = tpu.memref_slice %arg4[%add3A_713] : memref<320000xi32, #tpu.memory_space<hbm>> -> memref<2000xi32, #tpu.memory_space<hbm>>
    tpu.enqueue_dma source(%dma_start3A_715 : memref<2000xi32, #tpu.memory_space<hbm>>) target(%arg7 : memref<2000xi32, #tpu.memory_space<vmem>>) target_semaphore(%arg14 : memref<!tpu.dma_semaphore, #tpu.memory_space<semaphore_mem>>)
    %dma_start3A_716 = arith.constant 0 : i32
    %dma_start3A_717 = tpu.memref_slice %arg24[%dma_start3A_716] : memref<10240xf32, #tpu.memory_space<vmem_shared>> -> memref<10240xf32, #tpu.memory_space<vmem_shared>>
    tpu.enqueue_indirect_dma source(%arg23 : memref<2000xf32, #tpu.memory_space<vmem>>) target(%dma_start3A_717 : memref<10240xf32, #tpu.memory_space<vmem_shared>>) offsets(%arg10 : memref<2000xi32, #tpu.memory_space<vmem>>) semaphore(%arg18 : memref<!tpu.dma_semaphore, #tpu.memory_space<semaphore_mem>>) {add = true}
    %dma_wait3A_718 = tpu.memref_slice %arg4[%add3A_713] : memref<320000xi32, #tpu.memory_space<hbm>> -> memref<2000xi32, #tpu.memory_space<hbm>>
    %dma_wait3A_719 = tpu.memref_slice %arg4[%add3A_713] : memref<320000xi32, #tpu.memory_space<hbm>> -> memref<2000xi32, #tpu.memory_space<hbm>>
    tpu.wait_dma2 semaphore(%arg14 : memref<!tpu.dma_semaphore, #tpu.memory_space<semaphore_mem>>) src(%dma_wait3A_719 : memref<2000xi32, #tpu.memory_space<hbm>>) dst(%arg7 : memref<2000xi32, #tpu.memory_space<vmem>>)
    %dma_wait3A_720 = arith.constant 0 : i32
    %dma_wait3A_721 = tpu.memref_slice %arg24[%dma_wait3A_720] : memref<10240xf32, #tpu.memory_space<vmem_shared>> -> memref<10240xf32, #tpu.memory_space<vmem_shared>>
    tpu.wait_indirect_dma semaphore(%arg18 : memref<!tpu.dma_semaphore, #tpu.memory_space<semaphore_mem>>) src(%arg23 : memref<2000xf32, #tpu.memory_space<vmem>>) dst(%dma_wait3A_721 : memref<10240xf32, #tpu.memory_space<vmem_shared>>)
    %mul3A_722 = arith.constant 20000 : i32
    %mul3A_723 = arith.muli %arg1, %mul3A_722 : i32
    %add3A_724 = arith.constant 10000 : i32
    %add3A_725 = arith.addi %mul3A_723, %add3A_724 : i32
    %dma_start3A_726 = tpu.memref_slice %arg4[%add3A_725] : memref<320000xi32, #tpu.memory_space<hbm>> -> memref<2000xi32, #tpu.memory_space<hbm>>
    %dma_start3A_727 = tpu.memref_slice %arg4[%add3A_725] : memref<320000xi32, #tpu.memory_space<hbm>> -> memref<2000xi32, #tpu.memory_space<hbm>>
    tpu.enqueue_dma source(%dma_start3A_727 : memref<2000xi32, #tpu.memory_space<hbm>>) target(%arg10 : memref<2000xi32, #tpu.memory_space<vmem>>) target_semaphore(%arg17 : memref<!tpu.dma_semaphore, #tpu.memory_space<semaphore_mem>>)
    %dma_start3A_728 = arith.constant 0 : i32
    %dma_start3A_729 = tpu.memref_slice %arg24[%dma_start3A_728] : memref<10240xf32, #tpu.memory_space<vmem_shared>> -> memref<10240xf32, #tpu.memory_space<vmem_shared>>
    tpu.enqueue_indirect_dma source(%arg23 : memref<2000xf32, #tpu.memory_space<vmem>>) target(%dma_start3A_729 : memref<10240xf32, #tpu.memory_space<vmem_shared>>) offsets(%arg7 : memref<2000xi32, #tpu.memory_space<vmem>>) semaphore(%arg15 : memref<!tpu.dma_semaphore, #tpu.memory_space<semaphore_mem>>) {add = true}
    %dma_wait3A_730 = tpu.memref_slice %arg4[%add3A_725] : memref<320000xi32, #tpu.memory_space<hbm>> -> memref<2000xi32, #tpu.memory_space<hbm>>
    %dma_wait3A_731 = tpu.memref_slice %arg4[%add3A_725] : memref<320000xi32, #tpu.memory_space<hbm>> -> memref<2000xi32, #tpu.memory_space<hbm>>
    tpu.wait_dma2 semaphore(%arg17 : memref<!tpu.dma_semaphore, #tpu.memory_space<semaphore_mem>>) src(%dma_wait3A_731 : memref<2000xi32, #tpu.memory_space<hbm>>) dst(%arg10 : memref<2000xi32, #tpu.memory_space<vmem>>)
    %dma_wait3A_732 = arith.constant 0 : i32
    %dma_wait3A_733 = tpu.memref_slice %arg24[%dma_wait3A_732] : memref<10240xf32, #tpu.memory_space<vmem_shared>> -> memref<10240xf32, #tpu.memory_space<vmem_shared>>
    tpu.wait_indirect_dma semaphore(%arg15 : memref<!tpu.dma_semaphore, #tpu.memory_space<semaphore_mem>>) src(%arg23 : memref<2000xf32, #tpu.memory_space<vmem>>) dst(%dma_wait3A_733 : memref<10240xf32, #tpu.memory_space<vmem_shared>>)
    %mul3A_734 = arith.constant 20000 : i32
    %mul3A_735 = arith.muli %arg1, %mul3A_734 : i32
    %add3A_736 = arith.constant 12000 : i32
    %add3A_737 = arith.addi %mul3A_735, %add3A_736 : i32
    %dma_start3A_738 = tpu.memref_slice %arg4[%add3A_737] : memref<320000xi32, #tpu.memory_space<hbm>> -> memref<2000xi32, #tpu.memory_space<hbm>>
    %dma_start3A_739 = tpu.memref_slice %arg4[%add3A_737] : memref<320000xi32, #tpu.memory_space<hbm>> -> memref<2000xi32, #tpu.memory_space<hbm>>
    tpu.enqueue_dma source(%dma_start3A_739 : memref<2000xi32, #tpu.memory_space<hbm>>) target(%arg7 : memref<2000xi32, #tpu.memory_space<vmem>>) target_semaphore(%arg14 : memref<!tpu.dma_semaphore, #tpu.memory_space<semaphore_mem>>)
    %dma_start3A_740 = arith.constant 0 : i32
    %dma_start3A_741 = tpu.memref_slice %arg24[%dma_start3A_740] : memref<10240xf32, #tpu.memory_space<vmem_shared>> -> memref<10240xf32, #tpu.memory_space<vmem_shared>>
    tpu.enqueue_indirect_dma source(%arg23 : memref<2000xf32, #tpu.memory_space<vmem>>) target(%dma_start3A_741 : memref<10240xf32, #tpu.memory_space<vmem_shared>>) offsets(%arg10 : memref<2000xi32, #tpu.memory_space<vmem>>) semaphore(%arg18 : memref<!tpu.dma_semaphore, #tpu.memory_space<semaphore_mem>>) {add = true}
    %dma_wait3A_742 = tpu.memref_slice %arg4[%add3A_737] : memref<320000xi32, #tpu.memory_space<hbm>> -> memref<2000xi32, #tpu.memory_space<hbm>>
    %dma_wait3A_743 = tpu.memref_slice %arg4[%add3A_737] : memref<320000xi32, #tpu.memory_space<hbm>> -> memref<2000xi32, #tpu.memory_space<hbm>>
    tpu.wait_dma2 semaphore(%arg14 : memref<!tpu.dma_semaphore, #tpu.memory_space<semaphore_mem>>) src(%dma_wait3A_743 : memref<2000xi32, #tpu.memory_space<hbm>>) dst(%arg7 : memref<2000xi32, #tpu.memory_space<vmem>>)
    %dma_wait3A_744 = arith.constant 0 : i32
    %dma_wait3A_745 = tpu.memref_slice %arg24[%dma_wait3A_744] : memref<10240xf32, #tpu.memory_space<vmem_shared>> -> memref<10240xf32, #tpu.memory_space<vmem_shared>>
    tpu.wait_indirect_dma semaphore(%arg18 : memref<!tpu.dma_semaphore, #tpu.memory_space<semaphore_mem>>) src(%arg23 : memref<2000xf32, #tpu.memory_space<vmem>>) dst(%dma_wait3A_745 : memref<10240xf32, #tpu.memory_space<vmem_shared>>)
    %mul3A_746 = arith.constant 20000 : i32
    %mul3A_747 = arith.muli %arg1, %mul3A_746 : i32
    %add3A_748 = arith.constant 14000 : i32
    %add3A_749 = arith.addi %mul3A_747, %add3A_748 : i32
    %dma_start3A_750 = tpu.memref_slice %arg4[%add3A_749] : memref<320000xi32, #tpu.memory_space<hbm>> -> memref<2000xi32, #tpu.memory_space<hbm>>
    %dma_start3A_751 = tpu.memref_slice %arg4[%add3A_749] : memref<320000xi32, #tpu.memory_space<hbm>> -> memref<2000xi32, #tpu.memory_space<hbm>>
    tpu.enqueue_dma source(%dma_start3A_751 : memref<2000xi32, #tpu.memory_space<hbm>>) target(%arg10 : memref<2000xi32, #tpu.memory_space<vmem>>) target_semaphore(%arg17 : memref<!tpu.dma_semaphore, #tpu.memory_space<semaphore_mem>>)
    %dma_start3A_752 = arith.constant 0 : i32
    %dma_start3A_753 = tpu.memref_slice %arg24[%dma_start3A_752] : memref<10240xf32, #tpu.memory_space<vmem_shared>> -> memref<10240xf32, #tpu.memory_space<vmem_shared>>
    tpu.enqueue_indirect_dma source(%arg23 : memref<2000xf32, #tpu.memory_space<vmem>>) target(%dma_start3A_753 : memref<10240xf32, #tpu.memory_space<vmem_shared>>) offsets(%arg7 : memref<2000xi32, #tpu.memory_space<vmem>>) semaphore(%arg15 : memref<!tpu.dma_semaphore, #tpu.memory_space<semaphore_mem>>) {add = true}
    %dma_wait3A_754 = tpu.memref_slice %arg4[%add3A_749] : memref<320000xi32, #tpu.memory_space<hbm>> -> memref<2000xi32, #tpu.memory_space<hbm>>
    %dma_wait3A_755 = tpu.memref_slice %arg4[%add3A_749] : memref<320000xi32, #tpu.memory_space<hbm>> -> memref<2000xi32, #tpu.memory_space<hbm>>
    tpu.wait_dma2 semaphore(%arg17 : memref<!tpu.dma_semaphore, #tpu.memory_space<semaphore_mem>>) src(%dma_wait3A_755 : memref<2000xi32, #tpu.memory_space<hbm>>) dst(%arg10 : memref<2000xi32, #tpu.memory_space<vmem>>)
    %dma_wait3A_756 = arith.constant 0 : i32
    %dma_wait3A_757 = tpu.memref_slice %arg24[%dma_wait3A_756] : memref<10240xf32, #tpu.memory_space<vmem_shared>> -> memref<10240xf32, #tpu.memory_space<vmem_shared>>
    tpu.wait_indirect_dma semaphore(%arg15 : memref<!tpu.dma_semaphore, #tpu.memory_space<semaphore_mem>>) src(%arg23 : memref<2000xf32, #tpu.memory_space<vmem>>) dst(%dma_wait3A_757 : memref<10240xf32, #tpu.memory_space<vmem_shared>>)
    %mul3A_758 = arith.constant 20000 : i32
    %mul3A_759 = arith.muli %arg1, %mul3A_758 : i32
    %add3A_760 = arith.constant 16000 : i32
    %add3A_761 = arith.addi %mul3A_759, %add3A_760 : i32
    %dma_start3A_762 = tpu.memref_slice %arg4[%add3A_761] : memref<320000xi32, #tpu.memory_space<hbm>> -> memref<2000xi32, #tpu.memory_space<hbm>>
    %dma_start3A_763 = tpu.memref_slice %arg4[%add3A_761] : memref<320000xi32, #tpu.memory_space<hbm>> -> memref<2000xi32, #tpu.memory_space<hbm>>
    tpu.enqueue_dma source(%dma_start3A_763 : memref<2000xi32, #tpu.memory_space<hbm>>) target(%arg7 : memref<2000xi32, #tpu.memory_space<vmem>>) target_semaphore(%arg14 : memref<!tpu.dma_semaphore, #tpu.memory_space<semaphore_mem>>)
    %dma_start3A_764 = arith.constant 0 : i32
    %dma_start3A_765 = tpu.memref_slice %arg24[%dma_start3A_764] : memref<10240xf32, #tpu.memory_space<vmem_shared>> -> memref<10240xf32, #tpu.memory_space<vmem_shared>>
    tpu.enqueue_indirect_dma source(%arg23 : memref<2000xf32, #tpu.memory_space<vmem>>) target(%dma_start3A_765 : memref<10240xf32, #tpu.memory_space<vmem_shared>>) offsets(%arg10 : memref<2000xi32, #tpu.memory_space<vmem>>) semaphore(%arg18 : memref<!tpu.dma_semaphore, #tpu.memory_space<semaphore_mem>>) {add = true}
    %dma_wait3A_766 = tpu.memref_slice %arg4[%add3A_761] : memref<320000xi32, #tpu.memory_space<hbm>> -> memref<2000xi32, #tpu.memory_space<hbm>>
    %dma_wait3A_767 = tpu.memref_slice %arg4[%add3A_761] : memref<320000xi32, #tpu.memory_space<hbm>> -> memref<2000xi32, #tpu.memory_space<hbm>>
    tpu.wait_dma2 semaphore(%arg14 : memref<!tpu.dma_semaphore, #tpu.memory_space<semaphore_mem>>) src(%dma_wait3A_767 : memref<2000xi32, #tpu.memory_space<hbm>>) dst(%arg7 : memref<2000xi32, #tpu.memory_space<vmem>>)
    %dma_wait3A_768 = arith.constant 0 : i32
    %dma_wait3A_769 = tpu.memref_slice %arg24[%dma_wait3A_768] : memref<10240xf32, #tpu.memory_space<vmem_shared>> -> memref<10240xf32, #tpu.memory_space<vmem_shared>>
    tpu.wait_indirect_dma semaphore(%arg18 : memref<!tpu.dma_semaphore, #tpu.memory_space<semaphore_mem>>) src(%arg23 : memref<2000xf32, #tpu.memory_space<vmem>>) dst(%dma_wait3A_769 : memref<10240xf32, #tpu.memory_space<vmem_shared>>)
    %mul3A_770 = arith.constant 20000 : i32
    %mul3A_771 = arith.muli %arg1, %mul3A_770 : i32
    %add3A_772 = arith.constant 18000 : i32
    %add3A_773 = arith.addi %mul3A_771, %add3A_772 : i32
    %dma_start3A_774 = tpu.memref_slice %arg4[%add3A_773] : memref<320000xi32, #tpu.memory_space<hbm>> -> memref<2000xi32, #tpu.memory_space<hbm>>
    %dma_start3A_775 = tpu.memref_slice %arg4[%add3A_773] : memref<320000xi32, #tpu.memory_space<hbm>> -> memref<2000xi32, #tpu.memory_space<hbm>>
    tpu.enqueue_dma source(%dma_start3A_775 : memref<2000xi32, #tpu.memory_space<hbm>>) target(%arg10 : memref<2000xi32, #tpu.memory_space<vmem>>) target_semaphore(%arg17 : memref<!tpu.dma_semaphore, #tpu.memory_space<semaphore_mem>>)
    %dma_start3A_776 = arith.constant 0 : i32
    %dma_start3A_777 = tpu.memref_slice %arg24[%dma_start3A_776] : memref<10240xf32, #tpu.memory_space<vmem_shared>> -> memref<10240xf32, #tpu.memory_space<vmem_shared>>
    tpu.enqueue_indirect_dma source(%arg23 : memref<2000xf32, #tpu.memory_space<vmem>>) target(%dma_start3A_777 : memref<10240xf32, #tpu.memory_space<vmem_shared>>) offsets(%arg7 : memref<2000xi32, #tpu.memory_space<vmem>>) semaphore(%arg15 : memref<!tpu.dma_semaphore, #tpu.memory_space<semaphore_mem>>) {add = true}
    %dma_wait3A_778 = tpu.memref_slice %arg4[%add3A_773] : memref<320000xi32, #tpu.memory_space<hbm>> -> memref<2000xi32, #tpu.memory_space<hbm>>
    %dma_wait3A_779 = tpu.memref_slice %arg4[%add3A_773] : memref<320000xi32, #tpu.memory_space<hbm>> -> memref<2000xi32, #tpu.memory_space<hbm>>
    tpu.wait_dma2 semaphore(%arg17 : memref<!tpu.dma_semaphore, #tpu.memory_space<semaphore_mem>>) src(%dma_wait3A_779 : memref<2000xi32, #tpu.memory_space<hbm>>) dst(%arg10 : memref<2000xi32, #tpu.memory_space<vmem>>)
    %dma_start3A_780 = arith.constant 0 : i32
    %dma_start3A_781 = tpu.memref_slice %arg24[%dma_start3A_780] : memref<10240xf32, #tpu.memory_space<vmem_shared>> -> memref<10240xf32, #tpu.memory_space<vmem_shared>>
    tpu.enqueue_indirect_dma source(%arg23 : memref<2000xf32, #tpu.memory_space<vmem>>) target(%dma_start3A_781 : memref<10240xf32, #tpu.memory_space<vmem_shared>>) offsets(%arg10 : memref<2000xi32, #tpu.memory_space<vmem>>) semaphore(%arg18 : memref<!tpu.dma_semaphore, #tpu.memory_space<semaphore_mem>>) {add = true}
    %dma_wait3A_782 = arith.constant 0 : i32
    %dma_wait3A_783 = tpu.memref_slice %arg24[%dma_wait3A_782] : memref<10240xf32, #tpu.memory_space<vmem_shared>> -> memref<10240xf32, #tpu.memory_space<vmem_shared>>
    tpu.wait_indirect_dma semaphore(%arg15 : memref<!tpu.dma_semaphore, #tpu.memory_space<semaphore_mem>>) src(%arg23 : memref<2000xf32, #tpu.memory_space<vmem>>) dst(%dma_wait3A_783 : memref<10240xf32, #tpu.memory_space<vmem_shared>>)
    %dma_wait3A_784 = arith.constant 0 : i32
    %dma_wait3A_785 = tpu.memref_slice %arg24[%dma_wait3A_784] : memref<10240xf32, #tpu.memory_space<vmem_shared>> -> memref<10240xf32, #tpu.memory_space<vmem_shared>>
    tpu.wait_indirect_dma semaphore(%arg18 : memref<!tpu.dma_semaphore, #tpu.memory_space<semaphore_mem>>) src(%arg23 : memref<2000xf32, #tpu.memory_space<vmem>>) dst(%dma_wait3A_785 : memref<10240xf32, #tpu.memory_space<vmem_shared>>)
    %barrier3A_786 = arith.constant 0 : index
    tpu.barrier barrier_id(%barrier3A_786)
    %mul3A_787 = arith.constant 160000 : i32
    %mul3A_788 = arith.muli %arg0, %mul3A_787 : i32
    %mul3A_789 = arith.constant 10000 : i32
    %mul3A_790 = arith.muli %arg1, %mul3A_789 : i32
    %add3A_791 = arith.addi %mul3A_788, %mul3A_790 : i32
    %add3A_792 = arith.constant 0 : i32
    %add3A_793 = arith.addi %add3A_791, %add3A_792 : i32
    %dma_start3A_794 = tpu.memref_slice %arg3[%add3A_793] : memref<320000xi32, #tpu.memory_space<hbm>> -> memref<2000xi32, #tpu.memory_space<hbm>>
    %dma_start3A_795 = tpu.memref_slice %arg3[%add3A_793] : memref<320000xi32, #tpu.memory_space<hbm>> -> memref<2000xi32, #tpu.memory_space<hbm>>
    tpu.enqueue_dma source(%dma_start3A_795 : memref<2000xi32, #tpu.memory_space<hbm>>) target(%arg7 : memref<2000xi32, #tpu.memory_space<vmem>>) target_semaphore(%arg13 : memref<!tpu.dma_semaphore, #tpu.memory_space<semaphore_mem>>)
    %dma_start3A_796 = tpu.memref_slice %arg4[%add3A_793] : memref<320000xi32, #tpu.memory_space<hbm>> -> memref<2000xi32, #tpu.memory_space<hbm>>
    %dma_start3A_797 = tpu.memref_slice %arg4[%add3A_793] : memref<320000xi32, #tpu.memory_space<hbm>> -> memref<2000xi32, #tpu.memory_space<hbm>>
    tpu.enqueue_dma source(%dma_start3A_797 : memref<2000xi32, #tpu.memory_space<hbm>>) target(%arg8 : memref<2000xi32, #tpu.memory_space<vmem>>) target_semaphore(%arg13 : memref<!tpu.dma_semaphore, #tpu.memory_space<semaphore_mem>>)
    %dma_wait3A_798 = arith.constant 0 : i32
    %dma_wait3A_799 = tpu.memref_slice %arg2[%mul3A_0, %dma_wait3A_798] : memref<10240x16xf32, #tpu.memory_space<hbm>> -> memref<640x16xf32, #tpu.memory_space<hbm>>
    %dma_wait3A_800 = arith.constant 0 : i32
    %dma_wait3A_801 = tpu.memref_slice %arg2[%mul3A_0, %dma_wait3A_800] : memref<10240x16xf32, #tpu.memory_space<hbm>> -> memref<640x16xf32, #tpu.memory_space<hbm>>
    tpu.wait_dma2 semaphore(%arg13 : memref<!tpu.dma_semaphore, #tpu.memory_space<semaphore_mem>>) src(%dma_wait3A_801 : memref<640x16xf32, #tpu.memory_space<hbm>>) dst(%arg19 : memref<640x16xf32, #tpu.memory_space<vmem>>)
    "tpu.region"() ({
      %run_scoped3A = tpu.sem_alloc : memref<!tpu.dma_semaphore, #tpu.memory_space<semaphore_mem>>
      %dma_start3A_934 = tpu.memref_slice %arg24[%mul3A_2] : memref<10240xf32, #tpu.memory_space<vmem_shared>> -> memref<640xf32, #tpu.memory_space<vmem_shared>>
      %dma_start3A_935 = tpu.memref_slice %arg24[%mul3A_2] : memref<10240xf32, #tpu.memory_space<vmem_shared>> -> memref<640xf32, #tpu.memory_space<vmem_shared>>
      tpu.enqueue_dma source(%dma_start3A_935 : memref<640xf32, #tpu.memory_space<vmem_shared>>) target(%arg21 : memref<640xf32, #tpu.memory_space<vmem>>) target_semaphore(%run_scoped3A : memref<!tpu.dma_semaphore, #tpu.memory_space<semaphore_mem>>)
      %dma_wait3A_936 = tpu.memref_slice %arg24[%mul3A_2] : memref<10240xf32, #tpu.memory_space<vmem_shared>> -> memref<640xf32, #tpu.memory_space<vmem_shared>>
      %dma_wait3A_937 = tpu.memref_slice %arg24[%mul3A_2] : memref<10240xf32, #tpu.memory_space<vmem_shared>> -> memref<640xf32, #tpu.memory_space<vmem_shared>>
      tpu.wait_dma2 semaphore(%run_scoped3A : memref<!tpu.dma_semaphore, #tpu.memory_space<semaphore_mem>>) src(%dma_wait3A_937 : memref<640xf32, #tpu.memory_space<vmem_shared>>) dst(%arg21 : memref<640xf32, #tpu.memory_space<vmem>>)
      tpu.yield
    }) : () -> ()
    %scan3A = arith.constant 0 : i32
    %scan3A_802 = arith.constant 0 : i32
    %scan3A_803 = arith.constant 40 : i32
    %scan3A_804 = arith.addi %scan3A_802, %scan3A_803 : i32
    %scan3A_805 = arith.constant 1 : i32
    %scan3A_806 = scf.for %scan3A_934 = %scan3A_802 to %scan3A_804 step %scan3A_805 iter_args(%scan3A_935 = %scan3A) -> (i32)  : i32 {
      %mul3A_936 = arith.constant 16 : i32
      %mul3A_937 = arith.muli %scan3A_934, %mul3A_936 : i32
      %get3A = arith.index_cast %mul3A_937 : i32 to index
      %get3A_938 = tpu.vector_load %arg21[%get3A] {strides = array<i32>} : memref<640xf32, #tpu.memory_space<vmem>>, vector<16xf32>,
      %get3A_939 = vector.shape_cast %get3A_938 : vector<16xf32> to vector<16xf32>
      %add3A_940 = arith.constant 1.000000e+00 : f32
      %add3A_941 = vector.broadcast %add3A_940 : f32 to vector<16xf32>
      %add3A_942 = arith.addf %get3A_939, %add3A_941 : vector<16xf32>
      %bitcast_convert_type3A = tpu.bitcast %add3A_942 : vector<16xf32> -> vector<16xi32>
      %shift_right_logical3A = arith.constant 1 : i32
      %shift_right_logical3A_943 = vector.broadcast %shift_right_logical3A : i32 to vector<16xi32>
      %shift_right_logical3A_944 = arith.shrui %bitcast_convert_type3A, %shift_right_logical3A_943 : vector<16xi32>
      %sub3A = arith.constant 1597463007 : i32
      %sub3A_945 = vector.broadcast %sub3A : i32 to vector<16xi32>
      %sub3A_946 = arith.subi %sub3A_945, %shift_right_logical3A_944 : vector<16xi32>
      %bitcast_convert_type3A_947 = tpu.bitcast %sub3A_946 : vector<16xi32> -> vector<16xf32>
      %mul3A_948 = arith.constant 5.000000e-01 : f32
      %mul3A_949 = vector.broadcast %mul3A_948 : f32 to vector<16xf32>
      %mul3A_950 = arith.mulf %mul3A_949, %add3A_942 : vector<16xf32>
      %mul3A_951 = arith.mulf %mul3A_950, %bitcast_convert_type3A_947 : vector<16xf32>
      %mul3A_952 = arith.mulf %mul3A_951, %bitcast_convert_type3A_947 : vector<16xf32>
      %sub3A_953 = arith.constant 1.500000e+00 : f32
      %sub3A_954 = vector.broadcast %sub3A_953 : f32 to vector<16xf32>
      %sub3A_955 = arith.subf %sub3A_954, %mul3A_952 : vector<16xf32>
      %mul3A_956 = arith.mulf %bitcast_convert_type3A_947, %sub3A_955 : vector<16xf32>
      %mul3A_957 = arith.constant 5.000000e-01 : f32
      %mul3A_958 = vector.broadcast %mul3A_957 : f32 to vector<16xf32>
      %mul3A_959 = arith.mulf %mul3A_958, %add3A_942 : vector<16xf32>
      %mul3A_960 = arith.mulf %mul3A_959, %mul3A_956 : vector<16xf32>
      %mul3A_961 = arith.mulf %mul3A_960, %mul3A_956 : vector<16xf32>
      %sub3A_962 = arith.constant 1.500000e+00 : f32
      %sub3A_963 = vector.broadcast %sub3A_962 : f32 to vector<16xf32>
      %sub3A_964 = arith.subf %sub3A_963, %mul3A_961 : vector<16xf32>
      %mul3A_965 = arith.mulf %mul3A_956, %sub3A_964 : vector<16xf32>
      %mul3A_966 = arith.constant 5.000000e-01 : f32
      %mul3A_967 = vector.broadcast %mul3A_966 : f32 to vector<16xf32>
      %mul3A_968 = arith.mulf %mul3A_967, %add3A_942 : vector<16xf32>
      %mul3A_969 = arith.mulf %mul3A_968, %mul3A_965 : vector<16xf32>
      %mul3A_970 = arith.mulf %mul3A_969, %mul3A_965 : vector<16xf32>
      %sub3A_971 = arith.constant 1.500000e+00 : f32
      %sub3A_972 = vector.broadcast %sub3A_971 : f32 to vector<16xf32>
      %sub3A_973 = arith.subf %sub3A_972, %mul3A_970 : vector<16xf32>
      %mul3A_974 = arith.mulf %mul3A_965, %sub3A_973 : vector<16xf32>
      %mul3A_975 = arith.constant 16 : i32
      %mul3A_976 = arith.muli %scan3A_934, %mul3A_975 : i32
      %add3A_977 = arith.constant 0 : i32
      %add3A_978 = arith.addi %mul3A_976, %add3A_977 : i32
      %get3A_979 = arith.index_cast %add3A_978 : i32 to index
      %get3A_980 = arith.constant 0 : index
      %get3A_981 = tpu.vector_load %arg19[%get3A_979, %get3A_980] {strides = array<i32>} : memref<640x16xf32, #tpu.memory_space<vmem>>, vector<1x16xf32>,
      %get3A_982 = vector.shape_cast %get3A_981 : vector<1x16xf32> to vector<16xf32>
      %slice3A = vector.extract_strided_slice %mul3A_974 {offsets = [0], sizes = [1], strides = [1]} : vector<16xf32> to vector<1xf32>
      %squeeze3A = vector.extract %slice3A[0] : f32 from vector<1xf32>
      %mul3A_983 = vector.broadcast %squeeze3A : f32 to vector<16xf32>
      %mul3A_984 = arith.mulf %get3A_982, %mul3A_983 : vector<16xf32>
      %swap3A_985 = arith.index_cast %add3A_978 : i32 to index
      %swap3A_986 = arith.constant 0 : index
      %swap3A_987 = tpu.vector_load %arg19[%swap3A_985, %swap3A_986] {strides = array<i32>} : memref<640x16xf32, #tpu.memory_space<vmem>>, vector<1x16xf32>,
      %swap3A_988 = vector.shape_cast %swap3A_987 : vector<1x16xf32> to vector<16xf32>
      %swap3A_989 = vector.shape_cast %mul3A_984 : vector<16xf32> to vector<1x16xf32>
      tpu.vector_store %arg19[%swap3A_985, %swap3A_986], %swap3A_989 {strides = array<i32>} : memref<640x16xf32, #tpu.memory_space<vmem>>, vector<1x16xf32>,
      %mul3A_990 = arith.constant 5.000000e-01 : f32
      %mul3A_991 = vector.broadcast %mul3A_990 : f32 to vector<16xf32>
      %mul3A_992 = arith.mulf %mul3A_984, %mul3A_991 : vector<16xf32>
      %swap3A_993 = arith.index_cast %add3A_978 : i32 to index
      %swap3A_994 = arith.constant 0 : index
      %swap3A_995 = tpu.vector_load %arg20[%swap3A_993, %swap3A_994] {strides = array<i32>} : memref<640x16xf32, #tpu.memory_space<vmem>>, vector<1x16xf32>,
      %swap3A_996 = vector.shape_cast %swap3A_995 : vector<1x16xf32> to vector<16xf32>
      %swap3A_997 = vector.shape_cast %mul3A_992 : vector<16xf32> to vector<1x16xf32>
      tpu.vector_store %arg20[%swap3A_993, %swap3A_994], %swap3A_997 {strides = array<i32>} : memref<640x16xf32, #tpu.memory_space<vmem>>, vector<1x16xf32>,
      %mul3A_998 = arith.constant 16 : i32
      %mul3A_999 = arith.muli %scan3A_934, %mul3A_998 : i32
      %add3A_1000 = arith.constant 1 : i32
      %add3A_1001 = arith.addi %mul3A_999, %add3A_1000 : i32
      %get3A_1002 = arith.index_cast %add3A_1001 : i32 to index
      %get3A_1003 = arith.constant 0 : index
      %get3A_1004 = tpu.vector_load %arg19[%get3A_1002, %get3A_1003] {strides = array<i32>} : memref<640x16xf32, #tpu.memory_space<vmem>>, vector<1x16xf32>,
      %get3A_1005 = vector.shape_cast %get3A_1004 : vector<1x16xf32> to vector<16xf32>
      %slice3A_1006 = vector.extract_strided_slice %mul3A_974 {offsets = [1], sizes = [1], strides = [1]} : vector<16xf32> to vector<1xf32>
      %squeeze3A_1007 = vector.extract %slice3A_1006[0] : f32 from vector<1xf32>
      %mul3A_1008 = vector.broadcast %squeeze3A_1007 : f32 to vector<16xf32>
      %mul3A_1009 = arith.mulf %get3A_1005, %mul3A_1008 : vector<16xf32>
      %swap3A_1010 = arith.index_cast %add3A_1001 : i32 to index
      %swap3A_1011 = arith.constant 0 : index
      %swap3A_1012 = tpu.vector_load %arg19[%swap3A_1010, %swap3A_1011] {strides = array<i32>} : memref<640x16xf32, #tpu.memory_space<vmem>>, vector<1x16xf32>,
      %swap3A_1013 = vector.shape_cast %swap3A_1012 : vector<1x16xf32> to vector<16xf32>
      %swap3A_1014 = vector.shape_cast %mul3A_1009 : vector<16xf32> to vector<1x16xf32>
      tpu.vector_store %arg19[%swap3A_1010, %swap3A_1011], %swap3A_1014 {strides = array<i32>} : memref<640x16xf32, #tpu.memory_space<vmem>>, vector<1x16xf32>,
      %mul3A_1015 = arith.constant 5.000000e-01 : f32
      %mul3A_1016 = vector.broadcast %mul3A_1015 : f32 to vector<16xf32>
      %mul3A_1017 = arith.mulf %mul3A_1009, %mul3A_1016 : vector<16xf32>
      %swap3A_1018 = arith.index_cast %add3A_1001 : i32 to index
      %swap3A_1019 = arith.constant 0 : index
      %swap3A_1020 = tpu.vector_load %arg20[%swap3A_1018, %swap3A_1019] {strides = array<i32>} : memref<640x16xf32, #tpu.memory_space<vmem>>, vector<1x16xf32>,
      %swap3A_1021 = vector.shape_cast %swap3A_1020 : vector<1x16xf32> to vector<16xf32>
      %swap3A_1022 = vector.shape_cast %mul3A_1017 : vector<16xf32> to vector<1x16xf32>
      tpu.vector_store %arg20[%swap3A_1018, %swap3A_1019], %swap3A_1022 {strides = array<i32>} : memref<640x16xf32, #tpu.memory_space<vmem>>, vector<1x16xf32>,
      %mul3A_1023 = arith.constant 16 : i32
      %mul3A_1024 = arith.muli %scan3A_934, %mul3A_1023 : i32
      %add3A_1025 = arith.constant 2 : i32
      %add3A_1026 = arith.addi %mul3A_1024, %add3A_1025 : i32
      %get3A_1027 = arith.index_cast %add3A_1026 : i32 to index
      %get3A_1028 = arith.constant 0 : index
      %get3A_1029 = tpu.vector_load %arg19[%get3A_1027, %get3A_1028] {strides = array<i32>} : memref<640x16xf32, #tpu.memory_space<vmem>>, vector<1x16xf32>,
      %get3A_1030 = vector.shape_cast %get3A_1029 : vector<1x16xf32> to vector<16xf32>
      %slice3A_1031 = vector.extract_strided_slice %mul3A_974 {offsets = [2], sizes = [1], strides = [1]} : vector<16xf32> to vector<1xf32>
      %squeeze3A_1032 = vector.extract %slice3A_1031[0] : f32 from vector<1xf32>
      %mul3A_1033 = vector.broadcast %squeeze3A_1032 : f32 to vector<16xf32>
      %mul3A_1034 = arith.mulf %get3A_1030, %mul3A_1033 : vector<16xf32>
      %swap3A_1035 = arith.index_cast %add3A_1026 : i32 to index
      %swap3A_1036 = arith.constant 0 : index
      %swap3A_1037 = tpu.vector_load %arg19[%swap3A_1035, %swap3A_1036] {strides = array<i32>} : memref<640x16xf32, #tpu.memory_space<vmem>>, vector<1x16xf32>,
      %swap3A_1038 = vector.shape_cast %swap3A_1037 : vector<1x16xf32> to vector<16xf32>
      %swap3A_1039 = vector.shape_cast %mul3A_1034 : vector<16xf32> to vector<1x16xf32>
      tpu.vector_store %arg19[%swap3A_1035, %swap3A_1036], %swap3A_1039 {strides = array<i32>} : memref<640x16xf32, #tpu.memory_space<vmem>>, vector<1x16xf32>,
      %mul3A_1040 = arith.constant 5.000000e-01 : f32
      %mul3A_1041 = vector.broadcast %mul3A_1040 : f32 to vector<16xf32>
      %mul3A_1042 = arith.mulf %mul3A_1034, %mul3A_1041 : vector<16xf32>
      %swap3A_1043 = arith.index_cast %add3A_1026 : i32 to index
      %swap3A_1044 = arith.constant 0 : index
      %swap3A_1045 = tpu.vector_load %arg20[%swap3A_1043, %swap3A_1044] {strides = array<i32>} : memref<640x16xf32, #tpu.memory_space<vmem>>, vector<1x16xf32>,
      %swap3A_1046 = vector.shape_cast %swap3A_1045 : vector<1x16xf32> to vector<16xf32>
      %swap3A_1047 = vector.shape_cast %mul3A_1042 : vector<16xf32> to vector<1x16xf32>
      tpu.vector_store %arg20[%swap3A_1043, %swap3A_1044], %swap3A_1047 {strides = array<i32>} : memref<640x16xf32, #tpu.memory_space<vmem>>, vector<1x16xf32>,
      %mul3A_1048 = arith.constant 16 : i32
      %mul3A_1049 = arith.muli %scan3A_934, %mul3A_1048 : i32
      %add3A_1050 = arith.constant 3 : i32
      %add3A_1051 = arith.addi %mul3A_1049, %add3A_1050 : i32
      %get3A_1052 = arith.index_cast %add3A_1051 : i32 to index
      %get3A_1053 = arith.constant 0 : index
      %get3A_1054 = tpu.vector_load %arg19[%get3A_1052, %get3A_1053] {strides = array<i32>} : memref<640x16xf32, #tpu.memory_space<vmem>>, vector<1x16xf32>,
      %get3A_1055 = vector.shape_cast %get3A_1054 : vector<1x16xf32> to vector<16xf32>
      %slice3A_1056 = vector.extract_strided_slice %mul3A_974 {offsets = [3], sizes = [1], strides = [1]} : vector<16xf32> to vector<1xf32>
      %squeeze3A_1057 = vector.extract %slice3A_1056[0] : f32 from vector<1xf32>
      %mul3A_1058 = vector.broadcast %squeeze3A_1057 : f32 to vector<16xf32>
      %mul3A_1059 = arith.mulf %get3A_1055, %mul3A_1058 : vector<16xf32>
      %swap3A_1060 = arith.index_cast %add3A_1051 : i32 to index
      %swap3A_1061 = arith.constant 0 : index
      %swap3A_1062 = tpu.vector_load %arg19[%swap3A_1060, %swap3A_1061] {strides = array<i32>} : memref<640x16xf32, #tpu.memory_space<vmem>>, vector<1x16xf32>,
      %swap3A_1063 = vector.shape_cast %swap3A_1062 : vector<1x16xf32> to vector<16xf32>
      %swap3A_1064 = vector.shape_cast %mul3A_1059 : vector<16xf32> to vector<1x16xf32>
      tpu.vector_store %arg19[%swap3A_1060, %swap3A_1061], %swap3A_1064 {strides = array<i32>} : memref<640x16xf32, #tpu.memory_space<vmem>>, vector<1x16xf32>,
      %mul3A_1065 = arith.constant 5.000000e-01 : f32
      %mul3A_1066 = vector.broadcast %mul3A_1065 : f32 to vector<16xf32>
      %mul3A_1067 = arith.mulf %mul3A_1059, %mul3A_1066 : vector<16xf32>
      %swap3A_1068 = arith.index_cast %add3A_1051 : i32 to index
      %swap3A_1069 = arith.constant 0 : index
      %swap3A_1070 = tpu.vector_load %arg20[%swap3A_1068, %swap3A_1069] {strides = array<i32>} : memref<640x16xf32, #tpu.memory_space<vmem>>, vector<1x16xf32>,
      %swap3A_1071 = vector.shape_cast %swap3A_1070 : vector<1x16xf32> to vector<16xf32>
      %swap3A_1072 = vector.shape_cast %mul3A_1067 : vector<16xf32> to vector<1x16xf32>
      tpu.vector_store %arg20[%swap3A_1068, %swap3A_1069], %swap3A_1072 {strides = array<i32>} : memref<640x16xf32, #tpu.memory_space<vmem>>, vector<1x16xf32>,
      %mul3A_1073 = arith.constant 16 : i32
      %mul3A_1074 = arith.muli %scan3A_934, %mul3A_1073 : i32
      %add3A_1075 = arith.constant 4 : i32
      %add3A_1076 = arith.addi %mul3A_1074, %add3A_1075 : i32
      %get3A_1077 = arith.index_cast %add3A_1076 : i32 to index
      %get3A_1078 = arith.constant 0 : index
      %get3A_1079 = tpu.vector_load %arg19[%get3A_1077, %get3A_1078] {strides = array<i32>} : memref<640x16xf32, #tpu.memory_space<vmem>>, vector<1x16xf32>,
      %get3A_1080 = vector.shape_cast %get3A_1079 : vector<1x16xf32> to vector<16xf32>
      %slice3A_1081 = vector.extract_strided_slice %mul3A_974 {offsets = [4], sizes = [1], strides = [1]} : vector<16xf32> to vector<1xf32>
      %squeeze3A_1082 = vector.extract %slice3A_1081[0] : f32 from vector<1xf32>
      %mul3A_1083 = vector.broadcast %squeeze3A_1082 : f32 to vector<16xf32>
      %mul3A_1084 = arith.mulf %get3A_1080, %mul3A_1083 : vector<16xf32>
      %swap3A_1085 = arith.index_cast %add3A_1076 : i32 to index
      %swap3A_1086 = arith.constant 0 : index
      %swap3A_1087 = tpu.vector_load %arg19[%swap3A_1085, %swap3A_1086] {strides = array<i32>} : memref<640x16xf32, #tpu.memory_space<vmem>>, vector<1x16xf32>,
      %swap3A_1088 = vector.shape_cast %swap3A_1087 : vector<1x16xf32> to vector<16xf32>
      %swap3A_1089 = vector.shape_cast %mul3A_1084 : vector<16xf32> to vector<1x16xf32>
      tpu.vector_store %arg19[%swap3A_1085, %swap3A_1086], %swap3A_1089 {strides = array<i32>} : memref<640x16xf32, #tpu.memory_space<vmem>>, vector<1x16xf32>,
      %mul3A_1090 = arith.constant 5.000000e-01 : f32
      %mul3A_1091 = vector.broadcast %mul3A_1090 : f32 to vector<16xf32>
      %mul3A_1092 = arith.mulf %mul3A_1084, %mul3A_1091 : vector<16xf32>
      %swap3A_1093 = arith.index_cast %add3A_1076 : i32 to index
      %swap3A_1094 = arith.constant 0 : index
      %swap3A_1095 = tpu.vector_load %arg20[%swap3A_1093, %swap3A_1094] {strides = array<i32>} : memref<640x16xf32, #tpu.memory_space<vmem>>, vector<1x16xf32>,
      %swap3A_1096 = vector.shape_cast %swap3A_1095 : vector<1x16xf32> to vector<16xf32>
      %swap3A_1097 = vector.shape_cast %mul3A_1092 : vector<16xf32> to vector<1x16xf32>
      tpu.vector_store %arg20[%swap3A_1093, %swap3A_1094], %swap3A_1097 {strides = array<i32>} : memref<640x16xf32, #tpu.memory_space<vmem>>, vector<1x16xf32>,
      %mul3A_1098 = arith.constant 16 : i32
      %mul3A_1099 = arith.muli %scan3A_934, %mul3A_1098 : i32
      %add3A_1100 = arith.constant 5 : i32
      %add3A_1101 = arith.addi %mul3A_1099, %add3A_1100 : i32
      %get3A_1102 = arith.index_cast %add3A_1101 : i32 to index
      %get3A_1103 = arith.constant 0 : index
      %get3A_1104 = tpu.vector_load %arg19[%get3A_1102, %get3A_1103] {strides = array<i32>} : memref<640x16xf32, #tpu.memory_space<vmem>>, vector<1x16xf32>,
      %get3A_1105 = vector.shape_cast %get3A_1104 : vector<1x16xf32> to vector<16xf32>
      %slice3A_1106 = vector.extract_strided_slice %mul3A_974 {offsets = [5], sizes = [1], strides = [1]} : vector<16xf32> to vector<1xf32>
      %squeeze3A_1107 = vector.extract %slice3A_1106[0] : f32 from vector<1xf32>
      %mul3A_1108 = vector.broadcast %squeeze3A_1107 : f32 to vector<16xf32>
      %mul3A_1109 = arith.mulf %get3A_1105, %mul3A_1108 : vector<16xf32>
      %swap3A_1110 = arith.index_cast %add3A_1101 : i32 to index
      %swap3A_1111 = arith.constant 0 : index
      %swap3A_1112 = tpu.vector_load %arg19[%swap3A_1110, %swap3A_1111] {strides = array<i32>} : memref<640x16xf32, #tpu.memory_space<vmem>>, vector<1x16xf32>,
      %swap3A_1113 = vector.shape_cast %swap3A_1112 : vector<1x16xf32> to vector<16xf32>
      %swap3A_1114 = vector.shape_cast %mul3A_1109 : vector<16xf32> to vector<1x16xf32>
      tpu.vector_store %arg19[%swap3A_1110, %swap3A_1111], %swap3A_1114 {strides = array<i32>} : memref<640x16xf32, #tpu.memory_space<vmem>>, vector<1x16xf32>,
      %mul3A_1115 = arith.constant 5.000000e-01 : f32
      %mul3A_1116 = vector.broadcast %mul3A_1115 : f32 to vector<16xf32>
      %mul3A_1117 = arith.mulf %mul3A_1109, %mul3A_1116 : vector<16xf32>
      %swap3A_1118 = arith.index_cast %add3A_1101 : i32 to index
      %swap3A_1119 = arith.constant 0 : index
      %swap3A_1120 = tpu.vector_load %arg20[%swap3A_1118, %swap3A_1119] {strides = array<i32>} : memref<640x16xf32, #tpu.memory_space<vmem>>, vector<1x16xf32>,
      %swap3A_1121 = vector.shape_cast %swap3A_1120 : vector<1x16xf32> to vector<16xf32>
      %swap3A_1122 = vector.shape_cast %mul3A_1117 : vector<16xf32> to vector<1x16xf32>
      tpu.vector_store %arg20[%swap3A_1118, %swap3A_1119], %swap3A_1122 {strides = array<i32>} : memref<640x16xf32, #tpu.memory_space<vmem>>, vector<1x16xf32>,
      %mul3A_1123 = arith.constant 16 : i32
      %mul3A_1124 = arith.muli %scan3A_934, %mul3A_1123 : i32
      %add3A_1125 = arith.constant 6 : i32
      %add3A_1126 = arith.addi %mul3A_1124, %add3A_1125 : i32
      %get3A_1127 = arith.index_cast %add3A_1126 : i32 to index
      %get3A_1128 = arith.constant 0 : index
      %get3A_1129 = tpu.vector_load %arg19[%get3A_1127, %get3A_1128] {strides = array<i32>} : memref<640x16xf32, #tpu.memory_space<vmem>>, vector<1x16xf32>,
      %get3A_1130 = vector.shape_cast %get3A_1129 : vector<1x16xf32> to vector<16xf32>
      %slice3A_1131 = vector.extract_strided_slice %mul3A_974 {offsets = [6], sizes = [1], strides = [1]} : vector<16xf32> to vector<1xf32>
      %squeeze3A_1132 = vector.extract %slice3A_1131[0] : f32 from vector<1xf32>
      %mul3A_1133 = vector.broadcast %squeeze3A_1132 : f32 to vector<16xf32>
      %mul3A_1134 = arith.mulf %get3A_1130, %mul3A_1133 : vector<16xf32>
      %swap3A_1135 = arith.index_cast %add3A_1126 : i32 to index
      %swap3A_1136 = arith.constant 0 : index
      %swap3A_1137 = tpu.vector_load %arg19[%swap3A_1135, %swap3A_1136] {strides = array<i32>} : memref<640x16xf32, #tpu.memory_space<vmem>>, vector<1x16xf32>,
      %swap3A_1138 = vector.shape_cast %swap3A_1137 : vector<1x16xf32> to vector<16xf32>
      %swap3A_1139 = vector.shape_cast %mul3A_1134 : vector<16xf32> to vector<1x16xf32>
      tpu.vector_store %arg19[%swap3A_1135, %swap3A_1136], %swap3A_1139 {strides = array<i32>} : memref<640x16xf32, #tpu.memory_space<vmem>>, vector<1x16xf32>,
      %mul3A_1140 = arith.constant 5.000000e-01 : f32
      %mul3A_1141 = vector.broadcast %mul3A_1140 : f32 to vector<16xf32>
      %mul3A_1142 = arith.mulf %mul3A_1134, %mul3A_1141 : vector<16xf32>
      %swap3A_1143 = arith.index_cast %add3A_1126 : i32 to index
      %swap3A_1144 = arith.constant 0 : index
      %swap3A_1145 = tpu.vector_load %arg20[%swap3A_1143, %swap3A_1144] {strides = array<i32>} : memref<640x16xf32, #tpu.memory_space<vmem>>, vector<1x16xf32>,
      %swap3A_1146 = vector.shape_cast %swap3A_1145 : vector<1x16xf32> to vector<16xf32>
      %swap3A_1147 = vector.shape_cast %mul3A_1142 : vector<16xf32> to vector<1x16xf32>
      tpu.vector_store %arg20[%swap3A_1143, %swap3A_1144], %swap3A_1147 {strides = array<i32>} : memref<640x16xf32, #tpu.memory_space<vmem>>, vector<1x16xf32>,
      %mul3A_1148 = arith.constant 16 : i32
      %mul3A_1149 = arith.muli %scan3A_934, %mul3A_1148 : i32
      %add3A_1150 = arith.constant 7 : i32
      %add3A_1151 = arith.addi %mul3A_1149, %add3A_1150 : i32
      %get3A_1152 = arith.index_cast %add3A_1151 : i32 to index
      %get3A_1153 = arith.constant 0 : index
      %get3A_1154 = tpu.vector_load %arg19[%get3A_1152, %get3A_1153] {strides = array<i32>} : memref<640x16xf32, #tpu.memory_space<vmem>>, vector<1x16xf32>,
      %get3A_1155 = vector.shape_cast %get3A_1154 : vector<1x16xf32> to vector<16xf32>
      %slice3A_1156 = vector.extract_strided_slice %mul3A_974 {offsets = [7], sizes = [1], strides = [1]} : vector<16xf32> to vector<1xf32>
      %squeeze3A_1157 = vector.extract %slice3A_1156[0] : f32 from vector<1xf32>
      %mul3A_1158 = vector.broadcast %squeeze3A_1157 : f32 to vector<16xf32>
      %mul3A_1159 = arith.mulf %get3A_1155, %mul3A_1158 : vector<16xf32>
      %swap3A_1160 = arith.index_cast %add3A_1151 : i32 to index
      %swap3A_1161 = arith.constant 0 : index
      %swap3A_1162 = tpu.vector_load %arg19[%swap3A_1160, %swap3A_1161] {strides = array<i32>} : memref<640x16xf32, #tpu.memory_space<vmem>>, vector<1x16xf32>,
      %swap3A_1163 = vector.shape_cast %swap3A_1162 : vector<1x16xf32> to vector<16xf32>
      %swap3A_1164 = vector.shape_cast %mul3A_1159 : vector<16xf32> to vector<1x16xf32>
      tpu.vector_store %arg19[%swap3A_1160, %swap3A_1161], %swap3A_1164 {strides = array<i32>} : memref<640x16xf32, #tpu.memory_space<vmem>>, vector<1x16xf32>,
      %mul3A_1165 = arith.constant 5.000000e-01 : f32
      %mul3A_1166 = vector.broadcast %mul3A_1165 : f32 to vector<16xf32>
      %mul3A_1167 = arith.mulf %mul3A_1159, %mul3A_1166 : vector<16xf32>
      %swap3A_1168 = arith.index_cast %add3A_1151 : i32 to index
      %swap3A_1169 = arith.constant 0 : index
      %swap3A_1170 = tpu.vector_load %arg20[%swap3A_1168, %swap3A_1169] {strides = array<i32>} : memref<640x16xf32, #tpu.memory_space<vmem>>, vector<1x16xf32>,
      %swap3A_1171 = vector.shape_cast %swap3A_1170 : vector<1x16xf32> to vector<16xf32>
      %swap3A_1172 = vector.shape_cast %mul3A_1167 : vector<16xf32> to vector<1x16xf32>
      tpu.vector_store %arg20[%swap3A_1168, %swap3A_1169], %swap3A_1172 {strides = array<i32>} : memref<640x16xf32, #tpu.memory_space<vmem>>, vector<1x16xf32>,
      %mul3A_1173 = arith.constant 16 : i32
      %mul3A_1174 = arith.muli %scan3A_934, %mul3A_1173 : i32
      %add3A_1175 = arith.constant 8 : i32
      %add3A_1176 = arith.addi %mul3A_1174, %add3A_1175 : i32
      %get3A_1177 = arith.index_cast %add3A_1176 : i32 to index
      %get3A_1178 = arith.constant 0 : index
      %get3A_1179 = tpu.vector_load %arg19[%get3A_1177, %get3A_1178] {strides = array<i32>} : memref<640x16xf32, #tpu.memory_space<vmem>>, vector<1x16xf32>,
      %get3A_1180 = vector.shape_cast %get3A_1179 : vector<1x16xf32> to vector<16xf32>
      %slice3A_1181 = vector.extract_strided_slice %mul3A_974 {offsets = [8], sizes = [1], strides = [1]} : vector<16xf32> to vector<1xf32>
      %squeeze3A_1182 = vector.extract %slice3A_1181[0] : f32 from vector<1xf32>
      %mul3A_1183 = vector.broadcast %squeeze3A_1182 : f32 to vector<16xf32>
      %mul3A_1184 = arith.mulf %get3A_1180, %mul3A_1183 : vector<16xf32>
      %swap3A_1185 = arith.index_cast %add3A_1176 : i32 to index
      %swap3A_1186 = arith.constant 0 : index
      %swap3A_1187 = tpu.vector_load %arg19[%swap3A_1185, %swap3A_1186] {strides = array<i32>} : memref<640x16xf32, #tpu.memory_space<vmem>>, vector<1x16xf32>,
      %swap3A_1188 = vector.shape_cast %swap3A_1187 : vector<1x16xf32> to vector<16xf32>
      %swap3A_1189 = vector.shape_cast %mul3A_1184 : vector<16xf32> to vector<1x16xf32>
      tpu.vector_store %arg19[%swap3A_1185, %swap3A_1186], %swap3A_1189 {strides = array<i32>} : memref<640x16xf32, #tpu.memory_space<vmem>>, vector<1x16xf32>,
      %mul3A_1190 = arith.constant 5.000000e-01 : f32
      %mul3A_1191 = vector.broadcast %mul3A_1190 : f32 to vector<16xf32>
      %mul3A_1192 = arith.mulf %mul3A_1184, %mul3A_1191 : vector<16xf32>
      %swap3A_1193 = arith.index_cast %add3A_1176 : i32 to index
      %swap3A_1194 = arith.constant 0 : index
      %swap3A_1195 = tpu.vector_load %arg20[%swap3A_1193, %swap3A_1194] {strides = array<i32>} : memref<640x16xf32, #tpu.memory_space<vmem>>, vector<1x16xf32>,
      %swap3A_1196 = vector.shape_cast %swap3A_1195 : vector<1x16xf32> to vector<16xf32>
      %swap3A_1197 = vector.shape_cast %mul3A_1192 : vector<16xf32> to vector<1x16xf32>
      tpu.vector_store %arg20[%swap3A_1193, %swap3A_1194], %swap3A_1197 {strides = array<i32>} : memref<640x16xf32, #tpu.memory_space<vmem>>, vector<1x16xf32>,
      %mul3A_1198 = arith.constant 16 : i32
      %mul3A_1199 = arith.muli %scan3A_934, %mul3A_1198 : i32
      %add3A_1200 = arith.constant 9 : i32
      %add3A_1201 = arith.addi %mul3A_1199, %add3A_1200 : i32
      %get3A_1202 = arith.index_cast %add3A_1201 : i32 to index
      %get3A_1203 = arith.constant 0 : index
      %get3A_1204 = tpu.vector_load %arg19[%get3A_1202, %get3A_1203] {strides = array<i32>} : memref<640x16xf32, #tpu.memory_space<vmem>>, vector<1x16xf32>,
      %get3A_1205 = vector.shape_cast %get3A_1204 : vector<1x16xf32> to vector<16xf32>
      %slice3A_1206 = vector.extract_strided_slice %mul3A_974 {offsets = [9], sizes = [1], strides = [1]} : vector<16xf32> to vector<1xf32>
      %squeeze3A_1207 = vector.extract %slice3A_1206[0] : f32 from vector<1xf32>
      %mul3A_1208 = vector.broadcast %squeeze3A_1207 : f32 to vector<16xf32>
      %mul3A_1209 = arith.mulf %get3A_1205, %mul3A_1208 : vector<16xf32>
      %swap3A_1210 = arith.index_cast %add3A_1201 : i32 to index
      %swap3A_1211 = arith.constant 0 : index
      %swap3A_1212 = tpu.vector_load %arg19[%swap3A_1210, %swap3A_1211] {strides = array<i32>} : memref<640x16xf32, #tpu.memory_space<vmem>>, vector<1x16xf32>,
      %swap3A_1213 = vector.shape_cast %swap3A_1212 : vector<1x16xf32> to vector<16xf32>
      %swap3A_1214 = vector.shape_cast %mul3A_1209 : vector<16xf32> to vector<1x16xf32>
      tpu.vector_store %arg19[%swap3A_1210, %swap3A_1211], %swap3A_1214 {strides = array<i32>} : memref<640x16xf32, #tpu.memory_space<vmem>>, vector<1x16xf32>,
      %mul3A_1215 = arith.constant 5.000000e-01 : f32
      %mul3A_1216 = vector.broadcast %mul3A_1215 : f32 to vector<16xf32>
      %mul3A_1217 = arith.mulf %mul3A_1209, %mul3A_1216 : vector<16xf32>
      %swap3A_1218 = arith.index_cast %add3A_1201 : i32 to index
      %swap3A_1219 = arith.constant 0 : index
      %swap3A_1220 = tpu.vector_load %arg20[%swap3A_1218, %swap3A_1219] {strides = array<i32>} : memref<640x16xf32, #tpu.memory_space<vmem>>, vector<1x16xf32>,
      %swap3A_1221 = vector.shape_cast %swap3A_1220 : vector<1x16xf32> to vector<16xf32>
      %swap3A_1222 = vector.shape_cast %mul3A_1217 : vector<16xf32> to vector<1x16xf32>
      tpu.vector_store %arg20[%swap3A_1218, %swap3A_1219], %swap3A_1222 {strides = array<i32>} : memref<640x16xf32, #tpu.memory_space<vmem>>, vector<1x16xf32>,
      %mul3A_1223 = arith.constant 16 : i32
      %mul3A_1224 = arith.muli %scan3A_934, %mul3A_1223 : i32
      %add3A_1225 = arith.constant 10 : i32
      %add3A_1226 = arith.addi %mul3A_1224, %add3A_1225 : i32
      %get3A_1227 = arith.index_cast %add3A_1226 : i32 to index
      %get3A_1228 = arith.constant 0 : index
      %get3A_1229 = tpu.vector_load %arg19[%get3A_1227, %get3A_1228] {strides = array<i32>} : memref<640x16xf32, #tpu.memory_space<vmem>>, vector<1x16xf32>,
      %get3A_1230 = vector.shape_cast %get3A_1229 : vector<1x16xf32> to vector<16xf32>
      %slice3A_1231 = vector.extract_strided_slice %mul3A_974 {offsets = [10], sizes = [1], strides = [1]} : vector<16xf32> to vector<1xf32>
      %squeeze3A_1232 = vector.extract %slice3A_1231[0] : f32 from vector<1xf32>
      %mul3A_1233 = vector.broadcast %squeeze3A_1232 : f32 to vector<16xf32>
      %mul3A_1234 = arith.mulf %get3A_1230, %mul3A_1233 : vector<16xf32>
      %swap3A_1235 = arith.index_cast %add3A_1226 : i32 to index
      %swap3A_1236 = arith.constant 0 : index
      %swap3A_1237 = tpu.vector_load %arg19[%swap3A_1235, %swap3A_1236] {strides = array<i32>} : memref<640x16xf32, #tpu.memory_space<vmem>>, vector<1x16xf32>,
      %swap3A_1238 = vector.shape_cast %swap3A_1237 : vector<1x16xf32> to vector<16xf32>
      %swap3A_1239 = vector.shape_cast %mul3A_1234 : vector<16xf32> to vector<1x16xf32>
      tpu.vector_store %arg19[%swap3A_1235, %swap3A_1236], %swap3A_1239 {strides = array<i32>} : memref<640x16xf32, #tpu.memory_space<vmem>>, vector<1x16xf32>,
      %mul3A_1240 = arith.constant 5.000000e-01 : f32
      %mul3A_1241 = vector.broadcast %mul3A_1240 : f32 to vector<16xf32>
      %mul3A_1242 = arith.mulf %mul3A_1234, %mul3A_1241 : vector<16xf32>
      %swap3A_1243 = arith.index_cast %add3A_1226 : i32 to index
      %swap3A_1244 = arith.constant 0 : index
      %swap3A_1245 = tpu.vector_load %arg20[%swap3A_1243, %swap3A_1244] {strides = array<i32>} : memref<640x16xf32, #tpu.memory_space<vmem>>, vector<1x16xf32>,
      %swap3A_1246 = vector.shape_cast %swap3A_1245 : vector<1x16xf32> to vector<16xf32>
      %swap3A_1247 = vector.shape_cast %mul3A_1242 : vector<16xf32> to vector<1x16xf32>
      tpu.vector_store %arg20[%swap3A_1243, %swap3A_1244], %swap3A_1247 {strides = array<i32>} : memref<640x16xf32, #tpu.memory_space<vmem>>, vector<1x16xf32>,
      %mul3A_1248 = arith.constant 16 : i32
      %mul3A_1249 = arith.muli %scan3A_934, %mul3A_1248 : i32
      %add3A_1250 = arith.constant 11 : i32
      %add3A_1251 = arith.addi %mul3A_1249, %add3A_1250 : i32
      %get3A_1252 = arith.index_cast %add3A_1251 : i32 to index
      %get3A_1253 = arith.constant 0 : index
      %get3A_1254 = tpu.vector_load %arg19[%get3A_1252, %get3A_1253] {strides = array<i32>} : memref<640x16xf32, #tpu.memory_space<vmem>>, vector<1x16xf32>,
      %get3A_1255 = vector.shape_cast %get3A_1254 : vector<1x16xf32> to vector<16xf32>
      %slice3A_1256 = vector.extract_strided_slice %mul3A_974 {offsets = [11], sizes = [1], strides = [1]} : vector<16xf32> to vector<1xf32>
      %squeeze3A_1257 = vector.extract %slice3A_1256[0] : f32 from vector<1xf32>
      %mul3A_1258 = vector.broadcast %squeeze3A_1257 : f32 to vector<16xf32>
      %mul3A_1259 = arith.mulf %get3A_1255, %mul3A_1258 : vector<16xf32>
      %swap3A_1260 = arith.index_cast %add3A_1251 : i32 to index
      %swap3A_1261 = arith.constant 0 : index
      %swap3A_1262 = tpu.vector_load %arg19[%swap3A_1260, %swap3A_1261] {strides = array<i32>} : memref<640x16xf32, #tpu.memory_space<vmem>>, vector<1x16xf32>,
      %swap3A_1263 = vector.shape_cast %swap3A_1262 : vector<1x16xf32> to vector<16xf32>
      %swap3A_1264 = vector.shape_cast %mul3A_1259 : vector<16xf32> to vector<1x16xf32>
      tpu.vector_store %arg19[%swap3A_1260, %swap3A_1261], %swap3A_1264 {strides = array<i32>} : memref<640x16xf32, #tpu.memory_space<vmem>>, vector<1x16xf32>,
      %mul3A_1265 = arith.constant 5.000000e-01 : f32
      %mul3A_1266 = vector.broadcast %mul3A_1265 : f32 to vector<16xf32>
      %mul3A_1267 = arith.mulf %mul3A_1259, %mul3A_1266 : vector<16xf32>
      %swap3A_1268 = arith.index_cast %add3A_1251 : i32 to index
      %swap3A_1269 = arith.constant 0 : index
      %swap3A_1270 = tpu.vector_load %arg20[%swap3A_1268, %swap3A_1269] {strides = array<i32>} : memref<640x16xf32, #tpu.memory_space<vmem>>, vector<1x16xf32>,
      %swap3A_1271 = vector.shape_cast %swap3A_1270 : vector<1x16xf32> to vector<16xf32>
      %swap3A_1272 = vector.shape_cast %mul3A_1267 : vector<16xf32> to vector<1x16xf32>
      tpu.vector_store %arg20[%swap3A_1268, %swap3A_1269], %swap3A_1272 {strides = array<i32>} : memref<640x16xf32, #tpu.memory_space<vmem>>, vector<1x16xf32>,
      %mul3A_1273 = arith.constant 16 : i32
      %mul3A_1274 = arith.muli %scan3A_934, %mul3A_1273 : i32
      %add3A_1275 = arith.constant 12 : i32
      %add3A_1276 = arith.addi %mul3A_1274, %add3A_1275 : i32
      %get3A_1277 = arith.index_cast %add3A_1276 : i32 to index
      %get3A_1278 = arith.constant 0 : index
      %get3A_1279 = tpu.vector_load %arg19[%get3A_1277, %get3A_1278] {strides = array<i32>} : memref<640x16xf32, #tpu.memory_space<vmem>>, vector<1x16xf32>,
      %get3A_1280 = vector.shape_cast %get3A_1279 : vector<1x16xf32> to vector<16xf32>
      %slice3A_1281 = vector.extract_strided_slice %mul3A_974 {offsets = [12], sizes = [1], strides = [1]} : vector<16xf32> to vector<1xf32>
      %squeeze3A_1282 = vector.extract %slice3A_1281[0] : f32 from vector<1xf32>
      %mul3A_1283 = vector.broadcast %squeeze3A_1282 : f32 to vector<16xf32>
      %mul3A_1284 = arith.mulf %get3A_1280, %mul3A_1283 : vector<16xf32>
      %swap3A_1285 = arith.index_cast %add3A_1276 : i32 to index
      %swap3A_1286 = arith.constant 0 : index
      %swap3A_1287 = tpu.vector_load %arg19[%swap3A_1285, %swap3A_1286] {strides = array<i32>} : memref<640x16xf32, #tpu.memory_space<vmem>>, vector<1x16xf32>,
      %swap3A_1288 = vector.shape_cast %swap3A_1287 : vector<1x16xf32> to vector<16xf32>
      %swap3A_1289 = vector.shape_cast %mul3A_1284 : vector<16xf32> to vector<1x16xf32>
      tpu.vector_store %arg19[%swap3A_1285, %swap3A_1286], %swap3A_1289 {strides = array<i32>} : memref<640x16xf32, #tpu.memory_space<vmem>>, vector<1x16xf32>,
      %mul3A_1290 = arith.constant 5.000000e-01 : f32
      %mul3A_1291 = vector.broadcast %mul3A_1290 : f32 to vector<16xf32>
      %mul3A_1292 = arith.mulf %mul3A_1284, %mul3A_1291 : vector<16xf32>
      %swap3A_1293 = arith.index_cast %add3A_1276 : i32 to index
      %swap3A_1294 = arith.constant 0 : index
      %swap3A_1295 = tpu.vector_load %arg20[%swap3A_1293, %swap3A_1294] {strides = array<i32>} : memref<640x16xf32, #tpu.memory_space<vmem>>, vector<1x16xf32>,
      %swap3A_1296 = vector.shape_cast %swap3A_1295 : vector<1x16xf32> to vector<16xf32>
      %swap3A_1297 = vector.shape_cast %mul3A_1292 : vector<16xf32> to vector<1x16xf32>
      tpu.vector_store %arg20[%swap3A_1293, %swap3A_1294], %swap3A_1297 {strides = array<i32>} : memref<640x16xf32, #tpu.memory_space<vmem>>, vector<1x16xf32>,
      %mul3A_1298 = arith.constant 16 : i32
      %mul3A_1299 = arith.muli %scan3A_934, %mul3A_1298 : i32
      %add3A_1300 = arith.constant 13 : i32
      %add3A_1301 = arith.addi %mul3A_1299, %add3A_1300 : i32
      %get3A_1302 = arith.index_cast %add3A_1301 : i32 to index
      %get3A_1303 = arith.constant 0 : index
      %get3A_1304 = tpu.vector_load %arg19[%get3A_1302, %get3A_1303] {strides = array<i32>} : memref<640x16xf32, #tpu.memory_space<vmem>>, vector<1x16xf32>,
      %get3A_1305 = vector.shape_cast %get3A_1304 : vector<1x16xf32> to vector<16xf32>
      %slice3A_1306 = vector.extract_strided_slice %mul3A_974 {offsets = [13], sizes = [1], strides = [1]} : vector<16xf32> to vector<1xf32>
      %squeeze3A_1307 = vector.extract %slice3A_1306[0] : f32 from vector<1xf32>
      %mul3A_1308 = vector.broadcast %squeeze3A_1307 : f32 to vector<16xf32>
      %mul3A_1309 = arith.mulf %get3A_1305, %mul3A_1308 : vector<16xf32>
      %swap3A_1310 = arith.index_cast %add3A_1301 : i32 to index
      %swap3A_1311 = arith.constant 0 : index
      %swap3A_1312 = tpu.vector_load %arg19[%swap3A_1310, %swap3A_1311] {strides = array<i32>} : memref<640x16xf32, #tpu.memory_space<vmem>>, vector<1x16xf32>,
      %swap3A_1313 = vector.shape_cast %swap3A_1312 : vector<1x16xf32> to vector<16xf32>
      %swap3A_1314 = vector.shape_cast %mul3A_1309 : vector<16xf32> to vector<1x16xf32>
      tpu.vector_store %arg19[%swap3A_1310, %swap3A_1311], %swap3A_1314 {strides = array<i32>} : memref<640x16xf32, #tpu.memory_space<vmem>>, vector<1x16xf32>,
      %mul3A_1315 = arith.constant 5.000000e-01 : f32
      %mul3A_1316 = vector.broadcast %mul3A_1315 : f32 to vector<16xf32>
      %mul3A_1317 = arith.mulf %mul3A_1309, %mul3A_1316 : vector<16xf32>
      %swap3A_1318 = arith.index_cast %add3A_1301 : i32 to index
      %swap3A_1319 = arith.constant 0 : index
      %swap3A_1320 = tpu.vector_load %arg20[%swap3A_1318, %swap3A_1319] {strides = array<i32>} : memref<640x16xf32, #tpu.memory_space<vmem>>, vector<1x16xf32>,
      %swap3A_1321 = vector.shape_cast %swap3A_1320 : vector<1x16xf32> to vector<16xf32>
      %swap3A_1322 = vector.shape_cast %mul3A_1317 : vector<16xf32> to vector<1x16xf32>
      tpu.vector_store %arg20[%swap3A_1318, %swap3A_1319], %swap3A_1322 {strides = array<i32>} : memref<640x16xf32, #tpu.memory_space<vmem>>, vector<1x16xf32>,
      %mul3A_1323 = arith.constant 16 : i32
      %mul3A_1324 = arith.muli %scan3A_934, %mul3A_1323 : i32
      %add3A_1325 = arith.constant 14 : i32
      %add3A_1326 = arith.addi %mul3A_1324, %add3A_1325 : i32
      %get3A_1327 = arith.index_cast %add3A_1326 : i32 to index
      %get3A_1328 = arith.constant 0 : index
      %get3A_1329 = tpu.vector_load %arg19[%get3A_1327, %get3A_1328] {strides = array<i32>} : memref<640x16xf32, #tpu.memory_space<vmem>>, vector<1x16xf32>,
      %get3A_1330 = vector.shape_cast %get3A_1329 : vector<1x16xf32> to vector<16xf32>
      %slice3A_1331 = vector.extract_strided_slice %mul3A_974 {offsets = [14], sizes = [1], strides = [1]} : vector<16xf32> to vector<1xf32>
      %squeeze3A_1332 = vector.extract %slice3A_1331[0] : f32 from vector<1xf32>
      %mul3A_1333 = vector.broadcast %squeeze3A_1332 : f32 to vector<16xf32>
      %mul3A_1334 = arith.mulf %get3A_1330, %mul3A_1333 : vector<16xf32>
      %swap3A_1335 = arith.index_cast %add3A_1326 : i32 to index
      %swap3A_1336 = arith.constant 0 : index
      %swap3A_1337 = tpu.vector_load %arg19[%swap3A_1335, %swap3A_1336] {strides = array<i32>} : memref<640x16xf32, #tpu.memory_space<vmem>>, vector<1x16xf32>,
      %swap3A_1338 = vector.shape_cast %swap3A_1337 : vector<1x16xf32> to vector<16xf32>
      %swap3A_1339 = vector.shape_cast %mul3A_1334 : vector<16xf32> to vector<1x16xf32>
      tpu.vector_store %arg19[%swap3A_1335, %swap3A_1336], %swap3A_1339 {strides = array<i32>} : memref<640x16xf32, #tpu.memory_space<vmem>>, vector<1x16xf32>,
      %mul3A_1340 = arith.constant 5.000000e-01 : f32
      %mul3A_1341 = vector.broadcast %mul3A_1340 : f32 to vector<16xf32>
      %mul3A_1342 = arith.mulf %mul3A_1334, %mul3A_1341 : vector<16xf32>
      %swap3A_1343 = arith.index_cast %add3A_1326 : i32 to index
      %swap3A_1344 = arith.constant 0 : index
      %swap3A_1345 = tpu.vector_load %arg20[%swap3A_1343, %swap3A_1344] {strides = array<i32>} : memref<640x16xf32, #tpu.memory_space<vmem>>, vector<1x16xf32>,
      %swap3A_1346 = vector.shape_cast %swap3A_1345 : vector<1x16xf32> to vector<16xf32>
      %swap3A_1347 = vector.shape_cast %mul3A_1342 : vector<16xf32> to vector<1x16xf32>
      tpu.vector_store %arg20[%swap3A_1343, %swap3A_1344], %swap3A_1347 {strides = array<i32>} : memref<640x16xf32, #tpu.memory_space<vmem>>, vector<1x16xf32>,
      %mul3A_1348 = arith.constant 16 : i32
      %mul3A_1349 = arith.muli %scan3A_934, %mul3A_1348 : i32
      %add3A_1350 = arith.constant 15 : i32
      %add3A_1351 = arith.addi %mul3A_1349, %add3A_1350 : i32
      %get3A_1352 = arith.index_cast %add3A_1351 : i32 to index
      %get3A_1353 = arith.constant 0 : index
      %get3A_1354 = tpu.vector_load %arg19[%get3A_1352, %get3A_1353] {strides = array<i32>} : memref<640x16xf32, #tpu.memory_space<vmem>>, vector<1x16xf32>,
      %get3A_1355 = vector.shape_cast %get3A_1354 : vector<1x16xf32> to vector<16xf32>
      %slice3A_1356 = vector.extract_strided_slice %mul3A_974 {offsets = [15], sizes = [1], strides = [1]} : vector<16xf32> to vector<1xf32>
      %squeeze3A_1357 = vector.extract %slice3A_1356[0] : f32 from vector<1xf32>
      %mul3A_1358 = vector.broadcast %squeeze3A_1357 : f32 to vector<16xf32>
      %mul3A_1359 = arith.mulf %get3A_1355, %mul3A_1358 : vector<16xf32>
      %swap3A_1360 = arith.index_cast %add3A_1351 : i32 to index
      %swap3A_1361 = arith.constant 0 : index
      %swap3A_1362 = tpu.vector_load %arg19[%swap3A_1360, %swap3A_1361] {strides = array<i32>} : memref<640x16xf32, #tpu.memory_space<vmem>>, vector<1x16xf32>,
      %swap3A_1363 = vector.shape_cast %swap3A_1362 : vector<1x16xf32> to vector<16xf32>
      %swap3A_1364 = vector.shape_cast %mul3A_1359 : vector<16xf32> to vector<1x16xf32>
      tpu.vector_store %arg19[%swap3A_1360, %swap3A_1361], %swap3A_1364 {strides = array<i32>} : memref<640x16xf32, #tpu.memory_space<vmem>>, vector<1x16xf32>,
      %mul3A_1365 = arith.constant 5.000000e-01 : f32
      %mul3A_1366 = vector.broadcast %mul3A_1365 : f32 to vector<16xf32>
      %mul3A_1367 = arith.mulf %mul3A_1359, %mul3A_1366 : vector<16xf32>
      %swap3A_1368 = arith.index_cast %add3A_1351 : i32 to index
      %swap3A_1369 = arith.constant 0 : index
      %swap3A_1370 = tpu.vector_load %arg20[%swap3A_1368, %swap3A_1369] {strides = array<i32>} : memref<640x16xf32, #tpu.memory_space<vmem>>, vector<1x16xf32>,
      %swap3A_1371 = vector.shape_cast %swap3A_1370 : vector<1x16xf32> to vector<16xf32>
      %swap3A_1372 = vector.shape_cast %mul3A_1367 : vector<16xf32> to vector<1x16xf32>
      tpu.vector_store %arg20[%swap3A_1368, %swap3A_1369], %swap3A_1372 {strides = array<i32>} : memref<640x16xf32, #tpu.memory_space<vmem>>, vector<1x16xf32>,
      %scan3A_1373 = arith.constant 0 : i32
      scf.yield %scan3A_1373 : i32
    }
    %scan3A_807 = arith.constant 40 : i32
    "tpu.region"() ({
      %run_scoped3A = tpu.sem_alloc : memref<!tpu.dma_semaphore, #tpu.memory_space<semaphore_mem>>
      %dma_start3A_934 = arith.constant 0 : i32
      %dma_start3A_935 = tpu.memref_slice %arg25[%mul3A_0, %dma_start3A_934] : memref<10240x16xf32, #tpu.memory_space<vmem_shared>> -> memref<640x16xf32, #tpu.memory_space<vmem_shared>>
      %dma_start3A_936 = arith.constant 0 : i32
      %dma_start3A_937 = tpu.memref_slice %arg25[%mul3A_0, %dma_start3A_936] : memref<10240x16xf32, #tpu.memory_space<vmem_shared>> -> memref<640x16xf32, #tpu.memory_space<vmem_shared>>
      tpu.enqueue_dma source(%arg19 : memref<640x16xf32, #tpu.memory_space<vmem>>) target(%dma_start3A_937 : memref<640x16xf32, #tpu.memory_space<vmem_shared>>) target_semaphore(%run_scoped3A : memref<!tpu.dma_semaphore, #tpu.memory_space<semaphore_mem>>)
      %dma_wait3A_938 = arith.constant 0 : i32
      %dma_wait3A_939 = tpu.memref_slice %arg25[%mul3A_0, %dma_wait3A_938] : memref<10240x16xf32, #tpu.memory_space<vmem_shared>> -> memref<640x16xf32, #tpu.memory_space<vmem_shared>>
      %dma_wait3A_940 = arith.constant 0 : i32
      %dma_wait3A_941 = tpu.memref_slice %arg25[%mul3A_0, %dma_wait3A_940] : memref<10240x16xf32, #tpu.memory_space<vmem_shared>> -> memref<640x16xf32, #tpu.memory_space<vmem_shared>>
      tpu.wait_dma2 semaphore(%run_scoped3A : memref<!tpu.dma_semaphore, #tpu.memory_space<semaphore_mem>>) src(%arg19 : memref<640x16xf32, #tpu.memory_space<vmem>>) dst(%dma_wait3A_941 : memref<640x16xf32, #tpu.memory_space<vmem_shared>>)
      tpu.yield
    }) : () -> ()
    "tpu.region"() ({
      %run_scoped3A = tpu.sem_alloc : memref<!tpu.dma_semaphore, #tpu.memory_space<semaphore_mem>>
      %dma_start3A_934 = arith.constant 0 : i32
      %dma_start3A_935 = tpu.memref_slice %arg26[%mul3A_0, %dma_start3A_934] : memref<10240x16xf32, #tpu.memory_space<vmem_shared>> -> memref<640x16xf32, #tpu.memory_space<vmem_shared>>
      %dma_start3A_936 = arith.constant 0 : i32
      %dma_start3A_937 = tpu.memref_slice %arg26[%mul3A_0, %dma_start3A_936] : memref<10240x16xf32, #tpu.memory_space<vmem_shared>> -> memref<640x16xf32, #tpu.memory_space<vmem_shared>>
      tpu.enqueue_dma source(%arg20 : memref<640x16xf32, #tpu.memory_space<vmem>>) target(%dma_start3A_937 : memref<640x16xf32, #tpu.memory_space<vmem_shared>>) target_semaphore(%run_scoped3A : memref<!tpu.dma_semaphore, #tpu.memory_space<semaphore_mem>>)
      %dma_wait3A_938 = arith.constant 0 : i32
      %dma_wait3A_939 = tpu.memref_slice %arg26[%mul3A_0, %dma_wait3A_938] : memref<10240x16xf32, #tpu.memory_space<vmem_shared>> -> memref<640x16xf32, #tpu.memory_space<vmem_shared>>
      %dma_wait3A_940 = arith.constant 0 : i32
      %dma_wait3A_941 = tpu.memref_slice %arg26[%mul3A_0, %dma_wait3A_940] : memref<10240x16xf32, #tpu.memory_space<vmem_shared>> -> memref<640x16xf32, #tpu.memory_space<vmem_shared>>
      tpu.wait_dma2 semaphore(%run_scoped3A : memref<!tpu.dma_semaphore, #tpu.memory_space<semaphore_mem>>) src(%arg20 : memref<640x16xf32, #tpu.memory_space<vmem>>) dst(%dma_wait3A_941 : memref<640x16xf32, #tpu.memory_space<vmem_shared>>)
      tpu.yield
    }) : () -> ()
    "tpu.region"() ({
      %run_scoped3A = tpu.sem_alloc : memref<!tpu.dma_semaphore, #tpu.memory_space<semaphore_mem>>
      %dma_start3A_934 = tpu.memref_slice %arg6[%mul3A_2] : memref<10240xf32, #tpu.memory_space<hbm>> -> memref<640xf32, #tpu.memory_space<hbm>>
      %dma_start3A_935 = tpu.memref_slice %arg24[%mul3A_2] : memref<10240xf32, #tpu.memory_space<vmem_shared>> -> memref<640xf32, #tpu.memory_space<vmem_shared>>
      tpu.enqueue_dma source(%dma_start3A_935 : memref<640xf32, #tpu.memory_space<vmem_shared>>) target(%dma_start3A_934 : memref<640xf32, #tpu.memory_space<hbm>>) target_semaphore(%run_scoped3A : memref<!tpu.dma_semaphore, #tpu.memory_space<semaphore_mem>>)
      %dma_wait3A_936 = tpu.memref_slice %arg6[%mul3A_2] : memref<10240xf32, #tpu.memory_space<hbm>> -> memref<640xf32, #tpu.memory_space<hbm>>
      %dma_wait3A_937 = tpu.memref_slice %arg24[%mul3A_2] : memref<10240xf32, #tpu.memory_space<vmem_shared>> -> memref<640xf32, #tpu.memory_space<vmem_shared>>
      tpu.wait_dma2 semaphore(%run_scoped3A : memref<!tpu.dma_semaphore, #tpu.memory_space<semaphore_mem>>) src(%dma_wait3A_937 : memref<640xf32, #tpu.memory_space<vmem_shared>>) dst(%dma_wait3A_936 : memref<640xf32, #tpu.memory_space<hbm>>)
      tpu.yield
    }) : () -> ()
    %barrier3A_808 = arith.constant 0 : index
    tpu.barrier barrier_id(%barrier3A_808)
    %dma_wait3A_809 = tpu.memref_slice %arg3[%add3A_793] : memref<320000xi32, #tpu.memory_space<hbm>> -> memref<2000xi32, #tpu.memory_space<hbm>>
    %dma_wait3A_810 = tpu.memref_slice %arg3[%add3A_793] : memref<320000xi32, #tpu.memory_space<hbm>> -> memref<2000xi32, #tpu.memory_space<hbm>>
    tpu.wait_dma2 semaphore(%arg13 : memref<!tpu.dma_semaphore, #tpu.memory_space<semaphore_mem>>) src(%dma_wait3A_810 : memref<2000xi32, #tpu.memory_space<hbm>>) dst(%arg7 : memref<2000xi32, #tpu.memory_space<vmem>>)
    %dma_wait3A_811 = tpu.memref_slice %arg4[%add3A_793] : memref<320000xi32, #tpu.memory_space<hbm>> -> memref<2000xi32, #tpu.memory_space<hbm>>
    %dma_wait3A_812 = tpu.memref_slice %arg4[%add3A_793] : memref<320000xi32, #tpu.memory_space<hbm>> -> memref<2000xi32, #tpu.memory_space<hbm>>
    tpu.wait_dma2 semaphore(%arg13 : memref<!tpu.dma_semaphore, #tpu.memory_space<semaphore_mem>>) src(%dma_wait3A_812 : memref<2000xi32, #tpu.memory_space<hbm>>) dst(%arg8 : memref<2000xi32, #tpu.memory_space<vmem>>)
    %dma_start3A_813 = arith.constant 0 : i32
    %dma_start3A_814 = arith.constant 0 : i32
    %dma_start3A_815 = tpu.memref_slice %arg25[%dma_start3A_813, %dma_start3A_814] : memref<10240x16xf32, #tpu.memory_space<vmem_shared>> -> memref<10240x16xf32, #tpu.memory_space<vmem_shared>>
    tpu.enqueue_indirect_dma source(%dma_start3A_815 : memref<10240x16xf32, #tpu.memory_space<vmem_shared>>) target(%arg9 : memref<2000x16xf32, #tpu.memory_space<vmem>>) offsets(%arg7 : memref<2000xi32, #tpu.memory_space<vmem>>) semaphore(%arg14 : memref<!tpu.dma_semaphore, #tpu.memory_space<semaphore_mem>>)
    %mul3A_816 = arith.constant 160000 : i32
    %mul3A_817 = arith.muli %arg0, %mul3A_816 : i32
    %mul3A_818 = arith.constant 10000 : i32
    %mul3A_819 = arith.muli %arg1, %mul3A_818 : i32
    %add3A_820 = arith.addi %mul3A_817, %mul3A_819 : i32
    %add3A_821 = arith.constant 2000 : i32
    %add3A_822 = arith.addi %add3A_820, %add3A_821 : i32
    %dma_start3A_823 = tpu.memref_slice %arg3[%add3A_822] : memref<320000xi32, #tpu.memory_space<hbm>> -> memref<2000xi32, #tpu.memory_space<hbm>>
    %dma_start3A_824 = tpu.memref_slice %arg3[%add3A_822] : memref<320000xi32, #tpu.memory_space<hbm>> -> memref<2000xi32, #tpu.memory_space<hbm>>
    tpu.enqueue_dma source(%dma_start3A_824 : memref<2000xi32, #tpu.memory_space<hbm>>) target(%arg10 : memref<2000xi32, #tpu.memory_space<vmem>>) target_semaphore(%arg16 : memref<!tpu.dma_semaphore, #tpu.memory_space<semaphore_mem>>)
    %dma_start3A_825 = tpu.memref_slice %arg4[%add3A_822] : memref<320000xi32, #tpu.memory_space<hbm>> -> memref<2000xi32, #tpu.memory_space<hbm>>
    %dma_start3A_826 = tpu.memref_slice %arg4[%add3A_822] : memref<320000xi32, #tpu.memory_space<hbm>> -> memref<2000xi32, #tpu.memory_space<hbm>>
    tpu.enqueue_dma source(%dma_start3A_826 : memref<2000xi32, #tpu.memory_space<hbm>>) target(%arg11 : memref<2000xi32, #tpu.memory_space<vmem>>) target_semaphore(%arg16 : memref<!tpu.dma_semaphore, #tpu.memory_space<semaphore_mem>>)
    %dma_wait3A_827 = arith.constant 0 : i32
    %dma_wait3A_828 = arith.constant 0 : i32
    %dma_wait3A_829 = tpu.memref_slice %arg25[%dma_wait3A_827, %dma_wait3A_828] : memref<10240x16xf32, #tpu.memory_space<vmem_shared>> -> memref<10240x16xf32, #tpu.memory_space<vmem_shared>>
    tpu.wait_indirect_dma semaphore(%arg14 : memref<!tpu.dma_semaphore, #tpu.memory_space<semaphore_mem>>) src(%dma_wait3A_829 : memref<10240x16xf32, #tpu.memory_space<vmem_shared>>) dst(%arg9 : memref<2000x16xf32, #tpu.memory_space<vmem>>)
    %dma_start3A_830 = arith.constant 0 : i32
    %dma_start3A_831 = arith.constant 0 : i32
    %dma_start3A_832 = tpu.memref_slice %arg26[%dma_start3A_830, %dma_start3A_831] : memref<10240x16xf32, #tpu.memory_space<vmem_shared>> -> memref<10240x16xf32, #tpu.memory_space<vmem_shared>>
    tpu.enqueue_indirect_dma source(%arg9 : memref<2000x16xf32, #tpu.memory_space<vmem>>) target(%dma_start3A_832 : memref<10240x16xf32, #tpu.memory_space<vmem_shared>>) offsets(%arg8 : memref<2000xi32, #tpu.memory_space<vmem>>) semaphore(%arg15 : memref<!tpu.dma_semaphore, #tpu.memory_space<semaphore_mem>>) {add = true}
    %dma_wait3A_833 = tpu.memref_slice %arg3[%add3A_822] : memref<320000xi32, #tpu.memory_space<hbm>> -> memref<2000xi32, #tpu.memory_space<hbm>>
    %dma_wait3A_834 = tpu.memref_slice %arg3[%add3A_822] : memref<320000xi32, #tpu.memory_space<hbm>> -> memref<2000xi32, #tpu.memory_space<hbm>>
    tpu.wait_dma2 semaphore(%arg16 : memref<!tpu.dma_semaphore, #tpu.memory_space<semaphore_mem>>) src(%dma_wait3A_834 : memref<2000xi32, #tpu.memory_space<hbm>>) dst(%arg10 : memref<2000xi32, #tpu.memory_space<vmem>>)
    %dma_wait3A_835 = tpu.memref_slice %arg4[%add3A_822] : memref<320000xi32, #tpu.memory_space<hbm>> -> memref<2000xi32, #tpu.memory_space<hbm>>
    %dma_wait3A_836 = tpu.memref_slice %arg4[%add3A_822] : memref<320000xi32, #tpu.memory_space<hbm>> -> memref<2000xi32, #tpu.memory_space<hbm>>
    tpu.wait_dma2 semaphore(%arg16 : memref<!tpu.dma_semaphore, #tpu.memory_space<semaphore_mem>>) src(%dma_wait3A_836 : memref<2000xi32, #tpu.memory_space<hbm>>) dst(%arg11 : memref<2000xi32, #tpu.memory_space<vmem>>)
    %dma_start3A_837 = arith.constant 0 : i32
    %dma_start3A_838 = arith.constant 0 : i32
    %dma_start3A_839 = tpu.memref_slice %arg25[%dma_start3A_837, %dma_start3A_838] : memref<10240x16xf32, #tpu.memory_space<vmem_shared>> -> memref<10240x16xf32, #tpu.memory_space<vmem_shared>>
    tpu.enqueue_indirect_dma source(%dma_start3A_839 : memref<10240x16xf32, #tpu.memory_space<vmem_shared>>) target(%arg12 : memref<2000x16xf32, #tpu.memory_space<vmem>>) offsets(%arg10 : memref<2000xi32, #tpu.memory_space<vmem>>) semaphore(%arg17 : memref<!tpu.dma_semaphore, #tpu.memory_space<semaphore_mem>>)
    %dma_wait3A_840 = arith.constant 0 : i32
    %dma_wait3A_841 = arith.constant 0 : i32
    %dma_wait3A_842 = tpu.memref_slice %arg26[%dma_wait3A_840, %dma_wait3A_841] : memref<10240x16xf32, #tpu.memory_space<vmem_shared>> -> memref<10240x16xf32, #tpu.memory_space<vmem_shared>>
    tpu.wait_indirect_dma semaphore(%arg15 : memref<!tpu.dma_semaphore, #tpu.memory_space<semaphore_mem>>) src(%arg9 : memref<2000x16xf32, #tpu.memory_space<vmem>>) dst(%dma_wait3A_842 : memref<10240x16xf32, #tpu.memory_space<vmem_shared>>)
    %mul3A_843 = arith.constant 160000 : i32
    %mul3A_844 = arith.muli %arg0, %mul3A_843 : i32
    %mul3A_845 = arith.constant 10000 : i32
    %mul3A_846 = arith.muli %arg1, %mul3A_845 : i32
    %add3A_847 = arith.addi %mul3A_844, %mul3A_846 : i32
    %add3A_848 = arith.constant 4000 : i32
    %add3A_849 = arith.addi %add3A_847, %add3A_848 : i32
    %dma_start3A_850 = tpu.memref_slice %arg3[%add3A_849] : memref<320000xi32, #tpu.memory_space<hbm>> -> memref<2000xi32, #tpu.memory_space<hbm>>
    %dma_start3A_851 = tpu.memref_slice %arg3[%add3A_849] : memref<320000xi32, #tpu.memory_space<hbm>> -> memref<2000xi32, #tpu.memory_space<hbm>>
    tpu.enqueue_dma source(%dma_start3A_851 : memref<2000xi32, #tpu.memory_space<hbm>>) target(%arg7 : memref<2000xi32, #tpu.memory_space<vmem>>) target_semaphore(%arg13 : memref<!tpu.dma_semaphore, #tpu.memory_space<semaphore_mem>>)
    %dma_start3A_852 = tpu.memref_slice %arg4[%add3A_849] : memref<320000xi32, #tpu.memory_space<hbm>> -> memref<2000xi32, #tpu.memory_space<hbm>>
    %dma_start3A_853 = tpu.memref_slice %arg4[%add3A_849] : memref<320000xi32, #tpu.memory_space<hbm>> -> memref<2000xi32, #tpu.memory_space<hbm>>
    tpu.enqueue_dma source(%dma_start3A_853 : memref<2000xi32, #tpu.memory_space<hbm>>) target(%arg8 : memref<2000xi32, #tpu.memory_space<vmem>>) target_semaphore(%arg13 : memref<!tpu.dma_semaphore, #tpu.memory_space<semaphore_mem>>)
    %dma_wait3A_854 = arith.constant 0 : i32
    %dma_wait3A_855 = arith.constant 0 : i32
    %dma_wait3A_856 = tpu.memref_slice %arg25[%dma_wait3A_854, %dma_wait3A_855] : memref<10240x16xf32, #tpu.memory_space<vmem_shared>> -> memref<10240x16xf32, #tpu.memory_space<vmem_shared>>
    tpu.wait_indirect_dma semaphore(%arg17 : memref<!tpu.dma_semaphore, #tpu.memory_space<semaphore_mem>>) src(%dma_wait3A_856 : memref<10240x16xf32, #tpu.memory_space<vmem_shared>>) dst(%arg12 : memref<2000x16xf32, #tpu.memory_space<vmem>>)
    %dma_start3A_857 = arith.constant 0 : i32
    %dma_start3A_858 = arith.constant 0 : i32
    %dma_start3A_859 = tpu.memref_slice %arg26[%dma_start3A_857, %dma_start3A_858] : memref<10240x16xf32, #tpu.memory_space<vmem_shared>> -> memref<10240x16xf32, #tpu.memory_space<vmem_shared>>
    tpu.enqueue_indirect_dma source(%arg12 : memref<2000x16xf32, #tpu.memory_space<vmem>>) target(%dma_start3A_859 : memref<10240x16xf32, #tpu.memory_space<vmem_shared>>) offsets(%arg11 : memref<2000xi32, #tpu.memory_space<vmem>>) semaphore(%arg18 : memref<!tpu.dma_semaphore, #tpu.memory_space<semaphore_mem>>) {add = true}
    %dma_wait3A_860 = tpu.memref_slice %arg3[%add3A_849] : memref<320000xi32, #tpu.memory_space<hbm>> -> memref<2000xi32, #tpu.memory_space<hbm>>
    %dma_wait3A_861 = tpu.memref_slice %arg3[%add3A_849] : memref<320000xi32, #tpu.memory_space<hbm>> -> memref<2000xi32, #tpu.memory_space<hbm>>
    tpu.wait_dma2 semaphore(%arg13 : memref<!tpu.dma_semaphore, #tpu.memory_space<semaphore_mem>>) src(%dma_wait3A_861 : memref<2000xi32, #tpu.memory_space<hbm>>) dst(%arg7 : memref<2000xi32, #tpu.memory_space<vmem>>)
    %dma_wait3A_862 = tpu.memref_slice %arg4[%add3A_849] : memref<320000xi32, #tpu.memory_space<hbm>> -> memref<2000xi32, #tpu.memory_space<hbm>>
    %dma_wait3A_863 = tpu.memref_slice %arg4[%add3A_849] : memref<320000xi32, #tpu.memory_space<hbm>> -> memref<2000xi32, #tpu.memory_space<hbm>>
    tpu.wait_dma2 semaphore(%arg13 : memref<!tpu.dma_semaphore, #tpu.memory_space<semaphore_mem>>) src(%dma_wait3A_863 : memref<2000xi32, #tpu.memory_space<hbm>>) dst(%arg8 : memref<2000xi32, #tpu.memory_space<vmem>>)
    %dma_start3A_864 = arith.constant 0 : i32
    %dma_start3A_865 = arith.constant 0 : i32
    %dma_start3A_866 = tpu.memref_slice %arg25[%dma_start3A_864, %dma_start3A_865] : memref<10240x16xf32, #tpu.memory_space<vmem_shared>> -> memref<10240x16xf32, #tpu.memory_space<vmem_shared>>
    tpu.enqueue_indirect_dma source(%dma_start3A_866 : memref<10240x16xf32, #tpu.memory_space<vmem_shared>>) target(%arg9 : memref<2000x16xf32, #tpu.memory_space<vmem>>) offsets(%arg7 : memref<2000xi32, #tpu.memory_space<vmem>>) semaphore(%arg14 : memref<!tpu.dma_semaphore, #tpu.memory_space<semaphore_mem>>)
    %dma_wait3A_867 = arith.constant 0 : i32
    %dma_wait3A_868 = arith.constant 0 : i32
    %dma_wait3A_869 = tpu.memref_slice %arg26[%dma_wait3A_867, %dma_wait3A_868] : memref<10240x16xf32, #tpu.memory_space<vmem_shared>> -> memref<10240x16xf32, #tpu.memory_space<vmem_shared>>
    tpu.wait_indirect_dma semaphore(%arg18 : memref<!tpu.dma_semaphore, #tpu.memory_space<semaphore_mem>>) src(%arg12 : memref<2000x16xf32, #tpu.memory_space<vmem>>) dst(%dma_wait3A_869 : memref<10240x16xf32, #tpu.memory_space<vmem_shared>>)
    %mul3A_870 = arith.constant 160000 : i32
    %mul3A_871 = arith.muli %arg0, %mul3A_870 : i32
    %mul3A_872 = arith.constant 10000 : i32
    %mul3A_873 = arith.muli %arg1, %mul3A_872 : i32
    %add3A_874 = arith.addi %mul3A_871, %mul3A_873 : i32
    %add3A_875 = arith.constant 6000 : i32
    %add3A_876 = arith.addi %add3A_874, %add3A_875 : i32
    %dma_start3A_877 = tpu.memref_slice %arg3[%add3A_876] : memref<320000xi32, #tpu.memory_space<hbm>> -> memref<2000xi32, #tpu.memory_space<hbm>>
    %dma_start3A_878 = tpu.memref_slice %arg3[%add3A_876] : memref<320000xi32, #tpu.memory_space<hbm>> -> memref<2000xi32, #tpu.memory_space<hbm>>
    tpu.enqueue_dma source(%dma_start3A_878 : memref<2000xi32, #tpu.memory_space<hbm>>) target(%arg10 : memref<2000xi32, #tpu.memory_space<vmem>>) target_semaphore(%arg16 : memref<!tpu.dma_semaphore, #tpu.memory_space<semaphore_mem>>)
    %dma_start3A_879 = tpu.memref_slice %arg4[%add3A_876] : memref<320000xi32, #tpu.memory_space<hbm>> -> memref<2000xi32, #tpu.memory_space<hbm>>
    %dma_start3A_880 = tpu.memref_slice %arg4[%add3A_876] : memref<320000xi32, #tpu.memory_space<hbm>> -> memref<2000xi32, #tpu.memory_space<hbm>>
    tpu.enqueue_dma source(%dma_start3A_880 : memref<2000xi32, #tpu.memory_space<hbm>>) target(%arg11 : memref<2000xi32, #tpu.memory_space<vmem>>) target_semaphore(%arg16 : memref<!tpu.dma_semaphore, #tpu.memory_space<semaphore_mem>>)
    %dma_wait3A_881 = arith.constant 0 : i32
    %dma_wait3A_882 = arith.constant 0 : i32
    %dma_wait3A_883 = tpu.memref_slice %arg25[%dma_wait3A_881, %dma_wait3A_882] : memref<10240x16xf32, #tpu.memory_space<vmem_shared>> -> memref<10240x16xf32, #tpu.memory_space<vmem_shared>>
    tpu.wait_indirect_dma semaphore(%arg14 : memref<!tpu.dma_semaphore, #tpu.memory_space<semaphore_mem>>) src(%dma_wait3A_883 : memref<10240x16xf32, #tpu.memory_space<vmem_shared>>) dst(%arg9 : memref<2000x16xf32, #tpu.memory_space<vmem>>)
    %dma_start3A_884 = arith.constant 0 : i32
    %dma_start3A_885 = arith.constant 0 : i32
    %dma_start3A_886 = tpu.memref_slice %arg26[%dma_start3A_884, %dma_start3A_885] : memref<10240x16xf32, #tpu.memory_space<vmem_shared>> -> memref<10240x16xf32, #tpu.memory_space<vmem_shared>>
    tpu.enqueue_indirect_dma source(%arg9 : memref<2000x16xf32, #tpu.memory_space<vmem>>) target(%dma_start3A_886 : memref<10240x16xf32, #tpu.memory_space<vmem_shared>>) offsets(%arg8 : memref<2000xi32, #tpu.memory_space<vmem>>) semaphore(%arg15 : memref<!tpu.dma_semaphore, #tpu.memory_space<semaphore_mem>>) {add = true}
    %dma_wait3A_887 = tpu.memref_slice %arg3[%add3A_876] : memref<320000xi32, #tpu.memory_space<hbm>> -> memref<2000xi32, #tpu.memory_space<hbm>>
    %dma_wait3A_888 = tpu.memref_slice %arg3[%add3A_876] : memref<320000xi32, #tpu.memory_space<hbm>> -> memref<2000xi32, #tpu.memory_space<hbm>>
    tpu.wait_dma2 semaphore(%arg16 : memref<!tpu.dma_semaphore, #tpu.memory_space<semaphore_mem>>) src(%dma_wait3A_888 : memref<2000xi32, #tpu.memory_space<hbm>>) dst(%arg10 : memref<2000xi32, #tpu.memory_space<vmem>>)
    %dma_wait3A_889 = tpu.memref_slice %arg4[%add3A_876] : memref<320000xi32, #tpu.memory_space<hbm>> -> memref<2000xi32, #tpu.memory_space<hbm>>
    %dma_wait3A_890 = tpu.memref_slice %arg4[%add3A_876] : memref<320000xi32, #tpu.memory_space<hbm>> -> memref<2000xi32, #tpu.memory_space<hbm>>
    tpu.wait_dma2 semaphore(%arg16 : memref<!tpu.dma_semaphore, #tpu.memory_space<semaphore_mem>>) src(%dma_wait3A_890 : memref<2000xi32, #tpu.memory_space<hbm>>) dst(%arg11 : memref<2000xi32, #tpu.memory_space<vmem>>)
    %dma_start3A_891 = arith.constant 0 : i32
    %dma_start3A_892 = arith.constant 0 : i32
    %dma_start3A_893 = tpu.memref_slice %arg25[%dma_start3A_891, %dma_start3A_892] : memref<10240x16xf32, #tpu.memory_space<vmem_shared>> -> memref<10240x16xf32, #tpu.memory_space<vmem_shared>>
    tpu.enqueue_indirect_dma source(%dma_start3A_893 : memref<10240x16xf32, #tpu.memory_space<vmem_shared>>) target(%arg12 : memref<2000x16xf32, #tpu.memory_space<vmem>>) offsets(%arg10 : memref<2000xi32, #tpu.memory_space<vmem>>) semaphore(%arg17 : memref<!tpu.dma_semaphore, #tpu.memory_space<semaphore_mem>>)
    %dma_wait3A_894 = arith.constant 0 : i32
    %dma_wait3A_895 = arith.constant 0 : i32
    %dma_wait3A_896 = tpu.memref_slice %arg26[%dma_wait3A_894, %dma_wait3A_895] : memref<10240x16xf32, #tpu.memory_space<vmem_shared>> -> memref<10240x16xf32, #tpu.memory_space<vmem_shared>>
    tpu.wait_indirect_dma semaphore(%arg15 : memref<!tpu.dma_semaphore, #tpu.memory_space<semaphore_mem>>) src(%arg9 : memref<2000x16xf32, #tpu.memory_space<vmem>>) dst(%dma_wait3A_896 : memref<10240x16xf32, #tpu.memory_space<vmem_shared>>)
    %mul3A_897 = arith.constant 160000 : i32
    %mul3A_898 = arith.muli %arg0, %mul3A_897 : i32
    %mul3A_899 = arith.constant 10000 : i32
    %mul3A_900 = arith.muli %arg1, %mul3A_899 : i32
    %add3A_901 = arith.addi %mul3A_898, %mul3A_900 : i32
    %add3A_902 = arith.constant 8000 : i32
    %add3A_903 = arith.addi %add3A_901, %add3A_902 : i32
    %dma_start3A_904 = tpu.memref_slice %arg3[%add3A_903] : memref<320000xi32, #tpu.memory_space<hbm>> -> memref<2000xi32, #tpu.memory_space<hbm>>
    %dma_start3A_905 = tpu.memref_slice %arg3[%add3A_903] : memref<320000xi32, #tpu.memory_space<hbm>> -> memref<2000xi32, #tpu.memory_space<hbm>>
    tpu.enqueue_dma source(%dma_start3A_905 : memref<2000xi32, #tpu.memory_space<hbm>>) target(%arg7 : memref<2000xi32, #tpu.memory_space<vmem>>) target_semaphore(%arg13 : memref<!tpu.dma_semaphore, #tpu.memory_space<semaphore_mem>>)
    %dma_start3A_906 = tpu.memref_slice %arg4[%add3A_903] : memref<320000xi32, #tpu.memory_space<hbm>> -> memref<2000xi32, #tpu.memory_space<hbm>>
    %dma_start3A_907 = tpu.memref_slice %arg4[%add3A_903] : memref<320000xi32, #tpu.memory_space<hbm>> -> memref<2000xi32, #tpu.memory_space<hbm>>
    tpu.enqueue_dma source(%dma_start3A_907 : memref<2000xi32, #tpu.memory_space<hbm>>) target(%arg8 : memref<2000xi32, #tpu.memory_space<vmem>>) target_semaphore(%arg13 : memref<!tpu.dma_semaphore, #tpu.memory_space<semaphore_mem>>)
    %dma_wait3A_908 = arith.constant 0 : i32
    %dma_wait3A_909 = arith.constant 0 : i32
    %dma_wait3A_910 = tpu.memref_slice %arg25[%dma_wait3A_908, %dma_wait3A_909] : memref<10240x16xf32, #tpu.memory_space<vmem_shared>> -> memref<10240x16xf32, #tpu.memory_space<vmem_shared>>
    tpu.wait_indirect_dma semaphore(%arg17 : memref<!tpu.dma_semaphore, #tpu.memory_space<semaphore_mem>>) src(%dma_wait3A_910 : memref<10240x16xf32, #tpu.memory_space<vmem_shared>>) dst(%arg12 : memref<2000x16xf32, #tpu.memory_space<vmem>>)
    %dma_start3A_911 = arith.constant 0 : i32
    %dma_start3A_912 = arith.constant 0 : i32
    %dma_start3A_913 = tpu.memref_slice %arg26[%dma_start3A_911, %dma_start3A_912] : memref<10240x16xf32, #tpu.memory_space<vmem_shared>> -> memref<10240x16xf32, #tpu.memory_space<vmem_shared>>
    tpu.enqueue_indirect_dma source(%arg12 : memref<2000x16xf32, #tpu.memory_space<vmem>>) target(%dma_start3A_913 : memref<10240x16xf32, #tpu.memory_space<vmem_shared>>) offsets(%arg11 : memref<2000xi32, #tpu.memory_space<vmem>>) semaphore(%arg18 : memref<!tpu.dma_semaphore, #tpu.memory_space<semaphore_mem>>) {add = true}
    %dma_wait3A_914 = tpu.memref_slice %arg3[%add3A_903] : memref<320000xi32, #tpu.memory_space<hbm>> -> memref<2000xi32, #tpu.memory_space<hbm>>
    %dma_wait3A_915 = tpu.memref_slice %arg3[%add3A_903] : memref<320000xi32, #tpu.memory_space<hbm>> -> memref<2000xi32, #tpu.memory_space<hbm>>
    tpu.wait_dma2 semaphore(%arg13 : memref<!tpu.dma_semaphore, #tpu.memory_space<semaphore_mem>>) src(%dma_wait3A_915 : memref<2000xi32, #tpu.memory_space<hbm>>) dst(%arg7 : memref<2000xi32, #tpu.memory_space<vmem>>)
    %dma_wait3A_916 = tpu.memref_slice %arg4[%add3A_903] : memref<320000xi32, #tpu.memory_space<hbm>> -> memref<2000xi32, #tpu.memory_space<hbm>>
    %dma_wait3A_917 = tpu.memref_slice %arg4[%add3A_903] : memref<320000xi32, #tpu.memory_space<hbm>> -> memref<2000xi32, #tpu.memory_space<hbm>>
    tpu.wait_dma2 semaphore(%arg13 : memref<!tpu.dma_semaphore, #tpu.memory_space<semaphore_mem>>) src(%dma_wait3A_917 : memref<2000xi32, #tpu.memory_space<hbm>>) dst(%arg8 : memref<2000xi32, #tpu.memory_space<vmem>>)
    %dma_start3A_918 = arith.constant 0 : i32
    %dma_start3A_919 = arith.constant 0 : i32
    %dma_start3A_920 = tpu.memref_slice %arg25[%dma_start3A_918, %dma_start3A_919] : memref<10240x16xf32, #tpu.memory_space<vmem_shared>> -> memref<10240x16xf32, #tpu.memory_space<vmem_shared>>
    tpu.enqueue_indirect_dma source(%dma_start3A_920 : memref<10240x16xf32, #tpu.memory_space<vmem_shared>>) target(%arg9 : memref<2000x16xf32, #tpu.memory_space<vmem>>) offsets(%arg7 : memref<2000xi32, #tpu.memory_space<vmem>>) semaphore(%arg14 : memref<!tpu.dma_semaphore, #tpu.memory_space<semaphore_mem>>)
    %dma_wait3A_921 = arith.constant 0 : i32
    %dma_wait3A_922 = arith.constant 0 : i32
    %dma_wait3A_923 = tpu.memref_slice %arg25[%dma_wait3A_921, %dma_wait3A_922] : memref<10240x16xf32, #tpu.memory_space<vmem_shared>> -> memref<10240x16xf32, #tpu.memory_space<vmem_shared>>
    tpu.wait_indirect_dma semaphore(%arg14 : memref<!tpu.dma_semaphore, #tpu.memory_space<semaphore_mem>>) src(%dma_wait3A_923 : memref<10240x16xf32, #tpu.memory_space<vmem_shared>>) dst(%arg9 : memref<2000x16xf32, #tpu.memory_space<vmem>>)
    %dma_start3A_924 = arith.constant 0 : i32
    %dma_start3A_925 = arith.constant 0 : i32
    %dma_start3A_926 = tpu.memref_slice %arg26[%dma_start3A_924, %dma_start3A_925] : memref<10240x16xf32, #tpu.memory_space<vmem_shared>> -> memref<10240x16xf32, #tpu.memory_space<vmem_shared>>
    tpu.enqueue_indirect_dma source(%arg9 : memref<2000x16xf32, #tpu.memory_space<vmem>>) target(%dma_start3A_926 : memref<10240x16xf32, #tpu.memory_space<vmem_shared>>) offsets(%arg8 : memref<2000xi32, #tpu.memory_space<vmem>>) semaphore(%arg15 : memref<!tpu.dma_semaphore, #tpu.memory_space<semaphore_mem>>) {add = true}
    %dma_wait3A_927 = arith.constant 0 : i32
    %dma_wait3A_928 = arith.constant 0 : i32
    %dma_wait3A_929 = tpu.memref_slice %arg26[%dma_wait3A_927, %dma_wait3A_928] : memref<10240x16xf32, #tpu.memory_space<vmem_shared>> -> memref<10240x16xf32, #tpu.memory_space<vmem_shared>>
    tpu.wait_indirect_dma semaphore(%arg15 : memref<!tpu.dma_semaphore, #tpu.memory_space<semaphore_mem>>) src(%arg9 : memref<2000x16xf32, #tpu.memory_space<vmem>>) dst(%dma_wait3A_929 : memref<10240x16xf32, #tpu.memory_space<vmem_shared>>)
    %dma_wait3A_930 = arith.constant 0 : i32
    %dma_wait3A_931 = arith.constant 0 : i32
    %dma_wait3A_932 = tpu.memref_slice %arg26[%dma_wait3A_930, %dma_wait3A_931] : memref<10240x16xf32, #tpu.memory_space<vmem_shared>> -> memref<10240x16xf32, #tpu.memory_space<vmem_shared>>
    tpu.wait_indirect_dma semaphore(%arg18 : memref<!tpu.dma_semaphore, #tpu.memory_space<semaphore_mem>>) src(%arg12 : memref<2000x16xf32, #tpu.memory_space<vmem>>) dst(%dma_wait3A_932 : memref<10240x16xf32, #tpu.memory_space<vmem_shared>>)
    %barrier3A_933 = arith.constant 0 : index
    tpu.barrier barrier_id(%barrier3A_933)
    "tpu.region"() ({
      %run_scoped3A = tpu.sem_alloc : memref<!tpu.dma_semaphore, #tpu.memory_space<semaphore_mem>>
      %dma_start3A_934 = arith.constant 0 : i32
      %dma_start3A_935 = tpu.memref_slice %arg5[%arg0, %mul3A_0, %dma_start3A_934] : memref<2x10240x16xf32, #tpu.memory_space<hbm>> -> memref<1x640x16xf32, #tpu.memory_space<hbm>>
      %dma_start3A_936 = tpu.memref_squeeze %dma_start3A_935 : memref<1x640x16xf32, #tpu.memory_space<hbm>> -> memref<640x16xf32, #tpu.memory_space<hbm>>
      %dma_start3A_937 = arith.constant 0 : i32
      %dma_start3A_938 = tpu.memref_slice %arg26[%mul3A_0, %dma_start3A_937] : memref<10240x16xf32, #tpu.memory_space<vmem_shared>> -> memref<640x16xf32, #tpu.memory_space<vmem_shared>>
      tpu.enqueue_dma source(%dma_start3A_938 : memref<640x16xf32, #tpu.memory_space<vmem_shared>>) target(%dma_start3A_936 : memref<640x16xf32, #tpu.memory_space<hbm>>) target_semaphore(%run_scoped3A : memref<!tpu.dma_semaphore, #tpu.memory_space<semaphore_mem>>)
      %dma_wait3A_939 = arith.constant 0 : i32
      %dma_wait3A_940 = tpu.memref_slice %arg5[%arg0, %mul3A_0, %dma_wait3A_939] : memref<2x10240x16xf32, #tpu.memory_space<hbm>> -> memref<1x640x16xf32, #tpu.memory_space<hbm>>
      %dma_wait3A_941 = tpu.memref_squeeze %dma_wait3A_940 : memref<1x640x16xf32, #tpu.memory_space<hbm>> -> memref<640x16xf32, #tpu.memory_space<hbm>>
      %dma_wait3A_942 = arith.constant 0 : i32
      %dma_wait3A_943 = tpu.memref_slice %arg26[%mul3A_0, %dma_wait3A_942] : memref<10240x16xf32, #tpu.memory_space<vmem_shared>> -> memref<640x16xf32, #tpu.memory_space<vmem_shared>>
      tpu.wait_dma2 semaphore(%run_scoped3A : memref<!tpu.dma_semaphore, #tpu.memory_space<semaphore_mem>>) src(%dma_wait3A_943 : memref<640x16xf32, #tpu.memory_space<vmem_shared>>) dst(%dma_wait3A_941 : memref<640x16xf32, #tpu.memory_space<hbm>>)
      tpu.yield
    }) : () -> ()
    return
  }
}

#map = affine_map<(d0, d1) -> (0, 0, 0)>
#map1 = affine_map<(d0, d1) -> (0)>
module attributes {stable_mosaic.version = 14 : i64} {
  func.func @_sc_pass2(%arg0: i32, %arg1: i32, %arg2: memref<2x10240x16xf32, #tpu.memory_space<hbm>>, %arg3: memref<10240xf32, #tpu.memory_space<hbm>>, %arg4: memref<16xf32, #tpu.memory_space<hbm>>, %arg5: memref<320000xi32, #tpu.memory_space<hbm>>, %arg6: memref<320000xi32, #tpu.memory_space<hbm>>, %arg7: memref<2x10240x16xf32, #tpu.memory_space<hbm>>, %arg8: memref<2000xi32, #tpu.memory_space<vmem>>, %arg9: memref<2000xi32, #tpu.memory_space<vmem>>, %arg10: memref<2000x16xf32, #tpu.memory_space<vmem>>, %arg11: memref<2000xi32, #tpu.memory_space<vmem>>, %arg12: memref<2000xi32, #tpu.memory_space<vmem>>, %arg13: memref<2000x16xf32, #tpu.memory_space<vmem>>, %arg14: memref<!tpu.dma_semaphore, #tpu.memory_space<semaphore_mem>>, %arg15: memref<!tpu.dma_semaphore, #tpu.memory_space<semaphore_mem>>, %arg16: memref<!tpu.dma_semaphore, #tpu.memory_space<semaphore_mem>>, %arg17: memref<!tpu.dma_semaphore, #tpu.memory_space<semaphore_mem>>, %arg18: memref<!tpu.dma_semaphore, #tpu.memory_space<semaphore_mem>>, %arg19: memref<!tpu.dma_semaphore, #tpu.memory_space<semaphore_mem>>, %arg20: memref<640x16xf32, #tpu.memory_space<vmem>>, %arg21: memref<640x16xf32, #tpu.memory_space<vmem>>, %arg22: memref<640xf32, #tpu.memory_space<vmem>>, %arg23: memref<640xf32, #tpu.memory_space<vmem>>, %arg24: memref<16xf32, #tpu.memory_space<vmem>>, %arg25: memref<10240x16xf32, #tpu.memory_space<vmem_shared>>, %arg26: memref<10240x16xf32, #tpu.memory_space<vmem_shared>>) attributes {dimension_semantics = [#tpu.dimension_semantics<core_parallel>, #tpu.dimension_semantics<subcore_parallel>], iteration_bounds = array<i64: 2, 16>, scalar_prefetch = 0 : i64, scratch_operands = 19 : i64, tpu.core_type = #tpu.core_type<sc_vector_subcore>, window_params = [{transform_indices = #map}, {transform_indices = #map1}, {transform_indices = #map1}, {transform_indices = #map1}, {transform_indices = #map1}, {transform_indices = #map}]} {
    %mul3A = arith.constant 640 : i32
    %mul3A_0 = arith.muli %arg1, %mul3A : i32
    %mul3A_1 = arith.constant 160000 : i32
    %mul3A_2 = arith.muli %arg0, %mul3A_1 : i32
    %mul3A_3 = arith.constant 10000 : i32
    %mul3A_4 = arith.muli %arg1, %mul3A_3 : i32
    %add3A = arith.addi %mul3A_2, %mul3A_4 : i32
    %add3A_5 = arith.constant 0 : i32
    %add3A_6 = arith.addi %add3A, %add3A_5 : i32
    %dma_start3A = tpu.memref_slice %arg5[%add3A_6] : memref<320000xi32, #tpu.memory_space<hbm>> -> memref<2000xi32, #tpu.memory_space<hbm>>
    %dma_start3A_7 = tpu.memref_slice %arg5[%add3A_6] : memref<320000xi32, #tpu.memory_space<hbm>> -> memref<2000xi32, #tpu.memory_space<hbm>>
    tpu.enqueue_dma source(%dma_start3A_7 : memref<2000xi32, #tpu.memory_space<hbm>>) target(%arg8 : memref<2000xi32, #tpu.memory_space<vmem>>) target_semaphore(%arg14 : memref<!tpu.dma_semaphore, #tpu.memory_space<semaphore_mem>>)
    %dma_start3A_8 = tpu.memref_slice %arg6[%add3A_6] : memref<320000xi32, #tpu.memory_space<hbm>> -> memref<2000xi32, #tpu.memory_space<hbm>>
    %dma_start3A_9 = tpu.memref_slice %arg6[%add3A_6] : memref<320000xi32, #tpu.memory_space<hbm>> -> memref<2000xi32, #tpu.memory_space<hbm>>
    tpu.enqueue_dma source(%dma_start3A_9 : memref<2000xi32, #tpu.memory_space<hbm>>) target(%arg9 : memref<2000xi32, #tpu.memory_space<vmem>>) target_semaphore(%arg14 : memref<!tpu.dma_semaphore, #tpu.memory_space<semaphore_mem>>)
    %dma_start3A_10 = arith.constant 0 : i32
    %dma_start3A_11 = arith.constant 0 : i32
    %dma_start3A_12 = tpu.memref_slice %arg2[%dma_start3A_10, %mul3A_0, %dma_start3A_11] : memref<2x10240x16xf32, #tpu.memory_space<hbm>> -> memref<1x640x16xf32, #tpu.memory_space<hbm>>
    %dma_start3A_13 = tpu.memref_squeeze %dma_start3A_12 : memref<1x640x16xf32, #tpu.memory_space<hbm>> -> memref<640x16xf32, #tpu.memory_space<hbm>>
    %dma_start3A_14 = arith.constant 0 : i32
    %dma_start3A_15 = tpu.memref_slice %arg2[%dma_start3A_10, %mul3A_0, %dma_start3A_14] : memref<2x10240x16xf32, #tpu.memory_space<hbm>> -> memref<1x640x16xf32, #tpu.memory_space<hbm>>
    %dma_start3A_16 = tpu.memref_squeeze %dma_start3A_15 : memref<1x640x16xf32, #tpu.memory_space<hbm>> -> memref<640x16xf32, #tpu.memory_space<hbm>>
    tpu.enqueue_dma source(%dma_start3A_16 : memref<640x16xf32, #tpu.memory_space<hbm>>) target(%arg20 : memref<640x16xf32, #tpu.memory_space<vmem>>) target_semaphore(%arg14 : memref<!tpu.dma_semaphore, #tpu.memory_space<semaphore_mem>>)
    %dma_start3A_17 = arith.constant 1 : i32
    %dma_start3A_18 = arith.constant 0 : i32
    %dma_start3A_19 = tpu.memref_slice %arg2[%dma_start3A_17, %mul3A_0, %dma_start3A_18] : memref<2x10240x16xf32, #tpu.memory_space<hbm>> -> memref<1x640x16xf32, #tpu.memory_space<hbm>>
    %dma_start3A_20 = tpu.memref_squeeze %dma_start3A_19 : memref<1x640x16xf32, #tpu.memory_space<hbm>> -> memref<640x16xf32, #tpu.memory_space<hbm>>
    %dma_start3A_21 = arith.constant 0 : i32
    %dma_start3A_22 = tpu.memref_slice %arg2[%dma_start3A_17, %mul3A_0, %dma_start3A_21] : memref<2x10240x16xf32, #tpu.memory_space<hbm>> -> memref<1x640x16xf32, #tpu.memory_space<hbm>>
    %dma_start3A_23 = tpu.memref_squeeze %dma_start3A_22 : memref<1x640x16xf32, #tpu.memory_space<hbm>> -> memref<640x16xf32, #tpu.memory_space<hbm>>
    tpu.enqueue_dma source(%dma_start3A_23 : memref<640x16xf32, #tpu.memory_space<hbm>>) target(%arg21 : memref<640x16xf32, #tpu.memory_space<vmem>>) target_semaphore(%arg14 : memref<!tpu.dma_semaphore, #tpu.memory_space<semaphore_mem>>)
    %mul3A_24 = arith.constant 640 : i32
    %mul3A_25 = arith.muli %arg1, %mul3A_24 : i32
    %dma_start3A_26 = tpu.memref_slice %arg3[%mul3A_25] : memref<10240xf32, #tpu.memory_space<hbm>> -> memref<640xf32, #tpu.memory_space<hbm>>
    %dma_start3A_27 = tpu.memref_slice %arg3[%mul3A_25] : memref<10240xf32, #tpu.memory_space<hbm>> -> memref<640xf32, #tpu.memory_space<hbm>>
    tpu.enqueue_dma source(%dma_start3A_27 : memref<640xf32, #tpu.memory_space<hbm>>) target(%arg22 : memref<640xf32, #tpu.memory_space<vmem>>) target_semaphore(%arg14 : memref<!tpu.dma_semaphore, #tpu.memory_space<semaphore_mem>>)
    tpu.enqueue_dma source(%arg4 : memref<16xf32, #tpu.memory_space<hbm>>) target(%arg24 : memref<16xf32, #tpu.memory_space<vmem>>) target_semaphore(%arg14 : memref<!tpu.dma_semaphore, #tpu.memory_space<semaphore_mem>>)
    %dma_wait3A = arith.constant 0 : i32
    %dma_wait3A_28 = arith.constant 0 : i32
    %dma_wait3A_29 = tpu.memref_slice %arg2[%dma_wait3A, %mul3A_0, %dma_wait3A_28] : memref<2x10240x16xf32, #tpu.memory_space<hbm>> -> memref<1x640x16xf32, #tpu.memory_space<hbm>>
    %dma_wait3A_30 = tpu.memref_squeeze %dma_wait3A_29 : memref<1x640x16xf32, #tpu.memory_space<hbm>> -> memref<640x16xf32, #tpu.memory_space<hbm>>
    %dma_wait3A_31 = arith.constant 0 : i32
    %dma_wait3A_32 = tpu.memref_slice %arg2[%dma_wait3A, %mul3A_0, %dma_wait3A_31] : memref<2x10240x16xf32, #tpu.memory_space<hbm>> -> memref<1x640x16xf32, #tpu.memory_space<hbm>>
    %dma_wait3A_33 = tpu.memref_squeeze %dma_wait3A_32 : memref<1x640x16xf32, #tpu.memory_space<hbm>> -> memref<640x16xf32, #tpu.memory_space<hbm>>
    tpu.wait_dma2 semaphore(%arg14 : memref<!tpu.dma_semaphore, #tpu.memory_space<semaphore_mem>>) src(%dma_wait3A_33 : memref<640x16xf32, #tpu.memory_space<hbm>>) dst(%arg20 : memref<640x16xf32, #tpu.memory_space<vmem>>)
    %dma_wait3A_34 = arith.constant 1 : i32
    %dma_wait3A_35 = arith.constant 0 : i32
    %dma_wait3A_36 = tpu.memref_slice %arg2[%dma_wait3A_34, %mul3A_0, %dma_wait3A_35] : memref<2x10240x16xf32, #tpu.memory_space<hbm>> -> memref<1x640x16xf32, #tpu.memory_space<hbm>>
    %dma_wait3A_37 = tpu.memref_squeeze %dma_wait3A_36 : memref<1x640x16xf32, #tpu.memory_space<hbm>> -> memref<640x16xf32, #tpu.memory_space<hbm>>
    %dma_wait3A_38 = arith.constant 0 : i32
    %dma_wait3A_39 = tpu.memref_slice %arg2[%dma_wait3A_34, %mul3A_0, %dma_wait3A_38] : memref<2x10240x16xf32, #tpu.memory_space<hbm>> -> memref<1x640x16xf32, #tpu.memory_space<hbm>>
    %dma_wait3A_40 = tpu.memref_squeeze %dma_wait3A_39 : memref<1x640x16xf32, #tpu.memory_space<hbm>> -> memref<640x16xf32, #tpu.memory_space<hbm>>
    tpu.wait_dma2 semaphore(%arg14 : memref<!tpu.dma_semaphore, #tpu.memory_space<semaphore_mem>>) src(%dma_wait3A_40 : memref<640x16xf32, #tpu.memory_space<hbm>>) dst(%arg21 : memref<640x16xf32, #tpu.memory_space<vmem>>)
    %dma_wait3A_41 = tpu.memref_slice %arg3[%mul3A_25] : memref<10240xf32, #tpu.memory_space<hbm>> -> memref<640xf32, #tpu.memory_space<hbm>>
    %dma_wait3A_42 = tpu.memref_slice %arg3[%mul3A_25] : memref<10240xf32, #tpu.memory_space<hbm>> -> memref<640xf32, #tpu.memory_space<hbm>>
    tpu.wait_dma2 semaphore(%arg14 : memref<!tpu.dma_semaphore, #tpu.memory_space<semaphore_mem>>) src(%dma_wait3A_42 : memref<640xf32, #tpu.memory_space<hbm>>) dst(%arg22 : memref<640xf32, #tpu.memory_space<vmem>>)
    tpu.wait_dma2 semaphore(%arg14 : memref<!tpu.dma_semaphore, #tpu.memory_space<semaphore_mem>>) src(%arg4 : memref<16xf32, #tpu.memory_space<hbm>>) dst(%arg24 : memref<16xf32, #tpu.memory_space<vmem>>)
    %get3A = arith.constant 0 : index
    %get3A_43 = tpu.vector_load %arg24[%get3A] {strides = array<i32>} : memref<16xf32, #tpu.memory_space<vmem>>, vector<16xf32>,
    %get3A_44 = vector.shape_cast %get3A_43 : vector<16xf32> to vector<16xf32>
    %scan3A = arith.constant 0 : i32
    %scan3A_45 = arith.constant 0 : i32
    %scan3A_46 = arith.constant 40 : i32
    %scan3A_47 = arith.addi %scan3A_45, %scan3A_46 : i32
    %scan3A_48 = arith.constant 1 : i32
    %scan3A_49 = scf.for %scan3A_176 = %scan3A_45 to %scan3A_47 step %scan3A_48 iter_args(%scan3A_177 = %scan3A) -> (i32)  : i32 {
      %mul3A_178 = arith.constant 16 : i32
      %mul3A_179 = arith.muli %scan3A_176, %mul3A_178 : i32
      %get3A_180 = arith.index_cast %mul3A_179 : i32 to index
      %get3A_181 = tpu.vector_load %arg22[%get3A_180] {strides = array<i32>} : memref<640xf32, #tpu.memory_space<vmem>>, vector<16xf32>,
      %get3A_182 = vector.shape_cast %get3A_181 : vector<16xf32> to vector<16xf32>
      %add3A_183 = arith.constant 1.000000e+00 : f32
      %add3A_184 = vector.broadcast %add3A_183 : f32 to vector<16xf32>
      %add3A_185 = arith.addf %get3A_182, %add3A_184 : vector<16xf32>
      %bitcast_convert_type3A = tpu.bitcast %add3A_185 : vector<16xf32> -> vector<16xi32>
      %shift_right_logical3A = arith.constant 1 : i32
      %shift_right_logical3A_186 = vector.broadcast %shift_right_logical3A : i32 to vector<16xi32>
      %shift_right_logical3A_187 = arith.shrui %bitcast_convert_type3A, %shift_right_logical3A_186 : vector<16xi32>
      %sub3A = arith.constant 1597463007 : i32
      %sub3A_188 = vector.broadcast %sub3A : i32 to vector<16xi32>
      %sub3A_189 = arith.subi %sub3A_188, %shift_right_logical3A_187 : vector<16xi32>
      %bitcast_convert_type3A_190 = tpu.bitcast %sub3A_189 : vector<16xi32> -> vector<16xf32>
      %mul3A_191 = arith.constant 5.000000e-01 : f32
      %mul3A_192 = vector.broadcast %mul3A_191 : f32 to vector<16xf32>
      %mul3A_193 = arith.mulf %mul3A_192, %add3A_185 : vector<16xf32>
      %mul3A_194 = arith.mulf %mul3A_193, %bitcast_convert_type3A_190 : vector<16xf32>
      %mul3A_195 = arith.mulf %mul3A_194, %bitcast_convert_type3A_190 : vector<16xf32>
      %sub3A_196 = arith.constant 1.500000e+00 : f32
      %sub3A_197 = vector.broadcast %sub3A_196 : f32 to vector<16xf32>
      %sub3A_198 = arith.subf %sub3A_197, %mul3A_195 : vector<16xf32>
      %mul3A_199 = arith.mulf %bitcast_convert_type3A_190, %sub3A_198 : vector<16xf32>
      %mul3A_200 = arith.constant 5.000000e-01 : f32
      %mul3A_201 = vector.broadcast %mul3A_200 : f32 to vector<16xf32>
      %mul3A_202 = arith.mulf %mul3A_201, %add3A_185 : vector<16xf32>
      %mul3A_203 = arith.mulf %mul3A_202, %mul3A_199 : vector<16xf32>
      %mul3A_204 = arith.mulf %mul3A_203, %mul3A_199 : vector<16xf32>
      %sub3A_205 = arith.constant 1.500000e+00 : f32
      %sub3A_206 = vector.broadcast %sub3A_205 : f32 to vector<16xf32>
      %sub3A_207 = arith.subf %sub3A_206, %mul3A_204 : vector<16xf32>
      %mul3A_208 = arith.mulf %mul3A_199, %sub3A_207 : vector<16xf32>
      %mul3A_209 = arith.constant 5.000000e-01 : f32
      %mul3A_210 = vector.broadcast %mul3A_209 : f32 to vector<16xf32>
      %mul3A_211 = arith.mulf %mul3A_210, %add3A_185 : vector<16xf32>
      %mul3A_212 = arith.mulf %mul3A_211, %mul3A_208 : vector<16xf32>
      %mul3A_213 = arith.mulf %mul3A_212, %mul3A_208 : vector<16xf32>
      %sub3A_214 = arith.constant 1.500000e+00 : f32
      %sub3A_215 = vector.broadcast %sub3A_214 : f32 to vector<16xf32>
      %sub3A_216 = arith.subf %sub3A_215, %mul3A_213 : vector<16xf32>
      %mul3A_217 = arith.mulf %mul3A_208, %sub3A_216 : vector<16xf32>
      %mul3A_218 = arith.constant 16 : i32
      %mul3A_219 = arith.muli %scan3A_176, %mul3A_218 : i32
      %add3A_220 = arith.constant 0 : i32
      %add3A_221 = arith.addi %mul3A_219, %add3A_220 : i32
      %slice3A = vector.extract_strided_slice %mul3A_217 {offsets = [0], sizes = [1], strides = [1]} : vector<16xf32> to vector<1xf32>
      %squeeze3A = vector.extract %slice3A[0] : f32 from vector<1xf32>
      %get3A_222 = arith.index_cast %add3A_221 : i32 to index
      %get3A_223 = arith.constant 0 : index
      %get3A_224 = tpu.vector_load %arg20[%get3A_222, %get3A_223] {strides = array<i32>} : memref<640x16xf32, #tpu.memory_space<vmem>>, vector<1x16xf32>,
      %get3A_225 = vector.shape_cast %get3A_224 : vector<1x16xf32> to vector<16xf32>
      %get3A_226 = arith.index_cast %add3A_221 : i32 to index
      %get3A_227 = arith.constant 0 : index
      %get3A_228 = tpu.vector_load %arg21[%get3A_226, %get3A_227] {strides = array<i32>} : memref<640x16xf32, #tpu.memory_space<vmem>>, vector<1x16xf32>,
      %get3A_229 = vector.shape_cast %get3A_228 : vector<1x16xf32> to vector<16xf32>
      %add3A_230 = arith.addf %get3A_225, %get3A_229 : vector<16xf32>
      %mul3A_231 = arith.mulf %squeeze3A, %squeeze3A : f32
      %mul3A_232 = vector.broadcast %mul3A_231 : f32 to vector<16xf32>
      %mul3A_233 = arith.mulf %add3A_230, %mul3A_232 : vector<16xf32>
      %mul3A_234 = vector.broadcast %squeeze3A : f32 to vector<16xf32>
      %mul3A_235 = arith.mulf %get3A_44, %mul3A_234 : vector<16xf32>
      %add3A_236 = arith.addf %mul3A_233, %mul3A_235 : vector<16xf32>
      %swap3A = arith.index_cast %add3A_221 : i32 to index
      %swap3A_237 = arith.constant 0 : index
      %swap3A_238 = tpu.vector_load %arg20[%swap3A, %swap3A_237] {strides = array<i32>} : memref<640x16xf32, #tpu.memory_space<vmem>>, vector<1x16xf32>,
      %swap3A_239 = vector.shape_cast %swap3A_238 : vector<1x16xf32> to vector<16xf32>
      %swap3A_240 = vector.shape_cast %add3A_236 : vector<16xf32> to vector<1x16xf32>
      tpu.vector_store %arg20[%swap3A, %swap3A_237], %swap3A_240 {strides = array<i32>} : memref<640x16xf32, #tpu.memory_space<vmem>>, vector<1x16xf32>,
      %mul3A_241 = arith.constant 5.000000e-01 : f32
      %mul3A_242 = vector.broadcast %mul3A_241 : f32 to vector<16xf32>
      %mul3A_243 = arith.mulf %add3A_236, %mul3A_242 : vector<16xf32>
      %swap3A_244 = arith.index_cast %add3A_221 : i32 to index
      %swap3A_245 = arith.constant 0 : index
      %swap3A_246 = tpu.vector_load %arg21[%swap3A_244, %swap3A_245] {strides = array<i32>} : memref<640x16xf32, #tpu.memory_space<vmem>>, vector<1x16xf32>,
      %swap3A_247 = vector.shape_cast %swap3A_246 : vector<1x16xf32> to vector<16xf32>
      %swap3A_248 = vector.shape_cast %mul3A_243 : vector<16xf32> to vector<1x16xf32>
      tpu.vector_store %arg21[%swap3A_244, %swap3A_245], %swap3A_248 {strides = array<i32>} : memref<640x16xf32, #tpu.memory_space<vmem>>, vector<1x16xf32>,
      %mul3A_249 = arith.constant 16 : i32
      %mul3A_250 = arith.muli %scan3A_176, %mul3A_249 : i32
      %add3A_251 = arith.constant 1 : i32
      %add3A_252 = arith.addi %mul3A_250, %add3A_251 : i32
      %slice3A_253 = vector.extract_strided_slice %mul3A_217 {offsets = [1], sizes = [1], strides = [1]} : vector<16xf32> to vector<1xf32>
      %squeeze3A_254 = vector.extract %slice3A_253[0] : f32 from vector<1xf32>
      %get3A_255 = arith.index_cast %add3A_252 : i32 to index
      %get3A_256 = arith.constant 0 : index
      %get3A_257 = tpu.vector_load %arg20[%get3A_255, %get3A_256] {strides = array<i32>} : memref<640x16xf32, #tpu.memory_space<vmem>>, vector<1x16xf32>,
      %get3A_258 = vector.shape_cast %get3A_257 : vector<1x16xf32> to vector<16xf32>
      %get3A_259 = arith.index_cast %add3A_252 : i32 to index
      %get3A_260 = arith.constant 0 : index
      %get3A_261 = tpu.vector_load %arg21[%get3A_259, %get3A_260] {strides = array<i32>} : memref<640x16xf32, #tpu.memory_space<vmem>>, vector<1x16xf32>,
      %get3A_262 = vector.shape_cast %get3A_261 : vector<1x16xf32> to vector<16xf32>
      %add3A_263 = arith.addf %get3A_258, %get3A_262 : vector<16xf32>
      %mul3A_264 = arith.mulf %squeeze3A_254, %squeeze3A_254 : f32
      %mul3A_265 = vector.broadcast %mul3A_264 : f32 to vector<16xf32>
      %mul3A_266 = arith.mulf %add3A_263, %mul3A_265 : vector<16xf32>
      %mul3A_267 = vector.broadcast %squeeze3A_254 : f32 to vector<16xf32>
      %mul3A_268 = arith.mulf %get3A_44, %mul3A_267 : vector<16xf32>
      %add3A_269 = arith.addf %mul3A_266, %mul3A_268 : vector<16xf32>
      %swap3A_270 = arith.index_cast %add3A_252 : i32 to index
      %swap3A_271 = arith.constant 0 : index
      %swap3A_272 = tpu.vector_load %arg20[%swap3A_270, %swap3A_271] {strides = array<i32>} : memref<640x16xf32, #tpu.memory_space<vmem>>, vector<1x16xf32>,
      %swap3A_273 = vector.shape_cast %swap3A_272 : vector<1x16xf32> to vector<16xf32>
      %swap3A_274 = vector.shape_cast %add3A_269 : vector<16xf32> to vector<1x16xf32>
      tpu.vector_store %arg20[%swap3A_270, %swap3A_271], %swap3A_274 {strides = array<i32>} : memref<640x16xf32, #tpu.memory_space<vmem>>, vector<1x16xf32>,
      %mul3A_275 = arith.constant 5.000000e-01 : f32
      %mul3A_276 = vector.broadcast %mul3A_275 : f32 to vector<16xf32>
      %mul3A_277 = arith.mulf %add3A_269, %mul3A_276 : vector<16xf32>
      %swap3A_278 = arith.index_cast %add3A_252 : i32 to index
      %swap3A_279 = arith.constant 0 : index
      %swap3A_280 = tpu.vector_load %arg21[%swap3A_278, %swap3A_279] {strides = array<i32>} : memref<640x16xf32, #tpu.memory_space<vmem>>, vector<1x16xf32>,
      %swap3A_281 = vector.shape_cast %swap3A_280 : vector<1x16xf32> to vector<16xf32>
      %swap3A_282 = vector.shape_cast %mul3A_277 : vector<16xf32> to vector<1x16xf32>
      tpu.vector_store %arg21[%swap3A_278, %swap3A_279], %swap3A_282 {strides = array<i32>} : memref<640x16xf32, #tpu.memory_space<vmem>>, vector<1x16xf32>,
      %mul3A_283 = arith.constant 16 : i32
      %mul3A_284 = arith.muli %scan3A_176, %mul3A_283 : i32
      %add3A_285 = arith.constant 2 : i32
      %add3A_286 = arith.addi %mul3A_284, %add3A_285 : i32
      %slice3A_287 = vector.extract_strided_slice %mul3A_217 {offsets = [2], sizes = [1], strides = [1]} : vector<16xf32> to vector<1xf32>
      %squeeze3A_288 = vector.extract %slice3A_287[0] : f32 from vector<1xf32>
      %get3A_289 = arith.index_cast %add3A_286 : i32 to index
      %get3A_290 = arith.constant 0 : index
      %get3A_291 = tpu.vector_load %arg20[%get3A_289, %get3A_290] {strides = array<i32>} : memref<640x16xf32, #tpu.memory_space<vmem>>, vector<1x16xf32>,
      %get3A_292 = vector.shape_cast %get3A_291 : vector<1x16xf32> to vector<16xf32>
      %get3A_293 = arith.index_cast %add3A_286 : i32 to index
      %get3A_294 = arith.constant 0 : index
      %get3A_295 = tpu.vector_load %arg21[%get3A_293, %get3A_294] {strides = array<i32>} : memref<640x16xf32, #tpu.memory_space<vmem>>, vector<1x16xf32>,
      %get3A_296 = vector.shape_cast %get3A_295 : vector<1x16xf32> to vector<16xf32>
      %add3A_297 = arith.addf %get3A_292, %get3A_296 : vector<16xf32>
      %mul3A_298 = arith.mulf %squeeze3A_288, %squeeze3A_288 : f32
      %mul3A_299 = vector.broadcast %mul3A_298 : f32 to vector<16xf32>
      %mul3A_300 = arith.mulf %add3A_297, %mul3A_299 : vector<16xf32>
      %mul3A_301 = vector.broadcast %squeeze3A_288 : f32 to vector<16xf32>
      %mul3A_302 = arith.mulf %get3A_44, %mul3A_301 : vector<16xf32>
      %add3A_303 = arith.addf %mul3A_300, %mul3A_302 : vector<16xf32>
      %swap3A_304 = arith.index_cast %add3A_286 : i32 to index
      %swap3A_305 = arith.constant 0 : index
      %swap3A_306 = tpu.vector_load %arg20[%swap3A_304, %swap3A_305] {strides = array<i32>} : memref<640x16xf32, #tpu.memory_space<vmem>>, vector<1x16xf32>,
      %swap3A_307 = vector.shape_cast %swap3A_306 : vector<1x16xf32> to vector<16xf32>
      %swap3A_308 = vector.shape_cast %add3A_303 : vector<16xf32> to vector<1x16xf32>
      tpu.vector_store %arg20[%swap3A_304, %swap3A_305], %swap3A_308 {strides = array<i32>} : memref<640x16xf32, #tpu.memory_space<vmem>>, vector<1x16xf32>,
      %mul3A_309 = arith.constant 5.000000e-01 : f32
      %mul3A_310 = vector.broadcast %mul3A_309 : f32 to vector<16xf32>
      %mul3A_311 = arith.mulf %add3A_303, %mul3A_310 : vector<16xf32>
      %swap3A_312 = arith.index_cast %add3A_286 : i32 to index
      %swap3A_313 = arith.constant 0 : index
      %swap3A_314 = tpu.vector_load %arg21[%swap3A_312, %swap3A_313] {strides = array<i32>} : memref<640x16xf32, #tpu.memory_space<vmem>>, vector<1x16xf32>,
      %swap3A_315 = vector.shape_cast %swap3A_314 : vector<1x16xf32> to vector<16xf32>
      %swap3A_316 = vector.shape_cast %mul3A_311 : vector<16xf32> to vector<1x16xf32>
      tpu.vector_store %arg21[%swap3A_312, %swap3A_313], %swap3A_316 {strides = array<i32>} : memref<640x16xf32, #tpu.memory_space<vmem>>, vector<1x16xf32>,
      %mul3A_317 = arith.constant 16 : i32
      %mul3A_318 = arith.muli %scan3A_176, %mul3A_317 : i32
      %add3A_319 = arith.constant 3 : i32
      %add3A_320 = arith.addi %mul3A_318, %add3A_319 : i32
      %slice3A_321 = vector.extract_strided_slice %mul3A_217 {offsets = [3], sizes = [1], strides = [1]} : vector<16xf32> to vector<1xf32>
      %squeeze3A_322 = vector.extract %slice3A_321[0] : f32 from vector<1xf32>
      %get3A_323 = arith.index_cast %add3A_320 : i32 to index
      %get3A_324 = arith.constant 0 : index
      %get3A_325 = tpu.vector_load %arg20[%get3A_323, %get3A_324] {strides = array<i32>} : memref<640x16xf32, #tpu.memory_space<vmem>>, vector<1x16xf32>,
      %get3A_326 = vector.shape_cast %get3A_325 : vector<1x16xf32> to vector<16xf32>
      %get3A_327 = arith.index_cast %add3A_320 : i32 to index
      %get3A_328 = arith.constant 0 : index
      %get3A_329 = tpu.vector_load %arg21[%get3A_327, %get3A_328] {strides = array<i32>} : memref<640x16xf32, #tpu.memory_space<vmem>>, vector<1x16xf32>,
      %get3A_330 = vector.shape_cast %get3A_329 : vector<1x16xf32> to vector<16xf32>
      %add3A_331 = arith.addf %get3A_326, %get3A_330 : vector<16xf32>
      %mul3A_332 = arith.mulf %squeeze3A_322, %squeeze3A_322 : f32
      %mul3A_333 = vector.broadcast %mul3A_332 : f32 to vector<16xf32>
      %mul3A_334 = arith.mulf %add3A_331, %mul3A_333 : vector<16xf32>
      %mul3A_335 = vector.broadcast %squeeze3A_322 : f32 to vector<16xf32>
      %mul3A_336 = arith.mulf %get3A_44, %mul3A_335 : vector<16xf32>
      %add3A_337 = arith.addf %mul3A_334, %mul3A_336 : vector<16xf32>
      %swap3A_338 = arith.index_cast %add3A_320 : i32 to index
      %swap3A_339 = arith.constant 0 : index
      %swap3A_340 = tpu.vector_load %arg20[%swap3A_338, %swap3A_339] {strides = array<i32>} : memref<640x16xf32, #tpu.memory_space<vmem>>, vector<1x16xf32>,
      %swap3A_341 = vector.shape_cast %swap3A_340 : vector<1x16xf32> to vector<16xf32>
      %swap3A_342 = vector.shape_cast %add3A_337 : vector<16xf32> to vector<1x16xf32>
      tpu.vector_store %arg20[%swap3A_338, %swap3A_339], %swap3A_342 {strides = array<i32>} : memref<640x16xf32, #tpu.memory_space<vmem>>, vector<1x16xf32>,
      %mul3A_343 = arith.constant 5.000000e-01 : f32
      %mul3A_344 = vector.broadcast %mul3A_343 : f32 to vector<16xf32>
      %mul3A_345 = arith.mulf %add3A_337, %mul3A_344 : vector<16xf32>
      %swap3A_346 = arith.index_cast %add3A_320 : i32 to index
      %swap3A_347 = arith.constant 0 : index
      %swap3A_348 = tpu.vector_load %arg21[%swap3A_346, %swap3A_347] {strides = array<i32>} : memref<640x16xf32, #tpu.memory_space<vmem>>, vector<1x16xf32>,
      %swap3A_349 = vector.shape_cast %swap3A_348 : vector<1x16xf32> to vector<16xf32>
      %swap3A_350 = vector.shape_cast %mul3A_345 : vector<16xf32> to vector<1x16xf32>
      tpu.vector_store %arg21[%swap3A_346, %swap3A_347], %swap3A_350 {strides = array<i32>} : memref<640x16xf32, #tpu.memory_space<vmem>>, vector<1x16xf32>,
      %mul3A_351 = arith.constant 16 : i32
      %mul3A_352 = arith.muli %scan3A_176, %mul3A_351 : i32
      %add3A_353 = arith.constant 4 : i32
      %add3A_354 = arith.addi %mul3A_352, %add3A_353 : i32
      %slice3A_355 = vector.extract_strided_slice %mul3A_217 {offsets = [4], sizes = [1], strides = [1]} : vector<16xf32> to vector<1xf32>
      %squeeze3A_356 = vector.extract %slice3A_355[0] : f32 from vector<1xf32>
      %get3A_357 = arith.index_cast %add3A_354 : i32 to index
      %get3A_358 = arith.constant 0 : index
      %get3A_359 = tpu.vector_load %arg20[%get3A_357, %get3A_358] {strides = array<i32>} : memref<640x16xf32, #tpu.memory_space<vmem>>, vector<1x16xf32>,
      %get3A_360 = vector.shape_cast %get3A_359 : vector<1x16xf32> to vector<16xf32>
      %get3A_361 = arith.index_cast %add3A_354 : i32 to index
      %get3A_362 = arith.constant 0 : index
      %get3A_363 = tpu.vector_load %arg21[%get3A_361, %get3A_362] {strides = array<i32>} : memref<640x16xf32, #tpu.memory_space<vmem>>, vector<1x16xf32>,
      %get3A_364 = vector.shape_cast %get3A_363 : vector<1x16xf32> to vector<16xf32>
      %add3A_365 = arith.addf %get3A_360, %get3A_364 : vector<16xf32>
      %mul3A_366 = arith.mulf %squeeze3A_356, %squeeze3A_356 : f32
      %mul3A_367 = vector.broadcast %mul3A_366 : f32 to vector<16xf32>
      %mul3A_368 = arith.mulf %add3A_365, %mul3A_367 : vector<16xf32>
      %mul3A_369 = vector.broadcast %squeeze3A_356 : f32 to vector<16xf32>
      %mul3A_370 = arith.mulf %get3A_44, %mul3A_369 : vector<16xf32>
      %add3A_371 = arith.addf %mul3A_368, %mul3A_370 : vector<16xf32>
      %swap3A_372 = arith.index_cast %add3A_354 : i32 to index
      %swap3A_373 = arith.constant 0 : index
      %swap3A_374 = tpu.vector_load %arg20[%swap3A_372, %swap3A_373] {strides = array<i32>} : memref<640x16xf32, #tpu.memory_space<vmem>>, vector<1x16xf32>,
      %swap3A_375 = vector.shape_cast %swap3A_374 : vector<1x16xf32> to vector<16xf32>
      %swap3A_376 = vector.shape_cast %add3A_371 : vector<16xf32> to vector<1x16xf32>
      tpu.vector_store %arg20[%swap3A_372, %swap3A_373], %swap3A_376 {strides = array<i32>} : memref<640x16xf32, #tpu.memory_space<vmem>>, vector<1x16xf32>,
      %mul3A_377 = arith.constant 5.000000e-01 : f32
      %mul3A_378 = vector.broadcast %mul3A_377 : f32 to vector<16xf32>
      %mul3A_379 = arith.mulf %add3A_371, %mul3A_378 : vector<16xf32>
      %swap3A_380 = arith.index_cast %add3A_354 : i32 to index
      %swap3A_381 = arith.constant 0 : index
      %swap3A_382 = tpu.vector_load %arg21[%swap3A_380, %swap3A_381] {strides = array<i32>} : memref<640x16xf32, #tpu.memory_space<vmem>>, vector<1x16xf32>,
      %swap3A_383 = vector.shape_cast %swap3A_382 : vector<1x16xf32> to vector<16xf32>
      %swap3A_384 = vector.shape_cast %mul3A_379 : vector<16xf32> to vector<1x16xf32>
      tpu.vector_store %arg21[%swap3A_380, %swap3A_381], %swap3A_384 {strides = array<i32>} : memref<640x16xf32, #tpu.memory_space<vmem>>, vector<1x16xf32>,
      %mul3A_385 = arith.constant 16 : i32
      %mul3A_386 = arith.muli %scan3A_176, %mul3A_385 : i32
      %add3A_387 = arith.constant 5 : i32
      %add3A_388 = arith.addi %mul3A_386, %add3A_387 : i32
      %slice3A_389 = vector.extract_strided_slice %mul3A_217 {offsets = [5], sizes = [1], strides = [1]} : vector<16xf32> to vector<1xf32>
      %squeeze3A_390 = vector.extract %slice3A_389[0] : f32 from vector<1xf32>
      %get3A_391 = arith.index_cast %add3A_388 : i32 to index
      %get3A_392 = arith.constant 0 : index
      %get3A_393 = tpu.vector_load %arg20[%get3A_391, %get3A_392] {strides = array<i32>} : memref<640x16xf32, #tpu.memory_space<vmem>>, vector<1x16xf32>,
      %get3A_394 = vector.shape_cast %get3A_393 : vector<1x16xf32> to vector<16xf32>
      %get3A_395 = arith.index_cast %add3A_388 : i32 to index
      %get3A_396 = arith.constant 0 : index
      %get3A_397 = tpu.vector_load %arg21[%get3A_395, %get3A_396] {strides = array<i32>} : memref<640x16xf32, #tpu.memory_space<vmem>>, vector<1x16xf32>,
      %get3A_398 = vector.shape_cast %get3A_397 : vector<1x16xf32> to vector<16xf32>
      %add3A_399 = arith.addf %get3A_394, %get3A_398 : vector<16xf32>
      %mul3A_400 = arith.mulf %squeeze3A_390, %squeeze3A_390 : f32
      %mul3A_401 = vector.broadcast %mul3A_400 : f32 to vector<16xf32>
      %mul3A_402 = arith.mulf %add3A_399, %mul3A_401 : vector<16xf32>
      %mul3A_403 = vector.broadcast %squeeze3A_390 : f32 to vector<16xf32>
      %mul3A_404 = arith.mulf %get3A_44, %mul3A_403 : vector<16xf32>
      %add3A_405 = arith.addf %mul3A_402, %mul3A_404 : vector<16xf32>
      %swap3A_406 = arith.index_cast %add3A_388 : i32 to index
      %swap3A_407 = arith.constant 0 : index
      %swap3A_408 = tpu.vector_load %arg20[%swap3A_406, %swap3A_407] {strides = array<i32>} : memref<640x16xf32, #tpu.memory_space<vmem>>, vector<1x16xf32>,
      %swap3A_409 = vector.shape_cast %swap3A_408 : vector<1x16xf32> to vector<16xf32>
      %swap3A_410 = vector.shape_cast %add3A_405 : vector<16xf32> to vector<1x16xf32>
      tpu.vector_store %arg20[%swap3A_406, %swap3A_407], %swap3A_410 {strides = array<i32>} : memref<640x16xf32, #tpu.memory_space<vmem>>, vector<1x16xf32>,
      %mul3A_411 = arith.constant 5.000000e-01 : f32
      %mul3A_412 = vector.broadcast %mul3A_411 : f32 to vector<16xf32>
      %mul3A_413 = arith.mulf %add3A_405, %mul3A_412 : vector<16xf32>
      %swap3A_414 = arith.index_cast %add3A_388 : i32 to index
      %swap3A_415 = arith.constant 0 : index
      %swap3A_416 = tpu.vector_load %arg21[%swap3A_414, %swap3A_415] {strides = array<i32>} : memref<640x16xf32, #tpu.memory_space<vmem>>, vector<1x16xf32>,
      %swap3A_417 = vector.shape_cast %swap3A_416 : vector<1x16xf32> to vector<16xf32>
      %swap3A_418 = vector.shape_cast %mul3A_413 : vector<16xf32> to vector<1x16xf32>
      tpu.vector_store %arg21[%swap3A_414, %swap3A_415], %swap3A_418 {strides = array<i32>} : memref<640x16xf32, #tpu.memory_space<vmem>>, vector<1x16xf32>,
      %mul3A_419 = arith.constant 16 : i32
      %mul3A_420 = arith.muli %scan3A_176, %mul3A_419 : i32
      %add3A_421 = arith.constant 6 : i32
      %add3A_422 = arith.addi %mul3A_420, %add3A_421 : i32
      %slice3A_423 = vector.extract_strided_slice %mul3A_217 {offsets = [6], sizes = [1], strides = [1]} : vector<16xf32> to vector<1xf32>
      %squeeze3A_424 = vector.extract %slice3A_423[0] : f32 from vector<1xf32>
      %get3A_425 = arith.index_cast %add3A_422 : i32 to index
      %get3A_426 = arith.constant 0 : index
      %get3A_427 = tpu.vector_load %arg20[%get3A_425, %get3A_426] {strides = array<i32>} : memref<640x16xf32, #tpu.memory_space<vmem>>, vector<1x16xf32>,
      %get3A_428 = vector.shape_cast %get3A_427 : vector<1x16xf32> to vector<16xf32>
      %get3A_429 = arith.index_cast %add3A_422 : i32 to index
      %get3A_430 = arith.constant 0 : index
      %get3A_431 = tpu.vector_load %arg21[%get3A_429, %get3A_430] {strides = array<i32>} : memref<640x16xf32, #tpu.memory_space<vmem>>, vector<1x16xf32>,
      %get3A_432 = vector.shape_cast %get3A_431 : vector<1x16xf32> to vector<16xf32>
      %add3A_433 = arith.addf %get3A_428, %get3A_432 : vector<16xf32>
      %mul3A_434 = arith.mulf %squeeze3A_424, %squeeze3A_424 : f32
      %mul3A_435 = vector.broadcast %mul3A_434 : f32 to vector<16xf32>
      %mul3A_436 = arith.mulf %add3A_433, %mul3A_435 : vector<16xf32>
      %mul3A_437 = vector.broadcast %squeeze3A_424 : f32 to vector<16xf32>
      %mul3A_438 = arith.mulf %get3A_44, %mul3A_437 : vector<16xf32>
      %add3A_439 = arith.addf %mul3A_436, %mul3A_438 : vector<16xf32>
      %swap3A_440 = arith.index_cast %add3A_422 : i32 to index
      %swap3A_441 = arith.constant 0 : index
      %swap3A_442 = tpu.vector_load %arg20[%swap3A_440, %swap3A_441] {strides = array<i32>} : memref<640x16xf32, #tpu.memory_space<vmem>>, vector<1x16xf32>,
      %swap3A_443 = vector.shape_cast %swap3A_442 : vector<1x16xf32> to vector<16xf32>
      %swap3A_444 = vector.shape_cast %add3A_439 : vector<16xf32> to vector<1x16xf32>
      tpu.vector_store %arg20[%swap3A_440, %swap3A_441], %swap3A_444 {strides = array<i32>} : memref<640x16xf32, #tpu.memory_space<vmem>>, vector<1x16xf32>,
      %mul3A_445 = arith.constant 5.000000e-01 : f32
      %mul3A_446 = vector.broadcast %mul3A_445 : f32 to vector<16xf32>
      %mul3A_447 = arith.mulf %add3A_439, %mul3A_446 : vector<16xf32>
      %swap3A_448 = arith.index_cast %add3A_422 : i32 to index
      %swap3A_449 = arith.constant 0 : index
      %swap3A_450 = tpu.vector_load %arg21[%swap3A_448, %swap3A_449] {strides = array<i32>} : memref<640x16xf32, #tpu.memory_space<vmem>>, vector<1x16xf32>,
      %swap3A_451 = vector.shape_cast %swap3A_450 : vector<1x16xf32> to vector<16xf32>
      %swap3A_452 = vector.shape_cast %mul3A_447 : vector<16xf32> to vector<1x16xf32>
      tpu.vector_store %arg21[%swap3A_448, %swap3A_449], %swap3A_452 {strides = array<i32>} : memref<640x16xf32, #tpu.memory_space<vmem>>, vector<1x16xf32>,
      %mul3A_453 = arith.constant 16 : i32
      %mul3A_454 = arith.muli %scan3A_176, %mul3A_453 : i32
      %add3A_455 = arith.constant 7 : i32
      %add3A_456 = arith.addi %mul3A_454, %add3A_455 : i32
      %slice3A_457 = vector.extract_strided_slice %mul3A_217 {offsets = [7], sizes = [1], strides = [1]} : vector<16xf32> to vector<1xf32>
      %squeeze3A_458 = vector.extract %slice3A_457[0] : f32 from vector<1xf32>
      %get3A_459 = arith.index_cast %add3A_456 : i32 to index
      %get3A_460 = arith.constant 0 : index
      %get3A_461 = tpu.vector_load %arg20[%get3A_459, %get3A_460] {strides = array<i32>} : memref<640x16xf32, #tpu.memory_space<vmem>>, vector<1x16xf32>,
      %get3A_462 = vector.shape_cast %get3A_461 : vector<1x16xf32> to vector<16xf32>
      %get3A_463 = arith.index_cast %add3A_456 : i32 to index
      %get3A_464 = arith.constant 0 : index
      %get3A_465 = tpu.vector_load %arg21[%get3A_463, %get3A_464] {strides = array<i32>} : memref<640x16xf32, #tpu.memory_space<vmem>>, vector<1x16xf32>,
      %get3A_466 = vector.shape_cast %get3A_465 : vector<1x16xf32> to vector<16xf32>
      %add3A_467 = arith.addf %get3A_462, %get3A_466 : vector<16xf32>
      %mul3A_468 = arith.mulf %squeeze3A_458, %squeeze3A_458 : f32
      %mul3A_469 = vector.broadcast %mul3A_468 : f32 to vector<16xf32>
      %mul3A_470 = arith.mulf %add3A_467, %mul3A_469 : vector<16xf32>
      %mul3A_471 = vector.broadcast %squeeze3A_458 : f32 to vector<16xf32>
      %mul3A_472 = arith.mulf %get3A_44, %mul3A_471 : vector<16xf32>
      %add3A_473 = arith.addf %mul3A_470, %mul3A_472 : vector<16xf32>
      %swap3A_474 = arith.index_cast %add3A_456 : i32 to index
      %swap3A_475 = arith.constant 0 : index
      %swap3A_476 = tpu.vector_load %arg20[%swap3A_474, %swap3A_475] {strides = array<i32>} : memref<640x16xf32, #tpu.memory_space<vmem>>, vector<1x16xf32>,
      %swap3A_477 = vector.shape_cast %swap3A_476 : vector<1x16xf32> to vector<16xf32>
      %swap3A_478 = vector.shape_cast %add3A_473 : vector<16xf32> to vector<1x16xf32>
      tpu.vector_store %arg20[%swap3A_474, %swap3A_475], %swap3A_478 {strides = array<i32>} : memref<640x16xf32, #tpu.memory_space<vmem>>, vector<1x16xf32>,
      %mul3A_479 = arith.constant 5.000000e-01 : f32
      %mul3A_480 = vector.broadcast %mul3A_479 : f32 to vector<16xf32>
      %mul3A_481 = arith.mulf %add3A_473, %mul3A_480 : vector<16xf32>
      %swap3A_482 = arith.index_cast %add3A_456 : i32 to index
      %swap3A_483 = arith.constant 0 : index
      %swap3A_484 = tpu.vector_load %arg21[%swap3A_482, %swap3A_483] {strides = array<i32>} : memref<640x16xf32, #tpu.memory_space<vmem>>, vector<1x16xf32>,
      %swap3A_485 = vector.shape_cast %swap3A_484 : vector<1x16xf32> to vector<16xf32>
      %swap3A_486 = vector.shape_cast %mul3A_481 : vector<16xf32> to vector<1x16xf32>
      tpu.vector_store %arg21[%swap3A_482, %swap3A_483], %swap3A_486 {strides = array<i32>} : memref<640x16xf32, #tpu.memory_space<vmem>>, vector<1x16xf32>,
      %mul3A_487 = arith.constant 16 : i32
      %mul3A_488 = arith.muli %scan3A_176, %mul3A_487 : i32
      %add3A_489 = arith.constant 8 : i32
      %add3A_490 = arith.addi %mul3A_488, %add3A_489 : i32
      %slice3A_491 = vector.extract_strided_slice %mul3A_217 {offsets = [8], sizes = [1], strides = [1]} : vector<16xf32> to vector<1xf32>
      %squeeze3A_492 = vector.extract %slice3A_491[0] : f32 from vector<1xf32>
      %get3A_493 = arith.index_cast %add3A_490 : i32 to index
      %get3A_494 = arith.constant 0 : index
      %get3A_495 = tpu.vector_load %arg20[%get3A_493, %get3A_494] {strides = array<i32>} : memref<640x16xf32, #tpu.memory_space<vmem>>, vector<1x16xf32>,
      %get3A_496 = vector.shape_cast %get3A_495 : vector<1x16xf32> to vector<16xf32>
      %get3A_497 = arith.index_cast %add3A_490 : i32 to index
      %get3A_498 = arith.constant 0 : index
      %get3A_499 = tpu.vector_load %arg21[%get3A_497, %get3A_498] {strides = array<i32>} : memref<640x16xf32, #tpu.memory_space<vmem>>, vector<1x16xf32>,
      %get3A_500 = vector.shape_cast %get3A_499 : vector<1x16xf32> to vector<16xf32>
      %add3A_501 = arith.addf %get3A_496, %get3A_500 : vector<16xf32>
      %mul3A_502 = arith.mulf %squeeze3A_492, %squeeze3A_492 : f32
      %mul3A_503 = vector.broadcast %mul3A_502 : f32 to vector<16xf32>
      %mul3A_504 = arith.mulf %add3A_501, %mul3A_503 : vector<16xf32>
      %mul3A_505 = vector.broadcast %squeeze3A_492 : f32 to vector<16xf32>
      %mul3A_506 = arith.mulf %get3A_44, %mul3A_505 : vector<16xf32>
      %add3A_507 = arith.addf %mul3A_504, %mul3A_506 : vector<16xf32>
      %swap3A_508 = arith.index_cast %add3A_490 : i32 to index
      %swap3A_509 = arith.constant 0 : index
      %swap3A_510 = tpu.vector_load %arg20[%swap3A_508, %swap3A_509] {strides = array<i32>} : memref<640x16xf32, #tpu.memory_space<vmem>>, vector<1x16xf32>,
      %swap3A_511 = vector.shape_cast %swap3A_510 : vector<1x16xf32> to vector<16xf32>
      %swap3A_512 = vector.shape_cast %add3A_507 : vector<16xf32> to vector<1x16xf32>
      tpu.vector_store %arg20[%swap3A_508, %swap3A_509], %swap3A_512 {strides = array<i32>} : memref<640x16xf32, #tpu.memory_space<vmem>>, vector<1x16xf32>,
      %mul3A_513 = arith.constant 5.000000e-01 : f32
      %mul3A_514 = vector.broadcast %mul3A_513 : f32 to vector<16xf32>
      %mul3A_515 = arith.mulf %add3A_507, %mul3A_514 : vector<16xf32>
      %swap3A_516 = arith.index_cast %add3A_490 : i32 to index
      %swap3A_517 = arith.constant 0 : index
      %swap3A_518 = tpu.vector_load %arg21[%swap3A_516, %swap3A_517] {strides = array<i32>} : memref<640x16xf32, #tpu.memory_space<vmem>>, vector<1x16xf32>,
      %swap3A_519 = vector.shape_cast %swap3A_518 : vector<1x16xf32> to vector<16xf32>
      %swap3A_520 = vector.shape_cast %mul3A_515 : vector<16xf32> to vector<1x16xf32>
      tpu.vector_store %arg21[%swap3A_516, %swap3A_517], %swap3A_520 {strides = array<i32>} : memref<640x16xf32, #tpu.memory_space<vmem>>, vector<1x16xf32>,
      %mul3A_521 = arith.constant 16 : i32
      %mul3A_522 = arith.muli %scan3A_176, %mul3A_521 : i32
      %add3A_523 = arith.constant 9 : i32
      %add3A_524 = arith.addi %mul3A_522, %add3A_523 : i32
      %slice3A_525 = vector.extract_strided_slice %mul3A_217 {offsets = [9], sizes = [1], strides = [1]} : vector<16xf32> to vector<1xf32>
      %squeeze3A_526 = vector.extract %slice3A_525[0] : f32 from vector<1xf32>
      %get3A_527 = arith.index_cast %add3A_524 : i32 to index
      %get3A_528 = arith.constant 0 : index
      %get3A_529 = tpu.vector_load %arg20[%get3A_527, %get3A_528] {strides = array<i32>} : memref<640x16xf32, #tpu.memory_space<vmem>>, vector<1x16xf32>,
      %get3A_530 = vector.shape_cast %get3A_529 : vector<1x16xf32> to vector<16xf32>
      %get3A_531 = arith.index_cast %add3A_524 : i32 to index
      %get3A_532 = arith.constant 0 : index
      %get3A_533 = tpu.vector_load %arg21[%get3A_531, %get3A_532] {strides = array<i32>} : memref<640x16xf32, #tpu.memory_space<vmem>>, vector<1x16xf32>,
      %get3A_534 = vector.shape_cast %get3A_533 : vector<1x16xf32> to vector<16xf32>
      %add3A_535 = arith.addf %get3A_530, %get3A_534 : vector<16xf32>
      %mul3A_536 = arith.mulf %squeeze3A_526, %squeeze3A_526 : f32
      %mul3A_537 = vector.broadcast %mul3A_536 : f32 to vector<16xf32>
      %mul3A_538 = arith.mulf %add3A_535, %mul3A_537 : vector<16xf32>
      %mul3A_539 = vector.broadcast %squeeze3A_526 : f32 to vector<16xf32>
      %mul3A_540 = arith.mulf %get3A_44, %mul3A_539 : vector<16xf32>
      %add3A_541 = arith.addf %mul3A_538, %mul3A_540 : vector<16xf32>
      %swap3A_542 = arith.index_cast %add3A_524 : i32 to index
      %swap3A_543 = arith.constant 0 : index
      %swap3A_544 = tpu.vector_load %arg20[%swap3A_542, %swap3A_543] {strides = array<i32>} : memref<640x16xf32, #tpu.memory_space<vmem>>, vector<1x16xf32>,
      %swap3A_545 = vector.shape_cast %swap3A_544 : vector<1x16xf32> to vector<16xf32>
      %swap3A_546 = vector.shape_cast %add3A_541 : vector<16xf32> to vector<1x16xf32>
      tpu.vector_store %arg20[%swap3A_542, %swap3A_543], %swap3A_546 {strides = array<i32>} : memref<640x16xf32, #tpu.memory_space<vmem>>, vector<1x16xf32>,
      %mul3A_547 = arith.constant 5.000000e-01 : f32
      %mul3A_548 = vector.broadcast %mul3A_547 : f32 to vector<16xf32>
      %mul3A_549 = arith.mulf %add3A_541, %mul3A_548 : vector<16xf32>
      %swap3A_550 = arith.index_cast %add3A_524 : i32 to index
      %swap3A_551 = arith.constant 0 : index
      %swap3A_552 = tpu.vector_load %arg21[%swap3A_550, %swap3A_551] {strides = array<i32>} : memref<640x16xf32, #tpu.memory_space<vmem>>, vector<1x16xf32>,
      %swap3A_553 = vector.shape_cast %swap3A_552 : vector<1x16xf32> to vector<16xf32>
      %swap3A_554 = vector.shape_cast %mul3A_549 : vector<16xf32> to vector<1x16xf32>
      tpu.vector_store %arg21[%swap3A_550, %swap3A_551], %swap3A_554 {strides = array<i32>} : memref<640x16xf32, #tpu.memory_space<vmem>>, vector<1x16xf32>,
      %mul3A_555 = arith.constant 16 : i32
      %mul3A_556 = arith.muli %scan3A_176, %mul3A_555 : i32
      %add3A_557 = arith.constant 10 : i32
      %add3A_558 = arith.addi %mul3A_556, %add3A_557 : i32
      %slice3A_559 = vector.extract_strided_slice %mul3A_217 {offsets = [10], sizes = [1], strides = [1]} : vector<16xf32> to vector<1xf32>
      %squeeze3A_560 = vector.extract %slice3A_559[0] : f32 from vector<1xf32>
      %get3A_561 = arith.index_cast %add3A_558 : i32 to index
      %get3A_562 = arith.constant 0 : index
      %get3A_563 = tpu.vector_load %arg20[%get3A_561, %get3A_562] {strides = array<i32>} : memref<640x16xf32, #tpu.memory_space<vmem>>, vector<1x16xf32>,
      %get3A_564 = vector.shape_cast %get3A_563 : vector<1x16xf32> to vector<16xf32>
      %get3A_565 = arith.index_cast %add3A_558 : i32 to index
      %get3A_566 = arith.constant 0 : index
      %get3A_567 = tpu.vector_load %arg21[%get3A_565, %get3A_566] {strides = array<i32>} : memref<640x16xf32, #tpu.memory_space<vmem>>, vector<1x16xf32>,
      %get3A_568 = vector.shape_cast %get3A_567 : vector<1x16xf32> to vector<16xf32>
      %add3A_569 = arith.addf %get3A_564, %get3A_568 : vector<16xf32>
      %mul3A_570 = arith.mulf %squeeze3A_560, %squeeze3A_560 : f32
      %mul3A_571 = vector.broadcast %mul3A_570 : f32 to vector<16xf32>
      %mul3A_572 = arith.mulf %add3A_569, %mul3A_571 : vector<16xf32>
      %mul3A_573 = vector.broadcast %squeeze3A_560 : f32 to vector<16xf32>
      %mul3A_574 = arith.mulf %get3A_44, %mul3A_573 : vector<16xf32>
      %add3A_575 = arith.addf %mul3A_572, %mul3A_574 : vector<16xf32>
      %swap3A_576 = arith.index_cast %add3A_558 : i32 to index
      %swap3A_577 = arith.constant 0 : index
      %swap3A_578 = tpu.vector_load %arg20[%swap3A_576, %swap3A_577] {strides = array<i32>} : memref<640x16xf32, #tpu.memory_space<vmem>>, vector<1x16xf32>,
      %swap3A_579 = vector.shape_cast %swap3A_578 : vector<1x16xf32> to vector<16xf32>
      %swap3A_580 = vector.shape_cast %add3A_575 : vector<16xf32> to vector<1x16xf32>
      tpu.vector_store %arg20[%swap3A_576, %swap3A_577], %swap3A_580 {strides = array<i32>} : memref<640x16xf32, #tpu.memory_space<vmem>>, vector<1x16xf32>,
      %mul3A_581 = arith.constant 5.000000e-01 : f32
      %mul3A_582 = vector.broadcast %mul3A_581 : f32 to vector<16xf32>
      %mul3A_583 = arith.mulf %add3A_575, %mul3A_582 : vector<16xf32>
      %swap3A_584 = arith.index_cast %add3A_558 : i32 to index
      %swap3A_585 = arith.constant 0 : index
      %swap3A_586 = tpu.vector_load %arg21[%swap3A_584, %swap3A_585] {strides = array<i32>} : memref<640x16xf32, #tpu.memory_space<vmem>>, vector<1x16xf32>,
      %swap3A_587 = vector.shape_cast %swap3A_586 : vector<1x16xf32> to vector<16xf32>
      %swap3A_588 = vector.shape_cast %mul3A_583 : vector<16xf32> to vector<1x16xf32>
      tpu.vector_store %arg21[%swap3A_584, %swap3A_585], %swap3A_588 {strides = array<i32>} : memref<640x16xf32, #tpu.memory_space<vmem>>, vector<1x16xf32>,
      %mul3A_589 = arith.constant 16 : i32
      %mul3A_590 = arith.muli %scan3A_176, %mul3A_589 : i32
      %add3A_591 = arith.constant 11 : i32
      %add3A_592 = arith.addi %mul3A_590, %add3A_591 : i32
      %slice3A_593 = vector.extract_strided_slice %mul3A_217 {offsets = [11], sizes = [1], strides = [1]} : vector<16xf32> to vector<1xf32>
      %squeeze3A_594 = vector.extract %slice3A_593[0] : f32 from vector<1xf32>
      %get3A_595 = arith.index_cast %add3A_592 : i32 to index
      %get3A_596 = arith.constant 0 : index
      %get3A_597 = tpu.vector_load %arg20[%get3A_595, %get3A_596] {strides = array<i32>} : memref<640x16xf32, #tpu.memory_space<vmem>>, vector<1x16xf32>,
      %get3A_598 = vector.shape_cast %get3A_597 : vector<1x16xf32> to vector<16xf32>
      %get3A_599 = arith.index_cast %add3A_592 : i32 to index
      %get3A_600 = arith.constant 0 : index
      %get3A_601 = tpu.vector_load %arg21[%get3A_599, %get3A_600] {strides = array<i32>} : memref<640x16xf32, #tpu.memory_space<vmem>>, vector<1x16xf32>,
      %get3A_602 = vector.shape_cast %get3A_601 : vector<1x16xf32> to vector<16xf32>
      %add3A_603 = arith.addf %get3A_598, %get3A_602 : vector<16xf32>
      %mul3A_604 = arith.mulf %squeeze3A_594, %squeeze3A_594 : f32
      %mul3A_605 = vector.broadcast %mul3A_604 : f32 to vector<16xf32>
      %mul3A_606 = arith.mulf %add3A_603, %mul3A_605 : vector<16xf32>
      %mul3A_607 = vector.broadcast %squeeze3A_594 : f32 to vector<16xf32>
      %mul3A_608 = arith.mulf %get3A_44, %mul3A_607 : vector<16xf32>
      %add3A_609 = arith.addf %mul3A_606, %mul3A_608 : vector<16xf32>
      %swap3A_610 = arith.index_cast %add3A_592 : i32 to index
      %swap3A_611 = arith.constant 0 : index
      %swap3A_612 = tpu.vector_load %arg20[%swap3A_610, %swap3A_611] {strides = array<i32>} : memref<640x16xf32, #tpu.memory_space<vmem>>, vector<1x16xf32>,
      %swap3A_613 = vector.shape_cast %swap3A_612 : vector<1x16xf32> to vector<16xf32>
      %swap3A_614 = vector.shape_cast %add3A_609 : vector<16xf32> to vector<1x16xf32>
      tpu.vector_store %arg20[%swap3A_610, %swap3A_611], %swap3A_614 {strides = array<i32>} : memref<640x16xf32, #tpu.memory_space<vmem>>, vector<1x16xf32>,
      %mul3A_615 = arith.constant 5.000000e-01 : f32
      %mul3A_616 = vector.broadcast %mul3A_615 : f32 to vector<16xf32>
      %mul3A_617 = arith.mulf %add3A_609, %mul3A_616 : vector<16xf32>
      %swap3A_618 = arith.index_cast %add3A_592 : i32 to index
      %swap3A_619 = arith.constant 0 : index
      %swap3A_620 = tpu.vector_load %arg21[%swap3A_618, %swap3A_619] {strides = array<i32>} : memref<640x16xf32, #tpu.memory_space<vmem>>, vector<1x16xf32>,
      %swap3A_621 = vector.shape_cast %swap3A_620 : vector<1x16xf32> to vector<16xf32>
      %swap3A_622 = vector.shape_cast %mul3A_617 : vector<16xf32> to vector<1x16xf32>
      tpu.vector_store %arg21[%swap3A_618, %swap3A_619], %swap3A_622 {strides = array<i32>} : memref<640x16xf32, #tpu.memory_space<vmem>>, vector<1x16xf32>,
      %mul3A_623 = arith.constant 16 : i32
      %mul3A_624 = arith.muli %scan3A_176, %mul3A_623 : i32
      %add3A_625 = arith.constant 12 : i32
      %add3A_626 = arith.addi %mul3A_624, %add3A_625 : i32
      %slice3A_627 = vector.extract_strided_slice %mul3A_217 {offsets = [12], sizes = [1], strides = [1]} : vector<16xf32> to vector<1xf32>
      %squeeze3A_628 = vector.extract %slice3A_627[0] : f32 from vector<1xf32>
      %get3A_629 = arith.index_cast %add3A_626 : i32 to index
      %get3A_630 = arith.constant 0 : index
      %get3A_631 = tpu.vector_load %arg20[%get3A_629, %get3A_630] {strides = array<i32>} : memref<640x16xf32, #tpu.memory_space<vmem>>, vector<1x16xf32>,
      %get3A_632 = vector.shape_cast %get3A_631 : vector<1x16xf32> to vector<16xf32>
      %get3A_633 = arith.index_cast %add3A_626 : i32 to index
      %get3A_634 = arith.constant 0 : index
      %get3A_635 = tpu.vector_load %arg21[%get3A_633, %get3A_634] {strides = array<i32>} : memref<640x16xf32, #tpu.memory_space<vmem>>, vector<1x16xf32>,
      %get3A_636 = vector.shape_cast %get3A_635 : vector<1x16xf32> to vector<16xf32>
      %add3A_637 = arith.addf %get3A_632, %get3A_636 : vector<16xf32>
      %mul3A_638 = arith.mulf %squeeze3A_628, %squeeze3A_628 : f32
      %mul3A_639 = vector.broadcast %mul3A_638 : f32 to vector<16xf32>
      %mul3A_640 = arith.mulf %add3A_637, %mul3A_639 : vector<16xf32>
      %mul3A_641 = vector.broadcast %squeeze3A_628 : f32 to vector<16xf32>
      %mul3A_642 = arith.mulf %get3A_44, %mul3A_641 : vector<16xf32>
      %add3A_643 = arith.addf %mul3A_640, %mul3A_642 : vector<16xf32>
      %swap3A_644 = arith.index_cast %add3A_626 : i32 to index
      %swap3A_645 = arith.constant 0 : index
      %swap3A_646 = tpu.vector_load %arg20[%swap3A_644, %swap3A_645] {strides = array<i32>} : memref<640x16xf32, #tpu.memory_space<vmem>>, vector<1x16xf32>,
      %swap3A_647 = vector.shape_cast %swap3A_646 : vector<1x16xf32> to vector<16xf32>
      %swap3A_648 = vector.shape_cast %add3A_643 : vector<16xf32> to vector<1x16xf32>
      tpu.vector_store %arg20[%swap3A_644, %swap3A_645], %swap3A_648 {strides = array<i32>} : memref<640x16xf32, #tpu.memory_space<vmem>>, vector<1x16xf32>,
      %mul3A_649 = arith.constant 5.000000e-01 : f32
      %mul3A_650 = vector.broadcast %mul3A_649 : f32 to vector<16xf32>
      %mul3A_651 = arith.mulf %add3A_643, %mul3A_650 : vector<16xf32>
      %swap3A_652 = arith.index_cast %add3A_626 : i32 to index
      %swap3A_653 = arith.constant 0 : index
      %swap3A_654 = tpu.vector_load %arg21[%swap3A_652, %swap3A_653] {strides = array<i32>} : memref<640x16xf32, #tpu.memory_space<vmem>>, vector<1x16xf32>,
      %swap3A_655 = vector.shape_cast %swap3A_654 : vector<1x16xf32> to vector<16xf32>
      %swap3A_656 = vector.shape_cast %mul3A_651 : vector<16xf32> to vector<1x16xf32>
      tpu.vector_store %arg21[%swap3A_652, %swap3A_653], %swap3A_656 {strides = array<i32>} : memref<640x16xf32, #tpu.memory_space<vmem>>, vector<1x16xf32>,
      %mul3A_657 = arith.constant 16 : i32
      %mul3A_658 = arith.muli %scan3A_176, %mul3A_657 : i32
      %add3A_659 = arith.constant 13 : i32
      %add3A_660 = arith.addi %mul3A_658, %add3A_659 : i32
      %slice3A_661 = vector.extract_strided_slice %mul3A_217 {offsets = [13], sizes = [1], strides = [1]} : vector<16xf32> to vector<1xf32>
      %squeeze3A_662 = vector.extract %slice3A_661[0] : f32 from vector<1xf32>
      %get3A_663 = arith.index_cast %add3A_660 : i32 to index
      %get3A_664 = arith.constant 0 : index
      %get3A_665 = tpu.vector_load %arg20[%get3A_663, %get3A_664] {strides = array<i32>} : memref<640x16xf32, #tpu.memory_space<vmem>>, vector<1x16xf32>,
      %get3A_666 = vector.shape_cast %get3A_665 : vector<1x16xf32> to vector<16xf32>
      %get3A_667 = arith.index_cast %add3A_660 : i32 to index
      %get3A_668 = arith.constant 0 : index
      %get3A_669 = tpu.vector_load %arg21[%get3A_667, %get3A_668] {strides = array<i32>} : memref<640x16xf32, #tpu.memory_space<vmem>>, vector<1x16xf32>,
      %get3A_670 = vector.shape_cast %get3A_669 : vector<1x16xf32> to vector<16xf32>
      %add3A_671 = arith.addf %get3A_666, %get3A_670 : vector<16xf32>
      %mul3A_672 = arith.mulf %squeeze3A_662, %squeeze3A_662 : f32
      %mul3A_673 = vector.broadcast %mul3A_672 : f32 to vector<16xf32>
      %mul3A_674 = arith.mulf %add3A_671, %mul3A_673 : vector<16xf32>
      %mul3A_675 = vector.broadcast %squeeze3A_662 : f32 to vector<16xf32>
      %mul3A_676 = arith.mulf %get3A_44, %mul3A_675 : vector<16xf32>
      %add3A_677 = arith.addf %mul3A_674, %mul3A_676 : vector<16xf32>
      %swap3A_678 = arith.index_cast %add3A_660 : i32 to index
      %swap3A_679 = arith.constant 0 : index
      %swap3A_680 = tpu.vector_load %arg20[%swap3A_678, %swap3A_679] {strides = array<i32>} : memref<640x16xf32, #tpu.memory_space<vmem>>, vector<1x16xf32>,
      %swap3A_681 = vector.shape_cast %swap3A_680 : vector<1x16xf32> to vector<16xf32>
      %swap3A_682 = vector.shape_cast %add3A_677 : vector<16xf32> to vector<1x16xf32>
      tpu.vector_store %arg20[%swap3A_678, %swap3A_679], %swap3A_682 {strides = array<i32>} : memref<640x16xf32, #tpu.memory_space<vmem>>, vector<1x16xf32>,
      %mul3A_683 = arith.constant 5.000000e-01 : f32
      %mul3A_684 = vector.broadcast %mul3A_683 : f32 to vector<16xf32>
      %mul3A_685 = arith.mulf %add3A_677, %mul3A_684 : vector<16xf32>
      %swap3A_686 = arith.index_cast %add3A_660 : i32 to index
      %swap3A_687 = arith.constant 0 : index
      %swap3A_688 = tpu.vector_load %arg21[%swap3A_686, %swap3A_687] {strides = array<i32>} : memref<640x16xf32, #tpu.memory_space<vmem>>, vector<1x16xf32>,
      %swap3A_689 = vector.shape_cast %swap3A_688 : vector<1x16xf32> to vector<16xf32>
      %swap3A_690 = vector.shape_cast %mul3A_685 : vector<16xf32> to vector<1x16xf32>
      tpu.vector_store %arg21[%swap3A_686, %swap3A_687], %swap3A_690 {strides = array<i32>} : memref<640x16xf32, #tpu.memory_space<vmem>>, vector<1x16xf32>,
      %mul3A_691 = arith.constant 16 : i32
      %mul3A_692 = arith.muli %scan3A_176, %mul3A_691 : i32
      %add3A_693 = arith.constant 14 : i32
      %add3A_694 = arith.addi %mul3A_692, %add3A_693 : i32
      %slice3A_695 = vector.extract_strided_slice %mul3A_217 {offsets = [14], sizes = [1], strides = [1]} : vector<16xf32> to vector<1xf32>
      %squeeze3A_696 = vector.extract %slice3A_695[0] : f32 from vector<1xf32>
      %get3A_697 = arith.index_cast %add3A_694 : i32 to index
      %get3A_698 = arith.constant 0 : index
      %get3A_699 = tpu.vector_load %arg20[%get3A_697, %get3A_698] {strides = array<i32>} : memref<640x16xf32, #tpu.memory_space<vmem>>, vector<1x16xf32>,
      %get3A_700 = vector.shape_cast %get3A_699 : vector<1x16xf32> to vector<16xf32>
      %get3A_701 = arith.index_cast %add3A_694 : i32 to index
      %get3A_702 = arith.constant 0 : index
      %get3A_703 = tpu.vector_load %arg21[%get3A_701, %get3A_702] {strides = array<i32>} : memref<640x16xf32, #tpu.memory_space<vmem>>, vector<1x16xf32>,
      %get3A_704 = vector.shape_cast %get3A_703 : vector<1x16xf32> to vector<16xf32>
      %add3A_705 = arith.addf %get3A_700, %get3A_704 : vector<16xf32>
      %mul3A_706 = arith.mulf %squeeze3A_696, %squeeze3A_696 : f32
      %mul3A_707 = vector.broadcast %mul3A_706 : f32 to vector<16xf32>
      %mul3A_708 = arith.mulf %add3A_705, %mul3A_707 : vector<16xf32>
      %mul3A_709 = vector.broadcast %squeeze3A_696 : f32 to vector<16xf32>
      %mul3A_710 = arith.mulf %get3A_44, %mul3A_709 : vector<16xf32>
      %add3A_711 = arith.addf %mul3A_708, %mul3A_710 : vector<16xf32>
      %swap3A_712 = arith.index_cast %add3A_694 : i32 to index
      %swap3A_713 = arith.constant 0 : index
      %swap3A_714 = tpu.vector_load %arg20[%swap3A_712, %swap3A_713] {strides = array<i32>} : memref<640x16xf32, #tpu.memory_space<vmem>>, vector<1x16xf32>,
      %swap3A_715 = vector.shape_cast %swap3A_714 : vector<1x16xf32> to vector<16xf32>
      %swap3A_716 = vector.shape_cast %add3A_711 : vector<16xf32> to vector<1x16xf32>
      tpu.vector_store %arg20[%swap3A_712, %swap3A_713], %swap3A_716 {strides = array<i32>} : memref<640x16xf32, #tpu.memory_space<vmem>>, vector<1x16xf32>,
      %mul3A_717 = arith.constant 5.000000e-01 : f32
      %mul3A_718 = vector.broadcast %mul3A_717 : f32 to vector<16xf32>
      %mul3A_719 = arith.mulf %add3A_711, %mul3A_718 : vector<16xf32>
      %swap3A_720 = arith.index_cast %add3A_694 : i32 to index
      %swap3A_721 = arith.constant 0 : index
      %swap3A_722 = tpu.vector_load %arg21[%swap3A_720, %swap3A_721] {strides = array<i32>} : memref<640x16xf32, #tpu.memory_space<vmem>>, vector<1x16xf32>,
      %swap3A_723 = vector.shape_cast %swap3A_722 : vector<1x16xf32> to vector<16xf32>
      %swap3A_724 = vector.shape_cast %mul3A_719 : vector<16xf32> to vector<1x16xf32>
      tpu.vector_store %arg21[%swap3A_720, %swap3A_721], %swap3A_724 {strides = array<i32>} : memref<640x16xf32, #tpu.memory_space<vmem>>, vector<1x16xf32>,
      %mul3A_725 = arith.constant 16 : i32
      %mul3A_726 = arith.muli %scan3A_176, %mul3A_725 : i32
      %add3A_727 = arith.constant 15 : i32
      %add3A_728 = arith.addi %mul3A_726, %add3A_727 : i32
      %slice3A_729 = vector.extract_strided_slice %mul3A_217 {offsets = [15], sizes = [1], strides = [1]} : vector<16xf32> to vector<1xf32>
      %squeeze3A_730 = vector.extract %slice3A_729[0] : f32 from vector<1xf32>
      %get3A_731 = arith.index_cast %add3A_728 : i32 to index
      %get3A_732 = arith.constant 0 : index
      %get3A_733 = tpu.vector_load %arg20[%get3A_731, %get3A_732] {strides = array<i32>} : memref<640x16xf32, #tpu.memory_space<vmem>>, vector<1x16xf32>,
      %get3A_734 = vector.shape_cast %get3A_733 : vector<1x16xf32> to vector<16xf32>
      %get3A_735 = arith.index_cast %add3A_728 : i32 to index
      %get3A_736 = arith.constant 0 : index
      %get3A_737 = tpu.vector_load %arg21[%get3A_735, %get3A_736] {strides = array<i32>} : memref<640x16xf32, #tpu.memory_space<vmem>>, vector<1x16xf32>,
      %get3A_738 = vector.shape_cast %get3A_737 : vector<1x16xf32> to vector<16xf32>
      %add3A_739 = arith.addf %get3A_734, %get3A_738 : vector<16xf32>
      %mul3A_740 = arith.mulf %squeeze3A_730, %squeeze3A_730 : f32
      %mul3A_741 = vector.broadcast %mul3A_740 : f32 to vector<16xf32>
      %mul3A_742 = arith.mulf %add3A_739, %mul3A_741 : vector<16xf32>
      %mul3A_743 = vector.broadcast %squeeze3A_730 : f32 to vector<16xf32>
      %mul3A_744 = arith.mulf %get3A_44, %mul3A_743 : vector<16xf32>
      %add3A_745 = arith.addf %mul3A_742, %mul3A_744 : vector<16xf32>
      %swap3A_746 = arith.index_cast %add3A_728 : i32 to index
      %swap3A_747 = arith.constant 0 : index
      %swap3A_748 = tpu.vector_load %arg20[%swap3A_746, %swap3A_747] {strides = array<i32>} : memref<640x16xf32, #tpu.memory_space<vmem>>, vector<1x16xf32>,
      %swap3A_749 = vector.shape_cast %swap3A_748 : vector<1x16xf32> to vector<16xf32>
      %swap3A_750 = vector.shape_cast %add3A_745 : vector<16xf32> to vector<1x16xf32>
      tpu.vector_store %arg20[%swap3A_746, %swap3A_747], %swap3A_750 {strides = array<i32>} : memref<640x16xf32, #tpu.memory_space<vmem>>, vector<1x16xf32>,
      %mul3A_751 = arith.constant 5.000000e-01 : f32
      %mul3A_752 = vector.broadcast %mul3A_751 : f32 to vector<16xf32>
      %mul3A_753 = arith.mulf %add3A_745, %mul3A_752 : vector<16xf32>
      %swap3A_754 = arith.index_cast %add3A_728 : i32 to index
      %swap3A_755 = arith.constant 0 : index
      %swap3A_756 = tpu.vector_load %arg21[%swap3A_754, %swap3A_755] {strides = array<i32>} : memref<640x16xf32, #tpu.memory_space<vmem>>, vector<1x16xf32>,
      %swap3A_757 = vector.shape_cast %swap3A_756 : vector<1x16xf32> to vector<16xf32>
      %swap3A_758 = vector.shape_cast %mul3A_753 : vector<16xf32> to vector<1x16xf32>
      tpu.vector_store %arg21[%swap3A_754, %swap3A_755], %swap3A_758 {strides = array<i32>} : memref<640x16xf32, #tpu.memory_space<vmem>>, vector<1x16xf32>,
      %scan3A_759 = arith.constant 0 : i32
      scf.yield %scan3A_759 : i32
    }
    %scan3A_50 = arith.constant 40 : i32
    "tpu.region"() ({
      %run_scoped3A = tpu.sem_alloc : memref<!tpu.dma_semaphore, #tpu.memory_space<semaphore_mem>>
      %dma_start3A_176 = arith.constant 0 : i32
      %dma_start3A_177 = tpu.memref_slice %arg25[%mul3A_0, %dma_start3A_176] : memref<10240x16xf32, #tpu.memory_space<vmem_shared>> -> memref<640x16xf32, #tpu.memory_space<vmem_shared>>
      %dma_start3A_178 = arith.constant 0 : i32
      %dma_start3A_179 = tpu.memref_slice %arg25[%mul3A_0, %dma_start3A_178] : memref<10240x16xf32, #tpu.memory_space<vmem_shared>> -> memref<640x16xf32, #tpu.memory_space<vmem_shared>>
      tpu.enqueue_dma source(%arg20 : memref<640x16xf32, #tpu.memory_space<vmem>>) target(%dma_start3A_179 : memref<640x16xf32, #tpu.memory_space<vmem_shared>>) target_semaphore(%run_scoped3A : memref<!tpu.dma_semaphore, #tpu.memory_space<semaphore_mem>>)
      %dma_wait3A_180 = arith.constant 0 : i32
      %dma_wait3A_181 = tpu.memref_slice %arg25[%mul3A_0, %dma_wait3A_180] : memref<10240x16xf32, #tpu.memory_space<vmem_shared>> -> memref<640x16xf32, #tpu.memory_space<vmem_shared>>
      %dma_wait3A_182 = arith.constant 0 : i32
      %dma_wait3A_183 = tpu.memref_slice %arg25[%mul3A_0, %dma_wait3A_182] : memref<10240x16xf32, #tpu.memory_space<vmem_shared>> -> memref<640x16xf32, #tpu.memory_space<vmem_shared>>
      tpu.wait_dma2 semaphore(%run_scoped3A : memref<!tpu.dma_semaphore, #tpu.memory_space<semaphore_mem>>) src(%arg20 : memref<640x16xf32, #tpu.memory_space<vmem>>) dst(%dma_wait3A_183 : memref<640x16xf32, #tpu.memory_space<vmem_shared>>)
      tpu.yield
    }) : () -> ()
    "tpu.region"() ({
      %run_scoped3A = tpu.sem_alloc : memref<!tpu.dma_semaphore, #tpu.memory_space<semaphore_mem>>
      %dma_start3A_176 = arith.constant 0 : i32
      %dma_start3A_177 = tpu.memref_slice %arg26[%mul3A_0, %dma_start3A_176] : memref<10240x16xf32, #tpu.memory_space<vmem_shared>> -> memref<640x16xf32, #tpu.memory_space<vmem_shared>>
      %dma_start3A_178 = arith.constant 0 : i32
      %dma_start3A_179 = tpu.memref_slice %arg26[%mul3A_0, %dma_start3A_178] : memref<10240x16xf32, #tpu.memory_space<vmem_shared>> -> memref<640x16xf32, #tpu.memory_space<vmem_shared>>
      tpu.enqueue_dma source(%arg21 : memref<640x16xf32, #tpu.memory_space<vmem>>) target(%dma_start3A_179 : memref<640x16xf32, #tpu.memory_space<vmem_shared>>) target_semaphore(%run_scoped3A : memref<!tpu.dma_semaphore, #tpu.memory_space<semaphore_mem>>)
      %dma_wait3A_180 = arith.constant 0 : i32
      %dma_wait3A_181 = tpu.memref_slice %arg26[%mul3A_0, %dma_wait3A_180] : memref<10240x16xf32, #tpu.memory_space<vmem_shared>> -> memref<640x16xf32, #tpu.memory_space<vmem_shared>>
      %dma_wait3A_182 = arith.constant 0 : i32
      %dma_wait3A_183 = tpu.memref_slice %arg26[%mul3A_0, %dma_wait3A_182] : memref<10240x16xf32, #tpu.memory_space<vmem_shared>> -> memref<640x16xf32, #tpu.memory_space<vmem_shared>>
      tpu.wait_dma2 semaphore(%run_scoped3A : memref<!tpu.dma_semaphore, #tpu.memory_space<semaphore_mem>>) src(%arg21 : memref<640x16xf32, #tpu.memory_space<vmem>>) dst(%dma_wait3A_183 : memref<640x16xf32, #tpu.memory_space<vmem_shared>>)
      tpu.yield
    }) : () -> ()
    %barrier3A = arith.constant 0 : index
    tpu.barrier barrier_id(%barrier3A)
    %dma_wait3A_51 = tpu.memref_slice %arg5[%add3A_6] : memref<320000xi32, #tpu.memory_space<hbm>> -> memref<2000xi32, #tpu.memory_space<hbm>>
    %dma_wait3A_52 = tpu.memref_slice %arg5[%add3A_6] : memref<320000xi32, #tpu.memory_space<hbm>> -> memref<2000xi32, #tpu.memory_space<hbm>>
    tpu.wait_dma2 semaphore(%arg14 : memref<!tpu.dma_semaphore, #tpu.memory_space<semaphore_mem>>) src(%dma_wait3A_52 : memref<2000xi32, #tpu.memory_space<hbm>>) dst(%arg8 : memref<2000xi32, #tpu.memory_space<vmem>>)
    %dma_wait3A_53 = tpu.memref_slice %arg6[%add3A_6] : memref<320000xi32, #tpu.memory_space<hbm>> -> memref<2000xi32, #tpu.memory_space<hbm>>
    %dma_wait3A_54 = tpu.memref_slice %arg6[%add3A_6] : memref<320000xi32, #tpu.memory_space<hbm>> -> memref<2000xi32, #tpu.memory_space<hbm>>
    tpu.wait_dma2 semaphore(%arg14 : memref<!tpu.dma_semaphore, #tpu.memory_space<semaphore_mem>>) src(%dma_wait3A_54 : memref<2000xi32, #tpu.memory_space<hbm>>) dst(%arg9 : memref<2000xi32, #tpu.memory_space<vmem>>)
    %dma_start3A_55 = arith.constant 0 : i32
    %dma_start3A_56 = arith.constant 0 : i32
    %dma_start3A_57 = tpu.memref_slice %arg25[%dma_start3A_55, %dma_start3A_56] : memref<10240x16xf32, #tpu.memory_space<vmem_shared>> -> memref<10240x16xf32, #tpu.memory_space<vmem_shared>>
    tpu.enqueue_indirect_dma source(%dma_start3A_57 : memref<10240x16xf32, #tpu.memory_space<vmem_shared>>) target(%arg10 : memref<2000x16xf32, #tpu.memory_space<vmem>>) offsets(%arg8 : memref<2000xi32, #tpu.memory_space<vmem>>) semaphore(%arg15 : memref<!tpu.dma_semaphore, #tpu.memory_space<semaphore_mem>>)
    %mul3A_58 = arith.constant 160000 : i32
    %mul3A_59 = arith.muli %arg0, %mul3A_58 : i32
    %mul3A_60 = arith.constant 10000 : i32
    %mul3A_61 = arith.muli %arg1, %mul3A_60 : i32
    %add3A_62 = arith.addi %mul3A_59, %mul3A_61 : i32
    %add3A_63 = arith.constant 2000 : i32
    %add3A_64 = arith.addi %add3A_62, %add3A_63 : i32
    %dma_start3A_65 = tpu.memref_slice %arg5[%add3A_64] : memref<320000xi32, #tpu.memory_space<hbm>> -> memref<2000xi32, #tpu.memory_space<hbm>>
    %dma_start3A_66 = tpu.memref_slice %arg5[%add3A_64] : memref<320000xi32, #tpu.memory_space<hbm>> -> memref<2000xi32, #tpu.memory_space<hbm>>
    tpu.enqueue_dma source(%dma_start3A_66 : memref<2000xi32, #tpu.memory_space<hbm>>) target(%arg11 : memref<2000xi32, #tpu.memory_space<vmem>>) target_semaphore(%arg17 : memref<!tpu.dma_semaphore, #tpu.memory_space<semaphore_mem>>)
    %dma_start3A_67 = tpu.memref_slice %arg6[%add3A_64] : memref<320000xi32, #tpu.memory_space<hbm>> -> memref<2000xi32, #tpu.memory_space<hbm>>
    %dma_start3A_68 = tpu.memref_slice %arg6[%add3A_64] : memref<320000xi32, #tpu.memory_space<hbm>> -> memref<2000xi32, #tpu.memory_space<hbm>>
    tpu.enqueue_dma source(%dma_start3A_68 : memref<2000xi32, #tpu.memory_space<hbm>>) target(%arg12 : memref<2000xi32, #tpu.memory_space<vmem>>) target_semaphore(%arg17 : memref<!tpu.dma_semaphore, #tpu.memory_space<semaphore_mem>>)
    %dma_wait3A_69 = arith.constant 0 : i32
    %dma_wait3A_70 = arith.constant 0 : i32
    %dma_wait3A_71 = tpu.memref_slice %arg25[%dma_wait3A_69, %dma_wait3A_70] : memref<10240x16xf32, #tpu.memory_space<vmem_shared>> -> memref<10240x16xf32, #tpu.memory_space<vmem_shared>>
    tpu.wait_indirect_dma semaphore(%arg15 : memref<!tpu.dma_semaphore, #tpu.memory_space<semaphore_mem>>) src(%dma_wait3A_71 : memref<10240x16xf32, #tpu.memory_space<vmem_shared>>) dst(%arg10 : memref<2000x16xf32, #tpu.memory_space<vmem>>)
    %dma_start3A_72 = arith.constant 0 : i32
    %dma_start3A_73 = arith.constant 0 : i32
    %dma_start3A_74 = tpu.memref_slice %arg26[%dma_start3A_72, %dma_start3A_73] : memref<10240x16xf32, #tpu.memory_space<vmem_shared>> -> memref<10240x16xf32, #tpu.memory_space<vmem_shared>>
    tpu.enqueue_indirect_dma source(%arg10 : memref<2000x16xf32, #tpu.memory_space<vmem>>) target(%dma_start3A_74 : memref<10240x16xf32, #tpu.memory_space<vmem_shared>>) offsets(%arg9 : memref<2000xi32, #tpu.memory_space<vmem>>) semaphore(%arg16 : memref<!tpu.dma_semaphore, #tpu.memory_space<semaphore_mem>>) {add = true}
    %dma_wait3A_75 = tpu.memref_slice %arg5[%add3A_64] : memref<320000xi32, #tpu.memory_space<hbm>> -> memref<2000xi32, #tpu.memory_space<hbm>>
    %dma_wait3A_76 = tpu.memref_slice %arg5[%add3A_64] : memref<320000xi32, #tpu.memory_space<hbm>> -> memref<2000xi32, #tpu.memory_space<hbm>>
    tpu.wait_dma2 semaphore(%arg17 : memref<!tpu.dma_semaphore, #tpu.memory_space<semaphore_mem>>) src(%dma_wait3A_76 : memref<2000xi32, #tpu.memory_space<hbm>>) dst(%arg11 : memref<2000xi32, #tpu.memory_space<vmem>>)
    %dma_wait3A_77 = tpu.memref_slice %arg6[%add3A_64] : memref<320000xi32, #tpu.memory_space<hbm>> -> memref<2000xi32, #tpu.memory_space<hbm>>
    %dma_wait3A_78 = tpu.memref_slice %arg6[%add3A_64] : memref<320000xi32, #tpu.memory_space<hbm>> -> memref<2000xi32, #tpu.memory_space<hbm>>
    tpu.wait_dma2 semaphore(%arg17 : memref<!tpu.dma_semaphore, #tpu.memory_space<semaphore_mem>>) src(%dma_wait3A_78 : memref<2000xi32, #tpu.memory_space<hbm>>) dst(%arg12 : memref<2000xi32, #tpu.memory_space<vmem>>)
    %dma_start3A_79 = arith.constant 0 : i32
    %dma_start3A_80 = arith.constant 0 : i32
    %dma_start3A_81 = tpu.memref_slice %arg25[%dma_start3A_79, %dma_start3A_80] : memref<10240x16xf32, #tpu.memory_space<vmem_shared>> -> memref<10240x16xf32, #tpu.memory_space<vmem_shared>>
    tpu.enqueue_indirect_dma source(%dma_start3A_81 : memref<10240x16xf32, #tpu.memory_space<vmem_shared>>) target(%arg13 : memref<2000x16xf32, #tpu.memory_space<vmem>>) offsets(%arg11 : memref<2000xi32, #tpu.memory_space<vmem>>) semaphore(%arg18 : memref<!tpu.dma_semaphore, #tpu.memory_space<semaphore_mem>>)
    %dma_wait3A_82 = arith.constant 0 : i32
    %dma_wait3A_83 = arith.constant 0 : i32
    %dma_wait3A_84 = tpu.memref_slice %arg26[%dma_wait3A_82, %dma_wait3A_83] : memref<10240x16xf32, #tpu.memory_space<vmem_shared>> -> memref<10240x16xf32, #tpu.memory_space<vmem_shared>>
    tpu.wait_indirect_dma semaphore(%arg16 : memref<!tpu.dma_semaphore, #tpu.memory_space<semaphore_mem>>) src(%arg10 : memref<2000x16xf32, #tpu.memory_space<vmem>>) dst(%dma_wait3A_84 : memref<10240x16xf32, #tpu.memory_space<vmem_shared>>)
    %mul3A_85 = arith.constant 160000 : i32
    %mul3A_86 = arith.muli %arg0, %mul3A_85 : i32
    %mul3A_87 = arith.constant 10000 : i32
    %mul3A_88 = arith.muli %arg1, %mul3A_87 : i32
    %add3A_89 = arith.addi %mul3A_86, %mul3A_88 : i32
    %add3A_90 = arith.constant 4000 : i32
    %add3A_91 = arith.addi %add3A_89, %add3A_90 : i32
    %dma_start3A_92 = tpu.memref_slice %arg5[%add3A_91] : memref<320000xi32, #tpu.memory_space<hbm>> -> memref<2000xi32, #tpu.memory_space<hbm>>
    %dma_start3A_93 = tpu.memref_slice %arg5[%add3A_91] : memref<320000xi32, #tpu.memory_space<hbm>> -> memref<2000xi32, #tpu.memory_space<hbm>>
    tpu.enqueue_dma source(%dma_start3A_93 : memref<2000xi32, #tpu.memory_space<hbm>>) target(%arg8 : memref<2000xi32, #tpu.memory_space<vmem>>) target_semaphore(%arg14 : memref<!tpu.dma_semaphore, #tpu.memory_space<semaphore_mem>>)
    %dma_start3A_94 = tpu.memref_slice %arg6[%add3A_91] : memref<320000xi32, #tpu.memory_space<hbm>> -> memref<2000xi32, #tpu.memory_space<hbm>>
    %dma_start3A_95 = tpu.memref_slice %arg6[%add3A_91] : memref<320000xi32, #tpu.memory_space<hbm>> -> memref<2000xi32, #tpu.memory_space<hbm>>
    tpu.enqueue_dma source(%dma_start3A_95 : memref<2000xi32, #tpu.memory_space<hbm>>) target(%arg9 : memref<2000xi32, #tpu.memory_space<vmem>>) target_semaphore(%arg14 : memref<!tpu.dma_semaphore, #tpu.memory_space<semaphore_mem>>)
    %dma_wait3A_96 = arith.constant 0 : i32
    %dma_wait3A_97 = arith.constant 0 : i32
    %dma_wait3A_98 = tpu.memref_slice %arg25[%dma_wait3A_96, %dma_wait3A_97] : memref<10240x16xf32, #tpu.memory_space<vmem_shared>> -> memref<10240x16xf32, #tpu.memory_space<vmem_shared>>
    tpu.wait_indirect_dma semaphore(%arg18 : memref<!tpu.dma_semaphore, #tpu.memory_space<semaphore_mem>>) src(%dma_wait3A_98 : memref<10240x16xf32, #tpu.memory_space<vmem_shared>>) dst(%arg13 : memref<2000x16xf32, #tpu.memory_space<vmem>>)
    %dma_start3A_99 = arith.constant 0 : i32
    %dma_start3A_100 = arith.constant 0 : i32
    %dma_start3A_101 = tpu.memref_slice %arg26[%dma_start3A_99, %dma_start3A_100] : memref<10240x16xf32, #tpu.memory_space<vmem_shared>> -> memref<10240x16xf32, #tpu.memory_space<vmem_shared>>
    tpu.enqueue_indirect_dma source(%arg13 : memref<2000x16xf32, #tpu.memory_space<vmem>>) target(%dma_start3A_101 : memref<10240x16xf32, #tpu.memory_space<vmem_shared>>) offsets(%arg12 : memref<2000xi32, #tpu.memory_space<vmem>>) semaphore(%arg19 : memref<!tpu.dma_semaphore, #tpu.memory_space<semaphore_mem>>) {add = true}
    %dma_wait3A_102 = tpu.memref_slice %arg5[%add3A_91] : memref<320000xi32, #tpu.memory_space<hbm>> -> memref<2000xi32, #tpu.memory_space<hbm>>
    %dma_wait3A_103 = tpu.memref_slice %arg5[%add3A_91] : memref<320000xi32, #tpu.memory_space<hbm>> -> memref<2000xi32, #tpu.memory_space<hbm>>
    tpu.wait_dma2 semaphore(%arg14 : memref<!tpu.dma_semaphore, #tpu.memory_space<semaphore_mem>>) src(%dma_wait3A_103 : memref<2000xi32, #tpu.memory_space<hbm>>) dst(%arg8 : memref<2000xi32, #tpu.memory_space<vmem>>)
    %dma_wait3A_104 = tpu.memref_slice %arg6[%add3A_91] : memref<320000xi32, #tpu.memory_space<hbm>> -> memref<2000xi32, #tpu.memory_space<hbm>>
    %dma_wait3A_105 = tpu.memref_slice %arg6[%add3A_91] : memref<320000xi32, #tpu.memory_space<hbm>> -> memref<2000xi32, #tpu.memory_space<hbm>>
    tpu.wait_dma2 semaphore(%arg14 : memref<!tpu.dma_semaphore, #tpu.memory_space<semaphore_mem>>) src(%dma_wait3A_105 : memref<2000xi32, #tpu.memory_space<hbm>>) dst(%arg9 : memref<2000xi32, #tpu.memory_space<vmem>>)
    %dma_start3A_106 = arith.constant 0 : i32
    %dma_start3A_107 = arith.constant 0 : i32
    %dma_start3A_108 = tpu.memref_slice %arg25[%dma_start3A_106, %dma_start3A_107] : memref<10240x16xf32, #tpu.memory_space<vmem_shared>> -> memref<10240x16xf32, #tpu.memory_space<vmem_shared>>
    tpu.enqueue_indirect_dma source(%dma_start3A_108 : memref<10240x16xf32, #tpu.memory_space<vmem_shared>>) target(%arg10 : memref<2000x16xf32, #tpu.memory_space<vmem>>) offsets(%arg8 : memref<2000xi32, #tpu.memory_space<vmem>>) semaphore(%arg15 : memref<!tpu.dma_semaphore, #tpu.memory_space<semaphore_mem>>)
    %dma_wait3A_109 = arith.constant 0 : i32
    %dma_wait3A_110 = arith.constant 0 : i32
    %dma_wait3A_111 = tpu.memref_slice %arg26[%dma_wait3A_109, %dma_wait3A_110] : memref<10240x16xf32, #tpu.memory_space<vmem_shared>> -> memref<10240x16xf32, #tpu.memory_space<vmem_shared>>
    tpu.wait_indirect_dma semaphore(%arg19 : memref<!tpu.dma_semaphore, #tpu.memory_space<semaphore_mem>>) src(%arg13 : memref<2000x16xf32, #tpu.memory_space<vmem>>) dst(%dma_wait3A_111 : memref<10240x16xf32, #tpu.memory_space<vmem_shared>>)
    %mul3A_112 = arith.constant 160000 : i32
    %mul3A_113 = arith.muli %arg0, %mul3A_112 : i32
    %mul3A_114 = arith.constant 10000 : i32
    %mul3A_115 = arith.muli %arg1, %mul3A_114 : i32
    %add3A_116 = arith.addi %mul3A_113, %mul3A_115 : i32
    %add3A_117 = arith.constant 6000 : i32
    %add3A_118 = arith.addi %add3A_116, %add3A_117 : i32
    %dma_start3A_119 = tpu.memref_slice %arg5[%add3A_118] : memref<320000xi32, #tpu.memory_space<hbm>> -> memref<2000xi32, #tpu.memory_space<hbm>>
    %dma_start3A_120 = tpu.memref_slice %arg5[%add3A_118] : memref<320000xi32, #tpu.memory_space<hbm>> -> memref<2000xi32, #tpu.memory_space<hbm>>
    tpu.enqueue_dma source(%dma_start3A_120 : memref<2000xi32, #tpu.memory_space<hbm>>) target(%arg11 : memref<2000xi32, #tpu.memory_space<vmem>>) target_semaphore(%arg17 : memref<!tpu.dma_semaphore, #tpu.memory_space<semaphore_mem>>)
    %dma_start3A_121 = tpu.memref_slice %arg6[%add3A_118] : memref<320000xi32, #tpu.memory_space<hbm>> -> memref<2000xi32, #tpu.memory_space<hbm>>
    %dma_start3A_122 = tpu.memref_slice %arg6[%add3A_118] : memref<320000xi32, #tpu.memory_space<hbm>> -> memref<2000xi32, #tpu.memory_space<hbm>>
    tpu.enqueue_dma source(%dma_start3A_122 : memref<2000xi32, #tpu.memory_space<hbm>>) target(%arg12 : memref<2000xi32, #tpu.memory_space<vmem>>) target_semaphore(%arg17 : memref<!tpu.dma_semaphore, #tpu.memory_space<semaphore_mem>>)
    %dma_wait3A_123 = arith.constant 0 : i32
    %dma_wait3A_124 = arith.constant 0 : i32
    %dma_wait3A_125 = tpu.memref_slice %arg25[%dma_wait3A_123, %dma_wait3A_124] : memref<10240x16xf32, #tpu.memory_space<vmem_shared>> -> memref<10240x16xf32, #tpu.memory_space<vmem_shared>>
    tpu.wait_indirect_dma semaphore(%arg15 : memref<!tpu.dma_semaphore, #tpu.memory_space<semaphore_mem>>) src(%dma_wait3A_125 : memref<10240x16xf32, #tpu.memory_space<vmem_shared>>) dst(%arg10 : memref<2000x16xf32, #tpu.memory_space<vmem>>)
    %dma_start3A_126 = arith.constant 0 : i32
    %dma_start3A_127 = arith.constant 0 : i32
    %dma_start3A_128 = tpu.memref_slice %arg26[%dma_start3A_126, %dma_start3A_127] : memref<10240x16xf32, #tpu.memory_space<vmem_shared>> -> memref<10240x16xf32, #tpu.memory_space<vmem_shared>>
    tpu.enqueue_indirect_dma source(%arg10 : memref<2000x16xf32, #tpu.memory_space<vmem>>) target(%dma_start3A_128 : memref<10240x16xf32, #tpu.memory_space<vmem_shared>>) offsets(%arg9 : memref<2000xi32, #tpu.memory_space<vmem>>) semaphore(%arg16 : memref<!tpu.dma_semaphore, #tpu.memory_space<semaphore_mem>>) {add = true}
    %dma_wait3A_129 = tpu.memref_slice %arg5[%add3A_118] : memref<320000xi32, #tpu.memory_space<hbm>> -> memref<2000xi32, #tpu.memory_space<hbm>>
    %dma_wait3A_130 = tpu.memref_slice %arg5[%add3A_118] : memref<320000xi32, #tpu.memory_space<hbm>> -> memref<2000xi32, #tpu.memory_space<hbm>>
    tpu.wait_dma2 semaphore(%arg17 : memref<!tpu.dma_semaphore, #tpu.memory_space<semaphore_mem>>) src(%dma_wait3A_130 : memref<2000xi32, #tpu.memory_space<hbm>>) dst(%arg11 : memref<2000xi32, #tpu.memory_space<vmem>>)
    %dma_wait3A_131 = tpu.memref_slice %arg6[%add3A_118] : memref<320000xi32, #tpu.memory_space<hbm>> -> memref<2000xi32, #tpu.memory_space<hbm>>
    %dma_wait3A_132 = tpu.memref_slice %arg6[%add3A_118] : memref<320000xi32, #tpu.memory_space<hbm>> -> memref<2000xi32, #tpu.memory_space<hbm>>
    tpu.wait_dma2 semaphore(%arg17 : memref<!tpu.dma_semaphore, #tpu.memory_space<semaphore_mem>>) src(%dma_wait3A_132 : memref<2000xi32, #tpu.memory_space<hbm>>) dst(%arg12 : memref<2000xi32, #tpu.memory_space<vmem>>)
    %dma_start3A_133 = arith.constant 0 : i32
    %dma_start3A_134 = arith.constant 0 : i32
    %dma_start3A_135 = tpu.memref_slice %arg25[%dma_start3A_133, %dma_start3A_134] : memref<10240x16xf32, #tpu.memory_space<vmem_shared>> -> memref<10240x16xf32, #tpu.memory_space<vmem_shared>>
    tpu.enqueue_indirect_dma source(%dma_start3A_135 : memref<10240x16xf32, #tpu.memory_space<vmem_shared>>) target(%arg13 : memref<2000x16xf32, #tpu.memory_space<vmem>>) offsets(%arg11 : memref<2000xi32, #tpu.memory_space<vmem>>) semaphore(%arg18 : memref<!tpu.dma_semaphore, #tpu.memory_space<semaphore_mem>>)
    %dma_wait3A_136 = arith.constant 0 : i32
    %dma_wait3A_137 = arith.constant 0 : i32
    %dma_wait3A_138 = tpu.memref_slice %arg26[%dma_wait3A_136, %dma_wait3A_137] : memref<10240x16xf32, #tpu.memory_space<vmem_shared>> -> memref<10240x16xf32, #tpu.memory_space<vmem_shared>>
    tpu.wait_indirect_dma semaphore(%arg16 : memref<!tpu.dma_semaphore, #tpu.memory_space<semaphore_mem>>) src(%arg10 : memref<2000x16xf32, #tpu.memory_space<vmem>>) dst(%dma_wait3A_138 : memref<10240x16xf32, #tpu.memory_space<vmem_shared>>)
    %mul3A_139 = arith.constant 160000 : i32
    %mul3A_140 = arith.muli %arg0, %mul3A_139 : i32
    %mul3A_141 = arith.constant 10000 : i32
    %mul3A_142 = arith.muli %arg1, %mul3A_141 : i32
    %add3A_143 = arith.addi %mul3A_140, %mul3A_142 : i32
    %add3A_144 = arith.constant 8000 : i32
    %add3A_145 = arith.addi %add3A_143, %add3A_144 : i32
    %dma_start3A_146 = tpu.memref_slice %arg5[%add3A_145] : memref<320000xi32, #tpu.memory_space<hbm>> -> memref<2000xi32, #tpu.memory_space<hbm>>
    %dma_start3A_147 = tpu.memref_slice %arg5[%add3A_145] : memref<320000xi32, #tpu.memory_space<hbm>> -> memref<2000xi32, #tpu.memory_space<hbm>>
    tpu.enqueue_dma source(%dma_start3A_147 : memref<2000xi32, #tpu.memory_space<hbm>>) target(%arg8 : memref<2000xi32, #tpu.memory_space<vmem>>) target_semaphore(%arg14 : memref<!tpu.dma_semaphore, #tpu.memory_space<semaphore_mem>>)
    %dma_start3A_148 = tpu.memref_slice %arg6[%add3A_145] : memref<320000xi32, #tpu.memory_space<hbm>> -> memref<2000xi32, #tpu.memory_space<hbm>>
    %dma_start3A_149 = tpu.memref_slice %arg6[%add3A_145] : memref<320000xi32, #tpu.memory_space<hbm>> -> memref<2000xi32, #tpu.memory_space<hbm>>
    tpu.enqueue_dma source(%dma_start3A_149 : memref<2000xi32, #tpu.memory_space<hbm>>) target(%arg9 : memref<2000xi32, #tpu.memory_space<vmem>>) target_semaphore(%arg14 : memref<!tpu.dma_semaphore, #tpu.memory_space<semaphore_mem>>)
    %dma_wait3A_150 = arith.constant 0 : i32
    %dma_wait3A_151 = arith.constant 0 : i32
    %dma_wait3A_152 = tpu.memref_slice %arg25[%dma_wait3A_150, %dma_wait3A_151] : memref<10240x16xf32, #tpu.memory_space<vmem_shared>> -> memref<10240x16xf32, #tpu.memory_space<vmem_shared>>
    tpu.wait_indirect_dma semaphore(%arg18 : memref<!tpu.dma_semaphore, #tpu.memory_space<semaphore_mem>>) src(%dma_wait3A_152 : memref<10240x16xf32, #tpu.memory_space<vmem_shared>>) dst(%arg13 : memref<2000x16xf32, #tpu.memory_space<vmem>>)
    %dma_start3A_153 = arith.constant 0 : i32
    %dma_start3A_154 = arith.constant 0 : i32
    %dma_start3A_155 = tpu.memref_slice %arg26[%dma_start3A_153, %dma_start3A_154] : memref<10240x16xf32, #tpu.memory_space<vmem_shared>> -> memref<10240x16xf32, #tpu.memory_space<vmem_shared>>
    tpu.enqueue_indirect_dma source(%arg13 : memref<2000x16xf32, #tpu.memory_space<vmem>>) target(%dma_start3A_155 : memref<10240x16xf32, #tpu.memory_space<vmem_shared>>) offsets(%arg12 : memref<2000xi32, #tpu.memory_space<vmem>>) semaphore(%arg19 : memref<!tpu.dma_semaphore, #tpu.memory_space<semaphore_mem>>) {add = true}
    %dma_wait3A_156 = tpu.memref_slice %arg5[%add3A_145] : memref<320000xi32, #tpu.memory_space<hbm>> -> memref<2000xi32, #tpu.memory_space<hbm>>
    %dma_wait3A_157 = tpu.memref_slice %arg5[%add3A_145] : memref<320000xi32, #tpu.memory_space<hbm>> -> memref<2000xi32, #tpu.memory_space<hbm>>
    tpu.wait_dma2 semaphore(%arg14 : memref<!tpu.dma_semaphore, #tpu.memory_space<semaphore_mem>>) src(%dma_wait3A_157 : memref<2000xi32, #tpu.memory_space<hbm>>) dst(%arg8 : memref<2000xi32, #tpu.memory_space<vmem>>)
    %dma_wait3A_158 = tpu.memref_slice %arg6[%add3A_145] : memref<320000xi32, #tpu.memory_space<hbm>> -> memref<2000xi32, #tpu.memory_space<hbm>>
    %dma_wait3A_159 = tpu.memref_slice %arg6[%add3A_145] : memref<320000xi32, #tpu.memory_space<hbm>> -> memref<2000xi32, #tpu.memory_space<hbm>>
    tpu.wait_dma2 semaphore(%arg14 : memref<!tpu.dma_semaphore, #tpu.memory_space<semaphore_mem>>) src(%dma_wait3A_159 : memref<2000xi32, #tpu.memory_space<hbm>>) dst(%arg9 : memref<2000xi32, #tpu.memory_space<vmem>>)
    %dma_start3A_160 = arith.constant 0 : i32
    %dma_start3A_161 = arith.constant 0 : i32
    %dma_start3A_162 = tpu.memref_slice %arg25[%dma_start3A_160, %dma_start3A_161] : memref<10240x16xf32, #tpu.memory_space<vmem_shared>> -> memref<10240x16xf32, #tpu.memory_space<vmem_shared>>
    tpu.enqueue_indirect_dma source(%dma_start3A_162 : memref<10240x16xf32, #tpu.memory_space<vmem_shared>>) target(%arg10 : memref<2000x16xf32, #tpu.memory_space<vmem>>) offsets(%arg8 : memref<2000xi32, #tpu.memory_space<vmem>>) semaphore(%arg15 : memref<!tpu.dma_semaphore, #tpu.memory_space<semaphore_mem>>)
    %dma_wait3A_163 = arith.constant 0 : i32
    %dma_wait3A_164 = arith.constant 0 : i32
    %dma_wait3A_165 = tpu.memref_slice %arg25[%dma_wait3A_163, %dma_wait3A_164] : memref<10240x16xf32, #tpu.memory_space<vmem_shared>> -> memref<10240x16xf32, #tpu.memory_space<vmem_shared>>
    tpu.wait_indirect_dma semaphore(%arg15 : memref<!tpu.dma_semaphore, #tpu.memory_space<semaphore_mem>>) src(%dma_wait3A_165 : memref<10240x16xf32, #tpu.memory_space<vmem_shared>>) dst(%arg10 : memref<2000x16xf32, #tpu.memory_space<vmem>>)
    %dma_start3A_166 = arith.constant 0 : i32
    %dma_start3A_167 = arith.constant 0 : i32
    %dma_start3A_168 = tpu.memref_slice %arg26[%dma_start3A_166, %dma_start3A_167] : memref<10240x16xf32, #tpu.memory_space<vmem_shared>> -> memref<10240x16xf32, #tpu.memory_space<vmem_shared>>
    tpu.enqueue_indirect_dma source(%arg10 : memref<2000x16xf32, #tpu.memory_space<vmem>>) target(%dma_start3A_168 : memref<10240x16xf32, #tpu.memory_space<vmem_shared>>) offsets(%arg9 : memref<2000xi32, #tpu.memory_space<vmem>>) semaphore(%arg16 : memref<!tpu.dma_semaphore, #tpu.memory_space<semaphore_mem>>) {add = true}
    %dma_wait3A_169 = arith.constant 0 : i32
    %dma_wait3A_170 = arith.constant 0 : i32
    %dma_wait3A_171 = tpu.memref_slice %arg26[%dma_wait3A_169, %dma_wait3A_170] : memref<10240x16xf32, #tpu.memory_space<vmem_shared>> -> memref<10240x16xf32, #tpu.memory_space<vmem_shared>>
    tpu.wait_indirect_dma semaphore(%arg16 : memref<!tpu.dma_semaphore, #tpu.memory_space<semaphore_mem>>) src(%arg10 : memref<2000x16xf32, #tpu.memory_space<vmem>>) dst(%dma_wait3A_171 : memref<10240x16xf32, #tpu.memory_space<vmem_shared>>)
    %dma_wait3A_172 = arith.constant 0 : i32
    %dma_wait3A_173 = arith.constant 0 : i32
    %dma_wait3A_174 = tpu.memref_slice %arg26[%dma_wait3A_172, %dma_wait3A_173] : memref<10240x16xf32, #tpu.memory_space<vmem_shared>> -> memref<10240x16xf32, #tpu.memory_space<vmem_shared>>
    tpu.wait_indirect_dma semaphore(%arg19 : memref<!tpu.dma_semaphore, #tpu.memory_space<semaphore_mem>>) src(%arg13 : memref<2000x16xf32, #tpu.memory_space<vmem>>) dst(%dma_wait3A_174 : memref<10240x16xf32, #tpu.memory_space<vmem_shared>>)
    %barrier3A_175 = arith.constant 0 : index
    tpu.barrier barrier_id(%barrier3A_175)
    "tpu.region"() ({
      %run_scoped3A = tpu.sem_alloc : memref<!tpu.dma_semaphore, #tpu.memory_space<semaphore_mem>>
      %dma_start3A_176 = arith.constant 0 : i32
      %dma_start3A_177 = tpu.memref_slice %arg7[%arg0, %mul3A_0, %dma_start3A_176] : memref<2x10240x16xf32, #tpu.memory_space<hbm>> -> memref<1x640x16xf32, #tpu.memory_space<hbm>>
      %dma_start3A_178 = tpu.memref_squeeze %dma_start3A_177 : memref<1x640x16xf32, #tpu.memory_space<hbm>> -> memref<640x16xf32, #tpu.memory_space<hbm>>
      %dma_start3A_179 = arith.constant 0 : i32
      %dma_start3A_180 = tpu.memref_slice %arg26[%mul3A_0, %dma_start3A_179] : memref<10240x16xf32, #tpu.memory_space<vmem_shared>> -> memref<640x16xf32, #tpu.memory_space<vmem_shared>>
      tpu.enqueue_dma source(%dma_start3A_180 : memref<640x16xf32, #tpu.memory_space<vmem_shared>>) target(%dma_start3A_178 : memref<640x16xf32, #tpu.memory_space<hbm>>) target_semaphore(%run_scoped3A : memref<!tpu.dma_semaphore, #tpu.memory_space<semaphore_mem>>)
      %dma_wait3A_181 = arith.constant 0 : i32
      %dma_wait3A_182 = tpu.memref_slice %arg7[%arg0, %mul3A_0, %dma_wait3A_181] : memref<2x10240x16xf32, #tpu.memory_space<hbm>> -> memref<1x640x16xf32, #tpu.memory_space<hbm>>
      %dma_wait3A_183 = tpu.memref_squeeze %dma_wait3A_182 : memref<1x640x16xf32, #tpu.memory_space<hbm>> -> memref<640x16xf32, #tpu.memory_space<hbm>>
      %dma_wait3A_184 = arith.constant 0 : i32
      %dma_wait3A_185 = tpu.memref_slice %arg26[%mul3A_0, %dma_wait3A_184] : memref<10240x16xf32, #tpu.memory_space<vmem_shared>> -> memref<640x16xf32, #tpu.memory_space<vmem_shared>>
      tpu.wait_dma2 semaphore(%run_scoped3A : memref<!tpu.dma_semaphore, #tpu.memory_space<semaphore_mem>>) src(%dma_wait3A_185 : memref<640x16xf32, #tpu.memory_space<vmem_shared>>) dst(%dma_wait3A_183 : memref<640x16xf32, #tpu.memory_space<hbm>>)
      tpu.yield
    }) : () -> ()
    return
  }
}

module attributes {stable_mosaic.version = 14 : i64} {
  func.func @_tc_mm1_body(%arg0: memref<10000x128xf32, #tpu.memory_space<vmem>>, %arg1: memref<128x16xf32, #tpu.memory_space<vmem>>, %arg2: memref<10240x16xf32, #tpu.memory_space<vmem>>) attributes {dimension_semantics = [], scalar_prefetch = 0 : i64, scratch_operands = 0 : i64, tpu.core_type = #tpu.core_type<tc>} {
    %get3A = arith.constant 0 : index
    %get3A_0 = arith.constant 0 : index
    %get3A_1 = vector.load %arg0[%get3A, %get3A_0] : memref<10000x128xf32, #tpu.memory_space<vmem>>, vector<10000x128xf32>
    %get3A_2 = arith.constant 0 : index
    %get3A_3 = arith.constant 0 : index
    %get3A_4 = vector.load %arg1[%get3A_2, %get3A_3] : memref<128x16xf32, #tpu.memory_space<vmem>>, vector<128x16xf32>
    %dot_general3A = arith.constant dense<0.000000e+00> : vector<10000x16xf32>
    %dot_general3A_5 = tpu.matmul %get3A_1, %get3A_4, %dot_general3A {dimension_numbers = #tpu.dot_dimension_numbers<[1], [0], [0], [1], [0, 0, 1, 1], [], []>, transpose_lhs_hint = false} : vector<10000x128xf32>, vector<128x16xf32>, vector<10000x16xf32> -> vector<10000x16xf32>
    %swap3A = arith.constant 0 : index
    %swap3A_6 = arith.constant 0 : index
    %swap3A_7 = vector.load %arg2[%swap3A, %swap3A_6] : memref<10240x16xf32, #tpu.memory_space<vmem>>, vector<10000x16xf32>
    tpu.vector_store %arg2[%swap3A, %swap3A_6], %dot_general3A_5 {strides = array<i32>} : memref<10240x16xf32, #tpu.memory_space<vmem>>, vector<10000x16xf32>,
    %broadcast_in_dim3A = arith.constant 0.000000e+00 : f32
    %broadcast_in_dim3A_8 = vector.broadcast %broadcast_in_dim3A : f32 to vector<240x16xf32>
    %swap3A_9 = arith.constant 10000 : index
    %swap3A_10 = arith.constant 0 : index
    %swap3A_11 = vector.load %arg2[%swap3A_9, %swap3A_10] : memref<10240x16xf32, #tpu.memory_space<vmem>>, vector<240x16xf32>
    tpu.vector_store %arg2[%swap3A_9, %swap3A_10], %broadcast_in_dim3A_8 {strides = array<i32>} : memref<10240x16xf32, #tpu.memory_space<vmem>>, vector<240x16xf32>,
    return
  }
}

module attributes {stable_mosaic.version = 14 : i64} {
  func.func @_tc_final_body(%arg0: memref<2x10240x16xf32, #tpu.memory_space<vmem>>, %arg1: memref<10240xf32, #tpu.memory_space<vmem>>, %arg2: memref<16x128xf32, #tpu.memory_space<vmem>>, %arg3: memref<128xf32, #tpu.memory_space<vmem>>, %arg4: memref<10000x128xf32, #tpu.memory_space<vmem>>) attributes {dimension_semantics = [], scalar_prefetch = 0 : i64, scratch_operands = 0 : i64, tpu.core_type = #tpu.core_type<tc>} {
    %get3A = arith.constant 0 : index
    %get3A_0 = vector.load %arg1[%get3A] : memref<10240xf32, #tpu.memory_space<vmem>>, vector<10240xf32>
    %reshape3A = vector.shape_cast %get3A_0 : vector<10240xf32> to vector<1x10240xf32>
    %slice3A = vector.extract_strided_slice %reshape3A {offsets = [0, 0], sizes = [1, 10000], strides = [1, 1]} : vector<1x10240xf32> to vector<1x10000xf32>
    %add3A = arith.constant 1.000000e+00 : f32
    %add3A_1 = vector.broadcast %add3A : f32 to vector<1x10000xf32>
    %add3A_2 = arith.addf %slice3A, %add3A_1 : vector<1x10000xf32>
    %rsqrt3A = math.rsqrt %add3A_2 : vector<1x10000xf32>
    %transpose3A = tpu.transpose %rsqrt3A, [1, 0] : vector<1x10000xf32> -> vector<10000x1xf32>
    %get3A_3 = arith.constant 0 : index
    %get3A_4 = arith.constant 0 : index
    %get3A_5 = arith.constant 0 : index
    %get3A_6 = vector.load %arg0[%get3A_3, %get3A_4, %get3A_5] : memref<2x10240x16xf32, #tpu.memory_space<vmem>>, vector<1x10000x16xf32>
    %get3A_7 = vector.shape_cast %get3A_6 : vector<1x10000x16xf32> to vector<10000x16xf32>
    %get3A_8 = arith.constant 1 : index
    %get3A_9 = arith.constant 0 : index
    %get3A_10 = arith.constant 0 : index
    %get3A_11 = vector.load %arg0[%get3A_8, %get3A_9, %get3A_10] : memref<2x10240x16xf32, #tpu.memory_space<vmem>>, vector<1x10000x16xf32>
    %get3A_12 = vector.shape_cast %get3A_11 : vector<1x10000x16xf32> to vector<10000x16xf32>
    %add3A_13 = arith.addf %get3A_7, %get3A_12 : vector<10000x16xf32>
    %mul3A = vector.broadcast %transpose3A : vector<10000x1xf32> to vector<10000x16xf32>
    %mul3A_14 = arith.mulf %add3A_13, %mul3A : vector<10000x16xf32>
    %get3A_15 = arith.constant 0 : index
    %get3A_16 = arith.constant 0 : index
    %get3A_17 = vector.load %arg2[%get3A_15, %get3A_16] : memref<16x128xf32, #tpu.memory_space<vmem>>, vector<16x128xf32>
    %dot_general3A = arith.constant dense<0.000000e+00> : vector<10000x128xf32>
    %dot_general3A_18 = tpu.matmul %mul3A_14, %get3A_17, %dot_general3A {dimension_numbers = #tpu.dot_dimension_numbers<[1], [0], [0], [1], [0, 0, 1, 1], [], []>, transpose_lhs_hint = false} : vector<10000x16xf32>, vector<16x128xf32>, vector<10000x128xf32> -> vector<10000x128xf32>
    %get3A_19 = arith.constant 0 : index
    %get3A_20 = vector.load %arg3[%get3A_19] : memref<128xf32, #tpu.memory_space<vmem>>, vector<128xf32>
    %reshape3A_21 = vector.shape_cast %get3A_20 : vector<128xf32> to vector<1x128xf32>
    %add3A_22 = vector.broadcast %reshape3A_21 : vector<1x128xf32> to vector<10000x128xf32>
    %add3A_23 = arith.addf %dot_general3A_18, %add3A_22 : vector<10000x128xf32>
    %swap3A = arith.constant 0 : index
    %swap3A_24 = arith.constant 0 : index
    %swap3A_25 = vector.load %arg4[%swap3A, %swap3A_24] : memref<10000x128xf32, #tpu.memory_space<vmem>>, vector<10000x128xf32>
    tpu.vector_store %arg4[%swap3A, %swap3A_24], %add3A_23 {strides = array<i32>} : memref<10000x128xf32, #tpu.memory_space<vmem>>, vector<10000x128xf32>,
    return
  }
}

</mosaic_0001>

<sc_bundles>
// kernel: kernel.6.cloned.1.call-start
scs
__scs_entry_jumppad:
0x0: {  	(pc) =	sbr.rel $0x88, $3  }
0x1: {  	(tag) =	ssettag $0x0;
	lr =	simm.s32 $0x1  }
0x2: {  	[smem:$0x3F9B] =	sst lr;
	_ =	strace $0xD0000000  }
0x3: {  	_ = 	snop  }
0x4: {  	_ = 	snop  }
0x5: {  	_ = 	snop  }
0x6: {  	_ = 	snop  }
0x7: {  	_ = 	snop  }
__scs_overlays_trampoline_lowered:
0x8: {  	[smem:$0x3FAA] =	sst s0  }
0x9: {  	[smem:$0x3FAB] =	sst s1  }
0xa: {  	[smem:$0x3FAC] =	sst s2  }
0xb: {  	[smem:$0x3FAD] =	sst s3  }
0xc: {  	[smem:$0x3FAE] =	sst s4  }
0xd: {  	[smem:$0x3FAF] =	sst s5  }
0xe: {  	[smem:$0x3FB0] =	sst s6  }
0xf: {  	[smem:$0x3FB1] =	sst s7  }
0x10: {  	[smem:$0x3FB2] =	sst s8  }
0x11: {  	[smem:$0x3FB3] =	sst s9;
	s0 =	simm.s32 @!p0 $0x0  }
0x12: {  	s1 =	sld [smem:$0x3F99];
	s0 =	simm.s32 @p0 $0x1  }
0x13: {  	[smem:$0x3FB4] =	sst s0;
	s0 =	simm.s32 @!p1 $0x0  }
0x14: {  	s2 =	sld [smem:$0x3F98];
	s0 =	simm.s32 @p1 $0x1  }
0x15: {  	[smem:$0x3FB5] =	sst s0;
	s0 =	simm.s32 @!p2 $0x0  }
0x16: {  	s3 =	sld [smem:$0x3FDB];
	s0 =	simm.s32 @p2 $0x1  }
0x17: {  	s4 =	simm.s32 $0x1BF5;
	[smem:$0x3FB7] =	sst s0  }
0x18: {  	s0 =	sld [smem:$0x3F9A];
	_ =	swait.ge [sflag:s4], $0x0  }
0x19: {  	s7 =	sld [smem:$0x3F9B]  }
0x1a: {  	s8 =	sadd.s32 $0xFFFFE003, lr  }
0x1b: {  	s9 =	sadd.s32 $0xFFFFFEF7, lr;
	s5 =	simm.s32 $0xFFFFFFFF;
	p2 =	slt.u32 s8, $0xFFFFF086  }
0x1c: {  	p1 =	slt.u32 s9, $0xF7A;
	s5 =	simm.s32 @!p2 $0x0  }
0x1d: {  	s5 =	simm.s32 @p1 $0x1;
	p0 =	seq.s32 s7, s2  }
0x1e: {  	s7 =	smul.u32 @!p0 $0xF7A, s2;
	p2 =	seq.s32 @!p0 s5, $0x0  }
0x1f: {  	s9 =	smul.u32 $0xF7A, s1;
	s8 =	simm.s32 @!p0 $0x1BF5;
	p2 =	por !p2, p0  }
0x20: {  	[sflag:s8] =	ssyncset.s32 @!p0 $0xFFFFF086;
	s6 =	sadd.s32 @!p0 s3, s7;
	s7 =	simm.s32 @!p0 $0x108  }
0x21: {  	s3 =	sadd.s32 s3, s9;
	s6 =	sadd.s32 @!p0 $0x88, s6;
	s7 =	simm.s32 @p2 $0x1082  }
0x22: {  	[simem:s7], [sflag:s8] =	dma.local @!p0 [hbm:s6], $0xF7A  }
0x23: {  	s9 =	sor.u32 $0xD0000000, s2;
	s6 =	simm.s32 $0x108;
	_ =	swait.ge @!p0 [sflag:s8], $0x0  }
0x24: {  	s3 =	sadd.s32 $0x88, s3;
	s6 =	simm.s32 @!p1 $0x1082;
	[sflag:s4] =	ssyncset.s32 $0xFFFFF086  }
0x25: {  	[simem:s6], [sflag:s4] =	dma.local [hbm:s3], $0xF7A  }
0x26: {  	[smem:$0x3F9B] =	sst s1;
	(tag) =	ssettag s2;
	_ =	strace s9  }
0x27: {  	s1 =	sld [smem:$0x3FAB]  }
0x28: {  	s2 =	sld [smem:$0x3FAC]  }
0x29: {  	s4 =	sld [smem:$0x3FAE]  }
0x2a: {  	p0 =	seq.s32 s5, $0x0;
	s5 =	sld [smem:$0x3FAF]  }
0x2b: {  	s6 =	sld [smem:$0x3FB0]  }
0x2c: {  	s7 =	sld [smem:$0x3FB1]  }
0x2d: {  	s3 =	simm.s32 $0x108;
	s8 =	sld [smem:$0x3FB2]  }
0x2e: {  	s3 =	simm.s32 @!p0 $0x1082;
	s9 =	sld [smem:$0x3FB3]  }
0x2f: {  	lr =	sadd.s32 s0, s3;
	s0 =	sld [smem:$0x3FAA]  }
0x30: {  	s3 =	sld [smem:$0x3FAD]  }
0x31: {  	[smem:$0x3FB6] =	sst s10  }
0x32: {  	s10 =	sld [smem:$0x3FB4];
	_ =	sdelay $0x3  }
0x33: {  	p0 =	seq.s32 s10, $0x1;
	s10 =	sld [smem:$0x3FB6];
	_ =	sdelay $0x3  }
0x34: {  	[smem:$0x3FB6] =	sst s10  }
0x35: {  	s10 =	sld [smem:$0x3FB5];
	_ =	sdelay $0x3  }
0x36: {  	p1 =	seq.s32 s10, $0x1;
	s10 =	sld [smem:$0x3FB6];
	_ =	sdelay $0x3  }
0x37: {  	[smem:$0x3FB6] =	sst s10  }
0x38: {  	s10 =	sld [smem:$0x3FB7]  }
0x39: {  	_ = 	snop;
	(pc) =	sbr.ind lr, $3  }
0x3a: {  	_ = 	snop  }
0x3b: {  	_ = 	snop  }
0x3c: {  	p2 =	seq.s32 s10, $0x1;
	s10 =	sld [smem:$0x3FB6]  }
0x3d: {  	_ =	shalt  }
0x3e: {  	_ =	shalt  }
0x3f: {  	_ =	shalt  }
0x40: {  	_ =	shalt  }
0x41: {  	_ =	shalt  }
0x42: {  	_ =	shalt  }
0x43: {  	_ =	shalt  }
0x44: {  	_ =	shalt  }
0x45: {  	_ =	shalt  }
0x46: {  	_ =	shalt  }
0x47: {  	_ =	shalt  }
0x48: {  	_ =	shalt  }
0x49: {  	_ =	shalt  }
0x4a: {  	_ =	shalt  }
0x4b: {  	_ =	shalt  }
0x4c: {  	_ =	shalt  }
0x4d: {  	_ =	shalt  }
0x4e: {  	_ =	shalt  }
0x4f: {  	_ =	shalt  }
0x50: {  	_ =	shalt  }
0x51: {  	_ =	shalt  }
0x52: {  	_ =	shalt  }
0x53: {  	_ =	shalt  }
0x54: {  	_ =	shalt  }
0x55: {  	_ =	shalt  }
0x56: {  	_ =	shalt  }
0x57: {  	_ =	shalt  }
0x58: {  	_ =	shalt  }
0x59: {  	_ =	shalt  }
0x5a: {  	_ =	shalt  }
0x5b: {  	_ =	shalt  }
0x5c: {  	_ =	shalt  }
0x5d: {  	_ =	shalt  }
0x5e: {  	_ =	shalt  }
0x5f: {  	_ =	shalt  }
0x60: {  	_ =	shalt  }
0x61: {  	_ =	shalt  }
0x62: {  	_ =	shalt  }
0x63: {  	_ =	shalt  }
0x64: {  	_ =	shalt  }
0x65: {  	_ =	shalt  }
0x66: {  	_ =	shalt  }
0x67: {  	_ =	shalt  }
0x68: {  	_ =	shalt  }
0x69: {  	_ =	shalt  }
0x6a: {  	_ =	shalt  }
0x6b: {  	_ =	shalt  }
0x6c: {  	_ =	shalt  }
0x6d: {  	_ =	shalt  }
0x6e: {  	_ =	shalt  }
0x6f: {  	_ =	shalt  }
0x70: {  	_ =	shalt  }
0x71: {  	_ =	shalt  }
0x72: {  	_ =	shalt  }
0x73: {  	_ =	shalt  }
0x74: {  	_ =	shalt  }
0x75: {  	_ =	shalt  }
0x76: {  	_ =	shalt  }
0x77: {  	_ =	shalt  }
0x78: {  	_ =	shalt  }
0x79: {  	_ =	shalt  }
0x7a: {  	_ =	shalt  }
0x7b: {  	_ =	shalt  }
0x7c: {  	_ =	shalt  }
0x7d: {  	_ =	shalt  }
0x7e: {  	_ =	shalt  }
0x7f: {  	_ =	shalt  }
0x80: {  	_ =	shalt  }
0x81: {  	_ =	shalt  }
0x82: {  	_ =	shalt  }
0x83: {  	_ =	shalt  }
0x84: {  	_ =	shalt  }
0x85: {  	_ =	shalt  }
0x86: {  	_ =	shalt  }
0x87: {  	_ =	shalt  }
.Lfunc_end0:
.L_simem_size_0:
called_computation_lowered:
.L_overlay_start_0:
0x88: {  	s2 =	sld [smem:$0x3FD9]  }
0x89: {  	s3 =	sld [smem:$0x3FFE];
	_ =	sdelay $0x1  }
0x8a: {  	s1 =	srdreg.scid  }
0x8b: {  	s0 =	sand.u32 $0x1, s1  }
0x8c: {  	s17 =	sshll.u32 s0, $0xA;
	s2 =	sadd.s32 s3, s2  }
0x8d: {  	s2 =	sadd.s32 s2, s17  }
0x8e: {  	[smem:$0x3FC2] =	sst s2  }
0x8f: {  	_ = 	snop  }
0x90: {  	s2 =	sld [smem:$0x3FD0];
	(tm) =	ssettm $0x1  }
0x91: {  	s18 =	sld [smem:$0x3FFB];
	_ =	sdelay $0x3  }
0x92: {  	_ =	strace s18  }
0x93: {  	s3 =	sld [smem:$0x3FFC];
	_ =	sdelay $0x3  }
0x94: {  	_ =	strace s3  }
0x95: {  	s3 =	sld [smem:$0x3FFD];
	_ =	sdelay $0x3  }
0x96: {  	_ =	strace s3  }
0x97: {  	_ =	strace $0x8FFFFFFF  }
0x98: {  	s19 =	sld [smem:$0x3FDB];
	_ =	sdelay $0x1  }
0x99: {  	s4 =	simm.s32 $_scs_section_size  }
0x9a: {  	s5 =	simm.s32 $_size__tile_overlayer_lowered;
	s6 =	simm.s32 $_tile_overlayer_lowered  }
0x9b: {  	s22 =	simm.s32 $0x1BFF;
	s21 =	sshll.u32 s6, $0x1;
	s3 =	sadd.s32 s4, s19  }
0x9c: {  	s7 =	simm.s32 $0x0;
	s20 =	sshll.u32 s5, $0x1;
	s5 =	sadd.s32 s21, s3  }
0x9d: {  	[timem:s7], [sflag:s22] =	dma.local [hbm:s5], s20  }
0x9e: {  	_ =	swait.ge [sflag:s22], s20  }
0x9f: {  	s4 =	ssub.s32 $0x0, s20;
	[sflag:s22] =	ssyncset.done $0x0  }
0xa0: {  	[sflag:s22] =	ssyncadd.s32 s4;
	_ =	sdelay $0x1  }
0xa1: {  	s23 =	simm.s32 $0x1B8B  }
0xa2: {  	_ =	swait.ge [sflag:s23], $0x1  }
0xa3: {  	[sflag:s23] =	ssyncset.done $0x0  }
0xa4: {  	s25 =	simm.s32 $0x1B8E;
	s24 =	sld [smem:$0x3FFE];
	[sflag:s23] =	ssyncadd.s32 $0xFFFFFFFF  }
0xa5: {  	s26 =	simm.s32 $execute0_lowered;
	[smem:$0x3FD2] =	sst s25  }
0xa6: {  	s5 =	sshll.u32 s26, $0x1;
	_ =	strace $0x80000046;
	[dreg:$0x1] =	wrdreg $0xFFFFFFFF  }
0xa7: {  	s28 =	simm.s32 $_size_execute0_lowered;
	s3 =	sadd.s32 s3, s5;
	[dreg:$0x0] =	wrdreg $0x0  }
0xa8: {  	s5 =	sshll.u32 s28, $0x1;
	[dreg:$0x2] =	wrdreg s3  }
0xa9: {  	[dreg:$0x3] =	wrdreg s5  }
0xaa: {  	[dreg:$0x4] =	wrdreg $0xC0  }
0xab: {  	_ =	task [dreg:s7], $0x5FFFF  }
0xac: {  	[dreg:$0x1] =	wrdreg $0xFFFFFFFF  }
0xad: {  	[dreg:$0x0] =	wrdreg $0x60  }
0xae: {  	[dreg:$0x2] =	wrdreg s2  }
0xaf: {  	[dreg:$0x3] =	wrdreg s24  }
0xb0: {  	[dreg:$0x4] =	wrdreg $0x176100  }
0xb1: {  	[dreg:$0x5] =	wrdreg $0x178900  }
0xb2: {  	[dreg:$0x6] =	wrdreg $0x1A0900  }
0xb3: {  	[dreg:$0x7] =	wrdreg $0x9  }
0xb4: {  	_ =	task.clear_ibuf [dreg:s7], $0x8FFFF;
	_ =	strace $0x90000046  }
0xb5: {  	s29 =	simm.s32 $0x9;
	_ =	strace $0x80000048  }
0xb6: {  	_ =	swait.ge [sflag:s29], $0x1  }
0xb7: {  	[sflag:s29] =	ssyncadd.s32 $0xFFFFFFFF  }
0xb8: {  	_ =	strace $0x90000048  }
0xb9: {  	_ =	sfence  }
0xba: {  	s30 =	sld [smem:$0x0];
	_ =	sdelay $0x2  }
0xbb: {  	s31 =	sshll.u32 s1, $0xD;
	s1 =	sshrl.u32 s1, $0x2  }
0xbc: {  	s3 =	sand.u32 $0x4000, s31;
	s1 =	sadd.s32 s1, s30  }
0xbd: {  	s0 =	sor.u32 s3, s0;
	s1 =	sshll.u32 s1, $0x11  }
0xbe: {  	s0 =	sor.u32 s1, s0  }
0xbf: {  	s0 =	sadd.s32 $0x8F2B, s0  }
0xc0: {  	[sflag:s0] =	ssyncadd.remote.s32 $0x1  }
0xc1: {  	_ =	sfence.sel $0xFFFF  }
0xc2: {  	[dreg:$0x0] =	wrdreg $0xFFFFFFFF;
	(pc) =	sbr.abs _section_cstart, $3  }
0xc3: {  	[dreg:$0x1] =	wrdreg $0xFFFFFFFF  }
0xc4: {  	_ =	task.clear_ibuf [dreg:s7], $0x2FFFF;
	_ =	strace $0x9FFFFFFF  }
0xc5: {  	(tm) =	ssettm $0x7FFFFFFF  }
tec
execute0_lowered:
.L_overlay_start_1:
0x0: {  	(tag) =	ssettag $0x1  }
0x1: {  	s0 =	rddreg [dreg:$0x0]  }
0x2: {  	s2 =	rddreg [dreg:$0x1]  }
0x3: {  	s1 =	rddreg [dreg:$0x2];
	s16 =	stileid.u32  }
0x4: {  	s3 =	rddreg [dreg:$0x3];
	s9 =	smul.u32 $0x2800, s16  }
0x5: {  	s4 =	rddreg [dreg:$0x4];
	s8 =	smul.u32 $0x280, s16  }
0x6: {  	s6 =	srdreg.scid;
	s5 =	simm.s32 $0x0;
	s12 =	smul.u32 $0x4E20, s16  }
0x7: {  	s6 =	sand.u32 $0x1, s6;
	[smem:$0x7FF] =	sst s5;
	s16 =	smul.u32 $0x2710, s16  }
0x8: {  	s10 =	sadd.s32 $0xAA00, s2;
	s11 =	sadd.s32 $0xC00, s2;
	s7 =	smul.u32 $0x28000, s6  }
0x9: {  	_ =	strace $0x80000047;
	s17 =	ssub.s32 $0x2, s6;
	s6 =	smul.u32 $0x27100, s6  }
0xa: {  	s14 =	sshrl.u32 s8, $0x3;
	s15 =	sshrl.u32 s17, $0x1;
	s18 =	sshrl.u32 s9, $0x3  }
0xb: {  	s19 =	sshrl.u32 s12, $0x3;
	s12 =	simm.s32 $0x7D0;
	s7 =	sadd.s32 s9, s7  }
0xc: {  	s0 =	sadd.s32 s0, s18;
	s6 =	sadd.s32 s16, s6;
	s7 =	sshrl.u32 s7, $0x3  }
0xd: {  	[dreg:$0x6] =	wrdreg s0;
	s20 =	sshrl.u32 s6, $0x3;
	s13 =	sadd.s32 s7, s2  }
0xe: {  	s2 =	sadd.s32 s14, s2;
	s14 =	ssub.s32 s17, s15;
	s7 =	sadd.s32 s8, s1  }
0xf: {  	s8 =	sadd.s32 s11, s19;
	s23 =	sadd.s32 s10, s20;
	s24 =	sadd.s32 s11, s20  }
0x10: {  	s25 =	sadd.s32 $0xFA, s20;
	s26 =	sadd.s32 $0x1F4, s20;
	s19 =	sadd.s32 $0x2EE, s20  }
0x11: {  	s0 =	sadd.s32 $0x3E8, s20;
	s15 =	simm.s32 $0x3;
	[dreg:$0x9] =	wrdreg s23  }
0x12: {  	s21 =	sadd.s32 $0xFA, s8;
	s22 =	sadd.s32 $0x1F4, s8;
	[dreg:$0xa] =	wrdreg s24  }
0x13: {  	s16 =	sadd.s32 s10, s25;
	s6 =	sadd.s32 s11, s25;
	[dreg:$0x7] =	wrdreg s21  }
0x14: {  	s17 =	sadd.s32 s10, s26;
	s18 =	sadd.s32 s11, s26;
	[dreg:$0x8] =	wrdreg s22  }
0x15: {  	s20 =	sadd.s32 s10, s19;
	s23 =	sadd.s32 $0x1E800, s2;
	[dreg:$0xb] =	wrdreg s16  }
0x16: {  	s24 =	sadd.s32 $0x14800, s13;
	s25 =	smax.u32 s14, $0x1;
	[dreg:$0xc] =	wrdreg s6  }
0x17: {  	s26 =	sadd.s32 $0x2EE, s8;
	s28 =	sadd.s32 $0x3E8, s8;
	[dreg:$0xd] =	wrdreg s17  }
0x18: {  	s29 =	sadd.s32 $0x4E2, s8;
	s30 =	sadd.s32 $0x5DC, s8;
	[dreg:$0xe] =	wrdreg s18  }
0x19: {  	s31 =	sadd.s32 $0x6D6, s8;
	s2 =	sadd.s32 $0x8CA, s8;
	[dreg:$0xf] =	wrdreg s20  }
0x1a: {  	s13 =	simm.s32 $0x16E40;
	s14 =	simm.s32 $0x5;
	[dreg:$0x14] =	wrdreg s23  }
0x1b: {  	s6 =	sadd.s32 s11, s19;
	s21 =	sadd.s32 s10, s0;
	[dreg:$0x15] =	wrdreg s24  }
0x1c: {  	s0 =	sadd.s32 s11, s0;
	s22 =	sadd.s32 s9, s3;
	[dreg:$0x16] =	wrdreg s25  }
0x1d: {  	[dreg:$0x17] =	wrdreg s26;
	s26 =	simm.s32 $0x11940;
	s10 =	simm.s32 $0x2  }
0x1e: {  	s11 =	simm.s32 $0x8CA0;
	s16 =	simm.s32 $0x6;
	[dreg:$0x10] =	wrdreg s6  }
0x1f: {  	s17 =	simm.s32 $0x1;
	s18 =	simm.s32 $0xFA0;
	[dreg:$0x11] =	wrdreg s21  }
0x20: {  	s19 =	simm.s32 $0x9470;
	s20 =	simm.s32 $0x4;
	[dreg:$0x12] =	wrdreg s0  }
0x21: {  	[dreg:$0x13] =	wrdreg s22;
	s22 =	sadd.s32 s9, s4;
	s0 =	sadd.s32 $0x7D0, s8  }
0x22: {  	v0 =	vimm.f32 $0.0e+00;
	v1 =	vimm.f32 $1.000000000e+00;
	s9 =	simm.s32 $0x7;
	s21 =	simm.s32 $0x9C40;
	s6 =	simm.s32 $0x0  }
.LBB2_1:
0x23: {  	s23 =	rddreg [dreg:$0x6]  }
0x24: {  	[tilespmem:s26], [sflag:$0x1] =	stream.linear.gather [hbm4b:s23+s5], $0x2800, $0x38;
	[tilespmem:$0x1C890] =	vst v63  }
0x25: {  	[tilespmem:$0x16BC0] =	vst v0  }
0x26: {  	[tilespmem:$0x16BD0] =	vst v0  }
0x27: {  	[tilespmem:$0x16BE0] =	vst v0  }
0x28: {  	[tilespmem:$0x16BF0] =	vst v0  }
0x29: {  	[tilespmem:$0x16C00] =	vst v0  }
0x2a: {  	[tilespmem:$0x16C10] =	vst v0  }
0x2b: {  	[tilespmem:$0x16C20] =	vst v0  }
0x2c: {  	[tilespmem:$0x16C30] =	vst v0  }
0x2d: {  	[tilespmem:$0x16C40] =	vst v0  }
0x2e: {  	[tilespmem:$0x16C50] =	vst v0  }
0x2f: {  	[tilespmem:$0x16C60] =	vst v0  }
0x30: {  	[tilespmem:$0x16C70] =	vst v0  }
0x31: {  	[tilespmem:$0x16C80] =	vst v0  }
0x32: {  	[tilespmem:$0x16C90] =	vst v0  }
0x33: {  	[tilespmem:$0x16CA0] =	vst v0  }
0x34: {  	[tilespmem:$0x16CB0] =	vst v0  }
0x35: {  	[tilespmem:$0x16CC0] =	vst v0  }
0x36: {  	[tilespmem:$0x16CD0] =	vst v0  }
0x37: {  	[tilespmem:$0x16CE0] =	vst v0  }
0x38: {  	[tilespmem:$0x16CF0] =	vst v0  }
0x39: {  	[tilespmem:$0x16D00] =	vst v0  }
0x3a: {  	[tilespmem:$0x16D10] =	vst v0  }
0x3b: {  	[tilespmem:$0x16D20] =	vst v0  }
0x3c: {  	[tilespmem:$0x16D30] =	vst v0  }
0x3d: {  	[tilespmem:$0x16D40] =	vst v0  }
0x3e: {  	[tilespmem:$0x16D50] =	vst v0  }
0x3f: {  	[tilespmem:$0x16D60] =	vst v0  }
0x40: {  	[tilespmem:$0x16D70] =	vst v0  }
0x41: {  	[tilespmem:$0x16D80] =	vst v0  }
0x42: {  	[tilespmem:$0x16D90] =	vst v0  }
0x43: {  	[tilespmem:$0x16DA0] =	vst v0  }
0x44: {  	[tilespmem:$0x16DB0] =	vst v0  }
0x45: {  	[tilespmem:$0x16DC0] =	vst v0  }
0x46: {  	[tilespmem:$0x16DD0] =	vst v0  }
0x47: {  	[tilespmem:$0x16DE0] =	vst v0  }
0x48: {  	[tilespmem:$0x16DF0] =	vst v0  }
0x49: {  	[tilespmem:$0x16E00] =	vst v0  }
0x4a: {  	[tilespmem:$0x16E10] =	vst v0  }
0x4b: {  	[tilespmem:$0x16E20] =	vst v0  }
0x4c: {  	s24 =	simm.s32 $0x16BC0;
	[tilespmem:$0x16E30] =	vst v0  }
0x4d: {  	[spmem:s7] =	stream.linear.scatter [tilespmem:s24], [sflag:$0x7], $0x280, $0x38;
	[tilespmem:$0x1C890] =	vst v63  }
0x4e: {  	_ =	swait.ge [sflag:s9], $0x280  }
0x4f: {  	[sflag:s9] =	ssyncset.done $0x0  }
0x50: {  	[sflag:s9] =	ssyncadd.s32 $0xFFFFFD80  }
0x51: {  	[tilespmem:$0x16E40] =	vst v1  }
0x52: {  	[tilespmem:$0x16E50] =	vst v1  }
0x53: {  	[tilespmem:$0x16E60] =	vst v1  }
0x54: {  	[tilespmem:$0x16E70] =	vst v1  }
0x55: {  	[tilespmem:$0x16E80] =	vst v1  }
0x56: {  	[tilespmem:$0x16E90] =	vst v1  }
0x57: {  	[tilespmem:$0x16EA0] =	vst v1  }
0x58: {  	[tilespmem:$0x16EB0] =	vst v1  }
0x59: {  	[tilespmem:$0x16EC0] =	vst v1  }
0x5a: {  	[tilespmem:$0x16ED0] =	vst v1  }
0x5b: {  	[tilespmem:$0x16EE0] =	vst v1  }
0x5c: {  	[tilespmem:$0x16EF0] =	vst v1  }
0x5d: {  	[tilespmem:$0x16F00] =	vst v1  }
0x5e: {  	[tilespmem:$0x16F10] =	vst v1  }
0x5f: {  	[tilespmem:$0x16F20] =	vst v1  }
0x60: {  	[tilespmem:$0x16F30] =	vst v1  }
0x61: {  	[tilespmem:$0x16F40] =	vst v1  }
0x62: {  	[tilespmem:$0x16F50] =	vst v1  }
0x63: {  	[tilespmem:$0x16F60] =	vst v1  }
0x64: {  	[tilespmem:$0x16F70] =	vst v1  }
0x65: {  	[tilespmem:$0x16F80] =	vst v1  }
0x66: {  	[tilespmem:$0x16F90] =	vst v1  }
0x67: {  	[tilespmem:$0x16FA0] =	vst v1  }
0x68: {  	[tilespmem:$0x16FB0] =	vst v1  }
0x69: {  	[tilespmem:$0x16FC0] =	vst v1  }
0x6a: {  	[tilespmem:$0x16FD0] =	vst v1  }
0x6b: {  	[tilespmem:$0x16FE0] =	vst v1  }
0x6c: {  	[tilespmem:$0x16FF0] =	vst v1  }
0x6d: {  	[tilespmem:$0x17000] =	vst v1  }
0x6e: {  	[tilespmem:$0x17010] =	vst v1  }
0x6f: {  	[tilespmem:$0x17020] =	vst v1  }
0x70: {  	[tilespmem:$0x17030] =	vst v1  }
0x71: {  	[tilespmem:$0x17040] =	vst v1  }
0x72: {  	[tilespmem:$0x17050] =	vst v1  }
0x73: {  	[tilespmem:$0x17060] =	vst v1  }
0x74: {  	[tilespmem:$0x17070] =	vst v1  }
0x75: {  	[tilespmem:$0x17080] =	vst v1  }
0x76: {  	[tilespmem:$0x17090] =	vst v1  }
0x77: {  	[tilespmem:$0x170A0] =	vst v1  }
0x78: {  	[tilespmem:$0x170B0] =	vst v1  }
0x79: {  	[tilespmem:$0x170C0] =	vst v1  }
0x7a: {  	[tilespmem:$0x170D0] =	vst v1  }
0x7b: {  	[tilespmem:$0x170E0] =	vst v1  }
0x7c: {  	[tilespmem:$0x170F0] =	vst v1  }
0x7d: {  	[tilespmem:$0x17100] =	vst v1  }
0x7e: {  	[tilespmem:$0x17110] =	vst v1  }
0x7f: {  	[tilespmem:$0x17120] =	vst v1  }
0x80: {  	[tilespmem:$0x17130] =	vst v1  }
0x81: {  	[tilespmem:$0x17140] =	vst v1  }
0x82: {  	[tilespmem:$0x17150] =	vst v1  }
0x83: {  	[tilespmem:$0x17160] =	vst v1  }
0x84: {  	[tilespmem:$0x17170] =	vst v1  }
0x85: {  	[tilespmem:$0x17180] =	vst v1  }
0x86: {  	[tilespmem:$0x17190] =	vst v1  }
0x87: {  	[tilespmem:$0x171A0] =	vst v1  }
0x88: {  	[tilespmem:$0x171B0] =	vst v1  }
0x89: {  	[tilespmem:$0x171C0] =	vst v1  }
0x8a: {  	[tilespmem:$0x171D0] =	vst v1  }
0x8b: {  	[tilespmem:$0x171E0] =	vst v1  }
0x8c: {  	[tilespmem:$0x171F0] =	vst v1  }
0x8d: {  	[tilespmem:$0x17200] =	vst v1  }
0x8e: {  	[tilespmem:$0x17210] =	vst v1  }
0x8f: {  	[tilespmem:$0x17220] =	vst v1  }
0x90: {  	[tilespmem:$0x17230] =	vst v1  }
0x91: {  	[tilespmem:$0x17240] =	vst v1  }
0x92: {  	[tilespmem:$0x17250] =	vst v1  }
0x93: {  	[tilespmem:$0x17260] =	vst v1  }
0x94: {  	[tilespmem:$0x17270] =	vst v1  }
0x95: {  	[tilespmem:$0x17280] =	vst v1  }
0x96: {  	[tilespmem:$0x17290] =	vst v1  }
0x97: {  	[tilespmem:$0x172A0] =	vst v1  }
0x98: {  	[tilespmem:$0x172B0] =	vst v1  }
0x99: {  	[tilespmem:$0x172C0] =	vst v1  }
0x9a: {  	[tilespmem:$0x172D0] =	vst v1  }
0x9b: {  	[tilespmem:$0x172E0] =	vst v1  }
0x9c: {  	[tilespmem:$0x172F0] =	vst v1  }
0x9d: {  	[tilespmem:$0x17300] =	vst v1  }
0x9e: {  	[tilespmem:$0x17310] =	vst v1  }
0x9f: {  	[tilespmem:$0x17320] =	vst v1  }
0xa0: {  	[tilespmem:$0x17330] =	vst v1  }
0xa1: {  	[tilespmem:$0x17340] =	vst v1  }
0xa2: {  	[tilespmem:$0x17350] =	vst v1  }
0xa3: {  	[tilespmem:$0x17360] =	vst v1  }
0xa4: {  	[tilespmem:$0x17370] =	vst v1  }
0xa5: {  	[tilespmem:$0x17380] =	vst v1  }
0xa6: {  	[tilespmem:$0x17390] =	vst v1  }
0xa7: {  	[tilespmem:$0x173A0] =	vst v1  }
0xa8: {  	[tilespmem:$0x173B0] =	vst v1  }
0xa9: {  	[tilespmem:$0x173C0] =	vst v1  }
0xaa: {  	[tilespmem:$0x173D0] =	vst v1  }
0xab: {  	[tilespmem:$0x173E0] =	vst v1  }
0xac: {  	[tilespmem:$0x173F0] =	vst v1  }
0xad: {  	[tilespmem:$0x17400] =	vst v1  }
0xae: {  	[tilespmem:$0x17410] =	vst v1  }
0xaf: {  	[tilespmem:$0x17420] =	vst v1  }
0xb0: {  	[tilespmem:$0x17430] =	vst v1  }
0xb1: {  	[tilespmem:$0x17440] =	vst v1  }
0xb2: {  	[tilespmem:$0x17450] =	vst v1  }
0xb3: {  	[tilespmem:$0x17460] =	vst v1  }
0xb4: {  	[tilespmem:$0x17470] =	vst v1  }
0xb5: {  	[tilespmem:$0x17480] =	vst v1  }
0xb6: {  	[tilespmem:$0x17490] =	vst v1  }
0xb7: {  	[tilespmem:$0x174A0] =	vst v1  }
0xb8: {  	[tilespmem:$0x174B0] =	vst v1  }
0xb9: {  	[tilespmem:$0x174C0] =	vst v1  }
0xba: {  	[tilespmem:$0x174D0] =	vst v1  }
0xbb: {  	[tilespmem:$0x174E0] =	vst v1  }
0xbc: {  	[tilespmem:$0x174F0] =	vst v1  }
0xbd: {  	[tilespmem:$0x17500] =	vst v1  }
0xbe: {  	[tilespmem:$0x17510] =	vst v1  }
0xbf: {  	[tilespmem:$0x17520] =	vst v1  }
0xc0: {  	[tilespmem:$0x17530] =	vst v1  }
0xc1: {  	[tilespmem:$0x17540] =	vst v1  }
0xc2: {  	[tilespmem:$0x17550] =	vst v1  }
0xc3: {  	[tilespmem:$0x17560] =	vst v1  }
0xc4: {  	[tilespmem:$0x17570] =	vst v1  }
0xc5: {  	[tilespmem:$0x17580] =	vst v1  }
0xc6: {  	[tilespmem:$0x17590] =	vst v1  }
0xc7: {  	[tilespmem:$0x175A0] =	vst v1  }
0xc8: {  	[tilespmem:$0x175B0] =	vst v1  }
0xc9: {  	[tilespmem:$0x175C0] =	vst v1  }
0xca: {  	[tilespmem:$0x175D0] =	vst v1  }
0xcb: {  	[tilespmem:$0x175E0] =	vst v1  }
0xcc: {  	[tilespmem:$0x175F0] =	vst v1  }
0xcd: {  	[tilespmem:$0x17600] =	vst v1  }
0xce: {  	[bflag:$0x0] =	sbarrier.arrive $0xFFFF  }
0xcf: {  	[tilespmem:s5], [sflag:$0x2] =	stream.linear.gather [hbm4b:s8+s5], $0x7D0, $0x38;
	[tilespmem:$0x1C890] =	vst v63  }
0xd0: {  	_ =	swait.ge [sflag:s10], $0x7D0  }
0xd1: {  	[sflag:s10] =	ssyncset.done $0x0  }
0xd2: {  	s25 =	rddreg [dreg:$0x7];
	[sflag:s10] =	ssyncadd.s32 $0xFFFFF830  }
0xd3: {  	[tilespmem:s11], [sflag:$0x5] =	stream.linear.gather [hbm4b:s25+s5], $0x7D0, $0x38;
	[tilespmem:$0x1C890] =	vst v63  }
0xd4: {  	_ = 	snop  }
0xd5: {  	[spmem:s1] =	stream.indirect.scatter.add.f32 [tilespmem:s13], [sflag:$0x3], $0x1, s5, s12, $0xb8;
	[tilespmem:$0x1C890] =	vst v63  }
0xd6: {  	_ =	swait.ge [sflag:s14], $0x7D0  }
0xd7: {  	[sflag:s14] =	ssyncset.done $0x0  }
0xd8: {  	[sflag:s14] =	ssyncadd.s32 $0xFFFFF830  }
0xd9: {  	_ =	swait.ge [sflag:s15], $0x7D0  }
0xda: {  	[sflag:s15] =	ssyncset.done $0x0  }
0xdb: {  	s26 =	rddreg [dreg:$0x8];
	[sflag:s15] =	ssyncadd.s32 $0xFFFFF830  }
0xdc: {  	[tilespmem:s5], [sflag:$0x2] =	stream.linear.gather [hbm4b:s26+s5], $0x7D0, $0x38;
	[tilespmem:$0x1C890] =	vst v63  }
0xdd: {  	_ = 	snop  }
0xde: {  	[spmem:s1] =	stream.indirect.scatter.add.f32 [tilespmem:s13], [sflag:$0x6], $0x1, s11, s12, $0xb8;
	[tilespmem:$0x1C890] =	vst v63  }
0xdf: {  	_ =	swait.ge [sflag:s10], $0x7D0  }
0xe0: {  	[sflag:s10] =	ssyncset.done $0x0  }
0xe1: {  	[sflag:s10] =	ssyncadd.s32 $0xFFFFF830  }
0xe2: {  	_ =	swait.ge [sflag:s16], $0x7D0  }
0xe3: {  	[sflag:s16] =	ssyncset.done $0x0  }
0xe4: {  	s24 =	rddreg [dreg:$0x17];
	[sflag:s16] =	ssyncadd.s32 $0xFFFFF830  }
0xe5: {  	[tilespmem:s11], [sflag:$0x5] =	stream.linear.gather [hbm4b:s24+s5], $0x7D0, $0x38;
	[tilespmem:$0x1C890] =	vst v63  }
0xe6: {  	_ = 	snop  }
0xe7: {  	[spmem:s1] =	stream.indirect.scatter.add.f32 [tilespmem:s13], [sflag:$0x3], $0x1, s5, s12, $0xb8;
	[tilespmem:$0x1C890] =	vst v63  }
0xe8: {  	_ =	swait.ge [sflag:s14], $0x7D0  }
0xe9: {  	[sflag:s14] =	ssyncset.done $0x0  }
0xea: {  	[sflag:s14] =	ssyncadd.s32 $0xFFFFF830  }
0xeb: {  	_ =	swait.ge [sflag:s15], $0x7D0  }
0xec: {  	[sflag:s15] =	ssyncset.done $0x0  }
0xed: {  	[sflag:s15] =	ssyncadd.s32 $0xFFFFF830  }
0xee: {  	[tilespmem:s5], [sflag:$0x2] =	stream.linear.gather [hbm4b:s28+s5], $0x7D0, $0x38;
	[tilespmem:$0x1C890] =	vst v63  }
0xef: {  	_ = 	snop  }
0xf0: {  	[spmem:s1] =	stream.indirect.scatter.add.f32 [tilespmem:s13], [sflag:$0x6], $0x1, s11, s12, $0xb8;
	[tilespmem:$0x1C890] =	vst v63  }
0xf1: {  	_ =	swait.ge [sflag:s10], $0x7D0  }
0xf2: {  	[sflag:s10] =	ssyncset.done $0x0  }
0xf3: {  	[sflag:s10] =	ssyncadd.s32 $0xFFFFF830  }
0xf4: {  	_ =	swait.ge [sflag:s16], $0x7D0  }
0xf5: {  	[sflag:s16] =	ssyncset.done $0x0  }
0xf6: {  	[sflag:s16] =	ssyncadd.s32 $0xFFFFF830  }
0xf7: {  	[tilespmem:s11], [sflag:$0x5] =	stream.linear.gather [hbm4b:s29+s5], $0x7D0, $0x38;
	[tilespmem:$0x1C890] =	vst v63  }
0xf8: {  	_ = 	snop  }
0xf9: {  	[spmem:s1] =	stream.indirect.scatter.add.f32 [tilespmem:s13], [sflag:$0x3], $0x1, s5, s12, $0xb8;
	[tilespmem:$0x1C890] =	vst v63  }
0xfa: {  	_ =	swait.ge [sflag:s14], $0x7D0  }
0xfb: {  	[sflag:s14] =	ssyncset.done $0x0  }
0xfc: {  	[sflag:s14] =	ssyncadd.s32 $0xFFFFF830  }
0xfd: {  	_ =	swait.ge [sflag:s15], $0x7D0  }
0xfe: {  	[sflag:s15] =	ssyncset.done $0x0  }
0xff: {  	[sflag:s15] =	ssyncadd.s32 $0xFFFFF830  }
0x100: {  	[tilespmem:s5], [sflag:$0x2] =	stream.linear.gather [hbm4b:s30+s5], $0x7D0, $0x38;
	[tilespmem:$0x1C890] =	vst v63  }
0x101: {  	_ = 	snop  }
0x102: {  	[spmem:s1] =	stream.indirect.scatter.add.f32 [tilespmem:s13], [sflag:$0x6], $0x1, s11, s12, $0xb8;
	[tilespmem:$0x1C890] =	vst v63  }
0x103: {  	_ =	swait.ge [sflag:s10], $0x7D0  }
0x104: {  	[sflag:s10] =	ssyncset.done $0x0  }
0x105: {  	[sflag:s10] =	ssyncadd.s32 $0xFFFFF830  }
0x106: {  	_ =	swait.ge [sflag:s16], $0x7D0  }
0x107: {  	[sflag:s16] =	ssyncset.done $0x0  }
0x108: {  	[sflag:s16] =	ssyncadd.s32 $0xFFFFF830  }
0x109: {  	[tilespmem:s11], [sflag:$0x5] =	stream.linear.gather [hbm4b:s31+s5], $0x7D0, $0x38;
	[tilespmem:$0x1C890] =	vst v63  }
0x10a: {  	_ = 	snop  }
0x10b: {  	[spmem:s1] =	stream.indirect.scatter.add.f32 [tilespmem:s13], [sflag:$0x3], $0x1, s5, s12, $0xb8;
	[tilespmem:$0x1C890] =	vst v63  }
0x10c: {  	_ =	swait.ge [sflag:s14], $0x7D0  }
0x10d: {  	[sflag:s14] =	ssyncset.done $0x0  }
0x10e: {  	[sflag:s14] =	ssyncadd.s32 $0xFFFFF830  }
0x10f: {  	_ =	swait.ge [sflag:s15], $0x7D0  }
0x110: {  	[sflag:s15] =	ssyncset.done $0x0  }
0x111: {  	[sflag:s15] =	ssyncadd.s32 $0xFFFFF830  }
0x112: {  	[tilespmem:s5], [sflag:$0x2] =	stream.linear.gather [hbm4b:s0+s5], $0x7D0, $0x38;
	[tilespmem:$0x1C890] =	vst v63  }
0x113: {  	_ = 	snop  }
0x114: {  	[spmem:s1] =	stream.indirect.scatter.add.f32 [tilespmem:s13], [sflag:$0x6], $0x1, s11, s12, $0xb8;
	[tilespmem:$0x1C890] =	vst v63  }
0x115: {  	_ =	swait.ge [sflag:s10], $0x7D0  }
0x116: {  	[sflag:s10] =	ssyncset.done $0x0  }
0x117: {  	[sflag:s10] =	ssyncadd.s32 $0xFFFFF830  }
0x118: {  	_ =	swait.ge [sflag:s16], $0x7D0  }
0x119: {  	[sflag:s16] =	ssyncset.done $0x0  }
0x11a: {  	[sflag:s16] =	ssyncadd.s32 $0xFFFFF830  }
0x11b: {  	[tilespmem:s11], [sflag:$0x5] =	stream.linear.gather [hbm4b:s2+s5], $0x7D0, $0x38;
	[tilespmem:$0x1C890] =	vst v63  }
0x11c: {  	_ = 	snop  }
0x11d: {  	[spmem:s1] =	stream.indirect.scatter.add.f32 [tilespmem:s13], [sflag:$0x3], $0x1, s5, s12, $0xb8;
	[tilespmem:$0x1C890] =	vst v63  }
0x11e: {  	_ =	swait.ge [sflag:s14], $0x7D0  }
0x11f: {  	[sflag:s14] =	ssyncset.done $0x0  }
0x120: {  	[sflag:s14] =	ssyncadd.s32 $0xFFFFF830  }
0x121: {  	[spmem:s1] =	stream.indirect.scatter.add.f32 [tilespmem:s13], [sflag:$0x6], $0x1, s11, s12, $0xb8;
	[tilespmem:$0x1C890] =	vst v63  }
0x122: {  	_ =	swait.ge [sflag:s15], $0x7D0  }
0x123: {  	[sflag:s15] =	ssyncset.done $0x0  }
0x124: {  	[sflag:s15] =	ssyncadd.s32 $0xFFFFF830  }
0x125: {  	_ =	swait.ge [sflag:s16], $0x7D0  }
0x126: {  	[sflag:s16] =	ssyncset.done $0x0  }
0x127: {  	[sflag:s16] =	ssyncadd.s32 $0xFFFFF830  }
0x128: {  	[bflag:$0x0] =	sbarrier.arrive $0xFFFF  }
0x129: {  	s25 =	rddreg [dreg:$0x9]  }
0x12a: {  	[tilespmem:s5], [sflag:$0x1] =	stream.linear.gather [hbm4b:s25+s5], $0x7D0, $0x38;
	[tilespmem:$0x1C890] =	vst v63  }
0x12b: {  	s26 =	rddreg [dreg:$0xa]  }
0x12c: {  	[tilespmem:s12], [sflag:$0x1] =	stream.linear.gather [hbm4b:s26+s5], $0x7D0, $0x38;
	[tilespmem:$0x1C890] =	vst v63  }
0x12d: {  	_ =	swait.ge [sflag:s17], $0x2800  }
0x12e: {  	[sflag:s17] =	ssyncset.done $0x0  }
0x12f: {  	s24 =	simm.s32 $0x16940;
	[sflag:s17] =	ssyncadd.s32 $0xFFFFD800  }
0x130: {  	[tilespmem:s24], [sflag:$0x7] =	stream.linear.gather [spmem:s7], $0x280, $0x38;
	[tilespmem:$0x1C890] =	vst v63  }
0x131: {  	_ =	swait.ge [sflag:s9], $0x280  }
0x132: {  	[sflag:s9] =	ssyncset.done $0x0  }
0x133: {  	[sflag:s9] =	ssyncadd.s32 $0xFFFFFD80  }
0x134: {  	s23 =	simm.s32 $0x0;
	s25 =	simm.s32 $0x400;
	v2 =	vld [tilespmem:s24+$0x0]  }
.LBB2_2:
0x135: {  	p0 =	sne.s32 s25, $0x9C00;
	_ =	sdelay $0x3  }
0x136: {  	v2 =	vadd.f32 $1.000000000e+00, v2;
	_ =	sdelay $0x1  }
0x137: {  	v3 =	vshrl.u32 v2, $0x1;
	v2 =	vmul.f32 $5.000000000e-01, v2  }
0x138: {  	v3 =	vsub.s32 $0x5F3759DF, v3  }
0x139: {  	v4 =	vmul.f32 v3, v2;
	_ =	sdelay $0x1  }
0x13a: {  	v4 =	vmul.f32 v3, v4;
	_ =	sdelay $0x1  }
0x13b: {  	v4 =	vsub.f32 $1.500000000e+00, v4;
	_ =	sdelay $0x1  }
0x13c: {  	v3 =	vmul.f32 v3, v4;
	_ =	sdelay $0x1  }
0x13d: {  	v4 =	vmul.f32 v3, v2;
	_ =	sdelay $0x1  }
0x13e: {  	v4 =	vmul.f32 v4, v3;
	_ =	sdelay $0x1  }
0x13f: {  	v4 =	vsub.f32 $1.500000000e+00, v4;
	_ =	sdelay $0x1  }
0x140: {  	v3 =	vmul.f32 v4, v3;
	_ =	sdelay $0x1  }
0x141: {  	v2 =	vmul.f32 v3, v2;
	_ =	sdelay $0x1  }
0x142: {  	s26 =	sshra.s32 s23, $0x2;
	s23 =	smov.u32 s25;
	v2 =	vmul.f32 v2, v3  }
0x143: {  	v4 =	vld [tilespmem:s26+$0x11970]  }
0x144: {  	v2 =	vsub.f32 $1.500000000e+00, v2;
	v5 =	vld [tilespmem:s26+$0x11950]  }
0x145: {  	v6 =	vld [tilespmem:s26+$0x11940]  }
0x146: {  	v2 =	vmul.f32 v2, v3;
	v3 =	vld [tilespmem:s26+$0x11960];
	_ =	sdelay $0x1  }
0x147: {  	v7 =	vbroadcast v2, $0x0;
	v8 =	vbroadcast v2, $0x1  }
0x148: {  	v9 =	vbroadcast v2, $0x2;
	v10 =	vbroadcast v2, $0x3;
	v11 =	vld [tilespmem:s26+$0x119B0]  }
0x149: {  	v6 =	vmul.f32 v7, v6;
	v5 =	vmul.f32 v8, v5;
	v7 =	vld [tilespmem:s26+$0x11990]  }
0x14a: {  	v4 =	vmul.f32 v10, v4;
	v3 =	vmul.f32 v9, v3;
	v8 =	vld [tilespmem:s26+$0x11980]  }
0x14b: {  	[tilespmem:s26+$0x11940] =	vst v6;
	v6 =	vmul.f32 $5.000000000e-01, v6;
	v9 =	vmul.f32 $5.000000000e-01, v5;
	v10 =	vld [tilespmem:s26+$0x119A0]  }
0x14c: {  	v12 =	vmul.f32 $5.000000000e-01, v4;
	[tilespmem:s26+$0x11950] =	vst v5;
	v5 =	vmul.f32 $5.000000000e-01, v3  }
0x14d: {  	v13 =	vbroadcast v2, $0x5;
	[tilespmem:s26+$0x14140] =	vst v6;
	v6 =	vbroadcast v2, $0x4  }
0x14e: {  	v14 =	vbroadcast v2, $0x7;
	[tilespmem:s26+$0x14150] =	vst v9;
	v9 =	vbroadcast v2, $0x6;
	v15 =	vld [tilespmem:s26+$0x119F0]  }
0x14f: {  	[tilespmem:s26+$0x14160] =	vst v5;
	v5 =	vmul.f32 v6, v8;
	v6 =	vmul.f32 v13, v7;
	v7 =	vld [tilespmem:s26+$0x119D0]  }
0x150: {  	[tilespmem:s26+$0x14170] =	vst v12;
	v8 =	vmul.f32 v10, v9;
	v9 =	vmul.f32 v11, v14;
	v10 =	vld [tilespmem:s26+$0x119C0]  }
0x151: {  	[tilespmem:s26+$0x11960] =	vst v3;
	v3 =	vmul.f32 $5.000000000e-01, v5;
	v11 =	vmul.f32 $5.000000000e-01, v6;
	v12 =	vld [tilespmem:s26+$0x119E0]  }
0x152: {  	[tilespmem:s26+$0x11970] =	vst v4;
	v4 =	vmul.f32 $5.000000000e-01, v8;
	v13 =	vmul.f32 $5.000000000e-01, v9  }
0x153: {  	v14 =	vbroadcast v2, $0x9;
	[tilespmem:s26+$0x14180] =	vst v3;
	v3 =	vbroadcast v2, $0x8  }
0x154: {  	v16 =	vbroadcast v2, $0xB;
	[tilespmem:s26+$0x14190] =	vst v11;
	v11 =	vbroadcast v2, $0xA;
	v17 =	vld [tilespmem:s26+$0x11A30]  }
0x155: {  	[tilespmem:s26+$0x141A0] =	vst v4;
	v3 =	vmul.f32 v10, v3;
	v4 =	vmul.f32 v7, v14;
	v7 =	vld [tilespmem:s26+$0x11A10]  }
0x156: {  	[tilespmem:s26+$0x141B0] =	vst v13;
	v10 =	vmul.f32 v12, v11;
	v11 =	vmul.f32 v15, v16;
	v12 =	vld [tilespmem:s26+$0x11A00]  }
0x157: {  	[tilespmem:s26+$0x11980] =	vst v5;
	v5 =	vmul.f32 $5.000000000e-01, v3;
	v13 =	vmul.f32 $5.000000000e-01, v4;
	v14 =	vld [tilespmem:s26+$0x11A20]  }
0x158: {  	[tilespmem:s26+$0x11990] =	vst v6;
	v6 =	vmul.f32 $5.000000000e-01, v10;
	v15 =	vmul.f32 $5.000000000e-01, v11  }
0x159: {  	v16 =	vbroadcast v2, $0xD;
	[tilespmem:s26+$0x141C0] =	vst v5;
	v5 =	vbroadcast v2, $0xC  }
0x15a: {  	[tilespmem:s26+$0x141D0] =	vst v13;
	v13 =	vbroadcast v2, $0xE;
	v2 =	vbroadcast v2, $0xF  }
0x15b: {  	[tilespmem:s26+$0x141E0] =	vst v6;
	v5 =	vmul.f32 v12, v5;
	v6 =	vmul.f32 v7, v16  }
0x15c: {  	[tilespmem:s26+$0x141F0] =	vst v15;
	v7 =	vmul.f32 v14, v13;
	v2 =	vmul.f32 v17, v2  }
0x15d: {  	[tilespmem:s26+$0x119A0] =	vst v8;
	v8 =	vmul.f32 $5.000000000e-01, v5;
	v12 =	vmul.f32 $5.000000000e-01, v6  }
0x15e: {  	[tilespmem:s26+$0x119B0] =	vst v9;
	v9 =	vmul.f32 $5.000000000e-01, v7;
	v13 =	vmul.f32 $5.000000000e-01, v2  }
0x15f: {  	[tilespmem:s26+$0x14200] =	vst v8  }
0x160: {  	[tilespmem:s26+$0x14210] =	vst v12  }
0x161: {  	[tilespmem:s26+$0x14220] =	vst v9  }
0x162: {  	[tilespmem:s26+$0x14230] =	vst v13  }
0x163: {  	[tilespmem:s26+$0x119C0] =	vst v3  }
0x164: {  	[tilespmem:s26+$0x119D0] =	vst v4  }
0x165: {  	[tilespmem:s26+$0x119E0] =	vst v10  }
0x166: {  	[tilespmem:s26+$0x119F0] =	vst v11  }
.Ltmp0:
0x167: {  	[tilespmem:s26+$0x11A00] =	vst v5;
	(pc) =	sbr.rel @p0 .LBB2_2-.Ltmp0, $4  }
0x168: {  	[tilespmem:s26+$0x11A10] =	vst v6  }
0x169: {  	[tilespmem:s26+$0x11A20] =	vst v7  }
0x16a: {  	s24 =	sadd.s32 $0x10, s24;
	[tilespmem:s26+$0x11A30] =	vst v2  }
0x16b: {  	s25 =	sadd.s32 $0x400, s25;
	v2 =	vld [tilespmem:s24+$0x0]  }
0x16c: {  	_ =	sdelay $0x3  }
0x16d: {  	v2 =	vadd.f32 $1.000000000e+00, v2;
	_ =	sdelay $0x1  }
0x16e: {  	v3 =	vshrl.u32 v2, $0x1;
	v2 =	vmul.f32 $5.000000000e-01, v2  }
0x16f: {  	v3 =	vsub.s32 $0x5F3759DF, v3  }
0x170: {  	v4 =	vmul.f32 v3, v2;
	_ =	sdelay $0x1  }
0x171: {  	v4 =	vmul.f32 v3, v4;
	_ =	sdelay $0x1  }
0x172: {  	v4 =	vsub.f32 $1.500000000e+00, v4;
	_ =	sdelay $0x1  }
0x173: {  	v3 =	vmul.f32 v3, v4;
	_ =	sdelay $0x1  }
0x174: {  	v4 =	vmul.f32 v3, v2;
	_ =	sdelay $0x1  }
0x175: {  	v4 =	vmul.f32 v4, v3;
	_ =	sdelay $0x1  }
0x176: {  	v4 =	vsub.f32 $1.500000000e+00, v4;
	_ =	sdelay $0x1  }
0x177: {  	v3 =	vmul.f32 v4, v3;
	_ =	sdelay $0x1  }
0x178: {  	v2 =	vmul.f32 v3, v2;
	_ =	sdelay $0x1  }
0x179: {  	v2 =	vmul.f32 v2, v3;
	_ =	sdelay $0x1  }
0x17a: {  	s23 =	sshra.s32 s23, $0x2;
	v2 =	vsub.f32 $1.500000000e+00, v2  }
0x17b: {  	v33 =	vld [tilespmem:s23+$0x11940]  }
0x17c: {  	v5 =	vld [tilespmem:s23+$0x11950];
	v2 =	vmul.f32 v2, v3  }
0x17d: {  	v6 =	vld [tilespmem:s23+$0x11970]  }
0x17e: {  	v10 =	vld [tilespmem:s23+$0x11990];
	v7 =	vbroadcast v2, $0x0  }
0x17f: {  	v37 =	vld [tilespmem:s23+$0x119A0];
	v8 =	vbroadcast v2, $0x1  }
0x180: {  	v45 =	vld [tilespmem:s23+$0x119E0];
	v34 =	vbroadcast v2, $0x3;
	v4 =	vmul.f32 v7, v33  }
0x181: {  	v51 =	vld [tilespmem:s23+$0x11A10];
	v13 =	vbroadcast v2, $0x5;
	v5 =	vmul.f32 v8, v5  }
0x182: {  	v3 =	vld [tilespmem:s23+$0x11960];
	v40 =	vbroadcast v2, $0x6;
	v6 =	vmul.f32 v34, v6;
	[tilespmem:s23+$0x11940] =	vst v4  }
0x183: {  	v54 =	vld [tilespmem:s23+$0x11A20];
	v48 =	vbroadcast v2, $0xA;
	v10 =	vmul.f32 v13, v10;
	[tilespmem:s23+$0x11950] =	vst v5  }
0x184: {  	v17 =	vbroadcast v2, $0xD;
	v7 =	vmul.f32 v37, v40;
	[tilespmem:s23+$0x11970] =	vst v6  }
0x185: {  	v9 =	vbroadcast v2, $0x2;
	v8 =	vmul.f32 v45, v48;
	[tilespmem:s23+$0x11990] =	vst v10  }
0x186: {  	v58 =	vbroadcast v2, $0xE;
	v59 =	vmul.f32 v51, v17;
	[tilespmem:s23+$0x119A0] =	vst v7  }
0x187: {  	v3 =	vmul.f32 v9, v3;
	[tilespmem:s23+$0x119E0] =	vst v8  }
0x188: {  	v9 =	vmul.f32 v54, v58;
	[tilespmem:s23+$0x11A10] =	vst v59  }
0x189: {  	v4 =	vmul.f32 $5.000000000e-01, v4;
	[tilespmem:s23+$0x11960] =	vst v3  }
0x18a: {  	v38 =	vld [tilespmem:s23+$0x119B0];
	v36 =	vmul.f32 $5.000000000e-01, v5;
	[tilespmem:s23+$0x11A20] =	vst v9  }
0x18b: {  	v12 =	vmul.f32 $5.000000000e-01, v6;
	[tilespmem:s23+$0x14140] =	vst v4  }
0x18c: {  	v46 =	vld [tilespmem:s23+$0x119F0];
	v44 =	vmul.f32 $5.000000000e-01, v10;
	[tilespmem:s23+$0x14150] =	vst v36  }
0x18d: {  	v41 =	vbroadcast v2, $0x7;
	v47 =	vmul.f32 $5.000000000e-01, v7;
	[tilespmem:s23+$0x14170] =	vst v12  }
0x18e: {  	v56 =	vmul.f32 $5.000000000e-01, v8;
	[tilespmem:s23+$0x14190] =	vst v44  }
0x18f: {  	v49 =	vbroadcast v2, $0xB;
	v5 =	vmul.f32 v38, v41;
	[tilespmem:s23+$0x141A0] =	vst v47  }
0x190: {  	v35 =	vld [tilespmem:s23+$0x11980];
	v61 =	vmul.f32 $5.000000000e-01, v59;
	[tilespmem:s23+$0x141E0] =	vst v56  }
0x191: {  	v6 =	vmul.f32 v46, v49;
	[tilespmem:s23+$0x119B0] =	vst v5  }
0x192: {  	v43 =	vld [tilespmem:s23+$0x119D0];
	v11 =	vmul.f32 $5.000000000e-01, v3;
	[tilespmem:s23+$0x14210] =	vst v61  }
0x193: {  	v39 =	vbroadcast v2, $0x4;
	v62 =	vmul.f32 $5.000000000e-01, v9;
	[tilespmem:s23+$0x119F0] =	vst v6  }
0x194: {  	v50 =	vld [tilespmem:s23+$0x11A00];
	v14 =	vmul.f32 $5.000000000e-01, v5;
	[tilespmem:s23+$0x14160] =	vst v11  }
0x195: {  	v15 =	vbroadcast v2, $0x9;
	v4 =	vmul.f32 v39, v35;
	[tilespmem:s23+$0x14220] =	vst v62  }
0x196: {  	v16 =	vmul.f32 $5.000000000e-01, v6;
	[tilespmem:s23+$0x141B0] =	vst v14  }
0x197: {  	v42 =	vld [tilespmem:s23+$0x119C0];
	v57 =	vbroadcast v2, $0xC;
	v12 =	vmul.f32 v43, v15;
	[tilespmem:s23+$0x11980] =	vst v4  }
0x198: {  	v55 =	vld [tilespmem:s23+$0x11A30];
	v3 =	vmul.f32 $5.000000000e-01, v4;
	[tilespmem:s23+$0x141F0] =	vst v16  }
0x199: {  	v53 =	vmul.f32 $5.000000000e-01, v12;
	v4 =	vmul.f32 v50, v57;
	[tilespmem:s23+$0x119D0] =	vst v12  }
0x19a: {  	[tilespmem:s23+$0x14180] =	vst v3;
	v3 =	vbroadcast v2, $0x8  }
0x19b: {  	[tilespmem:s23+$0x141D0] =	vst v53;
	v2 =	vbroadcast v2, $0xF;
	v60 =	vmul.f32 $5.000000000e-01, v4  }
0x19c: {  	[tilespmem:s23+$0x11A00] =	vst v4;
	v3 =	vmul.f32 v42, v3  }
0x19d: {  	v2 =	vmul.f32 v55, v2;
	[tilespmem:s23+$0x14200] =	vst v60  }
0x19e: {  	v52 =	vmul.f32 $5.000000000e-01, v3;
	[tilespmem:s23+$0x119C0] =	vst v3  }
0x19f: {  	v63 =	vmul.f32 $5.000000000e-01, v2;
	[tilespmem:s23+$0x11A30] =	vst v2  }
0x1a0: {  	[tilespmem:s23+$0x141C0] =	vst v52  }
0x1a1: {  	s24 =	rddreg [dreg:$0x13];
	s26 =	simm.s32 $0x11940;
	[tilespmem:s23+$0x14230] =	vst v63  }
0x1a2: {  	[spmem:s24] =	stream.linear.scatter [tilespmem:s26], [sflag:$0x7], $0x2800, $0x38;
	[tilespmem:$0x1C890] =	vst v63  }
0x1a3: {  	_ =	swait.ge [sflag:s9], $0x2800  }
0x1a4: {  	[sflag:s9] =	ssyncset.done $0x0  }
0x1a5: {  	s25 =	simm.s32 $0x14140;
	[sflag:s9] =	ssyncadd.s32 $0xFFFFD800  }
0x1a6: {  	[spmem:s22] =	stream.linear.scatter [tilespmem:s25], [sflag:$0x7], $0x2800, $0x38;
	[tilespmem:$0x1C890] =	vst v63  }
0x1a7: {  	s24 =	stileid.u32;
	_ =	swait.ge [sflag:s9], $0x2800  }
0x1a8: {  	s23 =	sshll.u32 s24, $0x6;
	s24 =	sshrl.u32 s7, $0x3;
	[sflag:s9] =	ssyncset.done $0x0  }
0x1a9: {  	s23 =	sor.u32 $0x1C07, s23;
	s25 =	rddreg [dreg:$0x14];
	[sflag:s9] =	ssyncadd.s32 $0xFFFFD800  }
0x1aa: {  	[hbm:s25], [sflag:s23] =	dma.local [spmem:s24], $0x50  }
0x1ab: {  	_ =	swait.ge [sflag:s9], $0x50  }
0x1ac: {  	[sflag:s9] =	ssyncset.done $0x0  }
0x1ad: {  	[sflag:s9] =	ssyncadd.s32 $0xFFFFFFB0  }
0x1ae: {  	[bflag:$0x0] =	sbarrier.arrive $0xFFFF  }
0x1af: {  	_ =	swait.ge [sflag:s17], $0x7D0  }
0x1b0: {  	[sflag:s17] =	ssyncset.done $0x0  }
0x1b1: {  	[sflag:s17] =	ssyncadd.s32 $0xFFFFF830  }
0x1b2: {  	_ =	swait.ge [sflag:s17], $0x7D0  }
0x1b3: {  	[sflag:s17] =	ssyncset.done $0x0  }
0x1b4: {  	[sflag:s17] =	ssyncadd.s32 $0xFFFFF830  }
0x1b5: {  	[tilespmem:s18], [sflag:$0x2] =	stream.indirect.gather [spmem:s3], $0x10, s5, s12, $0xb8;
	[tilespmem:$0x1C890] =	vst v63  }
0x1b6: {  	s25 =	rddreg [dreg:$0xb]  }
0x1b7: {  	[tilespmem:s11], [sflag:$0x4] =	stream.linear.gather [hbm4b:s25+s5], $0x7D0, $0x38;
	[tilespmem:$0x1C890] =	vst v63  }
0x1b8: {  	s25 =	rddreg [dreg:$0xc]  }
0x1b9: {  	[tilespmem:s19], [sflag:$0x4] =	stream.linear.gather [hbm4b:s25+s5], $0x7D0, $0x38;
	[tilespmem:$0x1C890] =	vst v63  }
0x1ba: {  	_ =	swait.ge [sflag:s10], $0x7D00  }
0x1bb: {  	[sflag:s10] =	ssyncset.done $0x0  }
0x1bc: {  	[sflag:s10] =	ssyncadd.s32 $0xFFFF8300  }
0x1bd: {  	[spmem:s4] =	stream.indirect.scatter.add.f32 [tilespmem:s18], [sflag:$0x3], $0x10, s12, s12, $0xb8;
	[tilespmem:$0x1C890] =	vst v63  }
0x1be: {  	_ =	swait.ge [sflag:s20], $0x7D0  }
0x1bf: {  	[sflag:s20] =	ssyncset.done $0x0  }
0x1c0: {  	[sflag:s20] =	ssyncadd.s32 $0xFFFFF830  }
0x1c1: {  	_ =	swait.ge [sflag:s20], $0x7D0  }
0x1c2: {  	[sflag:s20] =	ssyncset.done $0x0  }
0x1c3: {  	[sflag:s20] =	ssyncadd.s32 $0xFFFFF830  }
0x1c4: {  	[tilespmem:s21], [sflag:$0x5] =	stream.indirect.gather [spmem:s3], $0x10, s11, s12, $0xb8;
	[tilespmem:$0x1C890] =	vst v63  }
0x1c5: {  	_ =	swait.ge [sflag:s15], $0x7D00  }
0x1c6: {  	[sflag:s15] =	ssyncset.done $0x0  }
0x1c7: {  	s25 =	rddreg [dreg:$0xd];
	[sflag:s15] =	ssyncadd.s32 $0xFFFF8300  }
0x1c8: {  	[tilespmem:s5], [sflag:$0x1] =	stream.linear.gather [hbm4b:s25+s5], $0x7D0, $0x38;
	[tilespmem:$0x1C890] =	vst v63  }
0x1c9: {  	s25 =	rddreg [dreg:$0xe]  }
0x1ca: {  	[tilespmem:s12], [sflag:$0x1] =	stream.linear.gather [hbm4b:s25+s5], $0x7D0, $0x38;
	[tilespmem:$0x1C890] =	vst v63  }
0x1cb: {  	_ =	swait.ge [sflag:s14], $0x7D00  }
0x1cc: {  	[sflag:s14] =	ssyncset.done $0x0  }
0x1cd: {  	[sflag:s14] =	ssyncadd.s32 $0xFFFF8300  }
0x1ce: {  	[spmem:s4] =	stream.indirect.scatter.add.f32 [tilespmem:s21], [sflag:$0x6], $0x10, s19, s12, $0xb8;
	[tilespmem:$0x1C890] =	vst v63  }
0x1cf: {  	_ =	swait.ge [sflag:s17], $0x7D0  }
0x1d0: {  	[sflag:s17] =	ssyncset.done $0x0  }
0x1d1: {  	[sflag:s17] =	ssyncadd.s32 $0xFFFFF830  }
0x1d2: {  	_ =	swait.ge [sflag:s17], $0x7D0  }
0x1d3: {  	[sflag:s17] =	ssyncset.done $0x0  }
0x1d4: {  	[sflag:s17] =	ssyncadd.s32 $0xFFFFF830  }
0x1d5: {  	[tilespmem:s18], [sflag:$0x2] =	stream.indirect.gather [spmem:s3], $0x10, s5, s12, $0xb8;
	[tilespmem:$0x1C890] =	vst v63  }
0x1d6: {  	_ =	swait.ge [sflag:s16], $0x7D00  }
0x1d7: {  	[sflag:s16] =	ssyncset.done $0x0  }
0x1d8: {  	s25 =	rddreg [dreg:$0xf];
	[sflag:s16] =	ssyncadd.s32 $0xFFFF8300  }
0x1d9: {  	[tilespmem:s11], [sflag:$0x4] =	stream.linear.gather [hbm4b:s25+s5], $0x7D0, $0x38;
	[tilespmem:$0x1C890] =	vst v63  }
0x1da: {  	s25 =	rddreg [dreg:$0x10]  }
0x1db: {  	[tilespmem:s19], [sflag:$0x4] =	stream.linear.gather [hbm4b:s25+s5], $0x7D0, $0x38;
	[tilespmem:$0x1C890] =	vst v63  }
0x1dc: {  	_ =	swait.ge [sflag:s10], $0x7D00  }
0x1dd: {  	[sflag:s10] =	ssyncset.done $0x0  }
0x1de: {  	[sflag:s10] =	ssyncadd.s32 $0xFFFF8300  }
0x1df: {  	[spmem:s4] =	stream.indirect.scatter.add.f32 [tilespmem:s18], [sflag:$0x3], $0x10, s12, s12, $0xb8;
	[tilespmem:$0x1C890] =	vst v63  }
0x1e0: {  	_ =	swait.ge [sflag:s20], $0x7D0  }
0x1e1: {  	[sflag:s20] =	ssyncset.done $0x0  }
0x1e2: {  	[sflag:s20] =	ssyncadd.s32 $0xFFFFF830  }
0x1e3: {  	_ =	swait.ge [sflag:s20], $0x7D0  }
0x1e4: {  	[sflag:s20] =	ssyncset.done $0x0  }
0x1e5: {  	[sflag:s20] =	ssyncadd.s32 $0xFFFFF830  }
0x1e6: {  	[tilespmem:s21], [sflag:$0x5] =	stream.indirect.gather [spmem:s3], $0x10, s11, s12, $0xb8;
	[tilespmem:$0x1C890] =	vst v63  }
0x1e7: {  	_ =	swait.ge [sflag:s15], $0x7D00  }
0x1e8: {  	[sflag:s15] =	ssyncset.done $0x0  }
0x1e9: {  	s25 =	rddreg [dreg:$0x11];
	[sflag:s15] =	ssyncadd.s32 $0xFFFF8300  }
0x1ea: {  	[tilespmem:s5], [sflag:$0x1] =	stream.linear.gather [hbm4b:s25+s5], $0x7D0, $0x38;
	[tilespmem:$0x1C890] =	vst v63  }
0x1eb: {  	s25 =	rddreg [dreg:$0x12]  }
0x1ec: {  	[tilespmem:s12], [sflag:$0x1] =	stream.linear.gather [hbm4b:s25+s5], $0x7D0, $0x38;
	[tilespmem:$0x1C890] =	vst v63  }
0x1ed: {  	_ =	swait.ge [sflag:s14], $0x7D00  }
0x1ee: {  	[sflag:s14] =	ssyncset.done $0x0  }
0x1ef: {  	[sflag:s14] =	ssyncadd.s32 $0xFFFF8300  }
0x1f0: {  	[spmem:s4] =	stream.indirect.scatter.add.f32 [tilespmem:s21], [sflag:$0x6], $0x10, s19, s12, $0xb8;
	[tilespmem:$0x1C890] =	vst v63  }
0x1f1: {  	_ =	swait.ge [sflag:s17], $0x7D0  }
0x1f2: {  	[sflag:s17] =	ssyncset.done $0x0  }
0x1f3: {  	[sflag:s17] =	ssyncadd.s32 $0xFFFFF830  }
0x1f4: {  	_ =	swait.ge [sflag:s17], $0x7D0  }
0x1f5: {  	[sflag:s17] =	ssyncset.done $0x0  }
0x1f6: {  	[sflag:s17] =	ssyncadd.s32 $0xFFFFF830  }
0x1f7: {  	[tilespmem:s18], [sflag:$0x2] =	stream.indirect.gather [spmem:s3], $0x10, s5, s12, $0xb8;
	[tilespmem:$0x1C890] =	vst v63  }
0x1f8: {  	_ =	swait.ge [sflag:s10], $0x7D00  }
0x1f9: {  	[sflag:s10] =	ssyncset.done $0x0  }
0x1fa: {  	[sflag:s10] =	ssyncadd.s32 $0xFFFF8300  }
0x1fb: {  	[spmem:s4] =	stream.indirect.scatter.add.f32 [tilespmem:s18], [sflag:$0x3], $0x10, s12, s12, $0xb8;
	[tilespmem:$0x1C890] =	vst v63  }
0x1fc: {  	_ =	swait.ge [sflag:s15], $0x7D00  }
0x1fd: {  	[sflag:s15] =	ssyncset.done $0x0  }
0x1fe: {  	[sflag:s15] =	ssyncadd.s32 $0xFFFF8300  }
0x1ff: {  	_ =	swait.ge [sflag:s16], $0x7D00  }
0x200: {  	[sflag:s16] =	ssyncset.done $0x0  }
0x201: {  	[sflag:s16] =	ssyncadd.s32 $0xFFFF8300  }
0x202: {  	[bflag:$0x0] =	sbarrier.arrive $0xFFFF  }
0x203: {  	s24 =	sshrl.u32 s22, $0x3;
	s25 =	rddreg [dreg:$0x15]  }
0x204: {  	[hbm:s25], [sflag:s23] =	dma.local [spmem:s24], $0x500  }
0x205: {  	_ =	swait.ge [sflag:s9], $0x500  }
0x206: {  	s6 =	sadd.s32 $0x1, s6;
	s25 =	rddreg [dreg:$0x16]  }
0x207: {  	p0 =	sne.s32 s6, s25  }
.Ltmp1:
0x208: {  	_ = 	snop;
	(pc) =	sbr.rel @p0 .LBB2_1-.Ltmp1, $3  }
0x209: {  	_ =	sdelay $0x1  }
0x20a: {  	[sflag:s9] =	ssyncset.done $0x0  }
0x20b: {  	[sflag:s9] =	ssyncadd.s32 $0xFFFFFB00  }
0x20c: {  	_ =	sfence.sel $0x180000  }
0x20d: {  	[bflag:$0x0] =	sbarrier.arrive $0xFFFF  }
0x20e: {  	_ =	strace $0x90000047  }
0x20f: {  	s0 =	stileid.u32;
	[bflag:$0x2] =	sbarrier.arrive $0xFFFF  }
0x210: {  	p0 =	sne.s32 s0, $0x0;
	s0 =	rddreg [dreg:$0x5]  }
0x211: {  	s0 =	sadd.s32 @!p0 $0x100000, s0  }
0x212: {  	[sflag:s0] =	ssyncadd.tile.s32 @!p0 $0x1;
	_ =	shalt  }
.Lfunc_end2:
_tile_overlayer_lowered:
.L_overlay_start_2:
0x213: {  	(tag) =	ssettag $0x2  }
0x214: {  	s0 =	rddreg [dreg:$0x0];
	s2 =	stileid.u32  }
0x215: {  	s1 =	rddreg [dreg:$0x1];
	p0 =	sne.s32 s2, $0x0  }
0x216: {  	s3 =	rddreg [dreg:$0x2];
	[bflag:$0x3] =	sbarrier.arrive $0xFFFF;
	s2 =	simm.s32 @!p0 $0x1C07  }
0x217: {  	[timem:s3], [sflag:s2] =	dma.local @!p0 [hbm:s0], s1  }
0x218: {  	s0 =	simm.s32 @!p0 $0x7  }
0x219: {  	_ =	swait.ge @!p0 [sflag:s0], s1  }
0x21a: {  	s1 =	ssub.s32 @!p0 $0x0, s1;
	[sflag:s0] =	ssyncset.done @!p0 $0x0  }
0x21b: {  	[sflag:s0] =	ssyncadd.s32 @!p0 s1  }
0x21c: {  	[bflag:$0x3] =	sbarrier.arrive $0xFFFF  }
0x21d: {  	_ =	shalt  }

// kernel: kernel.9.cloned.1.call-start
scs
__scs_entry_jumppad:
0x0: {  	(pc) =	sbr.rel $0x88, $3  }
0x1: {  	(tag) =	ssettag $0x0;
	lr =	simm.s32 $0x1  }
0x2: {  	[smem:$0x3F9B] =	sst lr;
	_ =	strace $0xD0000000  }
0x3: {  	_ = 	snop  }
0x4: {  	_ = 	snop  }
0x5: {  	_ = 	snop  }
0x6: {  	_ = 	snop  }
0x7: {  	_ = 	snop  }
__scs_overlays_trampoline_lowered:
0x8: {  	[smem:$0x3FAA] =	sst s0  }
0x9: {  	[smem:$0x3FAB] =	sst s1  }
0xa: {  	[smem:$0x3FAC] =	sst s2  }
0xb: {  	[smem:$0x3FAD] =	sst s3  }
0xc: {  	[smem:$0x3FAE] =	sst s4  }
0xd: {  	[smem:$0x3FAF] =	sst s5  }
0xe: {  	[smem:$0x3FB0] =	sst s6  }
0xf: {  	[smem:$0x3FB1] =	sst s7  }
0x10: {  	[smem:$0x3FB2] =	sst s8  }
0x11: {  	[smem:$0x3FB3] =	sst s9;
	s0 =	simm.s32 @!p0 $0x0  }
0x12: {  	s1 =	sld [smem:$0x3F99];
	s0 =	simm.s32 @p0 $0x1  }
0x13: {  	[smem:$0x3FB4] =	sst s0;
	s0 =	simm.s32 @!p1 $0x0  }
0x14: {  	s2 =	sld [smem:$0x3F98];
	s0 =	simm.s32 @p1 $0x1  }
0x15: {  	[smem:$0x3FB5] =	sst s0;
	s0 =	simm.s32 @!p2 $0x0  }
0x16: {  	s3 =	sld [smem:$0x3FDB];
	s0 =	simm.s32 @p2 $0x1  }
0x17: {  	s4 =	simm.s32 $0x1BF5;
	[smem:$0x3FB7] =	sst s0  }
0x18: {  	s0 =	sld [smem:$0x3F9A];
	_ =	swait.ge [sflag:s4], $0x0  }
0x19: {  	s7 =	sld [smem:$0x3F9B]  }
0x1a: {  	s8 =	sadd.s32 $0xFFFFE003, lr  }
0x1b: {  	s9 =	sadd.s32 $0xFFFFFEF7, lr;
	s5 =	simm.s32 $0xFFFFFFFF;
	p2 =	slt.u32 s8, $0xFFFFF086  }
0x1c: {  	p1 =	slt.u32 s9, $0xF7A;
	s5 =	simm.s32 @!p2 $0x0  }
0x1d: {  	s5 =	simm.s32 @p1 $0x1;
	p0 =	seq.s32 s7, s2  }
0x1e: {  	s7 =	smul.u32 @!p0 $0xF7A, s2;
	p2 =	seq.s32 @!p0 s5, $0x0  }
0x1f: {  	s9 =	smul.u32 $0xF7A, s1;
	s8 =	simm.s32 @!p0 $0x1BF5;
	p2 =	por !p2, p0  }
0x20: {  	[sflag:s8] =	ssyncset.s32 @!p0 $0xFFFFF086;
	s6 =	sadd.s32 @!p0 s3, s7;
	s7 =	simm.s32 @!p0 $0x108  }
0x21: {  	s3 =	sadd.s32 s3, s9;
	s6 =	sadd.s32 @!p0 $0x88, s6;
	s7 =	simm.s32 @p2 $0x1082  }
0x22: {  	[simem:s7], [sflag:s8] =	dma.local @!p0 [hbm:s6], $0xF7A  }
0x23: {  	s9 =	sor.u32 $0xD0000000, s2;
	s6 =	simm.s32 $0x108;
	_ =	swait.ge @!p0 [sflag:s8], $0x0  }
0x24: {  	s3 =	sadd.s32 $0x88, s3;
	s6 =	simm.s32 @!p1 $0x1082;
	[sflag:s4] =	ssyncset.s32 $0xFFFFF086  }
0x25: {  	[simem:s6], [sflag:s4] =	dma.local [hbm:s3], $0xF7A  }
0x26: {  	[smem:$0x3F9B] =	sst s1;
	(tag) =	ssettag s2;
	_ =	strace s9  }
0x27: {  	s1 =	sld [smem:$0x3FAB]  }
0x28: {  	s2 =	sld [smem:$0x3FAC]  }
0x29: {  	s4 =	sld [smem:$0x3FAE]  }
0x2a: {  	p0 =	seq.s32 s5, $0x0;
	s5 =	sld [smem:$0x3FAF]  }
0x2b: {  	s6 =	sld [smem:$0x3FB0]  }
0x2c: {  	s7 =	sld [smem:$0x3FB1]  }
0x2d: {  	s3 =	simm.s32 $0x108;
	s8 =	sld [smem:$0x3FB2]  }
0x2e: {  	s3 =	simm.s32 @!p0 $0x1082;
	s9 =	sld [smem:$0x3FB3]  }
0x2f: {  	lr =	sadd.s32 s0, s3;
	s0 =	sld [smem:$0x3FAA]  }
0x30: {  	s3 =	sld [smem:$0x3FAD]  }
0x31: {  	[smem:$0x3FB6] =	sst s10  }
0x32: {  	s10 =	sld [smem:$0x3FB4];
	_ =	sdelay $0x3  }
0x33: {  	p0 =	seq.s32 s10, $0x1;
	s10 =	sld [smem:$0x3FB6];
	_ =	sdelay $0x3  }
0x34: {  	[smem:$0x3FB6] =	sst s10  }
0x35: {  	s10 =	sld [smem:$0x3FB5];
	_ =	sdelay $0x3  }
0x36: {  	p1 =	seq.s32 s10, $0x1;
	s10 =	sld [smem:$0x3FB6];
	_ =	sdelay $0x3  }
0x37: {  	[smem:$0x3FB6] =	sst s10  }
0x38: {  	s10 =	sld [smem:$0x3FB7]  }
0x39: {  	_ = 	snop;
	(pc) =	sbr.ind lr, $3  }
0x3a: {  	_ = 	snop  }
0x3b: {  	_ = 	snop  }
0x3c: {  	p2 =	seq.s32 s10, $0x1;
	s10 =	sld [smem:$0x3FB6]  }
0x3d: {  	_ =	shalt  }
0x3e: {  	_ =	shalt  }
0x3f: {  	_ =	shalt  }
0x40: {  	_ =	shalt  }
0x41: {  	_ =	shalt  }
0x42: {  	_ =	shalt  }
0x43: {  	_ =	shalt  }
0x44: {  	_ =	shalt  }
0x45: {  	_ =	shalt  }
0x46: {  	_ =	shalt  }
0x47: {  	_ =	shalt  }
0x48: {  	_ =	shalt  }
0x49: {  	_ =	shalt  }
0x4a: {  	_ =	shalt  }
0x4b: {  	_ =	shalt  }
0x4c: {  	_ =	shalt  }
0x4d: {  	_ =	shalt  }
0x4e: {  	_ =	shalt  }
0x4f: {  	_ =	shalt  }
0x50: {  	_ =	shalt  }
0x51: {  	_ =	shalt  }
0x52: {  	_ =	shalt  }
0x53: {  	_ =	shalt  }
0x54: {  	_ =	shalt  }
0x55: {  	_ =	shalt  }
0x56: {  	_ =	shalt  }
0x57: {  	_ =	shalt  }
0x58: {  	_ =	shalt  }
0x59: {  	_ =	shalt  }
0x5a: {  	_ =	shalt  }
0x5b: {  	_ =	shalt  }
0x5c: {  	_ =	shalt  }
0x5d: {  	_ =	shalt  }
0x5e: {  	_ =	shalt  }
0x5f: {  	_ =	shalt  }
0x60: {  	_ =	shalt  }
0x61: {  	_ =	shalt  }
0x62: {  	_ =	shalt  }
0x63: {  	_ =	shalt  }
0x64: {  	_ =	shalt  }
0x65: {  	_ =	shalt  }
0x66: {  	_ =	shalt  }
0x67: {  	_ =	shalt  }
0x68: {  	_ =	shalt  }
0x69: {  	_ =	shalt  }
0x6a: {  	_ =	shalt  }
0x6b: {  	_ =	shalt  }
0x6c: {  	_ =	shalt  }
0x6d: {  	_ =	shalt  }
0x6e: {  	_ =	shalt  }
0x6f: {  	_ =	shalt  }
0x70: {  	_ =	shalt  }
0x71: {  	_ =	shalt  }
0x72: {  	_ =	shalt  }
0x73: {  	_ =	shalt  }
0x74: {  	_ =	shalt  }
0x75: {  	_ =	shalt  }
0x76: {  	_ =	shalt  }
0x77: {  	_ =	shalt  }
0x78: {  	_ =	shalt  }
0x79: {  	_ =	shalt  }
0x7a: {  	_ =	shalt  }
0x7b: {  	_ =	shalt  }
0x7c: {  	_ =	shalt  }
0x7d: {  	_ =	shalt  }
0x7e: {  	_ =	shalt  }
0x7f: {  	_ =	shalt  }
0x80: {  	_ =	shalt  }
0x81: {  	_ =	shalt  }
0x82: {  	_ =	shalt  }
0x83: {  	_ =	shalt  }
0x84: {  	_ =	shalt  }
0x85: {  	_ =	shalt  }
0x86: {  	_ =	shalt  }
0x87: {  	_ =	shalt  }
.Lfunc_end0:
.L_simem_size_0:
called_computation.1_lowered:
.L_overlay_start_0:
0x88: {  	s2 =	sld [smem:$0x3FD9]  }
0x89: {  	s3 =	sld [smem:$0x3FFE];
	_ =	sdelay $0x1  }
0x8a: {  	s1 =	srdreg.scid  }
0x8b: {  	s0 =	sand.u32 $0x1, s1  }
0x8c: {  	s17 =	sshll.u32 s0, $0xA;
	s2 =	sadd.s32 s3, s2  }
0x8d: {  	s2 =	sadd.s32 s2, s17  }
0x8e: {  	[smem:$0x3FC2] =	sst s2  }
0x8f: {  	_ = 	snop  }
0x90: {  	s2 =	sld [smem:$0x3FC6]  }
0x91: {  	s18 =	sld [smem:$0x3FD0];
	(tm) =	ssettm $0x1  }
0x92: {  	s4 =	sld [smem:$0x3FFB];
	_ =	sdelay $0x3  }
0x93: {  	_ =	strace s4  }
0x94: {  	s4 =	sld [smem:$0x3FFC];
	_ =	sdelay $0x3  }
0x95: {  	_ =	strace s4  }
0x96: {  	s4 =	sld [smem:$0x3FFD];
	_ =	sdelay $0x3  }
0x97: {  	_ =	strace s4  }
0x98: {  	_ =	strace $0x8FFFFFFF  }
0x99: {  	s19 =	sld [smem:$0x3FDB];
	_ =	sdelay $0x1  }
0x9a: {  	s5 =	simm.s32 $_scs_section_size  }
0x9b: {  	s6 =	simm.s32 $_size__tile_overlayer_lowered;
	s7 =	simm.s32 $_tile_overlayer_lowered  }
0x9c: {  	s22 =	simm.s32 $0x1BFF;
	s21 =	sshll.u32 s7, $0x1;
	s4 =	sadd.s32 s5, s19  }
0x9d: {  	s8 =	simm.s32 $0x0;
	s20 =	sshll.u32 s6, $0x1;
	s6 =	sadd.s32 s21, s4  }
0x9e: {  	[timem:s8], [sflag:s22] =	dma.local [hbm:s6], s20  }
0x9f: {  	_ =	swait.ge [sflag:s22], s20  }
0xa0: {  	s5 =	ssub.s32 $0x0, s20;
	[sflag:s22] =	ssyncset.done $0x0  }
0xa1: {  	[sflag:s22] =	ssyncadd.s32 s5;
	_ =	sdelay $0x1  }
0xa2: {  	s23 =	simm.s32 $0x1B8B  }
0xa3: {  	_ =	swait.ge [sflag:s23], $0x1  }
0xa4: {  	[sflag:s23] =	ssyncset.done $0x0  }
0xa5: {  	s25 =	simm.s32 $0x1B8E;
	s24 =	sld [smem:$0x3FFE];
	[sflag:s23] =	ssyncadd.s32 $0xFFFFFFFF  }
0xa6: {  	s26 =	simm.s32 $execute0_lowered;
	[smem:$0x3FD2] =	sst s25  }
0xa7: {  	s6 =	sshll.u32 s26, $0x1;
	_ =	strace $0x80000049;
	[dreg:$0x1] =	wrdreg $0xFFFFFFFF  }
0xa8: {  	s28 =	simm.s32 $_size_execute0_lowered;
	s4 =	sadd.s32 s4, s6;
	[dreg:$0x0] =	wrdreg $0x0  }
0xa9: {  	s6 =	sshll.u32 s28, $0x1;
	[dreg:$0x2] =	wrdreg s4  }
0xaa: {  	[dreg:$0x3] =	wrdreg s6  }
0xab: {  	[dreg:$0x4] =	wrdreg $0xC0  }
0xac: {  	_ =	task [dreg:s8], $0x5FFFF  }
0xad: {  	[dreg:$0x1] =	wrdreg $0xFFFFFFFF  }
0xae: {  	[dreg:$0x0] =	wrdreg $0x60  }
0xaf: {  	[dreg:$0x2] =	wrdreg s24  }
0xb0: {  	[dreg:$0x3] =	wrdreg s2  }
0xb1: {  	[dreg:$0x4] =	wrdreg s18  }
0xb2: {  	[dreg:$0x5] =	wrdreg $0x16BD00  }
0xb3: {  	[dreg:$0x6] =	wrdreg $0x193D00  }
0xb4: {  	[dreg:$0x7] =	wrdreg $0x9  }
0xb5: {  	_ =	task.clear_ibuf [dreg:s8], $0x8FFFF;
	_ =	strace $0x90000049  }
0xb6: {  	s29 =	simm.s32 $0x9;
	_ =	strace $0x8000004B  }
0xb7: {  	_ =	swait.ge [sflag:s29], $0x1  }
0xb8: {  	[sflag:s29] =	ssyncadd.s32 $0xFFFFFFFF  }
0xb9: {  	_ =	strace $0x9000004B  }
0xba: {  	_ =	sfence  }
0xbb: {  	s30 =	sld [smem:$0x0];
	_ =	sdelay $0x2  }
0xbc: {  	s31 =	sshll.u32 s1, $0xD;
	s1 =	sshrl.u32 s1, $0x2  }
0xbd: {  	s3 =	sand.u32 $0x4000, s31;
	s1 =	sadd.s32 s1, s30  }
0xbe: {  	s0 =	sor.u32 s3, s0;
	s1 =	sshll.u32 s1, $0x11  }
0xbf: {  	s0 =	sor.u32 s1, s0  }
0xc0: {  	s0 =	sadd.s32 $0x8F2B, s0  }
0xc1: {  	[sflag:s0] =	ssyncadd.remote.s32 $0x1  }
0xc2: {  	_ =	sfence.sel $0xFFFF  }
0xc3: {  	[dreg:$0x0] =	wrdreg $0xFFFFFFFF;
	(pc) =	sbr.abs _section_cstart, $3  }
0xc4: {  	[dreg:$0x1] =	wrdreg $0xFFFFFFFF  }
0xc5: {  	_ =	task.clear_ibuf [dreg:s8], $0x2FFFF;
	_ =	strace $0x9FFFFFFF  }
0xc6: {  	(tm) =	ssettm $0x7FFFFFFF  }
0xc7: {  	_ =	shalt  }
tec
execute0_lowered:
.L_overlay_start_1:
0x0: {  	(tag) =	ssettag $0x1  }
0x1: {  	s0 =	rddreg [dreg:$0x0]  }
0x2: {  	s1 =	rddreg [dreg:$0x2]  }
0x3: {  	s2 =	rddreg [dreg:$0x3];
	s10 =	stileid.u32  }
0x4: {  	s5 =	srdreg.scid;
	s4 =	rddreg [dreg:$0x4];
	s28 =	simm.s32 $0x1  }
0x5: {  	s29 =	simm.s32 $0x7;
	s30 =	simm.s32 $0xFA0;
	s3 =	smul.u32 $0x2800, s10  }
0x6: {  	s31 =	simm.s32 $0x8CA0;
	s6 =	smul.u32 $0x50, s10;
	s7 =	sand.u32 $0x1, s5  }
0x7: {  	s5 =	simm.s32 $0x0;
	s10 =	smul.u32 $0x2710, s10;
	s16 =	sadd.s32 $0xAA00, s0  }
0x8: {  	s8 =	smul.u32 $0x27100, s7;
	[smem:$0x7FF] =	sst s5;
	s11 =	ssub.s32 $0x2, s7  }
0x9: {  	s7 =	smul.u32 $0x28000, s7;
	s9 =	sshrl.u32 s3, $0x3;
	_ =	strace $0x8000004A  }
0xa: {  	s6 =	sadd.s32 s6, s0;
	s12 =	sshrl.u32 s11, $0x1;
	s20 =	sadd.s32 s3, s2  }
0xb: {  	s9 =	sadd.s32 s9, s0;
	s8 =	sadd.s32 s10, s8;
	s0 =	sadd.s32 $0xC00, s0  }
0xc: {  	s11 =	ssub.s32 s11, s12;
	s6 =	sadd.s32 $0x1E800, s6;
	[dreg:$0xb] =	wrdreg s20  }
0xd: {  	s12 =	sadd.s32 s3, s4;
	s3 =	sadd.s32 s3, s7;
	s7 =	simm.s32 $0x5  }
0xe: {  	s8 =	sshrl.u32 s8, $0x3;
	s19 =	sadd.s32 $0x14800, s9;
	s9 =	sadd.s32 $0x19800, s9  }
0xf: {  	[dreg:$0xa] =	wrdreg s6;
	s26 =	sshrl.u32 s3, $0x3;
	s3 =	simm.s32 $0x9470  }
0x10: {  	s17 =	sadd.s32 s16, s8;
	s18 =	sadd.s32 s0, s8;
	[dreg:$0x8] =	wrdreg s19  }
0x11: {  	[dreg:$0x9] =	wrdreg s9;
	s21 =	sadd.s32 $0xFA, s8;
	s23 =	sadd.s32 $0x1F4, s8  }
0x12: {  	s24 =	sadd.s32 $0x2EE, s8;
	s25 =	sadd.s32 $0x3E8, s8;
	[dreg:$0x6] =	wrdreg s17  }
0x13: {  	s8 =	simm.s32 $0x6;
	s9 =	simm.s32 $0x0;
	[dreg:$0x7] =	wrdreg s18  }
0x14: {  	s22 =	sadd.s32 s16, s21;
	s6 =	sadd.s32 s0, s21;
	s13 =	sadd.s32 s16, s23  }
0x15: {  	s17 =	sadd.s32 s16, s24;
	s18 =	sadd.s32 s0, s24;
	s19 =	sadd.s32 s16, s25  }
0x16: {  	s20 =	sadd.s32 s0, s25;
	s21 =	sadd.s32 s1, s26;
	[dreg:$0xc] =	wrdreg s22  }
0x17: {  	s25 =	simm.s32 $0x14140;
	s1 =	simm.s32 $0x2;
	[dreg:$0xd] =	wrdreg s6  }
0x18: {  	s26 =	simm.s32 $0x4;
	[dreg:$0xe] =	wrdreg s13;
	s6 =	sadd.s32 s0, s23  }
0x19: {  	s22 =	smax.u32 s11, $0x1;
	s23 =	simm.s32 $0x7D0;
	s13 =	simm.s32 $0x11940  }
0x1a: {  	s0 =	simm.s32 $0x9C40;
	[dreg:$0xf] =	wrdreg s6;
	s6 =	simm.s32 $0x3  }
.LBB2_1:
0x1b: {  	s10 =	rddreg [dreg:$0x6]  }
0x1c: {  	[tilespmem:s5], [sflag:$0x1] =	stream.linear.gather [hbm4b:s10+s5], $0x7D0, $0x38;
	[tilespmem:$0x1BBD0] =	vst v63  }
0x1d: {  	s11 =	rddreg [dreg:$0x7]  }
0x1e: {  	[tilespmem:s23], [sflag:$0x1] =	stream.linear.gather [hbm4b:s11+s5], $0x7D0, $0x38;
	[tilespmem:$0x1BBD0] =	vst v63  }
0x1f: {  	s14 =	rddreg [dreg:$0x8]  }
0x20: {  	[tilespmem:s13], [sflag:$0x1] =	stream.linear.gather [hbm4b:s14+s5], $0x2800, $0x38;
	[tilespmem:$0x1BBD0] =	vst v63  }
0x21: {  	s15 =	rddreg [dreg:$0x9]  }
0x22: {  	[tilespmem:s25], [sflag:$0x1] =	stream.linear.gather [hbm4b:s15+s5], $0x2800, $0x38;
	[tilespmem:$0x1BBD0] =	vst v63  }
0x23: {  	s10 =	simm.s32 $0x16940;
	s11 =	rddreg [dreg:$0xa]  }
0x24: {  	[tilespmem:s10], [sflag:$0x1] =	stream.linear.gather [hbm4b:s11+s5], $0x280, $0x38;
	[tilespmem:$0x1BBD0] =	vst v63  }
0x25: {  	s16 =	rddreg [dreg:$0x1];
	s24 =	simm.s32 $0x16BC0  }
0x26: {  	[tilespmem:s24], [sflag:$0x1] =	stream.linear.gather [hbm4b:s16+s5], $0x10, $0x38;
	[tilespmem:$0x1BBD0] =	vst v63  }
0x27: {  	_ =	swait.ge [sflag:s28], $0x2800  }
0x28: {  	[sflag:s28] =	ssyncset.done $0x0  }
0x29: {  	[sflag:s28] =	ssyncadd.s32 $0xFFFFD800  }
0x2a: {  	_ =	swait.ge [sflag:s28], $0x2800  }
0x2b: {  	[sflag:s28] =	ssyncset.done $0x0  }
0x2c: {  	[sflag:s28] =	ssyncadd.s32 $0xFFFFD800  }
0x2d: {  	_ =	swait.ge [sflag:s28], $0x280  }
0x2e: {  	[sflag:s28] =	ssyncset.done $0x0  }
0x2f: {  	[sflag:s28] =	ssyncadd.s32 $0xFFFFFD80  }
0x30: {  	_ =	swait.ge [sflag:s28], $0x10  }
0x31: {  	[sflag:s28] =	ssyncset.done $0x0  }
0x32: {  	[sflag:s28] =	ssyncadd.s32 $0xFFFFFFF0  }
0x33: {  	v0 =	vld [tilespmem:$0x16BC0]  }
0x34: {  	s13 =	simm.s32 $0x400;
	s11 =	simm.s32 $0x0;
	v1 =	vld [tilespmem:s10+$0x0]  }
.LBB2_2:
0x35: {  	p0 =	sne.s32 s13, $0x9C00;
	_ =	sdelay $0x3  }
0x36: {  	v1 =	vadd.f32 $1.000000000e+00, v1;
	_ =	sdelay $0x1  }
0x37: {  	v2 =	vshrl.u32 v1, $0x1;
	v1 =	vmul.f32 $5.000000000e-01, v1  }
0x38: {  	v2 =	vsub.s32 $0x5F3759DF, v2  }
0x39: {  	v3 =	vmul.f32 v2, v1;
	_ =	sdelay $0x1  }
0x3a: {  	v3 =	vmul.f32 v2, v3;
	_ =	sdelay $0x1  }
0x3b: {  	v3 =	vsub.f32 $1.500000000e+00, v3;
	_ =	sdelay $0x1  }
0x3c: {  	v2 =	vmul.f32 v2, v3;
	_ =	sdelay $0x1  }
0x3d: {  	s14 =	sshra.s32 s11, $0x2;
	s11 =	smov.u32 s13;
	v3 =	vmul.f32 v2, v1  }
0x3e: {  	v4 =	vld [tilespmem:s14+$0x11A30]  }
0x3f: {  	v3 =	vmul.f32 v3, v2;
	v5 =	vld [tilespmem:s14+$0x11A20]  }
0x40: {  	v6 =	vld [tilespmem:s14+$0x11A10]  }
0x41: {  	v3 =	vsub.f32 $1.500000000e+00, v3;
	v7 =	vld [tilespmem:s14+$0x11A00]  }
0x42: {  	v8 =	vld [tilespmem:s14+$0x119F0]  }
0x43: {  	v2 =	vmul.f32 v3, v2;
	v3 =	vld [tilespmem:s14+$0x14230]  }
0x44: {  	v9 =	vld [tilespmem:s14+$0x14220]  }
0x45: {  	v1 =	vmul.f32 v2, v1;
	v10 =	vld [tilespmem:s14+$0x14210]  }
0x46: {  	v11 =	vld [tilespmem:s14+$0x14200]  }
0x47: {  	v1 =	vmul.f32 v1, v2;
	v12 =	vld [tilespmem:s14+$0x141F0]  }
0x48: {  	v13 =	vld [tilespmem:s14+$0x119E0]  }
0x49: {  	v14 =	vsub.f32 $1.500000000e+00, v1;
	v15 =	vld [tilespmem:s14+$0x119D0]  }
0x4a: {  	v1 =	vadd.f32 v3, v4;
	v16 =	vld [tilespmem:s14+$0x119C0]  }
0x4b: {  	v3 =	vadd.f32 v10, v6;
	v14 =	vmul.f32 v14, v2;
	v17 =	vld [tilespmem:s14+$0x119B0];
	v2 =	vadd.f32 v9, v5  }
0x4c: {  	v4 =	vadd.f32 v11, v7;
	v9 =	vld [tilespmem:s14+$0x119A0];
	v5 =	vadd.f32 v12, v8  }
0x4d: {  	v6 =	vbroadcast v14, $0x1;
	v7 =	vbroadcast v14, $0x2;
	v8 =	vld [tilespmem:s14+$0x11990];
	(v2sf) =	vpush v14, $0x0  }
0x4e: {  	v10 =	vbroadcast v14, $0x3;
	v12 =	vbroadcast v14, $0x4;
	v11 =	vld [tilespmem:s14+$0x11980];
	(v2sf) =	vpush v14, $0x1  }
0x4f: {  	v18 =	vmul.f32 v6, v0;
	v7 =	vmul.f32 v7, v0;
	v19 =	vld [tilespmem:s14+$0x11970];
	(v2sf) =	vpush v14, $0x2  }
0x50: {  	v10 =	vmul.f32 v10, v0;
	v12 =	vmul.f32 v12, v0;
	v20 =	vld [tilespmem:s14+$0x11960];
	(v2sf) =	vpush v14, $0x3  }
0x51: {  	v22 =	vbroadcast v14, $0x6;
	v6 =	vbroadcast v14, $0x5;
	v21 =	vld [tilespmem:s14+$0x11950];
	(v2sf) =	vpush v14, $0x4  }
0x52: {  	v24 =	vbroadcast v14, $0x7;
	v25 =	vbroadcast v14, $0x8;
	v23 =	vld [tilespmem:s14+$0x11940];
	(v2sf) =	vpush v14, $0x5  }
0x53: {  	v22 =	vmul.f32 v22, v0;
	v26 =	vmul.f32 v6, v0;
	v27 =	vld [tilespmem:s14+$0x141E0];
	(v2sf) =	vpush v14, $0x6  }
0x54: {  	v24 =	vmul.f32 v24, v0;
	v25 =	vmul.f32 v25, v0;
	v28 =	vld [tilespmem:s14+$0x141D0];
	(v2sf) =	vpush v14, $0x7  }
0x55: {  	v30 =	vbroadcast v14, $0xA;
	v6 =	vbroadcast v14, $0x9;
	v29 =	vld [tilespmem:s14+$0x141C0];
	(v2sf) =	vpush v14, $0x8  }
0x56: {  	v32 =	vbroadcast v14, $0xB;
	v33 =	vbroadcast v14, $0xC;
	v31 =	vld [tilespmem:s14+$0x141B0];
	(v2sf) =	vpush v14, $0x9  }
0x57: {  	v30 =	vmul.f32 v30, v0;
	v35 =	vmul.f32 v6, v0;
	v34 =	vld [tilespmem:s14+$0x141A0];
	(v2sf) =	vpush v14, $0xA  }
0x58: {  	v32 =	vmul.f32 v32, v0;
	v6 =	vmul.f32 v33, v0;
	v36 =	vld [tilespmem:s14+$0x14140];
	(v2sf) =	vpush v14, $0xB  }
0x59: {  	v37 =	vbroadcast v14, $0xD;
	v38 =	vbroadcast v14, $0xE;
	v33 =	vld [tilespmem:s14+$0x14150];
	(v2sf) =	vpush v14, $0xC  }
0x5a: {  	v13 =	vadd.f32 v27, v13;
	v27 =	vbroadcast v14, $0xF;
	v39 =	vld [tilespmem:s14+$0x14160];
	(v2sf) =	vpush v14, $0xD  }
0x5b: {  	v37 =	vmul.f32 v37, v0;
	v38 =	vmul.f32 v38, v0;
	v40 =	vld [tilespmem:s14+$0x14170];
	(v2sf) =	vpush v14, $0xE  }
0x5c: {  	v15 =	vadd.f32 v28, v15;
	v27 =	vmul.f32 v27, v0;
	v41 =	vld [tilespmem:s14+$0x14180];
	s15 =	spop (v2sf);
	(v2sf) =	vpush v14, $0xF  }
0x5d: {  	v16 =	vadd.f32 v29, v16;
	v14 =	vbroadcast v14, $0x0;
	v23 =	vadd.f32 v36, v23;
	s15 =	smul.f32 s15, s15;
	v28 =	vld [tilespmem:s14+$0x14190];
	s16 =	spop (v2sf)  }
0x5e: {  	v17 =	vadd.f32 v31, v17;
	v21 =	vadd.f32 v33, v21;
	s16 =	smul.f32 s16, s16;
	s24 =	spop (v2sf)  }
0x5f: {  	v14 =	vmul.f32 v14, v0;
	v23 =	vmul.f32 s15, v23;
	v20 =	vadd.f32 v39, v20;
	s15 =	smul.f32 s24, s24;
	s24 =	spop (v2sf)  }
0x60: {  	v9 =	vadd.f32 v34, v9;
	v21 =	vmul.f32 s16, v21;
	v19 =	vadd.f32 v40, v19;
	s16 =	smul.f32 s24, s24;
	s24 =	spop (v2sf)  }
0x61: {  	v14 =	vadd.f32 v23, v14;
	v20 =	vmul.f32 s15, v20;
	v11 =	vadd.f32 v41, v11;
	s15 =	smul.f32 s24, s24;
	s24 =	spop (v2sf)  }
0x62: {  	v18 =	vadd.f32 v21, v18;
	v19 =	vmul.f32 s16, v19;
	v8 =	vadd.f32 v28, v8;
	s16 =	smul.f32 s24, s24;
	s24 =	spop (v2sf)  }
0x63: {  	[tilespmem:s14+$0x11940] =	vst v14;
	v14 =	vmul.f32 $5.000000000e-01, v14;
	v7 =	vadd.f32 v20, v7;
	v11 =	vmul.f32 s15, v11;
	s15 =	smul.f32 s24, s24;
	s24 =	spop (v2sf)  }
0x64: {  	[tilespmem:s14+$0x11950] =	vst v18;
	v18 =	vmul.f32 $5.000000000e-01, v18;
	v10 =	vadd.f32 v19, v10;
	v8 =	vmul.f32 s16, v8;
	s16 =	smul.f32 s24, s24;
	s24 =	spop (v2sf)  }
0x65: {  	[tilespmem:s14+$0x14140] =	vst v14;
	v14 =	vmul.f32 $5.000000000e-01, v7;
	v11 =	vadd.f32 v11, v12;
	v9 =	vmul.f32 s15, v9;
	s15 =	smul.f32 s24, s24;
	s24 =	spop (v2sf)  }
0x66: {  	[tilespmem:s14+$0x14150] =	vst v18;
	v12 =	vmul.f32 $5.000000000e-01, v10;
	v8 =	vadd.f32 v8, v26;
	v17 =	vmul.f32 s16, v17;
	s16 =	smul.f32 s24, s24;
	s24 =	spop (v2sf)  }
0x67: {  	[tilespmem:s14+$0x14160] =	vst v14;
	v14 =	vmul.f32 $5.000000000e-01, v11;
	v9 =	vadd.f32 v9, v22;
	v16 =	vmul.f32 s15, v16;
	s15 =	smul.f32 s24, s24;
	s24 =	spop (v2sf)  }
0x68: {  	[tilespmem:s14+$0x14170] =	vst v12;
	v12 =	vmul.f32 $5.000000000e-01, v8;
	v17 =	vadd.f32 v17, v24;
	v15 =	vmul.f32 s16, v15;
	s16 =	smul.f32 s24, s24;
	s24 =	spop (v2sf)  }
0x69: {  	[tilespmem:s14+$0x14180] =	vst v14;
	v14 =	vmul.f32 $5.000000000e-01, v9;
	v16 =	vadd.f32 v16, v25;
	v13 =	vmul.f32 s15, v13;
	s15 =	smul.f32 s24, s24;
	s24 =	spop (v2sf)  }
0x6a: {  	[tilespmem:s14+$0x14190] =	vst v12;
	v12 =	vmul.f32 $5.000000000e-01, v17;
	v15 =	vadd.f32 v15, v35;
	v5 =	vmul.f32 s16, v5;
	s16 =	smul.f32 s24, s24;
	s24 =	spop (v2sf)  }
0x6b: {  	[tilespmem:s14+$0x141A0] =	vst v14;
	v14 =	vmul.f32 $5.000000000e-01, v16;
	v13 =	vadd.f32 v13, v30;
	v4 =	vmul.f32 s15, v4;
	s15 =	smul.f32 s24, s24;
	s24 =	spop (v2sf)  }
0x6c: {  	[tilespmem:s14+$0x141B0] =	vst v12;
	v12 =	vmul.f32 $5.000000000e-01, v15;
	v5 =	vadd.f32 v5, v32;
	v3 =	vmul.f32 s16, v3;
	s16 =	smul.f32 s24, s24  }
0x6d: {  	[tilespmem:s14+$0x141C0] =	vst v14;
	v14 =	vmul.f32 $5.000000000e-01, v13;
	v4 =	vadd.f32 v4, v6;
	v2 =	vmul.f32 s15, v2  }
0x6e: {  	[tilespmem:s14+$0x141D0] =	vst v12;
	v6 =	vmul.f32 $5.000000000e-01, v5;
	v3 =	vadd.f32 v3, v37;
	v1 =	vmul.f32 s16, v1  }
0x6f: {  	[tilespmem:s14+$0x141E0] =	vst v14;
	v12 =	vmul.f32 $5.000000000e-01, v4;
	v2 =	vadd.f32 v2, v38  }
0x70: {  	[tilespmem:s14+$0x141F0] =	vst v6;
	v6 =	vmul.f32 $5.000000000e-01, v3;
	v1 =	vadd.f32 v1, v27  }
0x71: {  	[tilespmem:s14+$0x14200] =	vst v12;
	v12 =	vmul.f32 $5.000000000e-01, v2  }
0x72: {  	[tilespmem:s14+$0x14210] =	vst v6;
	v6 =	vmul.f32 $5.000000000e-01, v1  }
0x73: {  	[tilespmem:s14+$0x14220] =	vst v12  }
0x74: {  	[tilespmem:s14+$0x14230] =	vst v6  }
0x75: {  	[tilespmem:s14+$0x11960] =	vst v7  }
0x76: {  	[tilespmem:s14+$0x11970] =	vst v10  }
0x77: {  	[tilespmem:s14+$0x11980] =	vst v11  }
0x78: {  	[tilespmem:s14+$0x11990] =	vst v8  }
0x79: {  	[tilespmem:s14+$0x119A0] =	vst v9  }
0x7a: {  	[tilespmem:s14+$0x119B0] =	vst v17  }
0x7b: {  	[tilespmem:s14+$0x119C0] =	vst v16  }
0x7c: {  	[tilespmem:s14+$0x119D0] =	vst v15  }
0x7d: {  	[tilespmem:s14+$0x119E0] =	vst v13  }
0x7e: {  	[tilespmem:s14+$0x119F0] =	vst v5  }
.Ltmp0:
0x7f: {  	[tilespmem:s14+$0x11A00] =	vst v4;
	(pc) =	sbr.rel @p0 .LBB2_2-.Ltmp0, $4  }
0x80: {  	[tilespmem:s14+$0x11A10] =	vst v3  }
0x81: {  	[tilespmem:s14+$0x11A20] =	vst v2  }
0x82: {  	s10 =	sadd.s32 $0x10, s10;
	[tilespmem:s14+$0x11A30] =	vst v1  }
0x83: {  	s13 =	sadd.s32 $0x400, s13;
	v1 =	vld [tilespmem:s10+$0x0]  }
0x84: {  	_ =	sdelay $0x3  }
0x85: {  	v1 =	vadd.f32 $1.000000000e+00, v1;
	_ =	sdelay $0x1  }
0x86: {  	v2 =	vshrl.u32 v1, $0x1;
	v1 =	vmul.f32 $5.000000000e-01, v1  }
0x87: {  	v2 =	vsub.s32 $0x5F3759DF, v2  }
0x88: {  	v3 =	vmul.f32 v2, v1;
	_ =	sdelay $0x1  }
0x89: {  	v3 =	vmul.f32 v2, v3;
	_ =	sdelay $0x1  }
0x8a: {  	v3 =	vsub.f32 $1.500000000e+00, v3;
	_ =	sdelay $0x1  }
0x8b: {  	v2 =	vmul.f32 v2, v3;
	_ =	sdelay $0x1  }
0x8c: {  	v3 =	vmul.f32 v2, v1;
	_ =	sdelay $0x1  }
0x8d: {  	v3 =	vmul.f32 v3, v2;
	_ =	sdelay $0x1  }
0x8e: {  	v3 =	vsub.f32 $1.500000000e+00, v3;
	_ =	sdelay $0x1  }
0x8f: {  	v2 =	vmul.f32 v3, v2;
	_ =	sdelay $0x1  }
0x90: {  	v1 =	vmul.f32 v2, v1;
	_ =	sdelay $0x1  }
0x91: {  	v1 =	vmul.f32 v1, v2;
	_ =	sdelay $0x1  }
0x92: {  	v1 =	vsub.f32 $1.500000000e+00, v1;
	_ =	sdelay $0x1  }
0x93: {  	v1 =	vmul.f32 v1, v2  }
0x94: {  	s10 =	sshra.s32 s11, $0x2  }
0x95: {  	v6 =	vld [tilespmem:s10+$0x119A0];
	(v2sf) =	vpush v1, $0x0  }
0x96: {  	v9 =	vld [tilespmem:s10+$0x11970];
	(v2sf) =	vpush v1, $0x1  }
0x97: {  	v10 =	vld [tilespmem:s10+$0x11960]  }
0x98: {  	v11 =	vld [tilespmem:s10+$0x11950];
	(v2sf) =	vpush v1, $0x2  }
0x99: {  	v12 =	vld [tilespmem:s10+$0x11940]  }
0x9a: {  	v13 =	vld [tilespmem:s10+$0x14140];
	(v2sf) =	vpush v1, $0x3  }
0x9b: {  	v14 =	vld [tilespmem:s10+$0x14150]  }
0x9c: {  	v15 =	vld [tilespmem:s10+$0x14160];
	(v2sf) =	vpush v1, $0x4  }
0x9d: {  	v16 =	vld [tilespmem:s10+$0x14170]  }
0x9e: {  	v19 =	vld [tilespmem:s10+$0x141A0];
	(v2sf) =	vpush v1, $0x5  }
0x9f: {  	v20 =	vld [tilespmem:s10+$0x119B0]  }
0xa0: {  	v62 =	vld [tilespmem:s10+$0x141B0];
	v12 =	vadd.f32 v13, v12;
	(v2sf) =	vpush v1, $0x6  }
0xa1: {  	v25 =	vld [tilespmem:s10+$0x119E0];
	v11 =	vadd.f32 v14, v11;
	v10 =	vadd.f32 v15, v10  }
0xa2: {  	v38 =	vld [tilespmem:s10+$0x141E0];
	v9 =	vadd.f32 v16, v9;
	(v2sf) =	vpush v1, $0x7  }
0xa3: {  	v6 =	vadd.f32 v19, v6;
	v34 =	vbroadcast v1, $0x1;
	v35 =	vbroadcast v1, $0x2  }
0xa4: {  	v21 =	vbroadcast v1, $0x3;
	v24 =	vbroadcast v1, $0x4;
	(v2sf) =	vpush v1, $0x8;
	s16 =	spop (v2sf)  }
0xa5: {  	v8 =	vld [tilespmem:s10+$0x11980];
	v13 =	vadd.f32 v62, v20;
	v26 =	vbroadcast v1, $0x5;
	v42 =	vbroadcast v1, $0x0;
	s11 =	smul.f32 s16, s16;
	s13 =	spop (v2sf)  }
0xa6: {  	v17 =	vld [tilespmem:s10+$0x14180];
	v28 =	vbroadcast v1, $0x6;
	v36 =	vmul.f32 v21, v0;
	(v2sf) =	vpush v1, $0x9;
	s13 =	smul.f32 s13, s13  }
0xa7: {  	v7 =	vld [tilespmem:s10+$0x11990];
	v21 =	vadd.f32 v38, v25;
	v25 =	vmul.f32 v42, v0;
	s14 =	spop (v2sf);
	v12 =	vmul.f32 s11, v12  }
0xa8: {  	v18 =	vld [tilespmem:s10+$0x14190];
	v19 =	vmul.f32 v34, v0;
	(v2sf) =	vpush v1, $0xA;
	s14 =	smul.f32 s14, s14;
	v11 =	vmul.f32 s13, v11  }
0xa9: {  	v29 =	vbroadcast v1, $0x7;
	v20 =	vmul.f32 v35, v0;
	s15 =	spop (v2sf);
	v12 =	vadd.f32 v12, v25  }
0xaa: {  	(v2sf) =	vpush v1, $0xB;
	s15 =	smul.f32 s15, s15;
	v10 =	vmul.f32 s14, v10;
	v11 =	vadd.f32 v11, v19  }
0xab: {  	v30 =	vld [tilespmem:s10+$0x119C0];
	v8 =	vadd.f32 v17, v8;
	v41 =	vbroadcast v1, $0x8;
	s16 =	spop (v2sf);
	[tilespmem:s10+$0x11940] =	vst v12;
	v12 =	vmul.f32 $5.000000000e-01, v12  }
0xac: {  	v31 =	vld [tilespmem:s10+$0x141C0];
	(v2sf) =	vpush v1, $0xC;
	s11 =	smul.f32 s16, s16;
	v9 =	vmul.f32 s15, v9;
	v10 =	vadd.f32 v10, v20;
	[tilespmem:s10+$0x11950] =	vst v11  }
0xad: {  	v33 =	vld [tilespmem:s10+$0x119D0];
	v7 =	vadd.f32 v18, v7;
	v37 =	vmul.f32 v24, v0;
	s24 =	spop (v2sf);
	v11 =	vmul.f32 $5.000000000e-01, v11;
	[tilespmem:s10+$0x14140] =	vst v12  }
0xae: {  	v22 =	vld [tilespmem:s10+$0x141D0];
	(v2sf) =	vpush v1, $0xD;
	s13 =	smul.f32 s24, s24;
	v8 =	vmul.f32 s11, v8;
	v9 =	vadd.f32 v9, v36;
	[tilespmem:s10+$0x11960] =	vst v10  }
0xaf: {  	v4 =	vld [tilespmem:s10+$0x11A10];
	v26 =	vmul.f32 v26, v0;
	s24 =	spop (v2sf);
	v48 =	vmul.f32 $5.000000000e-01, v10;
	[tilespmem:s10+$0x14150] =	vst v11  }
0xb0: {  	v23 =	vld [tilespmem:s10+$0x14210];
	(v2sf) =	vpush v1, $0xE;
	s16 =	smul.f32 s24, s24;
	v7 =	vmul.f32 s13, v7;
	v8 =	vadd.f32 v8, v37;
	[tilespmem:s10+$0x11970] =	vst v9  }
0xb1: {  	v15 =	vadd.f32 v31, v30;
	v28 =	vmul.f32 v28, v0;
	s24 =	spop (v2sf);
	v50 =	vmul.f32 $5.000000000e-01, v9;
	[tilespmem:s10+$0x14160] =	vst v48  }
0xb2: {  	(v2sf) =	vpush v1, $0xF;
	s11 =	smul.f32 s24, s24;
	v6 =	vmul.f32 s16, v6;
	v7 =	vadd.f32 v7, v26;
	[tilespmem:s10+$0x11980] =	vst v8  }
0xb3: {  	v63 =	vld [tilespmem:s10+$0x119F0];
	v18 =	vadd.f32 v22, v33;
	v43 =	vbroadcast v1, $0x9;
	s13 =	spop (v2sf);
	v52 =	vmul.f32 $5.000000000e-01, v8;
	[tilespmem:s10+$0x14170] =	vst v50  }
0xb4: {  	v27 =	vld [tilespmem:s10+$0x141F0];
	v29 =	vmul.f32 v29, v0;
	v13 =	vmul.f32 s11, v13;
	s11 =	smul.f32 s13, s13;
	v6 =	vadd.f32 v6, v28;
	[tilespmem:s10+$0x11990] =	vst v7  }
0xb5: {  	v5 =	vld [tilespmem:s10+$0x11A00];
	v4 =	vadd.f32 v23, v4;
	v44 =	vbroadcast v1, $0xA;
	s14 =	spop (v2sf);
	v53 =	vmul.f32 $5.000000000e-01, v7;
	[tilespmem:s10+$0x14180] =	vst v52  }
0xb6: {  	v40 =	vld [tilespmem:s10+$0x14200];
	v23 =	vmul.f32 v41, v0;
	v15 =	vmul.f32 s11, v15;
	s11 =	smul.f32 s14, s14;
	v13 =	vadd.f32 v13, v29;
	[tilespmem:s10+$0x119A0] =	vst v6  }
0xb7: {  	v61 =	vld [tilespmem:s10+$0x11A20];
	v24 =	vmul.f32 v43, v0;
	v54 =	vmul.f32 $5.000000000e-01, v6;
	[tilespmem:s10+$0x14190] =	vst v53;
	s15 =	spop (v2sf)  }
0xb8: {  	v39 =	vld [tilespmem:s10+$0x14220];
	v18 =	vmul.f32 s11, v18;
	v15 =	vadd.f32 v15, v23;
	v55 =	vmul.f32 $5.000000000e-01, v13;
	[tilespmem:s10+$0x119B0] =	vst v13;
	s11 =	smul.f32 s15, s15  }
0xb9: {  	v60 =	vld [tilespmem:s10+$0x11A30];
	v14 =	vadd.f32 v27, v63;
	v45 =	vbroadcast v1, $0xB;
	v22 =	vmul.f32 v44, v0;
	[tilespmem:s10+$0x141A0] =	vst v54;
	s16 =	spop (v2sf)  }
0xba: {  	v32 =	vld [tilespmem:s10+$0x14230];
	v18 =	vadd.f32 v18, v24;
	v56 =	vmul.f32 $5.000000000e-01, v15;
	[tilespmem:s10+$0x141B0] =	vst v55;
	v21 =	vmul.f32 s11, v21;
	s11 =	smul.f32 s16, s16  }
0xbb: {  	v5 =	vadd.f32 v40, v5;
	v30 =	vbroadcast v1, $0xC;
	v46 =	vmul.f32 v45, v0;
	[tilespmem:s10+$0x119C0] =	vst v15;
	s24 =	spop (v2sf)  }
0xbc: {  	v57 =	vmul.f32 $5.000000000e-01, v18;
	[tilespmem:s10+$0x141C0] =	vst v56;
	v14 =	vmul.f32 s11, v14;
	s11 =	smul.f32 s24, s24;
	v21 =	vadd.f32 v21, v22  }
0xbd: {  	v3 =	vadd.f32 v39, v61;
	v49 =	vbroadcast v1, $0xD;
	v47 =	vmul.f32 v30, v0;
	s13 =	spop (v2sf);
	[tilespmem:s10+$0x119D0] =	vst v18  }
0xbe: {  	[tilespmem:s10+$0x141D0] =	vst v57;
	v5 =	vmul.f32 s11, v5;
	s11 =	smul.f32 s13, s13;
	v14 =	vadd.f32 v14, v46;
	v59 =	vmul.f32 $5.000000000e-01, v21  }
0xbf: {  	v2 =	vadd.f32 v32, v60;
	v51 =	vbroadcast v1, $0xE;
	v16 =	vmul.f32 v49, v0;
	s14 =	spop (v2sf);
	[tilespmem:s10+$0x119E0] =	vst v21  }
0xc0: {  	v4 =	vmul.f32 s11, v4;
	s11 =	smul.f32 s14, s14;
	v5 =	vadd.f32 v5, v47;
	v60 =	vmul.f32 $5.000000000e-01, v14;
	[tilespmem:s10+$0x141E0] =	vst v59  }
0xc1: {  	v17 =	vmul.f32 v51, v0;
	v1 =	vbroadcast v1, $0xF;
	s15 =	spop (v2sf);
	[tilespmem:s10+$0x119F0] =	vst v14  }
0xc2: {  	v3 =	vmul.f32 s11, v3;
	s11 =	smul.f32 s15, s15;
	v4 =	vadd.f32 v4, v16;
	v61 =	vmul.f32 $5.000000000e-01, v5;
	[tilespmem:s10+$0x141F0] =	vst v60  }
0xc3: {  	v58 =	vmul.f32 v1, v0;
	[tilespmem:s10+$0x11A00] =	vst v5  }
0xc4: {  	v2 =	vmul.f32 s11, v2;
	v3 =	vadd.f32 v3, v17;
	v62 =	vmul.f32 $5.000000000e-01, v4;
	[tilespmem:s10+$0x14200] =	vst v61  }
0xc5: {  	[tilespmem:s10+$0x11A10] =	vst v4  }
0xc6: {  	v0 =	vadd.f32 v2, v58;
	v63 =	vmul.f32 $5.000000000e-01, v3;
	[tilespmem:s10+$0x14210] =	vst v62  }
0xc7: {  	[tilespmem:s10+$0x11A20] =	vst v3  }
0xc8: {  	v2 =	vmul.f32 $5.000000000e-01, v0;
	[tilespmem:s10+$0x14220] =	vst v63  }
0xc9: {  	[tilespmem:s10+$0x11A30] =	vst v0  }
0xca: {  	s16 =	rddreg [dreg:$0xb];
	s13 =	simm.s32 $0x11940;
	[tilespmem:s10+$0x14230] =	vst v2  }
0xcb: {  	[spmem:s16] =	stream.linear.scatter [tilespmem:s13], [sflag:$0x7], $0x2800, $0x38;
	[tilespmem:$0x1BBD0] =	vst v63  }
0xcc: {  	_ =	swait.ge [sflag:s29], $0x2800  }
0xcd: {  	[sflag:s29] =	ssyncset.done $0x0  }
0xce: {  	[sflag:s29] =	ssyncadd.s32 $0xFFFFD800  }
0xcf: {  	[spmem:s12] =	stream.linear.scatter [tilespmem:s25], [sflag:$0x7], $0x2800, $0x38;
	[tilespmem:$0x1BBD0] =	vst v63  }
0xd0: {  	_ =	swait.ge [sflag:s29], $0x2800  }
0xd1: {  	[sflag:s29] =	ssyncset.done $0x0  }
0xd2: {  	[sflag:s29] =	ssyncadd.s32 $0xFFFFD800  }
0xd3: {  	[bflag:$0x0] =	sbarrier.arrive $0xFFFF  }
0xd4: {  	_ =	swait.ge [sflag:s28], $0x7D0  }
0xd5: {  	[sflag:s28] =	ssyncset.done $0x0  }
0xd6: {  	[sflag:s28] =	ssyncadd.s32 $0xFFFFF830  }
0xd7: {  	_ =	swait.ge [sflag:s28], $0x7D0  }
0xd8: {  	[sflag:s28] =	ssyncset.done $0x0  }
0xd9: {  	[sflag:s28] =	ssyncadd.s32 $0xFFFFF830  }
0xda: {  	[tilespmem:s30], [sflag:$0x2] =	stream.indirect.gather [spmem:s2], $0x10, s5, s23, $0xb8;
	[tilespmem:$0x1BBD0] =	vst v63  }
0xdb: {  	s24 =	rddreg [dreg:$0xc]  }
0xdc: {  	[tilespmem:s31], [sflag:$0x4] =	stream.linear.gather [hbm4b:s24+s5], $0x7D0, $0x38;
	[tilespmem:$0x1BBD0] =	vst v63  }
0xdd: {  	s11 =	rddreg [dreg:$0xd]  }
0xde: {  	[tilespmem:s3], [sflag:$0x4] =	stream.linear.gather [hbm4b:s11+s5], $0x7D0, $0x38;
	[tilespmem:$0x1BBD0] =	vst v63  }
0xdf: {  	_ =	swait.ge [sflag:s1], $0x7D00  }
0xe0: {  	[sflag:s1] =	ssyncset.done $0x0  }
0xe1: {  	[sflag:s1] =	ssyncadd.s32 $0xFFFF8300  }
0xe2: {  	[spmem:s4] =	stream.indirect.scatter.add.f32 [tilespmem:s30], [sflag:$0x3], $0x10, s23, s23, $0xb8;
	[tilespmem:$0x1BBD0] =	vst v63  }
0xe3: {  	_ =	swait.ge [sflag:s26], $0x7D0  }
0xe4: {  	[sflag:s26] =	ssyncset.done $0x0  }
0xe5: {  	[sflag:s26] =	ssyncadd.s32 $0xFFFFF830  }
0xe6: {  	_ =	swait.ge [sflag:s26], $0x7D0  }
0xe7: {  	[sflag:s26] =	ssyncset.done $0x0  }
0xe8: {  	[sflag:s26] =	ssyncadd.s32 $0xFFFFF830  }
0xe9: {  	[tilespmem:s0], [sflag:$0x5] =	stream.indirect.gather [spmem:s2], $0x10, s31, s23, $0xb8;
	[tilespmem:$0x1BBD0] =	vst v63  }
0xea: {  	_ =	swait.ge [sflag:s6], $0x7D00  }
0xeb: {  	[sflag:s6] =	ssyncset.done $0x0  }
0xec: {  	s14 =	rddreg [dreg:$0xe];
	[sflag:s6] =	ssyncadd.s32 $0xFFFF8300  }
0xed: {  	[tilespmem:s5], [sflag:$0x1] =	stream.linear.gather [hbm4b:s14+s5], $0x7D0, $0x38;
	[tilespmem:$0x1BBD0] =	vst v63  }
0xee: {  	s15 =	rddreg [dreg:$0xf]  }
0xef: {  	[tilespmem:s23], [sflag:$0x1] =	stream.linear.gather [hbm4b:s15+s5], $0x7D0, $0x38;
	[tilespmem:$0x1BBD0] =	vst v63  }
0xf0: {  	_ =	swait.ge [sflag:s7], $0x7D00  }
0xf1: {  	[sflag:s7] =	ssyncset.done $0x0  }
0xf2: {  	[sflag:s7] =	ssyncadd.s32 $0xFFFF8300  }
0xf3: {  	[spmem:s4] =	stream.indirect.scatter.add.f32 [tilespmem:s0], [sflag:$0x6], $0x10, s3, s23, $0xb8;
	[tilespmem:$0x1BBD0] =	vst v63  }
0xf4: {  	_ =	swait.ge [sflag:s28], $0x7D0  }
0xf5: {  	[sflag:s28] =	ssyncset.done $0x0  }
0xf6: {  	[sflag:s28] =	ssyncadd.s32 $0xFFFFF830  }
0xf7: {  	_ =	swait.ge [sflag:s28], $0x7D0  }
0xf8: {  	[sflag:s28] =	ssyncset.done $0x0  }
0xf9: {  	[sflag:s28] =	ssyncadd.s32 $0xFFFFF830  }
0xfa: {  	[tilespmem:s30], [sflag:$0x2] =	stream.indirect.gather [spmem:s2], $0x10, s5, s23, $0xb8;
	[tilespmem:$0x1BBD0] =	vst v63  }
0xfb: {  	_ =	swait.ge [sflag:s8], $0x7D00  }
0xfc: {  	[sflag:s8] =	ssyncset.done $0x0  }
0xfd: {  	[sflag:s8] =	ssyncadd.s32 $0xFFFF8300  }
0xfe: {  	[tilespmem:s31], [sflag:$0x4] =	stream.linear.gather [hbm4b:s17+s5], $0x7D0, $0x38;
	[tilespmem:$0x1BBD0] =	vst v63  }
0xff: {  	_ = 	snop  }
0x100: {  	[tilespmem:s3], [sflag:$0x4] =	stream.linear.gather [hbm4b:s18+s5], $0x7D0, $0x38;
	[tilespmem:$0x1BBD0] =	vst v63  }
0x101: {  	_ =	swait.ge [sflag:s1], $0x7D00  }
0x102: {  	[sflag:s1] =	ssyncset.done $0x0  }
0x103: {  	[sflag:s1] =	ssyncadd.s32 $0xFFFF8300  }
0x104: {  	[spmem:s4] =	stream.indirect.scatter.add.f32 [tilespmem:s30], [sflag:$0x3], $0x10, s23, s23, $0xb8;
	[tilespmem:$0x1BBD0] =	vst v63  }
0x105: {  	_ =	swait.ge [sflag:s26], $0x7D0  }
0x106: {  	[sflag:s26] =	ssyncset.done $0x0  }
0x107: {  	[sflag:s26] =	ssyncadd.s32 $0xFFFFF830  }
0x108: {  	_ =	swait.ge [sflag:s26], $0x7D0  }
0x109: {  	[sflag:s26] =	ssyncset.done $0x0  }
0x10a: {  	[sflag:s26] =	ssyncadd.s32 $0xFFFFF830  }
0x10b: {  	[tilespmem:s0], [sflag:$0x5] =	stream.indirect.gather [spmem:s2], $0x10, s31, s23, $0xb8;
	[tilespmem:$0x1BBD0] =	vst v63  }
0x10c: {  	_ =	swait.ge [sflag:s6], $0x7D00  }
0x10d: {  	[sflag:s6] =	ssyncset.done $0x0  }
0x10e: {  	[sflag:s6] =	ssyncadd.s32 $0xFFFF8300  }
0x10f: {  	[tilespmem:s5], [sflag:$0x1] =	stream.linear.gather [hbm4b:s19+s5], $0x7D0, $0x38;
	[tilespmem:$0x1BBD0] =	vst v63  }
0x110: {  	_ = 	snop  }
0x111: {  	[tilespmem:s23], [sflag:$0x1] =	stream.linear.gather [hbm4b:s20+s5], $0x7D0, $0x38;
	[tilespmem:$0x1BBD0] =	vst v63  }
0x112: {  	_ =	swait.ge [sflag:s7], $0x7D00  }
0x113: {  	[sflag:s7] =	ssyncset.done $0x0  }
0x114: {  	[sflag:s7] =	ssyncadd.s32 $0xFFFF8300  }
0x115: {  	[spmem:s4] =	stream.indirect.scatter.add.f32 [tilespmem:s0], [sflag:$0x6], $0x10, s3, s23, $0xb8;
	[tilespmem:$0x1BBD0] =	vst v63  }
0x116: {  	_ =	swait.ge [sflag:s28], $0x7D0  }
0x117: {  	[sflag:s28] =	ssyncset.done $0x0  }
0x118: {  	[sflag:s28] =	ssyncadd.s32 $0xFFFFF830  }
0x119: {  	_ =	swait.ge [sflag:s28], $0x7D0  }
0x11a: {  	[sflag:s28] =	ssyncset.done $0x0  }
0x11b: {  	[sflag:s28] =	ssyncadd.s32 $0xFFFFF830  }
0x11c: {  	[tilespmem:s30], [sflag:$0x2] =	stream.indirect.gather [spmem:s2], $0x10, s5, s23, $0xb8;
	[tilespmem:$0x1BBD0] =	vst v63  }
0x11d: {  	_ =	swait.ge [sflag:s1], $0x7D00  }
0x11e: {  	[sflag:s1] =	ssyncset.done $0x0  }
0x11f: {  	[sflag:s1] =	ssyncadd.s32 $0xFFFF8300  }
0x120: {  	[spmem:s4] =	stream.indirect.scatter.add.f32 [tilespmem:s30], [sflag:$0x3], $0x10, s23, s23, $0xb8;
	[tilespmem:$0x1BBD0] =	vst v63  }
0x121: {  	_ =	swait.ge [sflag:s6], $0x7D00  }
0x122: {  	[sflag:s6] =	ssyncset.done $0x0  }
0x123: {  	[sflag:s6] =	ssyncadd.s32 $0xFFFF8300  }
0x124: {  	s16 =	stileid.u32;
	_ =	swait.ge [sflag:s8], $0x7D00  }
0x125: {  	s9 =	sadd.s32 $0x1, s9;
	s10 =	sshll.u32 s16, $0x6;
	[sflag:s8] =	ssyncset.done $0x0  }
0x126: {  	p0 =	sne.s32 s9, s22;
	s10 =	sor.u32 $0x1C07, s10;
	[sflag:s8] =	ssyncadd.s32 $0xFFFF8300  }
.Ltmp1:
0x127: {  	s24 =	sshrl.u32 s12, $0x3;
	[bflag:$0x0] =	sbarrier.arrive $0xFFFF;
	(pc) =	sbr.rel @p0 .LBB2_1-.Ltmp1, $4  }
0x128: {  	[hbm:s21], [sflag:s10] =	dma.local [spmem:s24], $0x500  }
0x129: {  	_ =	swait.ge [sflag:s29], $0x500  }
0x12a: {  	[sflag:s29] =	ssyncset.done $0x0  }
0x12b: {  	[sflag:s29] =	ssyncadd.s32 $0xFFFFFB00  }
0x12c: {  	_ =	sfence.sel $0x180000  }
0x12d: {  	[bflag:$0x0] =	sbarrier.arrive $0xFFFF  }
0x12e: {  	_ =	strace $0x9000004A  }
0x12f: {  	s0 =	stileid.u32;
	[bflag:$0x2] =	sbarrier.arrive $0xFFFF  }
0x130: {  	p0 =	sne.s32 s0, $0x0;
	s0 =	rddreg [dreg:$0x5]  }
0x131: {  	s0 =	sadd.s32 @!p0 $0x100000, s0  }
0x132: {  	[sflag:s0] =	ssyncadd.tile.s32 @!p0 $0x1;
	_ =	shalt  }
.Lfunc_end2:
_tile_overlayer_lowered:
.L_overlay_start_2:
0x133: {  	(tag) =	ssettag $0x2  }
0x134: {  	s0 =	rddreg [dreg:$0x0];
	s2 =	stileid.u32  }
0x135: {  	s1 =	rddreg [dreg:$0x1];
	p0 =	sne.s32 s2, $0x0  }
0x136: {  	s3 =	rddreg [dreg:$0x2];
	[bflag:$0x3] =	sbarrier.arrive $0xFFFF;
	s2 =	simm.s32 @!p0 $0x1C07  }
0x137: {  	[timem:s3], [sflag:s2] =	dma.local @!p0 [hbm:s0], s1  }
0x138: {  	s0 =	simm.s32 @!p0 $0x7  }
0x139: {  	_ =	swait.ge @!p0 [sflag:s0], s1  }
0x13a: {  	s1 =	ssub.s32 @!p0 $0x0, s1;
	[sflag:s0] =	ssyncset.done @!p0 $0x0  }
0x13b: {  	[sflag:s0] =	ssyncadd.s32 @!p0 s1  }
0x13c: {  	[bflag:$0x3] =	sbarrier.arrive $0xFFFF  }
0x13d: {  	_ =	shalt  }

</sc_bundles>
